<compile_context>
chip_gen: v7x
topology: tpu7x:2x2x1
jax: 0.10.2.dev20260603
libtpu: 0.0.44.dev20260713+nightly
codegen_flags: <defaults>
</compile_context>

<pallas_src>
import functools
import math

import jax
import jax.numpy as jnp
from jax import lax
from jax.experimental import pallas as pl
from jax.experimental.pallas import tpu as pltpu
from jax.experimental.pallas import tpu_sc as plsc

_N = 10000
_E = 320000
_D = 128
_H = 64
_B = 16
_EPS = 1e-5
_BN_C = 1.0 / math.sqrt(1.0 + _EPS)

_NC = 2
_NS = 16
_NW = _NC * _NS
_KE = 128
_TCH = _E // _KE
_NCH = _TCH // _NW
_NXT = _TCH - _NCH * _NW
_J = 3
_NSC = _NCH // _J
_NPAD = 10240
_RPT = _NPAD // _NS
_RST = 160



@functools.cache
def _sc_mesh():
    return plsc.VectorSubcoreMesh(
        core_axis_name="c", subcore_axis_name="s",
        num_cores=_NC, num_subcores=_NS,
    )


def _deg_body(ei_hbm, out_hbm, idx_v, xtr_v, ones_v, stage_v, deg_sh, sem):
    cid = lax.axis_index("c")
    sid = lax.axis_index("s")
    wid = cid * _NS + sid

    def _init(i, carry):
        ones_v[pl.ds(i * 16, 16)] = jnp.ones((16,), jnp.float32)
        return carry

    lax.fori_loop(0, _KE // 16, _init, 0)

    def _zero(i, carry):
        stage_v[pl.ds(i * 16, 16)] = jnp.zeros((16,), jnp.float32)
        return carry

    lax.fori_loop(0, _RPT // 16, _zero, 0)
    pltpu.sync_copy(stage_v, deg_sh.at[pl.ds(sid * _RPT, _RPT)])
    pltpu.sync_copy(ei_hbm.at[pl.ds(wid * _NCH, _NCH)], idx_v)

    @pl.when(wid < _NXT)
    def _():
        pltpu.sync_copy(ei_hbm.at[pl.ds(_NCH * _NW + wid, 1)], xtr_v)

    plsc.subcore_barrier()

    def _fire(i, carry):
        pltpu.async_copy(ones_v, deg_sh.at[idx_v.at[i, 1]], sem, add=True)
        return carry

    lax.fori_loop(0, _NCH, _fire, 0)

    @pl.when(wid < _NXT)
    def _():
        pltpu.async_copy(ones_v, deg_sh.at[xtr_v.at[0, 1]], sem, add=True)

    def _drain(i, carry):
        pltpu.make_async_copy(ones_v, deg_sh.at[idx_v.at[i, 1]], sem).wait()
        return carry

    lax.fori_loop(0, _NCH, _drain, 0)

    @pl.when(wid < _NXT)
    def _():
        pltpu.make_async_copy(ones_v, deg_sh.at[xtr_v.at[0, 1]], sem).wait()

    plsc.subcore_barrier()
    pltpu.sync_copy(deg_sh.at[pl.ds(sid * _RPT, _RPT)], stage_v)
    pltpu.sync_copy(stage_v, out_hbm.at[cid, pl.ds(sid * _RPT, _RPT)])


@functools.cache
def _deg_kernel():
    return pl.kernel(
        _deg_body,
        out_type=jax.ShapeDtypeStruct((_NC, _NPAD), jnp.float32),
        mesh=_sc_mesh(),
        scratch_types=[
            pltpu.VMEM((_NCH, 2, _KE), jnp.int32),
            pltpu.VMEM((1, 2, _KE), jnp.int32),
            pltpu.VMEM((_KE,), jnp.float32),
            pltpu.VMEM((_RPT,), jnp.float32),
            pltpu.VMEM_SHARED((_NPAD,), jnp.float32),
            pltpu.SemaphoreType.DMA,
        ],
        compiler_params=pltpu.CompilerParams(use_tc_tiling_on_sc=False),
    )


def _agg_body(xs_hbm, ei_hbm, out_hbm, idx_v, xtr_v, rows_v, stage_v,
              agg_sh, sems):
    cid = lax.axis_index("c")
    sid = lax.axis_index("s")
    wid = cid * _NS + sid

    def _zero(r, carry):
        for c in range(_H // 16):
            stage_v[r, pl.ds(c * 16, 16)] = jnp.zeros((16,), jnp.float32)
        return carry

    lax.fori_loop(0, _RST, _zero, 0)
    for q in range(_RPT // _RST):
        pltpu.sync_copy(stage_v, agg_sh.at[pl.ds(sid * _RPT + q * _RST, _RST)])

    pltpu.sync_copy(ei_hbm.at[pl.ds(wid * _NCH, _NCH)], idx_v)

    @pl.when(wid < _NXT)
    def _():
        pltpu.sync_copy(ei_hbm.at[pl.ds(_NCH * _NW + wid, 1)], xtr_v)

    def _dbl(i, carry):
        for c in range(_KE // 16):
            sl = pl.ds(c * 16, 16)
            idx_v[i, 0, sl] = idx_v[i, 0, sl] + idx_v[i, 0, sl]
        return carry

    lax.fori_loop(0, _NCH, _dbl, 0)

    @pl.when(wid < _NXT)
    def _():
        for c in range(_KE // 16):
            sl = pl.ds(c * 16, 16)
            xtr_v[0, 0, sl] = xtr_v[0, 0, sl] + xtr_v[0, 0, sl]

    plsc.subcore_barrier()

    def _issue(b, s):
        for j in range(_J):
            pltpu.async_copy(xs_hbm.at[idx_v.at[s * _J + j, 0]],
                             rows_v.at[b, j], sems.at[b, j])

    def _drain(b, s):
        for j in range(_J):
            pltpu.make_async_copy(xs_hbm.at[idx_v.at[s * _J + j, 0]],
                                  rows_v.at[b, j], sems.at[b, j]).wait()
            pltpu.sync_copy(rows_v.at[b, j],
                            agg_sh.at[idx_v.at[s * _J + j, 1]], add=True)

    _issue(0, 0)

    def _pipe(gg, carry):
        s0 = gg * 2
        _issue(1, s0 + 1)
        _drain(0, s0)

        @pl.when(s0 + 2 < _NSC)
        def _():
            _issue(0, s0 + 2)

        _drain(1, s0 + 1)
        return carry

    lax.fori_loop(0, _NSC // 2, _pipe, 0)

    @pl.when(wid < _NXT)
    def _():
        pltpu.async_copy(xs_hbm.at[xtr_v.at[0, 0]], rows_v.at[0, 0],
                         sems.at[0, 0])
        pltpu.make_async_copy(xs_hbm.at[xtr_v.at[0, 0]], rows_v.at[0, 0],
                              sems.at[0, 0]).wait()
        pltpu.sync_copy(rows_v.at[0, 0], agg_sh.at[xtr_v.at[0, 1]], add=True)

    plsc.subcore_barrier()

    for q in range(_RPT // _RST):
        pltpu.sync_copy(agg_sh.at[pl.ds(sid * _RPT + q * _RST, _RST)], stage_v)
        pltpu.sync_copy(stage_v,
                        out_hbm.at[cid, pl.ds(sid * _RPT + q * _RST, _RST),
                                   pl.ds(0, _H)])


@functools.cache
def _agg_kernel():
    return pl.kernel(
        _agg_body,
        out_type=jax.ShapeDtypeStruct((_NC, _NPAD, 2 * _H), jnp.float32),
        mesh=_sc_mesh(),
        scratch_types=[
            pltpu.VMEM((_NCH, 2, _KE), jnp.int32),
            pltpu.VMEM((1, 2, _KE), jnp.int32),
            pltpu.VMEM((2, _J, _KE, _H), jnp.float32),
            pltpu.VMEM((_RST, _H), jnp.float32),
            pltpu.VMEM_SHARED((_NPAD, _H), jnp.float32),
            pltpu.SemaphoreType.DMA((2, _J)),
        ],
        compiler_params=pltpu.CompilerParams(use_tc_tiling_on_sc=False),
    )


_TNB = 5
_TBR = _N // _TNB


def _stage_a1_body(x_ref, w0_ref, y_ref):
    y_ref[...] = jnp.dot(x_ref[...], w0_ref[...],
                         preferred_element_type=jnp.float32)


_stage_a1 = pl.pallas_call(
    _stage_a1_body,
    grid=(_TNB,),
    in_specs=[
        pl.BlockSpec((_TBR, _D), lambda i: (i, 0)),
        pl.BlockSpec((_D, _H), lambda i: (0, 0)),
    ],
    out_specs=pl.BlockSpec((_TBR, _H), lambda i: (i, 0)),
    out_shape=jax.ShapeDtypeStruct((_N, _H), jnp.float32),
)


def _stage_a2_body(y_ref, cnt_ref, xs_ref, di_ref):
    cnt = cnt_ref[:, 0:1] + cnt_ref[:, 1:2] + 1.0
    dinv = lax.rsqrt(cnt)
    xs_ref[:, 0:_H] = y_ref[...] * dinv
    xs_ref[:, _H:] = jnp.zeros((_TBR, _H), jnp.float32)
    di_ref[...] = dinv


_stage_a2 = pl.pallas_call(
    _stage_a2_body,
    grid=(_TNB,),
    in_specs=[
        pl.BlockSpec((_TBR, _H), lambda i: (i, 0)),
        pl.BlockSpec((_TBR, 2), lambda i: (i, 0)),
    ],
    out_specs=[
        pl.BlockSpec((_TBR, 2 * _H), lambda i: (i, 0)),
        pl.BlockSpec((_TBR, 1), lambda i: (i, 0)),
    ],
    out_shape=[
        jax.ShapeDtypeStruct((_N, 2 * _H), jnp.float32),
        jax.ShapeDtypeStruct((_N, 1), jnp.float32),
    ],
)


def _stage_b_body(s_ref, y_ref, di_ref, w1_ref, b0_ref, g0_ref, be0_ref,
                  h0_ref, xs1_ref, y1_ref):
    dinv = di_ref[...]
    s = s_ref[0, :, 0:_H] + s_ref[1, :, 0:_H]
    agg = dinv * s + dinv * dinv * y_ref[...] + b0_ref[...]
    h0 = jnp.maximum(agg * (g0_ref[...] * _BN_C) + be0_ref[...], 0.0)
    h0_ref[...] = h0
    y1 = jnp.dot(h0, w1_ref[...], preferred_element_type=jnp.float32)
    y1_ref[...] = y1
    xs1_ref[:, 0:_H] = y1 * dinv
    xs1_ref[:, _H:] = jnp.zeros((_TBR, _H), jnp.float32)


_stage_b = pl.pallas_call(
    _stage_b_body,
    grid=(_TNB,),
    in_specs=[
        pl.BlockSpec((2, _TBR, 2 * _H), lambda i: (0, i, 0)),
        pl.BlockSpec((_TBR, _H), lambda i: (i, 0)),
        pl.BlockSpec((_TBR, 1), lambda i: (i, 0)),
        pl.BlockSpec((_H, _H), lambda i: (0, 0)),
        pl.BlockSpec((1, _H), lambda i: (0, 0)),
        pl.BlockSpec((1, _H), lambda i: (0, 0)),
        pl.BlockSpec((1, _H), lambda i: (0, 0)),
    ],
    out_specs=[
        pl.BlockSpec((_TBR, _H), lambda i: (i, 0)),
        pl.BlockSpec((_TBR, 2 * _H), lambda i: (i, 0)),
        pl.BlockSpec((_TBR, _H), lambda i: (i, 0)),
    ],
    out_shape=[
        jax.ShapeDtypeStruct((_N, _H), jnp.float32),
        jax.ShapeDtypeStruct((_N, 2 * _H), jnp.float32),
        jax.ShapeDtypeStruct((_N, _H), jnp.float32),
    ],
)


def _stage_c0_body(s_ref, y1_ref, di_ref, h0_ref, b1_ref, g1_ref, be1_ref,
                   h_ref):
    dinv = di_ref[...]
    s = s_ref[0, :, 0:_H] + s_ref[1, :, 0:_H]
    agg = dinv * s + dinv * dinv * y1_ref[...] + b1_ref[...]
    hn = jnp.maximum(agg * (g1_ref[...] * _BN_C) + be1_ref[...], 0.0)
    h_ref[...] = h0_ref[...] + hn


_stage_c0 = pl.pallas_call(
    _stage_c0_body,
    grid=(_TNB,),
    in_specs=[
        pl.BlockSpec((2, _TBR, 2 * _H), lambda i: (0, i, 0)),
        pl.BlockSpec((_TBR, _H), lambda i: (i, 0)),
        pl.BlockSpec((_TBR, 1), lambda i: (i, 0)),
        pl.BlockSpec((_TBR, _H), lambda i: (i, 0)),
        pl.BlockSpec((1, _H), lambda i: (0, 0)),
        pl.BlockSpec((1, _H), lambda i: (0, 0)),
        pl.BlockSpec((1, _H), lambda i: (0, 0)),
    ],
    out_specs=pl.BlockSpec((_TBR, _H), lambda i: (i, 0)),
    out_shape=jax.ShapeDtypeStruct((_N, _H), jnp.float32),
)


_PNB = 5
_PBR = _N // 2 // _PNB


def _pool_body(h_ref, batch_ref, sum_ref, max_ref, cnt_ref):
    i = pl.program_id(0)
    h2 = h_ref[...]
    bid2 = batch_ref[...]
    seg = lax.broadcasted_iota(jnp.int32, (_PBR, _B), 1)
    oh_e = (bid2[:, 0:1] == seg).astype(jnp.float32)
    oh_o = (bid2[:, 1:2] == seg).astype(jnp.float32)
    dn = (((0,), (0,)), ((), ()))
    bs_e = lax.dot_general(oh_e, h2, dn, preferred_element_type=jnp.float32)
    bs_o = lax.dot_general(oh_o, h2, dn, preferred_element_type=jnp.float32)
    bs = bs_e[:, 0:_H] + bs_o[:, _H:]
    bc = lax.dot_general(oh_e + oh_o, jnp.ones((_PBR, _H), jnp.float32),
                         dn, preferred_element_type=jnp.float32)
    lane = lax.broadcasted_iota(jnp.int32, (_PBR, 2 * _H), 1)
    bid_exp = jnp.where(lane < _H, bid2[:, 0:1], bid2[:, 1:2])
    neg_inf = jnp.float32(-jnp.inf)
    bm = jnp.concatenate(
        [jnp.max(jnp.where(bid_exp == b, h2, neg_inf), axis=0, keepdims=True)
         for b in range(_B)], axis=0)

    @pl.when(i == 0)
    def _():
        sum_ref[...] = bs
        cnt_ref[...] = bc
        max_ref[...] = bm

    @pl.when(i > 0)
    def _():
        sum_ref[...] += bs
        cnt_ref[...] += bc
        max_ref[...] = jnp.maximum(max_ref[...], bm)


_pool = pl.pallas_call(
    _pool_body,
    grid=(_PNB,),
    in_specs=[
        pl.BlockSpec((_PBR, 2 * _H), lambda i: (i, 0)),
        pl.BlockSpec((_PBR, 2), lambda i: (i, 0)),
    ],
    out_specs=[
        pl.BlockSpec((_B, _H), lambda i: (0, 0)),
        pl.BlockSpec((_B, 2 * _H), lambda i: (0, 0)),
        pl.BlockSpec((_B, _H), lambda i: (0, 0)),
    ],
    out_shape=[
        jax.ShapeDtypeStruct((_B, _H), jnp.float32),
        jax.ShapeDtypeStruct((_B, 2 * _H), jnp.float32),
        jax.ShapeDtypeStruct((_B, _H), jnp.float32),
    ],
)


def _head_body(sum_ref, max_ref, cnt_ref, wh1_ref, bh1_ref, wh2_ref, bh2_ref,
               wh3_ref, bh3_ref, out_ref):
    cnt = jnp.maximum(cnt_ref[...], 1.0)
    h_mean = sum_ref[...] / cnt
    h_max = jnp.maximum(max_ref[:, 0:_H], max_ref[:, _H:])
    hg = jnp.concatenate([h_mean, h_max], axis=1)
    z = jnp.maximum(jnp.dot(hg, wh1_ref[...],
                            preferred_element_type=jnp.float32) + bh1_ref[...],
                    0.0)
    z = jnp.maximum(jnp.dot(z, wh2_ref[...],
                            preferred_element_type=jnp.float32) + bh2_ref[...],
                    0.0)
    z = jnp.dot(z, wh3_ref[...], preferred_element_type=jnp.float32) + bh3_ref[...]
    out_ref[...] = jax.nn.sigmoid(z)


_head = pl.pallas_call(
    _head_body,
    out_shape=jax.ShapeDtypeStruct((_B, 1), jnp.float32),
)


def kernel(x, edge_index, batch, W0, b0, g0, be0, W1, b1, g1, be1,
           Wh1, bh1, Wh2, bh2, Wh3, bh3):
    ei3 = edge_index.reshape(2, _TCH, _KE).transpose(1, 0, 2)

    y0 = _stage_a1(x, W0)
    counts = _deg_kernel()(ei3)
    cnt_t = counts[:, :_N].T
    xs0, dinv = _stage_a2(y0, cnt_t)
    s0 = _agg_kernel()(xs0.reshape(2 * _N, _H), ei3)
    h0, xs1, y1 = _stage_b(
        s0, y0, dinv, W1,
        b0.reshape(1, _H), g0.reshape(1, _H), be0.reshape(1, _H),
    )
    s1 = _agg_kernel()(xs1.reshape(2 * _N, _H), ei3)
    h = _stage_c0(
        s1, y1, dinv, h0,
        b1.reshape(1, _H), g1.reshape(1, _H), be1.reshape(1, _H),
    )
    sums, maxs, cnts = _pool(h.reshape(_N // 2, 2 * _H),
                             batch.reshape(_N // 2, 2))
    out = _head(
        sums, maxs, cnts,
        Wh1, bh1.reshape(1, _H), Wh2, bh2.reshape(1, _H // 2),
        Wh3, bh3.reshape(1, 1),
    )
    return out.reshape(_B)

# --- scband reference (transcript-rebuilt; emitter-appended) ---
"""Pipeline reference for scband-scene-gnn-71871982731329 (READ-ONLY COPY).

The authoritative reference and input builder live on the scoring server;
editing this copy changes nothing except your own understanding.
"""

import jax, jax.numpy as jnp
import numpy as np

N = 10000
E = 320000
D = 128
H = 64
B = 16
EPS = 1e-5


def setup_inputs(seed: int = 0) -> dict:
    key = jax.random.key(seed)
    ks = jax.random.split(key, 20)
    inp = {}
    inp["x"] = jax.random.normal(ks[0], (N, D), dtype=jnp.float32)
    inp["edge_index"] = jax.random.randint(ks[1], (2, E), 0, N, dtype=jnp.int32)
    inp["batch"] = jnp.sort(jax.random.randint(ks[2], (N,), 0, B, dtype=jnp.int32))
    s0 = 1.0 / np.sqrt(D)
    inp["W0"] = jax.random.uniform(ks[3], (D, H), minval=-s0, maxval=s0, dtype=jnp.float32)
    inp["b0"] = jax.random.uniform(ks[4], (H,), minval=-s0, maxval=s0, dtype=jnp.float32)
    inp["g0"] = jnp.ones((H,), dtype=jnp.float32)
    inp["be0"] = jnp.zeros((H,), dtype=jnp.float32)
    s1 = 1.0 / np.sqrt(H)
    inp["W1"] = jax.random.uniform(ks[5], (H, H), minval=-s1, maxval=s1, dtype=jnp.float32)
    inp["b1"] = jax.random.uniform(ks[6], (H,), minval=-s1, maxval=s1, dtype=jnp.float32)
    inp["g1"] = jnp.ones((H,), dtype=jnp.float32)
    inp["be1"] = jnp.zeros((H,), dtype=jnp.float32)
    s2 = 1.0 / np.sqrt(2 * H)
    inp["Wh1"] = jax.random.uniform(ks[7], (2 * H, H), minval=-s2, maxval=s2, dtype=jnp.float32)
    inp["bh1"] = jax.random.uniform(ks[8], (H,), minval=-s2, maxval=s2, dtype=jnp.float32)
    s3 = 1.0 / np.sqrt(H)
    inp["Wh2"] = jax.random.uniform(ks[9], (H, H // 2), minval=-s3, maxval=s3, dtype=jnp.float32)
    inp["bh2"] = jax.random.uniform(ks[10], (H // 2,), minval=-s3, maxval=s3, dtype=jnp.float32)
    s4 = 1.0 / np.sqrt(H // 2)
    inp["Wh3"] = jax.random.uniform(ks[11], (H // 2, 1), minval=-s4, maxval=s4, dtype=jnp.float32)
    inp["bh3"] = jax.random.uniform(ks[12], (1,), minval=-s4, maxval=s4, dtype=jnp.float32)
    return inp


def _gcn_conv(x, src, dst, W, b):
    xw = x @ W
    deg = jax.ops.segment_sum(jnp.ones(src.shape[0], dtype=xw.dtype), dst, num_segments=N)
    dinv = jnp.where(deg > 0, jax.lax.rsqrt(deg), 0.0)
    norm = dinv[src] * dinv[dst]
    agg = jax.ops.segment_sum(xw[src] * norm[:, None], dst, num_segments=N)
    return agg + b


def _bn_eval(h, g, be):
    # eval-mode BatchNorm1d with running_mean=0, running_var=1
    return h * (g / jnp.sqrt(1.0 + EPS)) + be


def _fwd(x, W0, b0, g0, be0, W1, b1, g1, be1, Wh1, bh1, Wh2, bh2, Wh3, bh3, src, dst, batch):
    h = _gcn_conv(x, src, dst, W0, b0)
    h = jax.nn.relu(_bn_eval(h, g0, be0))
    hn = _gcn_conv(h, src, dst, W1, b1)
    hn = jax.nn.relu(_bn_eval(hn, g1, be1))
    h = h + hn  # residual at layer i>0 with matching dims
    cnt = jax.ops.segment_sum(jnp.ones((N,), dtype=h.dtype), batch, num_segments=B)
    h_mean = jax.ops.segment_sum(h, batch, num_segments=B) / jnp.maximum(cnt, 1.0)[:, None]
    h_max = jax.ops.segment_max(h, batch, num_segments=B)
    hg = jnp.concatenate([h_mean, h_max], axis=-1)
    z = jax.nn.relu(hg @ Wh1 + bh1)
    z = jax.nn.relu(z @ Wh2 + bh2)
    z = z @ Wh3 + bh3
    return jax.nn.sigmoid(z).squeeze(-1)


def reference(x, edge_index, batch, W0, b0, g0, be0, W1, b1, g1, be1, Wh1, bh1, Wh2, bh2, Wh3, bh3):
    src, dst = edge_index[0], edge_index[1]
    loop = jnp.arange(N, dtype=src.dtype)  # GCNConv adds self-loops
    src = jnp.concatenate([src, loop])
    dst = jnp.concatenate([dst, loop])
    return _fwd(x, W0, b0, g0, be0, W1, b1, g1, be1, Wh1, bh1, Wh2, bh2, Wh3, bh3, src, dst, batch)

if __name__ == "__main__":
    import jax
    _d = setup_inputs()
    print(jax.jit(kernel)(*tuple(_d.values())))

</pallas_src>

<mosaic_0001>
#map = affine_map<(d0, d1) -> (0, 0)>
#map1 = affine_map<(d0, d1) -> (0, 0, 0)>
module attributes {stable_mosaic.version = 14 : i64} {
  func.func @_agg_body(%arg0: i32, %arg1: i32, %arg2: memref<20000x64xf32, #tpu.memory_space<hbm>>, %arg3: memref<2500x2x128xi32, #tpu.memory_space<hbm>>, %arg4: memref<2x10240x128xf32, #tpu.memory_space<hbm>>, %arg5: memref<78x2x128xi32, #tpu.memory_space<vmem>>, %arg6: memref<1x2x128xi32, #tpu.memory_space<vmem>>, %arg7: memref<2x3x128x64xf32, #tpu.memory_space<vmem>>, %arg8: memref<160x64xf32, #tpu.memory_space<vmem>>, %arg9: memref<10240x64xf32, #tpu.memory_space<vmem_shared>>, %arg10: memref<2x3x!tpu.dma_semaphore, #tpu.memory_space<semaphore_mem>>) attributes {dimension_semantics = [#tpu.dimension_semantics<core_parallel>, #tpu.dimension_semantics<subcore_parallel>], iteration_bounds = array<i64: 2, 16>, scalar_prefetch = 0 : i64, scratch_operands = 6 : i64, tpu.core_type = #tpu.core_type<sc_vector_subcore>, window_params = [{transform_indices = #map}, {transform_indices = #map1}, {transform_indices = #map1}]} {
    %mul3A = arith.constant 16 : i32
    %mul3A_0 = arith.muli %arg0, %mul3A : i32
    %add3A = arith.addi %mul3A_0, %arg1 : i32
    %scan3A = arith.constant 0 : i32
    %scan3A_1 = arith.constant 0 : i32
    %scan3A_2 = arith.constant 160 : i32
    %scan3A_3 = arith.addi %scan3A_1, %scan3A_2 : i32
    %scan3A_4 = arith.constant 1 : i32
    scf.for %scan3A_134 = %scan3A_1 to %scan3A_3 step %scan3A_4  : i32 {
      %broadcast_in_dim3A = arith.constant 0.000000e+00 : f32
      %broadcast_in_dim3A_135 = vector.broadcast %broadcast_in_dim3A : f32 to vector<16xf32>
      %swap3A = arith.index_cast %scan3A_134 : i32 to index
      %swap3A_136 = arith.constant 0 : index
      %swap3A_137 = tpu.vector_load %arg8[%swap3A, %swap3A_136] {strides = array<i32>} : memref<160x64xf32, #tpu.memory_space<vmem>>, vector<1x16xf32>,
      %swap3A_138 = vector.shape_cast %swap3A_137 : vector<1x16xf32> to vector<16xf32>
      %swap3A_139 = vector.shape_cast %broadcast_in_dim3A_135 : vector<16xf32> to vector<1x16xf32>
      tpu.vector_store %arg8[%swap3A, %swap3A_136], %swap3A_139 {strides = array<i32>} : memref<160x64xf32, #tpu.memory_space<vmem>>, vector<1x16xf32>,
      %broadcast_in_dim3A_140 = arith.constant 0.000000e+00 : f32
      %broadcast_in_dim3A_141 = vector.broadcast %broadcast_in_dim3A_140 : f32 to vector<16xf32>
      %swap3A_142 = arith.index_cast %scan3A_134 : i32 to index
      %swap3A_143 = arith.constant 16 : index
      %swap3A_144 = tpu.vector_load %arg8[%swap3A_142, %swap3A_143] {strides = array<i32>} : memref<160x64xf32, #tpu.memory_space<vmem>>, vector<1x16xf32>,
      %swap3A_145 = vector.shape_cast %swap3A_144 : vector<1x16xf32> to vector<16xf32>
      %swap3A_146 = vector.shape_cast %broadcast_in_dim3A_141 : vector<16xf32> to vector<1x16xf32>
      tpu.vector_store %arg8[%swap3A_142, %swap3A_143], %swap3A_146 {strides = array<i32>} : memref<160x64xf32, #tpu.memory_space<vmem>>, vector<1x16xf32>,
      %broadcast_in_dim3A_147 = arith.constant 0.000000e+00 : f32
      %broadcast_in_dim3A_148 = vector.broadcast %broadcast_in_dim3A_147 : f32 to vector<16xf32>
      %swap3A_149 = arith.index_cast %scan3A_134 : i32 to index
      %swap3A_150 = arith.constant 32 : index
      %swap3A_151 = tpu.vector_load %arg8[%swap3A_149, %swap3A_150] {strides = array<i32>} : memref<160x64xf32, #tpu.memory_space<vmem>>, vector<1x16xf32>,
      %swap3A_152 = vector.shape_cast %swap3A_151 : vector<1x16xf32> to vector<16xf32>
      %swap3A_153 = vector.shape_cast %broadcast_in_dim3A_148 : vector<16xf32> to vector<1x16xf32>
      tpu.vector_store %arg8[%swap3A_149, %swap3A_150], %swap3A_153 {strides = array<i32>} : memref<160x64xf32, #tpu.memory_space<vmem>>, vector<1x16xf32>,
      %broadcast_in_dim3A_154 = arith.constant 0.000000e+00 : f32
      %broadcast_in_dim3A_155 = vector.broadcast %broadcast_in_dim3A_154 : f32 to vector<16xf32>
      %swap3A_156 = arith.index_cast %scan3A_134 : i32 to index
      %swap3A_157 = arith.constant 48 : index
      %swap3A_158 = tpu.vector_load %arg8[%swap3A_156, %swap3A_157] {strides = array<i32>} : memref<160x64xf32, #tpu.memory_space<vmem>>, vector<1x16xf32>,
      %swap3A_159 = vector.shape_cast %swap3A_158 : vector<1x16xf32> to vector<16xf32>
      %swap3A_160 = vector.shape_cast %broadcast_in_dim3A_155 : vector<16xf32> to vector<1x16xf32>
      tpu.vector_store %arg8[%swap3A_156, %swap3A_157], %swap3A_160 {strides = array<i32>} : memref<160x64xf32, #tpu.memory_space<vmem>>, vector<1x16xf32>,
    }
    %scan3A_5 = arith.constant 160 : i32
    %mul3A_6 = arith.constant 640 : i32
    %mul3A_7 = arith.muli %arg1, %mul3A_6 : i32
    %add3A_8 = arith.constant 0 : i32
    %add3A_9 = arith.addi %mul3A_7, %add3A_8 : i32
    "tpu.region"() ({
      %run_scoped3A = tpu.sem_alloc : memref<!tpu.dma_semaphore, #tpu.memory_space<semaphore_mem>>
      %dma_start3A_134 = arith.constant 0 : i32
      %dma_start3A_135 = tpu.memref_slice %arg9[%add3A_9, %dma_start3A_134] : memref<10240x64xf32, #tpu.memory_space<vmem_shared>> -> memref<160x64xf32, #tpu.memory_space<vmem_shared>>
      %dma_start3A_136 = arith.constant 0 : i32
      %dma_start3A_137 = tpu.memref_slice %arg9[%add3A_9, %dma_start3A_136] : memref<10240x64xf32, #tpu.memory_space<vmem_shared>> -> memref<160x64xf32, #tpu.memory_space<vmem_shared>>
      tpu.enqueue_dma source(%arg8 : memref<160x64xf32, #tpu.memory_space<vmem>>) target(%dma_start3A_137 : memref<160x64xf32, #tpu.memory_space<vmem_shared>>) target_semaphore(%run_scoped3A : memref<!tpu.dma_semaphore, #tpu.memory_space<semaphore_mem>>)
      %dma_wait3A = arith.constant 0 : i32
      %dma_wait3A_138 = tpu.memref_slice %arg9[%add3A_9, %dma_wait3A] : memref<10240x64xf32, #tpu.memory_space<vmem_shared>> -> memref<160x64xf32, #tpu.memory_space<vmem_shared>>
      %dma_wait3A_139 = arith.constant 0 : i32
      %dma_wait3A_140 = tpu.memref_slice %arg9[%add3A_9, %dma_wait3A_139] : memref<10240x64xf32, #tpu.memory_space<vmem_shared>> -> memref<160x64xf32, #tpu.memory_space<vmem_shared>>
      tpu.wait_dma2 semaphore(%run_scoped3A : memref<!tpu.dma_semaphore, #tpu.memory_space<semaphore_mem>>) src(%arg8 : memref<160x64xf32, #tpu.memory_space<vmem>>) dst(%dma_wait3A_140 : memref<160x64xf32, #tpu.memory_space<vmem_shared>>)
      tpu.yield
    }) : () -> ()
    %mul3A_10 = arith.constant 640 : i32
    %mul3A_11 = arith.muli %arg1, %mul3A_10 : i32
    %add3A_12 = arith.constant 160 : i32
    %add3A_13 = arith.addi %mul3A_11, %add3A_12 : i32
    "tpu.region"() ({
      %run_scoped3A = tpu.sem_alloc : memref<!tpu.dma_semaphore, #tpu.memory_space<semaphore_mem>>
      %dma_start3A_134 = arith.constant 0 : i32
      %dma_start3A_135 = tpu.memref_slice %arg9[%add3A_13, %dma_start3A_134] : memref<10240x64xf32, #tpu.memory_space<vmem_shared>> -> memref<160x64xf32, #tpu.memory_space<vmem_shared>>
      %dma_start3A_136 = arith.constant 0 : i32
      %dma_start3A_137 = tpu.memref_slice %arg9[%add3A_13, %dma_start3A_136] : memref<10240x64xf32, #tpu.memory_space<vmem_shared>> -> memref<160x64xf32, #tpu.memory_space<vmem_shared>>
      tpu.enqueue_dma source(%arg8 : memref<160x64xf32, #tpu.memory_space<vmem>>) target(%dma_start3A_137 : memref<160x64xf32, #tpu.memory_space<vmem_shared>>) target_semaphore(%run_scoped3A : memref<!tpu.dma_semaphore, #tpu.memory_space<semaphore_mem>>)
      %dma_wait3A = arith.constant 0 : i32
      %dma_wait3A_138 = tpu.memref_slice %arg9[%add3A_13, %dma_wait3A] : memref<10240x64xf32, #tpu.memory_space<vmem_shared>> -> memref<160x64xf32, #tpu.memory_space<vmem_shared>>
      %dma_wait3A_139 = arith.constant 0 : i32
      %dma_wait3A_140 = tpu.memref_slice %arg9[%add3A_13, %dma_wait3A_139] : memref<10240x64xf32, #tpu.memory_space<vmem_shared>> -> memref<160x64xf32, #tpu.memory_space<vmem_shared>>
      tpu.wait_dma2 semaphore(%run_scoped3A : memref<!tpu.dma_semaphore, #tpu.memory_space<semaphore_mem>>) src(%arg8 : memref<160x64xf32, #tpu.memory_space<vmem>>) dst(%dma_wait3A_140 : memref<160x64xf32, #tpu.memory_space<vmem_shared>>)
      tpu.yield
    }) : () -> ()
    %mul3A_14 = arith.constant 640 : i32
    %mul3A_15 = arith.muli %arg1, %mul3A_14 : i32
    %add3A_16 = arith.constant 320 : i32
    %add3A_17 = arith.addi %mul3A_15, %add3A_16 : i32
    "tpu.region"() ({
      %run_scoped3A = tpu.sem_alloc : memref<!tpu.dma_semaphore, #tpu.memory_space<semaphore_mem>>
      %dma_start3A_134 = arith.constant 0 : i32
      %dma_start3A_135 = tpu.memref_slice %arg9[%add3A_17, %dma_start3A_134] : memref<10240x64xf32, #tpu.memory_space<vmem_shared>> -> memref<160x64xf32, #tpu.memory_space<vmem_shared>>
      %dma_start3A_136 = arith.constant 0 : i32
      %dma_start3A_137 = tpu.memref_slice %arg9[%add3A_17, %dma_start3A_136] : memref<10240x64xf32, #tpu.memory_space<vmem_shared>> -> memref<160x64xf32, #tpu.memory_space<vmem_shared>>
      tpu.enqueue_dma source(%arg8 : memref<160x64xf32, #tpu.memory_space<vmem>>) target(%dma_start3A_137 : memref<160x64xf32, #tpu.memory_space<vmem_shared>>) target_semaphore(%run_scoped3A : memref<!tpu.dma_semaphore, #tpu.memory_space<semaphore_mem>>)
      %dma_wait3A = arith.constant 0 : i32
      %dma_wait3A_138 = tpu.memref_slice %arg9[%add3A_17, %dma_wait3A] : memref<10240x64xf32, #tpu.memory_space<vmem_shared>> -> memref<160x64xf32, #tpu.memory_space<vmem_shared>>
      %dma_wait3A_139 = arith.constant 0 : i32
      %dma_wait3A_140 = tpu.memref_slice %arg9[%add3A_17, %dma_wait3A_139] : memref<10240x64xf32, #tpu.memory_space<vmem_shared>> -> memref<160x64xf32, #tpu.memory_space<vmem_shared>>
      tpu.wait_dma2 semaphore(%run_scoped3A : memref<!tpu.dma_semaphore, #tpu.memory_space<semaphore_mem>>) src(%arg8 : memref<160x64xf32, #tpu.memory_space<vmem>>) dst(%dma_wait3A_140 : memref<160x64xf32, #tpu.memory_space<vmem_shared>>)
      tpu.yield
    }) : () -> ()
    %mul3A_18 = arith.constant 640 : i32
    %mul3A_19 = arith.muli %arg1, %mul3A_18 : i32
    %add3A_20 = arith.constant 480 : i32
    %add3A_21 = arith.addi %mul3A_19, %add3A_20 : i32
    "tpu.region"() ({
      %run_scoped3A = tpu.sem_alloc : memref<!tpu.dma_semaphore, #tpu.memory_space<semaphore_mem>>
      %dma_start3A_134 = arith.constant 0 : i32
      %dma_start3A_135 = tpu.memref_slice %arg9[%add3A_21, %dma_start3A_134] : memref<10240x64xf32, #tpu.memory_space<vmem_shared>> -> memref<160x64xf32, #tpu.memory_space<vmem_shared>>
      %dma_start3A_136 = arith.constant 0 : i32
      %dma_start3A_137 = tpu.memref_slice %arg9[%add3A_21, %dma_start3A_136] : memref<10240x64xf32, #tpu.memory_space<vmem_shared>> -> memref<160x64xf32, #tpu.memory_space<vmem_shared>>
      tpu.enqueue_dma source(%arg8 : memref<160x64xf32, #tpu.memory_space<vmem>>) target(%dma_start3A_137 : memref<160x64xf32, #tpu.memory_space<vmem_shared>>) target_semaphore(%run_scoped3A : memref<!tpu.dma_semaphore, #tpu.memory_space<semaphore_mem>>)
      %dma_wait3A = arith.constant 0 : i32
      %dma_wait3A_138 = tpu.memref_slice %arg9[%add3A_21, %dma_wait3A] : memref<10240x64xf32, #tpu.memory_space<vmem_shared>> -> memref<160x64xf32, #tpu.memory_space<vmem_shared>>
      %dma_wait3A_139 = arith.constant 0 : i32
      %dma_wait3A_140 = tpu.memref_slice %arg9[%add3A_21, %dma_wait3A_139] : memref<10240x64xf32, #tpu.memory_space<vmem_shared>> -> memref<160x64xf32, #tpu.memory_space<vmem_shared>>
      tpu.wait_dma2 semaphore(%run_scoped3A : memref<!tpu.dma_semaphore, #tpu.memory_space<semaphore_mem>>) src(%arg8 : memref<160x64xf32, #tpu.memory_space<vmem>>) dst(%dma_wait3A_140 : memref<160x64xf32, #tpu.memory_space<vmem_shared>>)
      tpu.yield
    }) : () -> ()
    %mul3A_22 = arith.constant 78 : i32
    %mul3A_23 = arith.muli %add3A, %mul3A_22 : i32
    "tpu.region"() ({
      %run_scoped3A = tpu.sem_alloc : memref<!tpu.dma_semaphore, #tpu.memory_space<semaphore_mem>>
      %dma_start3A_134 = arith.constant 0 : i32
      %dma_start3A_135 = arith.constant 0 : i32
      %dma_start3A_136 = tpu.memref_slice %arg3[%mul3A_23, %dma_start3A_134, %dma_start3A_135] : memref<2500x2x128xi32, #tpu.memory_space<hbm>> -> memref<78x2x128xi32, #tpu.memory_space<hbm>>
      %dma_start3A_137 = arith.constant 0 : i32
      %dma_start3A_138 = arith.constant 0 : i32
      %dma_start3A_139 = tpu.memref_slice %arg3[%mul3A_23, %dma_start3A_137, %dma_start3A_138] : memref<2500x2x128xi32, #tpu.memory_space<hbm>> -> memref<78x2x128xi32, #tpu.memory_space<hbm>>
      tpu.enqueue_dma source(%dma_start3A_139 : memref<78x2x128xi32, #tpu.memory_space<hbm>>) target(%arg5 : memref<78x2x128xi32, #tpu.memory_space<vmem>>) target_semaphore(%run_scoped3A : memref<!tpu.dma_semaphore, #tpu.memory_space<semaphore_mem>>)
      %dma_wait3A = arith.constant 0 : i32
      %dma_wait3A_140 = arith.constant 0 : i32
      %dma_wait3A_141 = tpu.memref_slice %arg3[%mul3A_23, %dma_wait3A, %dma_wait3A_140] : memref<2500x2x128xi32, #tpu.memory_space<hbm>> -> memref<78x2x128xi32, #tpu.memory_space<hbm>>
      %dma_wait3A_142 = arith.constant 0 : i32
      %dma_wait3A_143 = arith.constant 0 : i32
      %dma_wait3A_144 = tpu.memref_slice %arg3[%mul3A_23, %dma_wait3A_142, %dma_wait3A_143] : memref<2500x2x128xi32, #tpu.memory_space<hbm>> -> memref<78x2x128xi32, #tpu.memory_space<hbm>>
      tpu.wait_dma2 semaphore(%run_scoped3A : memref<!tpu.dma_semaphore, #tpu.memory_space<semaphore_mem>>) src(%dma_wait3A_144 : memref<78x2x128xi32, #tpu.memory_space<hbm>>) dst(%arg5 : memref<78x2x128xi32, #tpu.memory_space<vmem>>)
      tpu.yield
    }) : () -> ()
    %lt3A = arith.constant 4 : i32
    %lt3A_24 = arith.cmpi slt, %add3A, %lt3A : i32
    %convert_element_type3A = arith.extui %lt3A_24 : i1 to i32
    %cond3A = arith.constant 0 : i32
    %cond3A_25 = arith.cmpi ne, %convert_element_type3A, %cond3A : i32
    scf.if %cond3A_25 {
      %add3A_134 = arith.constant 2496 : i32
      %add3A_135 = arith.addi %add3A_134, %add3A : i32
      "tpu.region"() ({
        %run_scoped3A = tpu.sem_alloc : memref<!tpu.dma_semaphore, #tpu.memory_space<semaphore_mem>>
        %dma_start3A_136 = arith.constant 0 : i32
        %dma_start3A_137 = arith.constant 0 : i32
        %dma_start3A_138 = tpu.memref_slice %arg3[%add3A_135, %dma_start3A_136, %dma_start3A_137] : memref<2500x2x128xi32, #tpu.memory_space<hbm>> -> memref<1x2x128xi32, #tpu.memory_space<hbm>>
        %dma_start3A_139 = arith.constant 0 : i32
        %dma_start3A_140 = arith.constant 0 : i32
        %dma_start3A_141 = tpu.memref_slice %arg3[%add3A_135, %dma_start3A_139, %dma_start3A_140] : memref<2500x2x128xi32, #tpu.memory_space<hbm>> -> memref<1x2x128xi32, #tpu.memory_space<hbm>>
        tpu.enqueue_dma source(%dma_start3A_141 : memref<1x2x128xi32, #tpu.memory_space<hbm>>) target(%arg6 : memref<1x2x128xi32, #tpu.memory_space<vmem>>) target_semaphore(%run_scoped3A : memref<!tpu.dma_semaphore, #tpu.memory_space<semaphore_mem>>)
        %dma_wait3A = arith.constant 0 : i32
        %dma_wait3A_142 = arith.constant 0 : i32
        %dma_wait3A_143 = tpu.memref_slice %arg3[%add3A_135, %dma_wait3A, %dma_wait3A_142] : memref<2500x2x128xi32, #tpu.memory_space<hbm>> -> memref<1x2x128xi32, #tpu.memory_space<hbm>>
        %dma_wait3A_144 = arith.constant 0 : i32
        %dma_wait3A_145 = arith.constant 0 : i32
        %dma_wait3A_146 = tpu.memref_slice %arg3[%add3A_135, %dma_wait3A_144, %dma_wait3A_145] : memref<2500x2x128xi32, #tpu.memory_space<hbm>> -> memref<1x2x128xi32, #tpu.memory_space<hbm>>
        tpu.wait_dma2 semaphore(%run_scoped3A : memref<!tpu.dma_semaphore, #tpu.memory_space<semaphore_mem>>) src(%dma_wait3A_146 : memref<1x2x128xi32, #tpu.memory_space<hbm>>) dst(%arg6 : memref<1x2x128xi32, #tpu.memory_space<vmem>>)
        tpu.yield
      }) : () -> ()
    } else {
    }
    %scan3A_26 = arith.constant 0 : i32
    %scan3A_27 = arith.constant 0 : i32
    %scan3A_28 = arith.constant 78 : i32
    %scan3A_29 = arith.addi %scan3A_27, %scan3A_28 : i32
    %scan3A_30 = arith.constant 1 : i32
    scf.for %scan3A_134 = %scan3A_27 to %scan3A_29 step %scan3A_30  : i32 {
      %get3A = arith.constant 0 : i32
      %get3A_135 = arith.index_cast %scan3A_134 : i32 to index
      %get3A_136 = arith.index_cast %get3A : i32 to index
      %get3A_137 = arith.constant 0 : index
      %get3A_138 = tpu.vector_load %arg5[%get3A_135, %get3A_136, %get3A_137] {strides = array<i32>} : memref<78x2x128xi32, #tpu.memory_space<vmem>>, vector<1x1x16xi32>,
      %get3A_139 = vector.shape_cast %get3A_138 : vector<1x1x16xi32> to vector<16xi32>
      %get3A_140 = arith.constant 0 : i32
      %get3A_141 = arith.index_cast %scan3A_134 : i32 to index
      %get3A_142 = arith.index_cast %get3A_140 : i32 to index
      %get3A_143 = arith.constant 0 : index
      %get3A_144 = tpu.vector_load %arg5[%get3A_141, %get3A_142, %get3A_143] {strides = array<i32>} : memref<78x2x128xi32, #tpu.memory_space<vmem>>, vector<1x1x16xi32>,
      %get3A_145 = vector.shape_cast %get3A_144 : vector<1x1x16xi32> to vector<16xi32>
      %add3A_146 = arith.addi %get3A_139, %get3A_145 : vector<16xi32>
      %swap3A = arith.constant 0 : i32
      %swap3A_147 = arith.index_cast %scan3A_134 : i32 to index
      %swap3A_148 = arith.index_cast %swap3A : i32 to index
      %swap3A_149 = arith.constant 0 : index
      %swap3A_150 = tpu.vector_load %arg5[%swap3A_147, %swap3A_148, %swap3A_149] {strides = array<i32>} : memref<78x2x128xi32, #tpu.memory_space<vmem>>, vector<1x1x16xi32>,
      %swap3A_151 = vector.shape_cast %swap3A_150 : vector<1x1x16xi32> to vector<16xi32>
      %swap3A_152 = vector.shape_cast %add3A_146 : vector<16xi32> to vector<1x1x16xi32>
      tpu.vector_store %arg5[%swap3A_147, %swap3A_148, %swap3A_149], %swap3A_152 {strides = array<i32>} : memref<78x2x128xi32, #tpu.memory_space<vmem>>, vector<1x1x16xi32>,
      %get3A_153 = arith.constant 0 : i32
      %get3A_154 = arith.index_cast %scan3A_134 : i32 to index
      %get3A_155 = arith.index_cast %get3A_153 : i32 to index
      %get3A_156 = arith.constant 16 : index
      %get3A_157 = tpu.vector_load %arg5[%get3A_154, %get3A_155, %get3A_156] {strides = array<i32>} : memref<78x2x128xi32, #tpu.memory_space<vmem>>, vector<1x1x16xi32>,
      %get3A_158 = vector.shape_cast %get3A_157 : vector<1x1x16xi32> to vector<16xi32>
      %get3A_159 = arith.constant 0 : i32
      %get3A_160 = arith.index_cast %scan3A_134 : i32 to index
      %get3A_161 = arith.index_cast %get3A_159 : i32 to index
      %get3A_162 = arith.constant 16 : index
      %get3A_163 = tpu.vector_load %arg5[%get3A_160, %get3A_161, %get3A_162] {strides = array<i32>} : memref<78x2x128xi32, #tpu.memory_space<vmem>>, vector<1x1x16xi32>,
      %get3A_164 = vector.shape_cast %get3A_163 : vector<1x1x16xi32> to vector<16xi32>
      %add3A_165 = arith.addi %get3A_158, %get3A_164 : vector<16xi32>
      %swap3A_166 = arith.constant 0 : i32
      %swap3A_167 = arith.index_cast %scan3A_134 : i32 to index
      %swap3A_168 = arith.index_cast %swap3A_166 : i32 to index
      %swap3A_169 = arith.constant 16 : index
      %swap3A_170 = tpu.vector_load %arg5[%swap3A_167, %swap3A_168, %swap3A_169] {strides = array<i32>} : memref<78x2x128xi32, #tpu.memory_space<vmem>>, vector<1x1x16xi32>,
      %swap3A_171 = vector.shape_cast %swap3A_170 : vector<1x1x16xi32> to vector<16xi32>
      %swap3A_172 = vector.shape_cast %add3A_165 : vector<16xi32> to vector<1x1x16xi32>
      tpu.vector_store %arg5[%swap3A_167, %swap3A_168, %swap3A_169], %swap3A_172 {strides = array<i32>} : memref<78x2x128xi32, #tpu.memory_space<vmem>>, vector<1x1x16xi32>,
      %get3A_173 = arith.constant 0 : i32
      %get3A_174 = arith.index_cast %scan3A_134 : i32 to index
      %get3A_175 = arith.index_cast %get3A_173 : i32 to index
      %get3A_176 = arith.constant 32 : index
      %get3A_177 = tpu.vector_load %arg5[%get3A_174, %get3A_175, %get3A_176] {strides = array<i32>} : memref<78x2x128xi32, #tpu.memory_space<vmem>>, vector<1x1x16xi32>,
      %get3A_178 = vector.shape_cast %get3A_177 : vector<1x1x16xi32> to vector<16xi32>
      %get3A_179 = arith.constant 0 : i32
      %get3A_180 = arith.index_cast %scan3A_134 : i32 to index
      %get3A_181 = arith.index_cast %get3A_179 : i32 to index
      %get3A_182 = arith.constant 32 : index
      %get3A_183 = tpu.vector_load %arg5[%get3A_180, %get3A_181, %get3A_182] {strides = array<i32>} : memref<78x2x128xi32, #tpu.memory_space<vmem>>, vector<1x1x16xi32>,
      %get3A_184 = vector.shape_cast %get3A_183 : vector<1x1x16xi32> to vector<16xi32>
      %add3A_185 = arith.addi %get3A_178, %get3A_184 : vector<16xi32>
      %swap3A_186 = arith.constant 0 : i32
      %swap3A_187 = arith.index_cast %scan3A_134 : i32 to index
      %swap3A_188 = arith.index_cast %swap3A_186 : i32 to index
      %swap3A_189 = arith.constant 32 : index
      %swap3A_190 = tpu.vector_load %arg5[%swap3A_187, %swap3A_188, %swap3A_189] {strides = array<i32>} : memref<78x2x128xi32, #tpu.memory_space<vmem>>, vector<1x1x16xi32>,
      %swap3A_191 = vector.shape_cast %swap3A_190 : vector<1x1x16xi32> to vector<16xi32>
      %swap3A_192 = vector.shape_cast %add3A_185 : vector<16xi32> to vector<1x1x16xi32>
      tpu.vector_store %arg5[%swap3A_187, %swap3A_188, %swap3A_189], %swap3A_192 {strides = array<i32>} : memref<78x2x128xi32, #tpu.memory_space<vmem>>, vector<1x1x16xi32>,
      %get3A_193 = arith.constant 0 : i32
      %get3A_194 = arith.index_cast %scan3A_134 : i32 to index
      %get3A_195 = arith.index_cast %get3A_193 : i32 to index
      %get3A_196 = arith.constant 48 : index
      %get3A_197 = tpu.vector_load %arg5[%get3A_194, %get3A_195, %get3A_196] {strides = array<i32>} : memref<78x2x128xi32, #tpu.memory_space<vmem>>, vector<1x1x16xi32>,
      %get3A_198 = vector.shape_cast %get3A_197 : vector<1x1x16xi32> to vector<16xi32>
      %get3A_199 = arith.constant 0 : i32
      %get3A_200 = arith.index_cast %scan3A_134 : i32 to index
      %get3A_201 = arith.index_cast %get3A_199 : i32 to index
      %get3A_202 = arith.constant 48 : index
      %get3A_203 = tpu.vector_load %arg5[%get3A_200, %get3A_201, %get3A_202] {strides = array<i32>} : memref<78x2x128xi32, #tpu.memory_space<vmem>>, vector<1x1x16xi32>,
      %get3A_204 = vector.shape_cast %get3A_203 : vector<1x1x16xi32> to vector<16xi32>
      %add3A_205 = arith.addi %get3A_198, %get3A_204 : vector<16xi32>
      %swap3A_206 = arith.constant 0 : i32
      %swap3A_207 = arith.index_cast %scan3A_134 : i32 to index
      %swap3A_208 = arith.index_cast %swap3A_206 : i32 to index
      %swap3A_209 = arith.constant 48 : index
      %swap3A_210 = tpu.vector_load %arg5[%swap3A_207, %swap3A_208, %swap3A_209] {strides = array<i32>} : memref<78x2x128xi32, #tpu.memory_space<vmem>>, vector<1x1x16xi32>,
      %swap3A_211 = vector.shape_cast %swap3A_210 : vector<1x1x16xi32> to vector<16xi32>
      %swap3A_212 = vector.shape_cast %add3A_205 : vector<16xi32> to vector<1x1x16xi32>
      tpu.vector_store %arg5[%swap3A_207, %swap3A_208, %swap3A_209], %swap3A_212 {strides = array<i32>} : memref<78x2x128xi32, #tpu.memory_space<vmem>>, vector<1x1x16xi32>,
      %get3A_213 = arith.constant 0 : i32
      %get3A_214 = arith.index_cast %scan3A_134 : i32 to index
      %get3A_215 = arith.index_cast %get3A_213 : i32 to index
      %get3A_216 = arith.constant 64 : index
      %get3A_217 = tpu.vector_load %arg5[%get3A_214, %get3A_215, %get3A_216] {strides = array<i32>} : memref<78x2x128xi32, #tpu.memory_space<vmem>>, vector<1x1x16xi32>,
      %get3A_218 = vector.shape_cast %get3A_217 : vector<1x1x16xi32> to vector<16xi32>
      %get3A_219 = arith.constant 0 : i32
      %get3A_220 = arith.index_cast %scan3A_134 : i32 to index
      %get3A_221 = arith.index_cast %get3A_219 : i32 to index
      %get3A_222 = arith.constant 64 : index
      %get3A_223 = tpu.vector_load %arg5[%get3A_220, %get3A_221, %get3A_222] {strides = array<i32>} : memref<78x2x128xi32, #tpu.memory_space<vmem>>, vector<1x1x16xi32>,
      %get3A_224 = vector.shape_cast %get3A_223 : vector<1x1x16xi32> to vector<16xi32>
      %add3A_225 = arith.addi %get3A_218, %get3A_224 : vector<16xi32>
      %swap3A_226 = arith.constant 0 : i32
      %swap3A_227 = arith.index_cast %scan3A_134 : i32 to index
      %swap3A_228 = arith.index_cast %swap3A_226 : i32 to index
      %swap3A_229 = arith.constant 64 : index
      %swap3A_230 = tpu.vector_load %arg5[%swap3A_227, %swap3A_228, %swap3A_229] {strides = array<i32>} : memref<78x2x128xi32, #tpu.memory_space<vmem>>, vector<1x1x16xi32>,
      %swap3A_231 = vector.shape_cast %swap3A_230 : vector<1x1x16xi32> to vector<16xi32>
      %swap3A_232 = vector.shape_cast %add3A_225 : vector<16xi32> to vector<1x1x16xi32>
      tpu.vector_store %arg5[%swap3A_227, %swap3A_228, %swap3A_229], %swap3A_232 {strides = array<i32>} : memref<78x2x128xi32, #tpu.memory_space<vmem>>, vector<1x1x16xi32>,
      %get3A_233 = arith.constant 0 : i32
      %get3A_234 = arith.index_cast %scan3A_134 : i32 to index
      %get3A_235 = arith.index_cast %get3A_233 : i32 to index
      %get3A_236 = arith.constant 80 : index
      %get3A_237 = tpu.vector_load %arg5[%get3A_234, %get3A_235, %get3A_236] {strides = array<i32>} : memref<78x2x128xi32, #tpu.memory_space<vmem>>, vector<1x1x16xi32>,
      %get3A_238 = vector.shape_cast %get3A_237 : vector<1x1x16xi32> to vector<16xi32>
      %get3A_239 = arith.constant 0 : i32
      %get3A_240 = arith.index_cast %scan3A_134 : i32 to index
      %get3A_241 = arith.index_cast %get3A_239 : i32 to index
      %get3A_242 = arith.constant 80 : index
      %get3A_243 = tpu.vector_load %arg5[%get3A_240, %get3A_241, %get3A_242] {strides = array<i32>} : memref<78x2x128xi32, #tpu.memory_space<vmem>>, vector<1x1x16xi32>,
      %get3A_244 = vector.shape_cast %get3A_243 : vector<1x1x16xi32> to vector<16xi32>
      %add3A_245 = arith.addi %get3A_238, %get3A_244 : vector<16xi32>
      %swap3A_246 = arith.constant 0 : i32
      %swap3A_247 = arith.index_cast %scan3A_134 : i32 to index
      %swap3A_248 = arith.index_cast %swap3A_246 : i32 to index
      %swap3A_249 = arith.constant 80 : index
      %swap3A_250 = tpu.vector_load %arg5[%swap3A_247, %swap3A_248, %swap3A_249] {strides = array<i32>} : memref<78x2x128xi32, #tpu.memory_space<vmem>>, vector<1x1x16xi32>,
      %swap3A_251 = vector.shape_cast %swap3A_250 : vector<1x1x16xi32> to vector<16xi32>
      %swap3A_252 = vector.shape_cast %add3A_245 : vector<16xi32> to vector<1x1x16xi32>
      tpu.vector_store %arg5[%swap3A_247, %swap3A_248, %swap3A_249], %swap3A_252 {strides = array<i32>} : memref<78x2x128xi32, #tpu.memory_space<vmem>>, vector<1x1x16xi32>,
      %get3A_253 = arith.constant 0 : i32
      %get3A_254 = arith.index_cast %scan3A_134 : i32 to index
      %get3A_255 = arith.index_cast %get3A_253 : i32 to index
      %get3A_256 = arith.constant 96 : index
      %get3A_257 = tpu.vector_load %arg5[%get3A_254, %get3A_255, %get3A_256] {strides = array<i32>} : memref<78x2x128xi32, #tpu.memory_space<vmem>>, vector<1x1x16xi32>,
      %get3A_258 = vector.shape_cast %get3A_257 : vector<1x1x16xi32> to vector<16xi32>
      %get3A_259 = arith.constant 0 : i32
      %get3A_260 = arith.index_cast %scan3A_134 : i32 to index
      %get3A_261 = arith.index_cast %get3A_259 : i32 to index
      %get3A_262 = arith.constant 96 : index
      %get3A_263 = tpu.vector_load %arg5[%get3A_260, %get3A_261, %get3A_262] {strides = array<i32>} : memref<78x2x128xi32, #tpu.memory_space<vmem>>, vector<1x1x16xi32>,
      %get3A_264 = vector.shape_cast %get3A_263 : vector<1x1x16xi32> to vector<16xi32>
      %add3A_265 = arith.addi %get3A_258, %get3A_264 : vector<16xi32>
      %swap3A_266 = arith.constant 0 : i32
      %swap3A_267 = arith.index_cast %scan3A_134 : i32 to index
      %swap3A_268 = arith.index_cast %swap3A_266 : i32 to index
      %swap3A_269 = arith.constant 96 : index
      %swap3A_270 = tpu.vector_load %arg5[%swap3A_267, %swap3A_268, %swap3A_269] {strides = array<i32>} : memref<78x2x128xi32, #tpu.memory_space<vmem>>, vector<1x1x16xi32>,
      %swap3A_271 = vector.shape_cast %swap3A_270 : vector<1x1x16xi32> to vector<16xi32>
      %swap3A_272 = vector.shape_cast %add3A_265 : vector<16xi32> to vector<1x1x16xi32>
      tpu.vector_store %arg5[%swap3A_267, %swap3A_268, %swap3A_269], %swap3A_272 {strides = array<i32>} : memref<78x2x128xi32, #tpu.memory_space<vmem>>, vector<1x1x16xi32>,
      %get3A_273 = arith.constant 0 : i32
      %get3A_274 = arith.index_cast %scan3A_134 : i32 to index
      %get3A_275 = arith.index_cast %get3A_273 : i32 to index
      %get3A_276 = arith.constant 112 : index
      %get3A_277 = tpu.vector_load %arg5[%get3A_274, %get3A_275, %get3A_276] {strides = array<i32>} : memref<78x2x128xi32, #tpu.memory_space<vmem>>, vector<1x1x16xi32>,
      %get3A_278 = vector.shape_cast %get3A_277 : vector<1x1x16xi32> to vector<16xi32>
      %get3A_279 = arith.constant 0 : i32
      %get3A_280 = arith.index_cast %scan3A_134 : i32 to index
      %get3A_281 = arith.index_cast %get3A_279 : i32 to index
      %get3A_282 = arith.constant 112 : index
      %get3A_283 = tpu.vector_load %arg5[%get3A_280, %get3A_281, %get3A_282] {strides = array<i32>} : memref<78x2x128xi32, #tpu.memory_space<vmem>>, vector<1x1x16xi32>,
      %get3A_284 = vector.shape_cast %get3A_283 : vector<1x1x16xi32> to vector<16xi32>
      %add3A_285 = arith.addi %get3A_278, %get3A_284 : vector<16xi32>
      %swap3A_286 = arith.constant 0 : i32
      %swap3A_287 = arith.index_cast %scan3A_134 : i32 to index
      %swap3A_288 = arith.index_cast %swap3A_286 : i32 to index
      %swap3A_289 = arith.constant 112 : index
      %swap3A_290 = tpu.vector_load %arg5[%swap3A_287, %swap3A_288, %swap3A_289] {strides = array<i32>} : memref<78x2x128xi32, #tpu.memory_space<vmem>>, vector<1x1x16xi32>,
      %swap3A_291 = vector.shape_cast %swap3A_290 : vector<1x1x16xi32> to vector<16xi32>
      %swap3A_292 = vector.shape_cast %add3A_285 : vector<16xi32> to vector<1x1x16xi32>
      tpu.vector_store %arg5[%swap3A_287, %swap3A_288, %swap3A_289], %swap3A_292 {strides = array<i32>} : memref<78x2x128xi32, #tpu.memory_space<vmem>>, vector<1x1x16xi32>,
    }
    %scan3A_31 = arith.constant 78 : i32
    %lt3A_32 = arith.constant 4 : i32
    %lt3A_33 = arith.cmpi slt, %add3A, %lt3A_32 : i32
    %convert_element_type3A_34 = arith.extui %lt3A_33 : i1 to i32
    %cond3A_35 = arith.constant 0 : i32
    %cond3A_36 = arith.cmpi ne, %convert_element_type3A_34, %cond3A_35 : i32
    scf.if %cond3A_36 {
      %get3A = arith.constant 0 : i32
      %get3A_134 = arith.constant 0 : i32
      %get3A_135 = arith.index_cast %get3A : i32 to index
      %get3A_136 = arith.index_cast %get3A_134 : i32 to index
      %get3A_137 = arith.constant 0 : index
      %get3A_138 = tpu.vector_load %arg6[%get3A_135, %get3A_136, %get3A_137] {strides = array<i32>} : memref<1x2x128xi32, #tpu.memory_space<vmem>>, vector<1x1x16xi32>,
      %get3A_139 = vector.shape_cast %get3A_138 : vector<1x1x16xi32> to vector<16xi32>
      %get3A_140 = arith.constant 0 : i32
      %get3A_141 = arith.constant 0 : i32
      %get3A_142 = arith.index_cast %get3A_140 : i32 to index
      %get3A_143 = arith.index_cast %get3A_141 : i32 to index
      %get3A_144 = arith.constant 0 : index
      %get3A_145 = tpu.vector_load %arg6[%get3A_142, %get3A_143, %get3A_144] {strides = array<i32>} : memref<1x2x128xi32, #tpu.memory_space<vmem>>, vector<1x1x16xi32>,
      %get3A_146 = vector.shape_cast %get3A_145 : vector<1x1x16xi32> to vector<16xi32>
      %add3A_147 = arith.addi %get3A_139, %get3A_146 : vector<16xi32>
      %swap3A = arith.constant 0 : i32
      %swap3A_148 = arith.constant 0 : i32
      %swap3A_149 = arith.index_cast %swap3A : i32 to index
      %swap3A_150 = arith.index_cast %swap3A_148 : i32 to index
      %swap3A_151 = arith.constant 0 : index
      %swap3A_152 = tpu.vector_load %arg6[%swap3A_149, %swap3A_150, %swap3A_151] {strides = array<i32>} : memref<1x2x128xi32, #tpu.memory_space<vmem>>, vector<1x1x16xi32>,
      %swap3A_153 = vector.shape_cast %swap3A_152 : vector<1x1x16xi32> to vector<16xi32>
      %swap3A_154 = vector.shape_cast %add3A_147 : vector<16xi32> to vector<1x1x16xi32>
      tpu.vector_store %arg6[%swap3A_149, %swap3A_150, %swap3A_151], %swap3A_154 {strides = array<i32>} : memref<1x2x128xi32, #tpu.memory_space<vmem>>, vector<1x1x16xi32>,
      %get3A_155 = arith.constant 0 : i32
      %get3A_156 = arith.constant 0 : i32
      %get3A_157 = arith.index_cast %get3A_155 : i32 to index
      %get3A_158 = arith.index_cast %get3A_156 : i32 to index
      %get3A_159 = arith.constant 16 : index
      %get3A_160 = tpu.vector_load %arg6[%get3A_157, %get3A_158, %get3A_159] {strides = array<i32>} : memref<1x2x128xi32, #tpu.memory_space<vmem>>, vector<1x1x16xi32>,
      %get3A_161 = vector.shape_cast %get3A_160 : vector<1x1x16xi32> to vector<16xi32>
      %get3A_162 = arith.constant 0 : i32
      %get3A_163 = arith.constant 0 : i32
      %get3A_164 = arith.index_cast %get3A_162 : i32 to index
      %get3A_165 = arith.index_cast %get3A_163 : i32 to index
      %get3A_166 = arith.constant 16 : index
      %get3A_167 = tpu.vector_load %arg6[%get3A_164, %get3A_165, %get3A_166] {strides = array<i32>} : memref<1x2x128xi32, #tpu.memory_space<vmem>>, vector<1x1x16xi32>,
      %get3A_168 = vector.shape_cast %get3A_167 : vector<1x1x16xi32> to vector<16xi32>
      %add3A_169 = arith.addi %get3A_161, %get3A_168 : vector<16xi32>
      %swap3A_170 = arith.constant 0 : i32
      %swap3A_171 = arith.constant 0 : i32
      %swap3A_172 = arith.index_cast %swap3A_170 : i32 to index
      %swap3A_173 = arith.index_cast %swap3A_171 : i32 to index
      %swap3A_174 = arith.constant 16 : index
      %swap3A_175 = tpu.vector_load %arg6[%swap3A_172, %swap3A_173, %swap3A_174] {strides = array<i32>} : memref<1x2x128xi32, #tpu.memory_space<vmem>>, vector<1x1x16xi32>,
      %swap3A_176 = vector.shape_cast %swap3A_175 : vector<1x1x16xi32> to vector<16xi32>
      %swap3A_177 = vector.shape_cast %add3A_169 : vector<16xi32> to vector<1x1x16xi32>
      tpu.vector_store %arg6[%swap3A_172, %swap3A_173, %swap3A_174], %swap3A_177 {strides = array<i32>} : memref<1x2x128xi32, #tpu.memory_space<vmem>>, vector<1x1x16xi32>,
      %get3A_178 = arith.constant 0 : i32
      %get3A_179 = arith.constant 0 : i32
      %get3A_180 = arith.index_cast %get3A_178 : i32 to index
      %get3A_181 = arith.index_cast %get3A_179 : i32 to index
      %get3A_182 = arith.constant 32 : index
      %get3A_183 = tpu.vector_load %arg6[%get3A_180, %get3A_181, %get3A_182] {strides = array<i32>} : memref<1x2x128xi32, #tpu.memory_space<vmem>>, vector<1x1x16xi32>,
      %get3A_184 = vector.shape_cast %get3A_183 : vector<1x1x16xi32> to vector<16xi32>
      %get3A_185 = arith.constant 0 : i32
      %get3A_186 = arith.constant 0 : i32
      %get3A_187 = arith.index_cast %get3A_185 : i32 to index
      %get3A_188 = arith.index_cast %get3A_186 : i32 to index
      %get3A_189 = arith.constant 32 : index
      %get3A_190 = tpu.vector_load %arg6[%get3A_187, %get3A_188, %get3A_189] {strides = array<i32>} : memref<1x2x128xi32, #tpu.memory_space<vmem>>, vector<1x1x16xi32>,
      %get3A_191 = vector.shape_cast %get3A_190 : vector<1x1x16xi32> to vector<16xi32>
      %add3A_192 = arith.addi %get3A_184, %get3A_191 : vector<16xi32>
      %swap3A_193 = arith.constant 0 : i32
      %swap3A_194 = arith.constant 0 : i32
      %swap3A_195 = arith.index_cast %swap3A_193 : i32 to index
      %swap3A_196 = arith.index_cast %swap3A_194 : i32 to index
      %swap3A_197 = arith.constant 32 : index
      %swap3A_198 = tpu.vector_load %arg6[%swap3A_195, %swap3A_196, %swap3A_197] {strides = array<i32>} : memref<1x2x128xi32, #tpu.memory_space<vmem>>, vector<1x1x16xi32>,
      %swap3A_199 = vector.shape_cast %swap3A_198 : vector<1x1x16xi32> to vector<16xi32>
      %swap3A_200 = vector.shape_cast %add3A_192 : vector<16xi32> to vector<1x1x16xi32>
      tpu.vector_store %arg6[%swap3A_195, %swap3A_196, %swap3A_197], %swap3A_200 {strides = array<i32>} : memref<1x2x128xi32, #tpu.memory_space<vmem>>, vector<1x1x16xi32>,
      %get3A_201 = arith.constant 0 : i32
      %get3A_202 = arith.constant 0 : i32
      %get3A_203 = arith.index_cast %get3A_201 : i32 to index
      %get3A_204 = arith.index_cast %get3A_202 : i32 to index
      %get3A_205 = arith.constant 48 : index
      %get3A_206 = tpu.vector_load %arg6[%get3A_203, %get3A_204, %get3A_205] {strides = array<i32>} : memref<1x2x128xi32, #tpu.memory_space<vmem>>, vector<1x1x16xi32>,
      %get3A_207 = vector.shape_cast %get3A_206 : vector<1x1x16xi32> to vector<16xi32>
      %get3A_208 = arith.constant 0 : i32
      %get3A_209 = arith.constant 0 : i32
      %get3A_210 = arith.index_cast %get3A_208 : i32 to index
      %get3A_211 = arith.index_cast %get3A_209 : i32 to index
      %get3A_212 = arith.constant 48 : index
      %get3A_213 = tpu.vector_load %arg6[%get3A_210, %get3A_211, %get3A_212] {strides = array<i32>} : memref<1x2x128xi32, #tpu.memory_space<vmem>>, vector<1x1x16xi32>,
      %get3A_214 = vector.shape_cast %get3A_213 : vector<1x1x16xi32> to vector<16xi32>
      %add3A_215 = arith.addi %get3A_207, %get3A_214 : vector<16xi32>
      %swap3A_216 = arith.constant 0 : i32
      %swap3A_217 = arith.constant 0 : i32
      %swap3A_218 = arith.index_cast %swap3A_216 : i32 to index
      %swap3A_219 = arith.index_cast %swap3A_217 : i32 to index
      %swap3A_220 = arith.constant 48 : index
      %swap3A_221 = tpu.vector_load %arg6[%swap3A_218, %swap3A_219, %swap3A_220] {strides = array<i32>} : memref<1x2x128xi32, #tpu.memory_space<vmem>>, vector<1x1x16xi32>,
      %swap3A_222 = vector.shape_cast %swap3A_221 : vector<1x1x16xi32> to vector<16xi32>
      %swap3A_223 = vector.shape_cast %add3A_215 : vector<16xi32> to vector<1x1x16xi32>
      tpu.vector_store %arg6[%swap3A_218, %swap3A_219, %swap3A_220], %swap3A_223 {strides = array<i32>} : memref<1x2x128xi32, #tpu.memory_space<vmem>>, vector<1x1x16xi32>,
      %get3A_224 = arith.constant 0 : i32
      %get3A_225 = arith.constant 0 : i32
      %get3A_226 = arith.index_cast %get3A_224 : i32 to index
      %get3A_227 = arith.index_cast %get3A_225 : i32 to index
      %get3A_228 = arith.constant 64 : index
      %get3A_229 = tpu.vector_load %arg6[%get3A_226, %get3A_227, %get3A_228] {strides = array<i32>} : memref<1x2x128xi32, #tpu.memory_space<vmem>>, vector<1x1x16xi32>,
      %get3A_230 = vector.shape_cast %get3A_229 : vector<1x1x16xi32> to vector<16xi32>
      %get3A_231 = arith.constant 0 : i32
      %get3A_232 = arith.constant 0 : i32
      %get3A_233 = arith.index_cast %get3A_231 : i32 to index
      %get3A_234 = arith.index_cast %get3A_232 : i32 to index
      %get3A_235 = arith.constant 64 : index
      %get3A_236 = tpu.vector_load %arg6[%get3A_233, %get3A_234, %get3A_235] {strides = array<i32>} : memref<1x2x128xi32, #tpu.memory_space<vmem>>, vector<1x1x16xi32>,
      %get3A_237 = vector.shape_cast %get3A_236 : vector<1x1x16xi32> to vector<16xi32>
      %add3A_238 = arith.addi %get3A_230, %get3A_237 : vector<16xi32>
      %swap3A_239 = arith.constant 0 : i32
      %swap3A_240 = arith.constant 0 : i32
      %swap3A_241 = arith.index_cast %swap3A_239 : i32 to index
      %swap3A_242 = arith.index_cast %swap3A_240 : i32 to index
      %swap3A_243 = arith.constant 64 : index
      %swap3A_244 = tpu.vector_load %arg6[%swap3A_241, %swap3A_242, %swap3A_243] {strides = array<i32>} : memref<1x2x128xi32, #tpu.memory_space<vmem>>, vector<1x1x16xi32>,
      %swap3A_245 = vector.shape_cast %swap3A_244 : vector<1x1x16xi32> to vector<16xi32>
      %swap3A_246 = vector.shape_cast %add3A_238 : vector<16xi32> to vector<1x1x16xi32>
      tpu.vector_store %arg6[%swap3A_241, %swap3A_242, %swap3A_243], %swap3A_246 {strides = array<i32>} : memref<1x2x128xi32, #tpu.memory_space<vmem>>, vector<1x1x16xi32>,
      %get3A_247 = arith.constant 0 : i32
      %get3A_248 = arith.constant 0 : i32
      %get3A_249 = arith.index_cast %get3A_247 : i32 to index
      %get3A_250 = arith.index_cast %get3A_248 : i32 to index
      %get3A_251 = arith.constant 80 : index
      %get3A_252 = tpu.vector_load %arg6[%get3A_249, %get3A_250, %get3A_251] {strides = array<i32>} : memref<1x2x128xi32, #tpu.memory_space<vmem>>, vector<1x1x16xi32>,
      %get3A_253 = vector.shape_cast %get3A_252 : vector<1x1x16xi32> to vector<16xi32>
      %get3A_254 = arith.constant 0 : i32
      %get3A_255 = arith.constant 0 : i32
      %get3A_256 = arith.index_cast %get3A_254 : i32 to index
      %get3A_257 = arith.index_cast %get3A_255 : i32 to index
      %get3A_258 = arith.constant 80 : index
      %get3A_259 = tpu.vector_load %arg6[%get3A_256, %get3A_257, %get3A_258] {strides = array<i32>} : memref<1x2x128xi32, #tpu.memory_space<vmem>>, vector<1x1x16xi32>,
      %get3A_260 = vector.shape_cast %get3A_259 : vector<1x1x16xi32> to vector<16xi32>
      %add3A_261 = arith.addi %get3A_253, %get3A_260 : vector<16xi32>
      %swap3A_262 = arith.constant 0 : i32
      %swap3A_263 = arith.constant 0 : i32
      %swap3A_264 = arith.index_cast %swap3A_262 : i32 to index
      %swap3A_265 = arith.index_cast %swap3A_263 : i32 to index
      %swap3A_266 = arith.constant 80 : index
      %swap3A_267 = tpu.vector_load %arg6[%swap3A_264, %swap3A_265, %swap3A_266] {strides = array<i32>} : memref<1x2x128xi32, #tpu.memory_space<vmem>>, vector<1x1x16xi32>,
      %swap3A_268 = vector.shape_cast %swap3A_267 : vector<1x1x16xi32> to vector<16xi32>
      %swap3A_269 = vector.shape_cast %add3A_261 : vector<16xi32> to vector<1x1x16xi32>
      tpu.vector_store %arg6[%swap3A_264, %swap3A_265, %swap3A_266], %swap3A_269 {strides = array<i32>} : memref<1x2x128xi32, #tpu.memory_space<vmem>>, vector<1x1x16xi32>,
      %get3A_270 = arith.constant 0 : i32
      %get3A_271 = arith.constant 0 : i32
      %get3A_272 = arith.index_cast %get3A_270 : i32 to index
      %get3A_273 = arith.index_cast %get3A_271 : i32 to index
      %get3A_274 = arith.constant 96 : index
      %get3A_275 = tpu.vector_load %arg6[%get3A_272, %get3A_273, %get3A_274] {strides = array<i32>} : memref<1x2x128xi32, #tpu.memory_space<vmem>>, vector<1x1x16xi32>,
      %get3A_276 = vector.shape_cast %get3A_275 : vector<1x1x16xi32> to vector<16xi32>
      %get3A_277 = arith.constant 0 : i32
      %get3A_278 = arith.constant 0 : i32
      %get3A_279 = arith.index_cast %get3A_277 : i32 to index
      %get3A_280 = arith.index_cast %get3A_278 : i32 to index
      %get3A_281 = arith.constant 96 : index
      %get3A_282 = tpu.vector_load %arg6[%get3A_279, %get3A_280, %get3A_281] {strides = array<i32>} : memref<1x2x128xi32, #tpu.memory_space<vmem>>, vector<1x1x16xi32>,
      %get3A_283 = vector.shape_cast %get3A_282 : vector<1x1x16xi32> to vector<16xi32>
      %add3A_284 = arith.addi %get3A_276, %get3A_283 : vector<16xi32>
      %swap3A_285 = arith.constant 0 : i32
      %swap3A_286 = arith.constant 0 : i32
      %swap3A_287 = arith.index_cast %swap3A_285 : i32 to index
      %swap3A_288 = arith.index_cast %swap3A_286 : i32 to index
      %swap3A_289 = arith.constant 96 : index
      %swap3A_290 = tpu.vector_load %arg6[%swap3A_287, %swap3A_288, %swap3A_289] {strides = array<i32>} : memref<1x2x128xi32, #tpu.memory_space<vmem>>, vector<1x1x16xi32>,
      %swap3A_291 = vector.shape_cast %swap3A_290 : vector<1x1x16xi32> to vector<16xi32>
      %swap3A_292 = vector.shape_cast %add3A_284 : vector<16xi32> to vector<1x1x16xi32>
      tpu.vector_store %arg6[%swap3A_287, %swap3A_288, %swap3A_289], %swap3A_292 {strides = array<i32>} : memref<1x2x128xi32, #tpu.memory_space<vmem>>, vector<1x1x16xi32>,
      %get3A_293 = arith.constant 0 : i32
      %get3A_294 = arith.constant 0 : i32
      %get3A_295 = arith.index_cast %get3A_293 : i32 to index
      %get3A_296 = arith.index_cast %get3A_294 : i32 to index
      %get3A_297 = arith.constant 112 : index
      %get3A_298 = tpu.vector_load %arg6[%get3A_295, %get3A_296, %get3A_297] {strides = array<i32>} : memref<1x2x128xi32, #tpu.memory_space<vmem>>, vector<1x1x16xi32>,
      %get3A_299 = vector.shape_cast %get3A_298 : vector<1x1x16xi32> to vector<16xi32>
      %get3A_300 = arith.constant 0 : i32
      %get3A_301 = arith.constant 0 : i32
      %get3A_302 = arith.index_cast %get3A_300 : i32 to index
      %get3A_303 = arith.index_cast %get3A_301 : i32 to index
      %get3A_304 = arith.constant 112 : index
      %get3A_305 = tpu.vector_load %arg6[%get3A_302, %get3A_303, %get3A_304] {strides = array<i32>} : memref<1x2x128xi32, #tpu.memory_space<vmem>>, vector<1x1x16xi32>,
      %get3A_306 = vector.shape_cast %get3A_305 : vector<1x1x16xi32> to vector<16xi32>
      %add3A_307 = arith.addi %get3A_299, %get3A_306 : vector<16xi32>
      %swap3A_308 = arith.constant 0 : i32
      %swap3A_309 = arith.constant 0 : i32
      %swap3A_310 = arith.index_cast %swap3A_308 : i32 to index
      %swap3A_311 = arith.index_cast %swap3A_309 : i32 to index
      %swap3A_312 = arith.constant 112 : index
      %swap3A_313 = tpu.vector_load %arg6[%swap3A_310, %swap3A_311, %swap3A_312] {strides = array<i32>} : memref<1x2x128xi32, #tpu.memory_space<vmem>>, vector<1x1x16xi32>,
      %swap3A_314 = vector.shape_cast %swap3A_313 : vector<1x1x16xi32> to vector<16xi32>
      %swap3A_315 = vector.shape_cast %add3A_307 : vector<16xi32> to vector<1x1x16xi32>
      tpu.vector_store %arg6[%swap3A_310, %swap3A_311, %swap3A_312], %swap3A_315 {strides = array<i32>} : memref<1x2x128xi32, #tpu.memory_space<vmem>>, vector<1x1x16xi32>,
    } else {
    }
    %barrier3A = arith.constant 0 : index
    tpu.barrier barrier_id(%barrier3A)
    %dma_start3A = arith.constant 0 : i32
    %dma_start3A_37 = arith.constant 0 : i32
    %dma_start3A_38 = arith.constant 0 : i32
    %dma_start3A_39 = arith.constant 0 : i32
    %dma_start3A_40 = arith.constant 0 : i32
    %dma_start3A_41 = arith.constant 0 : i32
    %dma_start3A_42 = arith.constant 0 : i32
    %dma_start3A_43 = arith.constant 0 : i32
    %dma_start3A_44 = tpu.memref_slice %arg7[%dma_start3A_38, %dma_start3A_39, %dma_start3A_42, %dma_start3A_43] : memref<2x3x128x64xf32, #tpu.memory_space<vmem>> -> memref<1x1x128x64xf32, #tpu.memory_space<vmem>>
    %dma_start3A_45 = tpu.memref_squeeze %dma_start3A_44 : memref<1x1x128x64xf32, #tpu.memory_space<vmem>> -> memref<128x64xf32, #tpu.memory_space<vmem>>
    %dma_start3A_46 = arith.constant 0 : i32
    %dma_start3A_47 = tpu.memref_slice %arg5[%dma_start3A, %dma_start3A_37, %dma_start3A_46] : memref<78x2x128xi32, #tpu.memory_space<vmem>> -> memref<1x1x128xi32, #tpu.memory_space<vmem>>
    %dma_start3A_48 = tpu.memref_squeeze %dma_start3A_47 : memref<1x1x128xi32, #tpu.memory_space<vmem>> -> memref<128xi32, #tpu.memory_space<vmem>>
    %dma_start3A_49 = arith.constant 0 : i32
    %dma_start3A_50 = arith.constant 0 : i32
    %dma_start3A_51 = tpu.memref_slice %arg2[%dma_start3A_49, %dma_start3A_50] : memref<20000x64xf32, #tpu.memory_space<hbm>> -> memref<20000x64xf32, #tpu.memory_space<hbm>>
    %dma_start3A_52 = tpu.memref_slice %arg10[%dma_start3A_40, %dma_start3A_41] : memref<2x3x!tpu.dma_semaphore, #tpu.memory_space<semaphore_mem>> -> memref<1x1x!tpu.dma_semaphore, #tpu.memory_space<semaphore_mem>>
    %dma_start3A_53 = tpu.memref_squeeze %dma_start3A_52 : memref<1x1x!tpu.dma_semaphore, #tpu.memory_space<semaphore_mem>> -> memref<!tpu.dma_semaphore, #tpu.memory_space<semaphore_mem>>
    tpu.enqueue_indirect_dma source(%dma_start3A_51 : memref<20000x64xf32, #tpu.memory_space<hbm>>) target(%dma_start3A_45 : memref<128x64xf32, #tpu.memory_space<vmem>>) offsets(%dma_start3A_48 : memref<128xi32, #tpu.memory_space<vmem>>) semaphore(%dma_start3A_53 : memref<!tpu.dma_semaphore, #tpu.memory_space<semaphore_mem>>)
    %dma_start3A_54 = arith.constant 1 : i32
    %dma_start3A_55 = arith.constant 0 : i32
    %dma_start3A_56 = arith.constant 0 : i32
    %dma_start3A_57 = arith.constant 1 : i32
    %dma_start3A_58 = arith.constant 0 : i32
    %dma_start3A_59 = arith.constant 1 : i32
    %dma_start3A_60 = arith.constant 0 : i32
    %dma_start3A_61 = arith.constant 0 : i32
    %dma_start3A_62 = tpu.memref_slice %arg7[%dma_start3A_56, %dma_start3A_57, %dma_start3A_60, %dma_start3A_61] : memref<2x3x128x64xf32, #tpu.memory_space<vmem>> -> memref<1x1x128x64xf32, #tpu.memory_space<vmem>>
    %dma_start3A_63 = tpu.memref_squeeze %dma_start3A_62 : memref<1x1x128x64xf32, #tpu.memory_space<vmem>> -> memref<128x64xf32, #tpu.memory_space<vmem>>
    %dma_start3A_64 = arith.constant 0 : i32
    %dma_start3A_65 = tpu.memref_slice %arg5[%dma_start3A_54, %dma_start3A_55, %dma_start3A_64] : memref<78x2x128xi32, #tpu.memory_space<vmem>> -> memref<1x1x128xi32, #tpu.memory_space<vmem>>
    %dma_start3A_66 = tpu.memref_squeeze %dma_start3A_65 : memref<1x1x128xi32, #tpu.memory_space<vmem>> -> memref<128xi32, #tpu.memory_space<vmem>>
    %dma_start3A_67 = arith.constant 0 : i32
    %dma_start3A_68 = arith.constant 0 : i32
    %dma_start3A_69 = tpu.memref_slice %arg2[%dma_start3A_67, %dma_start3A_68] : memref<20000x64xf32, #tpu.memory_space<hbm>> -> memref<20000x64xf32, #tpu.memory_space<hbm>>
    %dma_start3A_70 = tpu.memref_slice %arg10[%dma_start3A_58, %dma_start3A_59] : memref<2x3x!tpu.dma_semaphore, #tpu.memory_space<semaphore_mem>> -> memref<1x1x!tpu.dma_semaphore, #tpu.memory_space<semaphore_mem>>
    %dma_start3A_71 = tpu.memref_squeeze %dma_start3A_70 : memref<1x1x!tpu.dma_semaphore, #tpu.memory_space<semaphore_mem>> -> memref<!tpu.dma_semaphore, #tpu.memory_space<semaphore_mem>>
    tpu.enqueue_indirect_dma source(%dma_start3A_69 : memref<20000x64xf32, #tpu.memory_space<hbm>>) target(%dma_start3A_63 : memref<128x64xf32, #tpu.memory_space<vmem>>) offsets(%dma_start3A_66 : memref<128xi32, #tpu.memory_space<vmem>>) semaphore(%dma_start3A_71 : memref<!tpu.dma_semaphore, #tpu.memory_space<semaphore_mem>>)
    %dma_start3A_72 = arith.constant 2 : i32
    %dma_start3A_73 = arith.constant 0 : i32
    %dma_start3A_74 = arith.constant 0 : i32
    %dma_start3A_75 = arith.constant 2 : i32
    %dma_start3A_76 = arith.constant 0 : i32
    %dma_start3A_77 = arith.constant 2 : i32
    %dma_start3A_78 = arith.constant 0 : i32
    %dma_start3A_79 = arith.constant 0 : i32
    %dma_start3A_80 = tpu.memref_slice %arg7[%dma_start3A_74, %dma_start3A_75, %dma_start3A_78, %dma_start3A_79] : memref<2x3x128x64xf32, #tpu.memory_space<vmem>> -> memref<1x1x128x64xf32, #tpu.memory_space<vmem>>
    %dma_start3A_81 = tpu.memref_squeeze %dma_start3A_80 : memref<1x1x128x64xf32, #tpu.memory_space<vmem>> -> memref<128x64xf32, #tpu.memory_space<vmem>>
    %dma_start3A_82 = arith.constant 0 : i32
    %dma_start3A_83 = tpu.memref_slice %arg5[%dma_start3A_72, %dma_start3A_73, %dma_start3A_82] : memref<78x2x128xi32, #tpu.memory_space<vmem>> -> memref<1x1x128xi32, #tpu.memory_space<vmem>>
    %dma_start3A_84 = tpu.memref_squeeze %dma_start3A_83 : memref<1x1x128xi32, #tpu.memory_space<vmem>> -> memref<128xi32, #tpu.memory_space<vmem>>
    %dma_start3A_85 = arith.constant 0 : i32
    %dma_start3A_86 = arith.constant 0 : i32
    %dma_start3A_87 = tpu.memref_slice %arg2[%dma_start3A_85, %dma_start3A_86] : memref<20000x64xf32, #tpu.memory_space<hbm>> -> memref<20000x64xf32, #tpu.memory_space<hbm>>
    %dma_start3A_88 = tpu.memref_slice %arg10[%dma_start3A_76, %dma_start3A_77] : memref<2x3x!tpu.dma_semaphore, #tpu.memory_space<semaphore_mem>> -> memref<1x1x!tpu.dma_semaphore, #tpu.memory_space<semaphore_mem>>
    %dma_start3A_89 = tpu.memref_squeeze %dma_start3A_88 : memref<1x1x!tpu.dma_semaphore, #tpu.memory_space<semaphore_mem>> -> memref<!tpu.dma_semaphore, #tpu.memory_space<semaphore_mem>>
    tpu.enqueue_indirect_dma source(%dma_start3A_87 : memref<20000x64xf32, #tpu.memory_space<hbm>>) target(%dma_start3A_81 : memref<128x64xf32, #tpu.memory_space<vmem>>) offsets(%dma_start3A_84 : memref<128xi32, #tpu.memory_space<vmem>>) semaphore(%dma_start3A_89 : memref<!tpu.dma_semaphore, #tpu.memory_space<semaphore_mem>>)
    %scan3A_90 = arith.constant 0 : i32
    %scan3A_91 = arith.constant 0 : i32
    %scan3A_92 = arith.constant 13 : i32
    %scan3A_93 = arith.addi %scan3A_91, %scan3A_92 : i32
    %scan3A_94 = arith.constant 1 : i32
    scf.for %scan3A_134 = %scan3A_91 to %scan3A_93 step %scan3A_94  : i32 {
      %mul3A_135 = arith.constant 2 : i32
      %mul3A_136 = arith.muli %scan3A_134, %mul3A_135 : i32
      %add3A_137 = arith.constant 1 : i32
      %add3A_138 = arith.addi %mul3A_136, %add3A_137 : i32
      %mul3A_139 = arith.constant 3 : i32
      %mul3A_140 = arith.muli %add3A_138, %mul3A_139 : i32
      %add3A_141 = arith.constant 0 : i32
      %add3A_142 = arith.addi %mul3A_140, %add3A_141 : i32
      %dma_start3A_143 = arith.constant 0 : i32
      %dma_start3A_144 = arith.constant 1 : i32
      %dma_start3A_145 = arith.constant 0 : i32
      %dma_start3A_146 = arith.constant 1 : i32
      %dma_start3A_147 = arith.constant 0 : i32
      %dma_start3A_148 = arith.constant 0 : i32
      %dma_start3A_149 = arith.constant 0 : i32
      %dma_start3A_150 = tpu.memref_slice %arg7[%dma_start3A_144, %dma_start3A_145, %dma_start3A_148, %dma_start3A_149] : memref<2x3x128x64xf32, #tpu.memory_space<vmem>> -> memref<1x1x128x64xf32, #tpu.memory_space<vmem>>
      %dma_start3A_151 = tpu.memref_squeeze %dma_start3A_150 : memref<1x1x128x64xf32, #tpu.memory_space<vmem>> -> memref<128x64xf32, #tpu.memory_space<vmem>>
      %dma_start3A_152 = arith.constant 0 : i32
      %dma_start3A_153 = tpu.memref_slice %arg5[%add3A_142, %dma_start3A_143, %dma_start3A_152] : memref<78x2x128xi32, #tpu.memory_space<vmem>> -> memref<1x1x128xi32, #tpu.memory_space<vmem>>
      %dma_start3A_154 = tpu.memref_squeeze %dma_start3A_153 : memref<1x1x128xi32, #tpu.memory_space<vmem>> -> memref<128xi32, #tpu.memory_space<vmem>>
      %dma_start3A_155 = arith.constant 0 : i32
      %dma_start3A_156 = arith.constant 0 : i32
      %dma_start3A_157 = tpu.memref_slice %arg2[%dma_start3A_155, %dma_start3A_156] : memref<20000x64xf32, #tpu.memory_space<hbm>> -> memref<20000x64xf32, #tpu.memory_space<hbm>>
      %dma_start3A_158 = tpu.memref_slice %arg10[%dma_start3A_146, %dma_start3A_147] : memref<2x3x!tpu.dma_semaphore, #tpu.memory_space<semaphore_mem>> -> memref<1x1x!tpu.dma_semaphore, #tpu.memory_space<semaphore_mem>>
      %dma_start3A_159 = tpu.memref_squeeze %dma_start3A_158 : memref<1x1x!tpu.dma_semaphore, #tpu.memory_space<semaphore_mem>> -> memref<!tpu.dma_semaphore, #tpu.memory_space<semaphore_mem>>
      tpu.enqueue_indirect_dma source(%dma_start3A_157 : memref<20000x64xf32, #tpu.memory_space<hbm>>) target(%dma_start3A_151 : memref<128x64xf32, #tpu.memory_space<vmem>>) offsets(%dma_start3A_154 : memref<128xi32, #tpu.memory_space<vmem>>) semaphore(%dma_start3A_159 : memref<!tpu.dma_semaphore, #tpu.memory_space<semaphore_mem>>)
      %mul3A_160 = arith.constant 3 : i32
      %mul3A_161 = arith.muli %add3A_138, %mul3A_160 : i32
      %add3A_162 = arith.constant 1 : i32
      %add3A_163 = arith.addi %mul3A_161, %add3A_162 : i32
      %dma_start3A_164 = arith.constant 0 : i32
      %dma_start3A_165 = arith.constant 1 : i32
      %dma_start3A_166 = arith.constant 1 : i32
      %dma_start3A_167 = arith.constant 1 : i32
      %dma_start3A_168 = arith.constant 1 : i32
      %dma_start3A_169 = arith.constant 0 : i32
      %dma_start3A_170 = arith.constant 0 : i32
      %dma_start3A_171 = tpu.memref_slice %arg7[%dma_start3A_165, %dma_start3A_166, %dma_start3A_169, %dma_start3A_170] : memref<2x3x128x64xf32, #tpu.memory_space<vmem>> -> memref<1x1x128x64xf32, #tpu.memory_space<vmem>>
      %dma_start3A_172 = tpu.memref_squeeze %dma_start3A_171 : memref<1x1x128x64xf32, #tpu.memory_space<vmem>> -> memref<128x64xf32, #tpu.memory_space<vmem>>
      %dma_start3A_173 = arith.constant 0 : i32
      %dma_start3A_174 = tpu.memref_slice %arg5[%add3A_163, %dma_start3A_164, %dma_start3A_173] : memref<78x2x128xi32, #tpu.memory_space<vmem>> -> memref<1x1x128xi32, #tpu.memory_space<vmem>>
      %dma_start3A_175 = tpu.memref_squeeze %dma_start3A_174 : memref<1x1x128xi32, #tpu.memory_space<vmem>> -> memref<128xi32, #tpu.memory_space<vmem>>
      %dma_start3A_176 = arith.constant 0 : i32
      %dma_start3A_177 = arith.constant 0 : i32
      %dma_start3A_178 = tpu.memref_slice %arg2[%dma_start3A_176, %dma_start3A_177] : memref<20000x64xf32, #tpu.memory_space<hbm>> -> memref<20000x64xf32, #tpu.memory_space<hbm>>
      %dma_start3A_179 = tpu.memref_slice %arg10[%dma_start3A_167, %dma_start3A_168] : memref<2x3x!tpu.dma_semaphore, #tpu.memory_space<semaphore_mem>> -> memref<1x1x!tpu.dma_semaphore, #tpu.memory_space<semaphore_mem>>
      %dma_start3A_180 = tpu.memref_squeeze %dma_start3A_179 : memref<1x1x!tpu.dma_semaphore, #tpu.memory_space<semaphore_mem>> -> memref<!tpu.dma_semaphore, #tpu.memory_space<semaphore_mem>>
      tpu.enqueue_indirect_dma source(%dma_start3A_178 : memref<20000x64xf32, #tpu.memory_space<hbm>>) target(%dma_start3A_172 : memref<128x64xf32, #tpu.memory_space<vmem>>) offsets(%dma_start3A_175 : memref<128xi32, #tpu.memory_space<vmem>>) semaphore(%dma_start3A_180 : memref<!tpu.dma_semaphore, #tpu.memory_space<semaphore_mem>>)
      %mul3A_181 = arith.constant 3 : i32
      %mul3A_182 = arith.muli %add3A_138, %mul3A_181 : i32
      %add3A_183 = arith.constant 2 : i32
      %add3A_184 = arith.addi %mul3A_182, %add3A_183 : i32
      %dma_start3A_185 = arith.constant 0 : i32
      %dma_start3A_186 = arith.constant 1 : i32
      %dma_start3A_187 = arith.constant 2 : i32
      %dma_start3A_188 = arith.constant 1 : i32
      %dma_start3A_189 = arith.constant 2 : i32
      %dma_start3A_190 = arith.constant 0 : i32
      %dma_start3A_191 = arith.constant 0 : i32
      %dma_start3A_192 = tpu.memref_slice %arg7[%dma_start3A_186, %dma_start3A_187, %dma_start3A_190, %dma_start3A_191] : memref<2x3x128x64xf32, #tpu.memory_space<vmem>> -> memref<1x1x128x64xf32, #tpu.memory_space<vmem>>
      %dma_start3A_193 = tpu.memref_squeeze %dma_start3A_192 : memref<1x1x128x64xf32, #tpu.memory_space<vmem>> -> memref<128x64xf32, #tpu.memory_space<vmem>>
      %dma_start3A_194 = arith.constant 0 : i32
      %dma_start3A_195 = tpu.memref_slice %arg5[%add3A_184, %dma_start3A_185, %dma_start3A_194] : memref<78x2x128xi32, #tpu.memory_space<vmem>> -> memref<1x1x128xi32, #tpu.memory_space<vmem>>
      %dma_start3A_196 = tpu.memref_squeeze %dma_start3A_195 : memref<1x1x128xi32, #tpu.memory_space<vmem>> -> memref<128xi32, #tpu.memory_space<vmem>>
      %dma_start3A_197 = arith.constant 0 : i32
      %dma_start3A_198 = arith.constant 0 : i32
      %dma_start3A_199 = tpu.memref_slice %arg2[%dma_start3A_197, %dma_start3A_198] : memref<20000x64xf32, #tpu.memory_space<hbm>> -> memref<20000x64xf32, #tpu.memory_space<hbm>>
      %dma_start3A_200 = tpu.memref_slice %arg10[%dma_start3A_188, %dma_start3A_189] : memref<2x3x!tpu.dma_semaphore, #tpu.memory_space<semaphore_mem>> -> memref<1x1x!tpu.dma_semaphore, #tpu.memory_space<semaphore_mem>>
      %dma_start3A_201 = tpu.memref_squeeze %dma_start3A_200 : memref<1x1x!tpu.dma_semaphore, #tpu.memory_space<semaphore_mem>> -> memref<!tpu.dma_semaphore, #tpu.memory_space<semaphore_mem>>
      tpu.enqueue_indirect_dma source(%dma_start3A_199 : memref<20000x64xf32, #tpu.memory_space<hbm>>) target(%dma_start3A_193 : memref<128x64xf32, #tpu.memory_space<vmem>>) offsets(%dma_start3A_196 : memref<128xi32, #tpu.memory_space<vmem>>) semaphore(%dma_start3A_201 : memref<!tpu.dma_semaphore, #tpu.memory_space<semaphore_mem>>)
      %mul3A_202 = arith.constant 3 : i32
      %mul3A_203 = arith.muli %mul3A_136, %mul3A_202 : i32
      %add3A_204 = arith.constant 0 : i32
      %add3A_205 = arith.addi %mul3A_203, %add3A_204 : i32
      %dma_wait3A = arith.constant 0 : i32
      %dma_wait3A_206 = arith.constant 0 : i32
      %dma_wait3A_207 = arith.constant 0 : i32
      %dma_wait3A_208 = arith.constant 0 : i32
      %dma_wait3A_209 = arith.constant 0 : i32
      %dma_wait3A_210 = arith.constant 0 : i32
      %dma_wait3A_211 = arith.constant 0 : i32
      %dma_wait3A_212 = tpu.memref_slice %arg7[%dma_wait3A_206, %dma_wait3A_207, %dma_wait3A_210, %dma_wait3A_211] : memref<2x3x128x64xf32, #tpu.memory_space<vmem>> -> memref<1x1x128x64xf32, #tpu.memory_space<vmem>>
      %dma_wait3A_213 = tpu.memref_squeeze %dma_wait3A_212 : memref<1x1x128x64xf32, #tpu.memory_space<vmem>> -> memref<128x64xf32, #tpu.memory_space<vmem>>
      %dma_wait3A_214 = arith.constant 0 : i32
      %dma_wait3A_215 = tpu.memref_slice %arg5[%add3A_205, %dma_wait3A, %dma_wait3A_214] : memref<78x2x128xi32, #tpu.memory_space<vmem>> -> memref<1x1x128xi32, #tpu.memory_space<vmem>>
      %dma_wait3A_216 = tpu.memref_squeeze %dma_wait3A_215 : memref<1x1x128xi32, #tpu.memory_space<vmem>> -> memref<128xi32, #tpu.memory_space<vmem>>
      %dma_wait3A_217 = arith.constant 0 : i32
      %dma_wait3A_218 = arith.constant 0 : i32
      %dma_wait3A_219 = tpu.memref_slice %arg2[%dma_wait3A_217, %dma_wait3A_218] : memref<20000x64xf32, #tpu.memory_space<hbm>> -> memref<20000x64xf32, #tpu.memory_space<hbm>>
      %dma_wait3A_220 = tpu.memref_slice %arg10[%dma_wait3A_208, %dma_wait3A_209] : memref<2x3x!tpu.dma_semaphore, #tpu.memory_space<semaphore_mem>> -> memref<1x1x!tpu.dma_semaphore, #tpu.memory_space<semaphore_mem>>
      %dma_wait3A_221 = tpu.memref_squeeze %dma_wait3A_220 : memref<1x1x!tpu.dma_semaphore, #tpu.memory_space<semaphore_mem>> -> memref<!tpu.dma_semaphore, #tpu.memory_space<semaphore_mem>>
      tpu.wait_indirect_dma semaphore(%dma_wait3A_221 : memref<!tpu.dma_semaphore, #tpu.memory_space<semaphore_mem>>) src(%dma_wait3A_219 : memref<20000x64xf32, #tpu.memory_space<hbm>>) dst(%dma_wait3A_213 : memref<128x64xf32, #tpu.memory_space<vmem>>)
      %mul3A_222 = arith.constant 3 : i32
      %mul3A_223 = arith.muli %mul3A_136, %mul3A_222 : i32
      %add3A_224 = arith.constant 0 : i32
      %add3A_225 = arith.addi %mul3A_223, %add3A_224 : i32
      %run_scoped3A = arith.constant 0 : i32
      %run_scoped3A_226 = arith.constant 0 : i32
      %run_scoped3A_227 = arith.constant 1 : i32
      "tpu.region"() ({
        %run_scoped3A_377 = tpu.sem_alloc : memref<!tpu.dma_semaphore, #tpu.memory_space<semaphore_mem>>
        %dma_start3A_378 = arith.constant 0 : i32
        %dma_start3A_379 = arith.constant 0 : i32
        %dma_start3A_380 = tpu.memref_slice %arg7[%run_scoped3A, %run_scoped3A_226, %dma_start3A_378, %dma_start3A_379] : memref<2x3x128x64xf32, #tpu.memory_space<vmem>> -> memref<1x1x128x64xf32, #tpu.memory_space<vmem>>
        %dma_start3A_381 = tpu.memref_squeeze %dma_start3A_380 : memref<1x1x128x64xf32, #tpu.memory_space<vmem>> -> memref<128x64xf32, #tpu.memory_space<vmem>>
        %dma_start3A_382 = arith.constant 0 : i32
        %dma_start3A_383 = tpu.memref_slice %arg5[%add3A_225, %run_scoped3A_227, %dma_start3A_382] : memref<78x2x128xi32, #tpu.memory_space<vmem>> -> memref<1x1x128xi32, #tpu.memory_space<vmem>>
        %dma_start3A_384 = tpu.memref_squeeze %dma_start3A_383 : memref<1x1x128xi32, #tpu.memory_space<vmem>> -> memref<128xi32, #tpu.memory_space<vmem>>
        %dma_start3A_385 = arith.constant 0 : i32
        %dma_start3A_386 = arith.constant 0 : i32
        %dma_start3A_387 = tpu.memref_slice %arg9[%dma_start3A_385, %dma_start3A_386] : memref<10240x64xf32, #tpu.memory_space<vmem_shared>> -> memref<10240x64xf32, #tpu.memory_space<vmem_shared>>
        tpu.enqueue_indirect_dma source(%dma_start3A_381 : memref<128x64xf32, #tpu.memory_space<vmem>>) target(%dma_start3A_387 : memref<10240x64xf32, #tpu.memory_space<vmem_shared>>) offsets(%dma_start3A_384 : memref<128xi32, #tpu.memory_space<vmem>>) semaphore(%run_scoped3A_377 : memref<!tpu.dma_semaphore, #tpu.memory_space<semaphore_mem>>) {add = true}
        %dma_wait3A_388 = arith.constant 0 : i32
        %dma_wait3A_389 = arith.constant 0 : i32
        %dma_wait3A_390 = tpu.memref_slice %arg7[%run_scoped3A, %run_scoped3A_226, %dma_wait3A_388, %dma_wait3A_389] : memref<2x3x128x64xf32, #tpu.memory_space<vmem>> -> memref<1x1x128x64xf32, #tpu.memory_space<vmem>>
        %dma_wait3A_391 = tpu.memref_squeeze %dma_wait3A_390 : memref<1x1x128x64xf32, #tpu.memory_space<vmem>> -> memref<128x64xf32, #tpu.memory_space<vmem>>
        %dma_wait3A_392 = arith.constant 0 : i32
        %dma_wait3A_393 = tpu.memref_slice %arg5[%add3A_225, %run_scoped3A_227, %dma_wait3A_392] : memref<78x2x128xi32, #tpu.memory_space<vmem>> -> memref<1x1x128xi32, #tpu.memory_space<vmem>>
        %dma_wait3A_394 = tpu.memref_squeeze %dma_wait3A_393 : memref<1x1x128xi32, #tpu.memory_space<vmem>> -> memref<128xi32, #tpu.memory_space<vmem>>
        %dma_wait3A_395 = arith.constant 0 : i32
        %dma_wait3A_396 = arith.constant 0 : i32
        %dma_wait3A_397 = tpu.memref_slice %arg9[%dma_wait3A_395, %dma_wait3A_396] : memref<10240x64xf32, #tpu.memory_space<vmem_shared>> -> memref<10240x64xf32, #tpu.memory_space<vmem_shared>>
        tpu.wait_indirect_dma semaphore(%run_scoped3A_377 : memref<!tpu.dma_semaphore, #tpu.memory_space<semaphore_mem>>) src(%dma_wait3A_391 : memref<128x64xf32, #tpu.memory_space<vmem>>) dst(%dma_wait3A_397 : memref<10240x64xf32, #tpu.memory_space<vmem_shared>>)
        tpu.yield
      }) : () -> ()
      %mul3A_228 = arith.constant 3 : i32
      %mul3A_229 = arith.muli %mul3A_136, %mul3A_228 : i32
      %add3A_230 = arith.constant 1 : i32
      %add3A_231 = arith.addi %mul3A_229, %add3A_230 : i32
      %dma_wait3A_232 = arith.constant 0 : i32
      %dma_wait3A_233 = arith.constant 0 : i32
      %dma_wait3A_234 = arith.constant 1 : i32
      %dma_wait3A_235 = arith.constant 0 : i32
      %dma_wait3A_236 = arith.constant 1 : i32
      %dma_wait3A_237 = arith.constant 0 : i32
      %dma_wait3A_238 = arith.constant 0 : i32
      %dma_wait3A_239 = tpu.memref_slice %arg7[%dma_wait3A_233, %dma_wait3A_234, %dma_wait3A_237, %dma_wait3A_238] : memref<2x3x128x64xf32, #tpu.memory_space<vmem>> -> memref<1x1x128x64xf32, #tpu.memory_space<vmem>>
      %dma_wait3A_240 = tpu.memref_squeeze %dma_wait3A_239 : memref<1x1x128x64xf32, #tpu.memory_space<vmem>> -> memref<128x64xf32, #tpu.memory_space<vmem>>
      %dma_wait3A_241 = arith.constant 0 : i32
      %dma_wait3A_242 = tpu.memref_slice %arg5[%add3A_231, %dma_wait3A_232, %dma_wait3A_241] : memref<78x2x128xi32, #tpu.memory_space<vmem>> -> memref<1x1x128xi32, #tpu.memory_space<vmem>>
      %dma_wait3A_243 = tpu.memref_squeeze %dma_wait3A_242 : memref<1x1x128xi32, #tpu.memory_space<vmem>> -> memref<128xi32, #tpu.memory_space<vmem>>
      %dma_wait3A_244 = arith.constant 0 : i32
      %dma_wait3A_245 = arith.constant 0 : i32
      %dma_wait3A_246 = tpu.memref_slice %arg2[%dma_wait3A_244, %dma_wait3A_245] : memref<20000x64xf32, #tpu.memory_space<hbm>> -> memref<20000x64xf32, #tpu.memory_space<hbm>>
      %dma_wait3A_247 = tpu.memref_slice %arg10[%dma_wait3A_235, %dma_wait3A_236] : memref<2x3x!tpu.dma_semaphore, #tpu.memory_space<semaphore_mem>> -> memref<1x1x!tpu.dma_semaphore, #tpu.memory_space<semaphore_mem>>
      %dma_wait3A_248 = tpu.memref_squeeze %dma_wait3A_247 : memref<1x1x!tpu.dma_semaphore, #tpu.memory_space<semaphore_mem>> -> memref<!tpu.dma_semaphore, #tpu.memory_space<semaphore_mem>>
      tpu.wait_indirect_dma semaphore(%dma_wait3A_248 : memref<!tpu.dma_semaphore, #tpu.memory_space<semaphore_mem>>) src(%dma_wait3A_246 : memref<20000x64xf32, #tpu.memory_space<hbm>>) dst(%dma_wait3A_240 : memref<128x64xf32, #tpu.memory_space<vmem>>)
      %mul3A_249 = arith.constant 3 : i32
      %mul3A_250 = arith.muli %mul3A_136, %mul3A_249 : i32
      %add3A_251 = arith.constant 1 : i32
      %add3A_252 = arith.addi %mul3A_250, %add3A_251 : i32
      %run_scoped3A_253 = arith.constant 0 : i32
      %run_scoped3A_254 = arith.constant 1 : i32
      %run_scoped3A_255 = arith.constant 1 : i32
      "tpu.region"() ({
        %run_scoped3A_377 = tpu.sem_alloc : memref<!tpu.dma_semaphore, #tpu.memory_space<semaphore_mem>>
        %dma_start3A_378 = arith.constant 0 : i32
        %dma_start3A_379 = arith.constant 0 : i32
        %dma_start3A_380 = tpu.memref_slice %arg7[%run_scoped3A_253, %run_scoped3A_254, %dma_start3A_378, %dma_start3A_379] : memref<2x3x128x64xf32, #tpu.memory_space<vmem>> -> memref<1x1x128x64xf32, #tpu.memory_space<vmem>>
        %dma_start3A_381 = tpu.memref_squeeze %dma_start3A_380 : memref<1x1x128x64xf32, #tpu.memory_space<vmem>> -> memref<128x64xf32, #tpu.memory_space<vmem>>
        %dma_start3A_382 = arith.constant 0 : i32
        %dma_start3A_383 = tpu.memref_slice %arg5[%add3A_252, %run_scoped3A_255, %dma_start3A_382] : memref<78x2x128xi32, #tpu.memory_space<vmem>> -> memref<1x1x128xi32, #tpu.memory_space<vmem>>
        %dma_start3A_384 = tpu.memref_squeeze %dma_start3A_383 : memref<1x1x128xi32, #tpu.memory_space<vmem>> -> memref<128xi32, #tpu.memory_space<vmem>>
        %dma_start3A_385 = arith.constant 0 : i32
        %dma_start3A_386 = arith.constant 0 : i32
        %dma_start3A_387 = tpu.memref_slice %arg9[%dma_start3A_385, %dma_start3A_386] : memref<10240x64xf32, #tpu.memory_space<vmem_shared>> -> memref<10240x64xf32, #tpu.memory_space<vmem_shared>>
        tpu.enqueue_indirect_dma source(%dma_start3A_381 : memref<128x64xf32, #tpu.memory_space<vmem>>) target(%dma_start3A_387 : memref<10240x64xf32, #tpu.memory_space<vmem_shared>>) offsets(%dma_start3A_384 : memref<128xi32, #tpu.memory_space<vmem>>) semaphore(%run_scoped3A_377 : memref<!tpu.dma_semaphore, #tpu.memory_space<semaphore_mem>>) {add = true}
        %dma_wait3A_388 = arith.constant 0 : i32
        %dma_wait3A_389 = arith.constant 0 : i32
        %dma_wait3A_390 = tpu.memref_slice %arg7[%run_scoped3A_253, %run_scoped3A_254, %dma_wait3A_388, %dma_wait3A_389] : memref<2x3x128x64xf32, #tpu.memory_space<vmem>> -> memref<1x1x128x64xf32, #tpu.memory_space<vmem>>
        %dma_wait3A_391 = tpu.memref_squeeze %dma_wait3A_390 : memref<1x1x128x64xf32, #tpu.memory_space<vmem>> -> memref<128x64xf32, #tpu.memory_space<vmem>>
        %dma_wait3A_392 = arith.constant 0 : i32
        %dma_wait3A_393 = tpu.memref_slice %arg5[%add3A_252, %run_scoped3A_255, %dma_wait3A_392] : memref<78x2x128xi32, #tpu.memory_space<vmem>> -> memref<1x1x128xi32, #tpu.memory_space<vmem>>
        %dma_wait3A_394 = tpu.memref_squeeze %dma_wait3A_393 : memref<1x1x128xi32, #tpu.memory_space<vmem>> -> memref<128xi32, #tpu.memory_space<vmem>>
        %dma_wait3A_395 = arith.constant 0 : i32
        %dma_wait3A_396 = arith.constant 0 : i32
        %dma_wait3A_397 = tpu.memref_slice %arg9[%dma_wait3A_395, %dma_wait3A_396] : memref<10240x64xf32, #tpu.memory_space<vmem_shared>> -> memref<10240x64xf32, #tpu.memory_space<vmem_shared>>
        tpu.wait_indirect_dma semaphore(%run_scoped3A_377 : memref<!tpu.dma_semaphore, #tpu.memory_space<semaphore_mem>>) src(%dma_wait3A_391 : memref<128x64xf32, #tpu.memory_space<vmem>>) dst(%dma_wait3A_397 : memref<10240x64xf32, #tpu.memory_space<vmem_shared>>)
        tpu.yield
      }) : () -> ()
      %mul3A_256 = arith.constant 3 : i32
      %mul3A_257 = arith.muli %mul3A_136, %mul3A_256 : i32
      %add3A_258 = arith.constant 2 : i32
      %add3A_259 = arith.addi %mul3A_257, %add3A_258 : i32
      %dma_wait3A_260 = arith.constant 0 : i32
      %dma_wait3A_261 = arith.constant 0 : i32
      %dma_wait3A_262 = arith.constant 2 : i32
      %dma_wait3A_263 = arith.constant 0 : i32
      %dma_wait3A_264 = arith.constant 2 : i32
      %dma_wait3A_265 = arith.constant 0 : i32
      %dma_wait3A_266 = arith.constant 0 : i32
      %dma_wait3A_267 = tpu.memref_slice %arg7[%dma_wait3A_261, %dma_wait3A_262, %dma_wait3A_265, %dma_wait3A_266] : memref<2x3x128x64xf32, #tpu.memory_space<vmem>> -> memref<1x1x128x64xf32, #tpu.memory_space<vmem>>
      %dma_wait3A_268 = tpu.memref_squeeze %dma_wait3A_267 : memref<1x1x128x64xf32, #tpu.memory_space<vmem>> -> memref<128x64xf32, #tpu.memory_space<vmem>>
      %dma_wait3A_269 = arith.constant 0 : i32
      %dma_wait3A_270 = tpu.memref_slice %arg5[%add3A_259, %dma_wait3A_260, %dma_wait3A_269] : memref<78x2x128xi32, #tpu.memory_space<vmem>> -> memref<1x1x128xi32, #tpu.memory_space<vmem>>
      %dma_wait3A_271 = tpu.memref_squeeze %dma_wait3A_270 : memref<1x1x128xi32, #tpu.memory_space<vmem>> -> memref<128xi32, #tpu.memory_space<vmem>>
      %dma_wait3A_272 = arith.constant 0 : i32
      %dma_wait3A_273 = arith.constant 0 : i32
      %dma_wait3A_274 = tpu.memref_slice %arg2[%dma_wait3A_272, %dma_wait3A_273] : memref<20000x64xf32, #tpu.memory_space<hbm>> -> memref<20000x64xf32, #tpu.memory_space<hbm>>
      %dma_wait3A_275 = tpu.memref_slice %arg10[%dma_wait3A_263, %dma_wait3A_264] : memref<2x3x!tpu.dma_semaphore, #tpu.memory_space<semaphore_mem>> -> memref<1x1x!tpu.dma_semaphore, #tpu.memory_space<semaphore_mem>>
      %dma_wait3A_276 = tpu.memref_squeeze %dma_wait3A_275 : memref<1x1x!tpu.dma_semaphore, #tpu.memory_space<semaphore_mem>> -> memref<!tpu.dma_semaphore, #tpu.memory_space<semaphore_mem>>
      tpu.wait_indirect_dma semaphore(%dma_wait3A_276 : memref<!tpu.dma_semaphore, #tpu.memory_space<semaphore_mem>>) src(%dma_wait3A_274 : memref<20000x64xf32, #tpu.memory_space<hbm>>) dst(%dma_wait3A_268 : memref<128x64xf32, #tpu.memory_space<vmem>>)
      %mul3A_277 = arith.constant 3 : i32
      %mul3A_278 = arith.muli %mul3A_136, %mul3A_277 : i32
      %add3A_279 = arith.constant 2 : i32
      %add3A_280 = arith.addi %mul3A_278, %add3A_279 : i32
      %run_scoped3A_281 = arith.constant 0 : i32
      %run_scoped3A_282 = arith.constant 2 : i32
      %run_scoped3A_283 = arith.constant 1 : i32
      "tpu.region"() ({
        %run_scoped3A_377 = tpu.sem_alloc : memref<!tpu.dma_semaphore, #tpu.memory_space<semaphore_mem>>
        %dma_start3A_378 = arith.constant 0 : i32
        %dma_start3A_379 = arith.constant 0 : i32
        %dma_start3A_380 = tpu.memref_slice %arg7[%run_scoped3A_281, %run_scoped3A_282, %dma_start3A_378, %dma_start3A_379] : memref<2x3x128x64xf32, #tpu.memory_space<vmem>> -> memref<1x1x128x64xf32, #tpu.memory_space<vmem>>
        %dma_start3A_381 = tpu.memref_squeeze %dma_start3A_380 : memref<1x1x128x64xf32, #tpu.memory_space<vmem>> -> memref<128x64xf32, #tpu.memory_space<vmem>>
        %dma_start3A_382 = arith.constant 0 : i32
        %dma_start3A_383 = tpu.memref_slice %arg5[%add3A_280, %run_scoped3A_283, %dma_start3A_382] : memref<78x2x128xi32, #tpu.memory_space<vmem>> -> memref<1x1x128xi32, #tpu.memory_space<vmem>>
        %dma_start3A_384 = tpu.memref_squeeze %dma_start3A_383 : memref<1x1x128xi32, #tpu.memory_space<vmem>> -> memref<128xi32, #tpu.memory_space<vmem>>
        %dma_start3A_385 = arith.constant 0 : i32
        %dma_start3A_386 = arith.constant 0 : i32
        %dma_start3A_387 = tpu.memref_slice %arg9[%dma_start3A_385, %dma_start3A_386] : memref<10240x64xf32, #tpu.memory_space<vmem_shared>> -> memref<10240x64xf32, #tpu.memory_space<vmem_shared>>
        tpu.enqueue_indirect_dma source(%dma_start3A_381 : memref<128x64xf32, #tpu.memory_space<vmem>>) target(%dma_start3A_387 : memref<10240x64xf32, #tpu.memory_space<vmem_shared>>) offsets(%dma_start3A_384 : memref<128xi32, #tpu.memory_space<vmem>>) semaphore(%run_scoped3A_377 : memref<!tpu.dma_semaphore, #tpu.memory_space<semaphore_mem>>) {add = true}
        %dma_wait3A_388 = arith.constant 0 : i32
        %dma_wait3A_389 = arith.constant 0 : i32
        %dma_wait3A_390 = tpu.memref_slice %arg7[%run_scoped3A_281, %run_scoped3A_282, %dma_wait3A_388, %dma_wait3A_389] : memref<2x3x128x64xf32, #tpu.memory_space<vmem>> -> memref<1x1x128x64xf32, #tpu.memory_space<vmem>>
        %dma_wait3A_391 = tpu.memref_squeeze %dma_wait3A_390 : memref<1x1x128x64xf32, #tpu.memory_space<vmem>> -> memref<128x64xf32, #tpu.memory_space<vmem>>
        %dma_wait3A_392 = arith.constant 0 : i32
        %dma_wait3A_393 = tpu.memref_slice %arg5[%add3A_280, %run_scoped3A_283, %dma_wait3A_392] : memref<78x2x128xi32, #tpu.memory_space<vmem>> -> memref<1x1x128xi32, #tpu.memory_space<vmem>>
        %dma_wait3A_394 = tpu.memref_squeeze %dma_wait3A_393 : memref<1x1x128xi32, #tpu.memory_space<vmem>> -> memref<128xi32, #tpu.memory_space<vmem>>
        %dma_wait3A_395 = arith.constant 0 : i32
        %dma_wait3A_396 = arith.constant 0 : i32
        %dma_wait3A_397 = tpu.memref_slice %arg9[%dma_wait3A_395, %dma_wait3A_396] : memref<10240x64xf32, #tpu.memory_space<vmem_shared>> -> memref<10240x64xf32, #tpu.memory_space<vmem_shared>>
        tpu.wait_indirect_dma semaphore(%run_scoped3A_377 : memref<!tpu.dma_semaphore, #tpu.memory_space<semaphore_mem>>) src(%dma_wait3A_391 : memref<128x64xf32, #tpu.memory_space<vmem>>) dst(%dma_wait3A_397 : memref<10240x64xf32, #tpu.memory_space<vmem_shared>>)
        tpu.yield
      }) : () -> ()
      %add3A_284 = arith.constant 2 : i32
      %add3A_285 = arith.addi %mul3A_136, %add3A_284 : i32
      %lt3A_286 = arith.constant 26 : i32
      %lt3A_287 = arith.cmpi slt, %add3A_285, %lt3A_286 : i32
      %convert_element_type3A_288 = arith.extui %lt3A_287 : i1 to i32
      %cond3A_289 = arith.constant 0 : i32
      %cond3A_290 = arith.cmpi ne, %convert_element_type3A_288, %cond3A_289 : i32
      scf.if %cond3A_290 {
        %add3A_377 = arith.constant 2 : i32
        %add3A_378 = arith.addi %mul3A_136, %add3A_377 : i32
        %mul3A_379 = arith.constant 3 : i32
        %mul3A_380 = arith.muli %add3A_378, %mul3A_379 : i32
        %add3A_381 = arith.constant 0 : i32
        %add3A_382 = arith.addi %mul3A_380, %add3A_381 : i32
        %dma_start3A_383 = arith.constant 0 : i32
        %dma_start3A_384 = arith.constant 0 : i32
        %dma_start3A_385 = arith.constant 0 : i32
        %dma_start3A_386 = arith.constant 0 : i32
        %dma_start3A_387 = arith.constant 0 : i32
        %dma_start3A_388 = arith.constant 0 : i32
        %dma_start3A_389 = arith.constant 0 : i32
        %dma_start3A_390 = tpu.memref_slice %arg7[%dma_start3A_384, %dma_start3A_385, %dma_start3A_388, %dma_start3A_389] : memref<2x3x128x64xf32, #tpu.memory_space<vmem>> -> memref<1x1x128x64xf32, #tpu.memory_space<vmem>>
        %dma_start3A_391 = tpu.memref_squeeze %dma_start3A_390 : memref<1x1x128x64xf32, #tpu.memory_space<vmem>> -> memref<128x64xf32, #tpu.memory_space<vmem>>
        %dma_start3A_392 = arith.constant 0 : i32
        %dma_start3A_393 = tpu.memref_slice %arg5[%add3A_382, %dma_start3A_383, %dma_start3A_392] : memref<78x2x128xi32, #tpu.memory_space<vmem>> -> memref<1x1x128xi32, #tpu.memory_space<vmem>>
        %dma_start3A_394 = tpu.memref_squeeze %dma_start3A_393 : memref<1x1x128xi32, #tpu.memory_space<vmem>> -> memref<128xi32, #tpu.memory_space<vmem>>
        %dma_start3A_395 = arith.constant 0 : i32
        %dma_start3A_396 = arith.constant 0 : i32
        %dma_start3A_397 = tpu.memref_slice %arg2[%dma_start3A_395, %dma_start3A_396] : memref<20000x64xf32, #tpu.memory_space<hbm>> -> memref<20000x64xf32, #tpu.memory_space<hbm>>
        %dma_start3A_398 = tpu.memref_slice %arg10[%dma_start3A_386, %dma_start3A_387] : memref<2x3x!tpu.dma_semaphore, #tpu.memory_space<semaphore_mem>> -> memref<1x1x!tpu.dma_semaphore, #tpu.memory_space<semaphore_mem>>
        %dma_start3A_399 = tpu.memref_squeeze %dma_start3A_398 : memref<1x1x!tpu.dma_semaphore, #tpu.memory_space<semaphore_mem>> -> memref<!tpu.dma_semaphore, #tpu.memory_space<semaphore_mem>>
        tpu.enqueue_indirect_dma source(%dma_start3A_397 : memref<20000x64xf32, #tpu.memory_space<hbm>>) target(%dma_start3A_391 : memref<128x64xf32, #tpu.memory_space<vmem>>) offsets(%dma_start3A_394 : memref<128xi32, #tpu.memory_space<vmem>>) semaphore(%dma_start3A_399 : memref<!tpu.dma_semaphore, #tpu.memory_space<semaphore_mem>>)
        %mul3A_400 = arith.constant 3 : i32
        %mul3A_401 = arith.muli %add3A_378, %mul3A_400 : i32
        %add3A_402 = arith.constant 1 : i32
        %add3A_403 = arith.addi %mul3A_401, %add3A_402 : i32
        %dma_start3A_404 = arith.constant 0 : i32
        %dma_start3A_405 = arith.constant 0 : i32
        %dma_start3A_406 = arith.constant 1 : i32
        %dma_start3A_407 = arith.constant 0 : i32
        %dma_start3A_408 = arith.constant 1 : i32
        %dma_start3A_409 = arith.constant 0 : i32
        %dma_start3A_410 = arith.constant 0 : i32
        %dma_start3A_411 = tpu.memref_slice %arg7[%dma_start3A_405, %dma_start3A_406, %dma_start3A_409, %dma_start3A_410] : memref<2x3x128x64xf32, #tpu.memory_space<vmem>> -> memref<1x1x128x64xf32, #tpu.memory_space<vmem>>
        %dma_start3A_412 = tpu.memref_squeeze %dma_start3A_411 : memref<1x1x128x64xf32, #tpu.memory_space<vmem>> -> memref<128x64xf32, #tpu.memory_space<vmem>>
        %dma_start3A_413 = arith.constant 0 : i32
        %dma_start3A_414 = tpu.memref_slice %arg5[%add3A_403, %dma_start3A_404, %dma_start3A_413] : memref<78x2x128xi32, #tpu.memory_space<vmem>> -> memref<1x1x128xi32, #tpu.memory_space<vmem>>
        %dma_start3A_415 = tpu.memref_squeeze %dma_start3A_414 : memref<1x1x128xi32, #tpu.memory_space<vmem>> -> memref<128xi32, #tpu.memory_space<vmem>>
        %dma_start3A_416 = arith.constant 0 : i32
        %dma_start3A_417 = arith.constant 0 : i32
        %dma_start3A_418 = tpu.memref_slice %arg2[%dma_start3A_416, %dma_start3A_417] : memref<20000x64xf32, #tpu.memory_space<hbm>> -> memref<20000x64xf32, #tpu.memory_space<hbm>>
        %dma_start3A_419 = tpu.memref_slice %arg10[%dma_start3A_407, %dma_start3A_408] : memref<2x3x!tpu.dma_semaphore, #tpu.memory_space<semaphore_mem>> -> memref<1x1x!tpu.dma_semaphore, #tpu.memory_space<semaphore_mem>>
        %dma_start3A_420 = tpu.memref_squeeze %dma_start3A_419 : memref<1x1x!tpu.dma_semaphore, #tpu.memory_space<semaphore_mem>> -> memref<!tpu.dma_semaphore, #tpu.memory_space<semaphore_mem>>
        tpu.enqueue_indirect_dma source(%dma_start3A_418 : memref<20000x64xf32, #tpu.memory_space<hbm>>) target(%dma_start3A_412 : memref<128x64xf32, #tpu.memory_space<vmem>>) offsets(%dma_start3A_415 : memref<128xi32, #tpu.memory_space<vmem>>) semaphore(%dma_start3A_420 : memref<!tpu.dma_semaphore, #tpu.memory_space<semaphore_mem>>)
        %mul3A_421 = arith.constant 3 : i32
        %mul3A_422 = arith.muli %add3A_378, %mul3A_421 : i32
        %add3A_423 = arith.constant 2 : i32
        %add3A_424 = arith.addi %mul3A_422, %add3A_423 : i32
        %dma_start3A_425 = arith.constant 0 : i32
        %dma_start3A_426 = arith.constant 0 : i32
        %dma_start3A_427 = arith.constant 2 : i32
        %dma_start3A_428 = arith.constant 0 : i32
        %dma_start3A_429 = arith.constant 2 : i32
        %dma_start3A_430 = arith.constant 0 : i32
        %dma_start3A_431 = arith.constant 0 : i32
        %dma_start3A_432 = tpu.memref_slice %arg7[%dma_start3A_426, %dma_start3A_427, %dma_start3A_430, %dma_start3A_431] : memref<2x3x128x64xf32, #tpu.memory_space<vmem>> -> memref<1x1x128x64xf32, #tpu.memory_space<vmem>>
        %dma_start3A_433 = tpu.memref_squeeze %dma_start3A_432 : memref<1x1x128x64xf32, #tpu.memory_space<vmem>> -> memref<128x64xf32, #tpu.memory_space<vmem>>
        %dma_start3A_434 = arith.constant 0 : i32
        %dma_start3A_435 = tpu.memref_slice %arg5[%add3A_424, %dma_start3A_425, %dma_start3A_434] : memref<78x2x128xi32, #tpu.memory_space<vmem>> -> memref<1x1x128xi32, #tpu.memory_space<vmem>>
        %dma_start3A_436 = tpu.memref_squeeze %dma_start3A_435 : memref<1x1x128xi32, #tpu.memory_space<vmem>> -> memref<128xi32, #tpu.memory_space<vmem>>
        %dma_start3A_437 = arith.constant 0 : i32
        %dma_start3A_438 = arith.constant 0 : i32
        %dma_start3A_439 = tpu.memref_slice %arg2[%dma_start3A_437, %dma_start3A_438] : memref<20000x64xf32, #tpu.memory_space<hbm>> -> memref<20000x64xf32, #tpu.memory_space<hbm>>
        %dma_start3A_440 = tpu.memref_slice %arg10[%dma_start3A_428, %dma_start3A_429] : memref<2x3x!tpu.dma_semaphore, #tpu.memory_space<semaphore_mem>> -> memref<1x1x!tpu.dma_semaphore, #tpu.memory_space<semaphore_mem>>
        %dma_start3A_441 = tpu.memref_squeeze %dma_start3A_440 : memref<1x1x!tpu.dma_semaphore, #tpu.memory_space<semaphore_mem>> -> memref<!tpu.dma_semaphore, #tpu.memory_space<semaphore_mem>>
        tpu.enqueue_indirect_dma source(%dma_start3A_439 : memref<20000x64xf32, #tpu.memory_space<hbm>>) target(%dma_start3A_433 : memref<128x64xf32, #tpu.memory_space<vmem>>) offsets(%dma_start3A_436 : memref<128xi32, #tpu.memory_space<vmem>>) semaphore(%dma_start3A_441 : memref<!tpu.dma_semaphore, #tpu.memory_space<semaphore_mem>>)
      } else {
      }
      %add3A_291 = arith.constant 1 : i32
      %add3A_292 = arith.addi %mul3A_136, %add3A_291 : i32
      %mul3A_293 = arith.constant 3 : i32
      %mul3A_294 = arith.muli %add3A_292, %mul3A_293 : i32
      %add3A_295 = arith.constant 0 : i32
      %add3A_296 = arith.addi %mul3A_294, %add3A_295 : i32
      %dma_wait3A_297 = arith.constant 0 : i32
      %dma_wait3A_298 = arith.constant 1 : i32
      %dma_wait3A_299 = arith.constant 0 : i32
      %dma_wait3A_300 = arith.constant 1 : i32
      %dma_wait3A_301 = arith.constant 0 : i32
      %dma_wait3A_302 = arith.constant 0 : i32
      %dma_wait3A_303 = arith.constant 0 : i32
      %dma_wait3A_304 = tpu.memref_slice %arg7[%dma_wait3A_298, %dma_wait3A_299, %dma_wait3A_302, %dma_wait3A_303] : memref<2x3x128x64xf32, #tpu.memory_space<vmem>> -> memref<1x1x128x64xf32, #tpu.memory_space<vmem>>
      %dma_wait3A_305 = tpu.memref_squeeze %dma_wait3A_304 : memref<1x1x128x64xf32, #tpu.memory_space<vmem>> -> memref<128x64xf32, #tpu.memory_space<vmem>>
      %dma_wait3A_306 = arith.constant 0 : i32
      %dma_wait3A_307 = tpu.memref_slice %arg5[%add3A_296, %dma_wait3A_297, %dma_wait3A_306] : memref<78x2x128xi32, #tpu.memory_space<vmem>> -> memref<1x1x128xi32, #tpu.memory_space<vmem>>
      %dma_wait3A_308 = tpu.memref_squeeze %dma_wait3A_307 : memref<1x1x128xi32, #tpu.memory_space<vmem>> -> memref<128xi32, #tpu.memory_space<vmem>>
      %dma_wait3A_309 = arith.constant 0 : i32
      %dma_wait3A_310 = arith.constant 0 : i32
      %dma_wait3A_311 = tpu.memref_slice %arg2[%dma_wait3A_309, %dma_wait3A_310] : memref<20000x64xf32, #tpu.memory_space<hbm>> -> memref<20000x64xf32, #tpu.memory_space<hbm>>
      %dma_wait3A_312 = tpu.memref_slice %arg10[%dma_wait3A_300, %dma_wait3A_301] : memref<2x3x!tpu.dma_semaphore, #tpu.memory_space<semaphore_mem>> -> memref<1x1x!tpu.dma_semaphore, #tpu.memory_space<semaphore_mem>>
      %dma_wait3A_313 = tpu.memref_squeeze %dma_wait3A_312 : memref<1x1x!tpu.dma_semaphore, #tpu.memory_space<semaphore_mem>> -> memref<!tpu.dma_semaphore, #tpu.memory_space<semaphore_mem>>
      tpu.wait_indirect_dma semaphore(%dma_wait3A_313 : memref<!tpu.dma_semaphore, #tpu.memory_space<semaphore_mem>>) src(%dma_wait3A_311 : memref<20000x64xf32, #tpu.memory_space<hbm>>) dst(%dma_wait3A_305 : memref<128x64xf32, #tpu.memory_space<vmem>>)
      %mul3A_314 = arith.constant 3 : i32
      %mul3A_315 = arith.muli %add3A_292, %mul3A_314 : i32
      %add3A_316 = arith.constant 0 : i32
      %add3A_317 = arith.addi %mul3A_315, %add3A_316 : i32
      %run_scoped3A_318 = arith.constant 1 : i32
      %run_scoped3A_319 = arith.constant 0 : i32
      %run_scoped3A_320 = arith.constant 1 : i32
      "tpu.region"() ({
        %run_scoped3A_377 = tpu.sem_alloc : memref<!tpu.dma_semaphore, #tpu.memory_space<semaphore_mem>>
        %dma_start3A_378 = arith.constant 0 : i32
        %dma_start3A_379 = arith.constant 0 : i32
        %dma_start3A_380 = tpu.memref_slice %arg7[%run_scoped3A_318, %run_scoped3A_319, %dma_start3A_378, %dma_start3A_379] : memref<2x3x128x64xf32, #tpu.memory_space<vmem>> -> memref<1x1x128x64xf32, #tpu.memory_space<vmem>>
        %dma_start3A_381 = tpu.memref_squeeze %dma_start3A_380 : memref<1x1x128x64xf32, #tpu.memory_space<vmem>> -> memref<128x64xf32, #tpu.memory_space<vmem>>
        %dma_start3A_382 = arith.constant 0 : i32
        %dma_start3A_383 = tpu.memref_slice %arg5[%add3A_317, %run_scoped3A_320, %dma_start3A_382] : memref<78x2x128xi32, #tpu.memory_space<vmem>> -> memref<1x1x128xi32, #tpu.memory_space<vmem>>
        %dma_start3A_384 = tpu.memref_squeeze %dma_start3A_383 : memref<1x1x128xi32, #tpu.memory_space<vmem>> -> memref<128xi32, #tpu.memory_space<vmem>>
        %dma_start3A_385 = arith.constant 0 : i32
        %dma_start3A_386 = arith.constant 0 : i32
        %dma_start3A_387 = tpu.memref_slice %arg9[%dma_start3A_385, %dma_start3A_386] : memref<10240x64xf32, #tpu.memory_space<vmem_shared>> -> memref<10240x64xf32, #tpu.memory_space<vmem_shared>>
        tpu.enqueue_indirect_dma source(%dma_start3A_381 : memref<128x64xf32, #tpu.memory_space<vmem>>) target(%dma_start3A_387 : memref<10240x64xf32, #tpu.memory_space<vmem_shared>>) offsets(%dma_start3A_384 : memref<128xi32, #tpu.memory_space<vmem>>) semaphore(%run_scoped3A_377 : memref<!tpu.dma_semaphore, #tpu.memory_space<semaphore_mem>>) {add = true}
        %dma_wait3A_388 = arith.constant 0 : i32
        %dma_wait3A_389 = arith.constant 0 : i32
        %dma_wait3A_390 = tpu.memref_slice %arg7[%run_scoped3A_318, %run_scoped3A_319, %dma_wait3A_388, %dma_wait3A_389] : memref<2x3x128x64xf32, #tpu.memory_space<vmem>> -> memref<1x1x128x64xf32, #tpu.memory_space<vmem>>
        %dma_wait3A_391 = tpu.memref_squeeze %dma_wait3A_390 : memref<1x1x128x64xf32, #tpu.memory_space<vmem>> -> memref<128x64xf32, #tpu.memory_space<vmem>>
        %dma_wait3A_392 = arith.constant 0 : i32
        %dma_wait3A_393 = tpu.memref_slice %arg5[%add3A_317, %run_scoped3A_320, %dma_wait3A_392] : memref<78x2x128xi32, #tpu.memory_space<vmem>> -> memref<1x1x128xi32, #tpu.memory_space<vmem>>
        %dma_wait3A_394 = tpu.memref_squeeze %dma_wait3A_393 : memref<1x1x128xi32, #tpu.memory_space<vmem>> -> memref<128xi32, #tpu.memory_space<vmem>>
        %dma_wait3A_395 = arith.constant 0 : i32
        %dma_wait3A_396 = arith.constant 0 : i32
        %dma_wait3A_397 = tpu.memref_slice %arg9[%dma_wait3A_395, %dma_wait3A_396] : memref<10240x64xf32, #tpu.memory_space<vmem_shared>> -> memref<10240x64xf32, #tpu.memory_space<vmem_shared>>
        tpu.wait_indirect_dma semaphore(%run_scoped3A_377 : memref<!tpu.dma_semaphore, #tpu.memory_space<semaphore_mem>>) src(%dma_wait3A_391 : memref<128x64xf32, #tpu.memory_space<vmem>>) dst(%dma_wait3A_397 : memref<10240x64xf32, #tpu.memory_space<vmem_shared>>)
        tpu.yield
      }) : () -> ()
      %mul3A_321 = arith.constant 3 : i32
      %mul3A_322 = arith.muli %add3A_292, %mul3A_321 : i32
      %add3A_323 = arith.constant 1 : i32
      %add3A_324 = arith.addi %mul3A_322, %add3A_323 : i32
      %dma_wait3A_325 = arith.constant 0 : i32
      %dma_wait3A_326 = arith.constant 1 : i32
      %dma_wait3A_327 = arith.constant 1 : i32
      %dma_wait3A_328 = arith.constant 1 : i32
      %dma_wait3A_329 = arith.constant 1 : i32
      %dma_wait3A_330 = arith.constant 0 : i32
      %dma_wait3A_331 = arith.constant 0 : i32
      %dma_wait3A_332 = tpu.memref_slice %arg7[%dma_wait3A_326, %dma_wait3A_327, %dma_wait3A_330, %dma_wait3A_331] : memref<2x3x128x64xf32, #tpu.memory_space<vmem>> -> memref<1x1x128x64xf32, #tpu.memory_space<vmem>>
      %dma_wait3A_333 = tpu.memref_squeeze %dma_wait3A_332 : memref<1x1x128x64xf32, #tpu.memory_space<vmem>> -> memref<128x64xf32, #tpu.memory_space<vmem>>
      %dma_wait3A_334 = arith.constant 0 : i32
      %dma_wait3A_335 = tpu.memref_slice %arg5[%add3A_324, %dma_wait3A_325, %dma_wait3A_334] : memref<78x2x128xi32, #tpu.memory_space<vmem>> -> memref<1x1x128xi32, #tpu.memory_space<vmem>>
      %dma_wait3A_336 = tpu.memref_squeeze %dma_wait3A_335 : memref<1x1x128xi32, #tpu.memory_space<vmem>> -> memref<128xi32, #tpu.memory_space<vmem>>
      %dma_wait3A_337 = arith.constant 0 : i32
      %dma_wait3A_338 = arith.constant 0 : i32
      %dma_wait3A_339 = tpu.memref_slice %arg2[%dma_wait3A_337, %dma_wait3A_338] : memref<20000x64xf32, #tpu.memory_space<hbm>> -> memref<20000x64xf32, #tpu.memory_space<hbm>>
      %dma_wait3A_340 = tpu.memref_slice %arg10[%dma_wait3A_328, %dma_wait3A_329] : memref<2x3x!tpu.dma_semaphore, #tpu.memory_space<semaphore_mem>> -> memref<1x1x!tpu.dma_semaphore, #tpu.memory_space<semaphore_mem>>
      %dma_wait3A_341 = tpu.memref_squeeze %dma_wait3A_340 : memref<1x1x!tpu.dma_semaphore, #tpu.memory_space<semaphore_mem>> -> memref<!tpu.dma_semaphore, #tpu.memory_space<semaphore_mem>>
      tpu.wait_indirect_dma semaphore(%dma_wait3A_341 : memref<!tpu.dma_semaphore, #tpu.memory_space<semaphore_mem>>) src(%dma_wait3A_339 : memref<20000x64xf32, #tpu.memory_space<hbm>>) dst(%dma_wait3A_333 : memref<128x64xf32, #tpu.memory_space<vmem>>)
      %mul3A_342 = arith.constant 3 : i32
      %mul3A_343 = arith.muli %add3A_292, %mul3A_342 : i32
      %add3A_344 = arith.constant 1 : i32
      %add3A_345 = arith.addi %mul3A_343, %add3A_344 : i32
      %run_scoped3A_346 = arith.constant 1 : i32
      %run_scoped3A_347 = arith.constant 1 : i32
      %run_scoped3A_348 = arith.constant 1 : i32
      "tpu.region"() ({
        %run_scoped3A_377 = tpu.sem_alloc : memref<!tpu.dma_semaphore, #tpu.memory_space<semaphore_mem>>
        %dma_start3A_378 = arith.constant 0 : i32
        %dma_start3A_379 = arith.constant 0 : i32
        %dma_start3A_380 = tpu.memref_slice %arg7[%run_scoped3A_346, %run_scoped3A_347, %dma_start3A_378, %dma_start3A_379] : memref<2x3x128x64xf32, #tpu.memory_space<vmem>> -> memref<1x1x128x64xf32, #tpu.memory_space<vmem>>
        %dma_start3A_381 = tpu.memref_squeeze %dma_start3A_380 : memref<1x1x128x64xf32, #tpu.memory_space<vmem>> -> memref<128x64xf32, #tpu.memory_space<vmem>>
        %dma_start3A_382 = arith.constant 0 : i32
        %dma_start3A_383 = tpu.memref_slice %arg5[%add3A_345, %run_scoped3A_348, %dma_start3A_382] : memref<78x2x128xi32, #tpu.memory_space<vmem>> -> memref<1x1x128xi32, #tpu.memory_space<vmem>>
        %dma_start3A_384 = tpu.memref_squeeze %dma_start3A_383 : memref<1x1x128xi32, #tpu.memory_space<vmem>> -> memref<128xi32, #tpu.memory_space<vmem>>
        %dma_start3A_385 = arith.constant 0 : i32
        %dma_start3A_386 = arith.constant 0 : i32
        %dma_start3A_387 = tpu.memref_slice %arg9[%dma_start3A_385, %dma_start3A_386] : memref<10240x64xf32, #tpu.memory_space<vmem_shared>> -> memref<10240x64xf32, #tpu.memory_space<vmem_shared>>
        tpu.enqueue_indirect_dma source(%dma_start3A_381 : memref<128x64xf32, #tpu.memory_space<vmem>>) target(%dma_start3A_387 : memref<10240x64xf32, #tpu.memory_space<vmem_shared>>) offsets(%dma_start3A_384 : memref<128xi32, #tpu.memory_space<vmem>>) semaphore(%run_scoped3A_377 : memref<!tpu.dma_semaphore, #tpu.memory_space<semaphore_mem>>) {add = true}
        %dma_wait3A_388 = arith.constant 0 : i32
        %dma_wait3A_389 = arith.constant 0 : i32
        %dma_wait3A_390 = tpu.memref_slice %arg7[%run_scoped3A_346, %run_scoped3A_347, %dma_wait3A_388, %dma_wait3A_389] : memref<2x3x128x64xf32, #tpu.memory_space<vmem>> -> memref<1x1x128x64xf32, #tpu.memory_space<vmem>>
        %dma_wait3A_391 = tpu.memref_squeeze %dma_wait3A_390 : memref<1x1x128x64xf32, #tpu.memory_space<vmem>> -> memref<128x64xf32, #tpu.memory_space<vmem>>
        %dma_wait3A_392 = arith.constant 0 : i32
        %dma_wait3A_393 = tpu.memref_slice %arg5[%add3A_345, %run_scoped3A_348, %dma_wait3A_392] : memref<78x2x128xi32, #tpu.memory_space<vmem>> -> memref<1x1x128xi32, #tpu.memory_space<vmem>>
        %dma_wait3A_394 = tpu.memref_squeeze %dma_wait3A_393 : memref<1x1x128xi32, #tpu.memory_space<vmem>> -> memref<128xi32, #tpu.memory_space<vmem>>
        %dma_wait3A_395 = arith.constant 0 : i32
        %dma_wait3A_396 = arith.constant 0 : i32
        %dma_wait3A_397 = tpu.memref_slice %arg9[%dma_wait3A_395, %dma_wait3A_396] : memref<10240x64xf32, #tpu.memory_space<vmem_shared>> -> memref<10240x64xf32, #tpu.memory_space<vmem_shared>>
        tpu.wait_indirect_dma semaphore(%run_scoped3A_377 : memref<!tpu.dma_semaphore, #tpu.memory_space<semaphore_mem>>) src(%dma_wait3A_391 : memref<128x64xf32, #tpu.memory_space<vmem>>) dst(%dma_wait3A_397 : memref<10240x64xf32, #tpu.memory_space<vmem_shared>>)
        tpu.yield
      }) : () -> ()
      %mul3A_349 = arith.constant 3 : i32
      %mul3A_350 = arith.muli %add3A_292, %mul3A_349 : i32
      %add3A_351 = arith.constant 2 : i32
      %add3A_352 = arith.addi %mul3A_350, %add3A_351 : i32
      %dma_wait3A_353 = arith.constant 0 : i32
      %dma_wait3A_354 = arith.constant 1 : i32
      %dma_wait3A_355 = arith.constant 2 : i32
      %dma_wait3A_356 = arith.constant 1 : i32
      %dma_wait3A_357 = arith.constant 2 : i32
      %dma_wait3A_358 = arith.constant 0 : i32
      %dma_wait3A_359 = arith.constant 0 : i32
      %dma_wait3A_360 = tpu.memref_slice %arg7[%dma_wait3A_354, %dma_wait3A_355, %dma_wait3A_358, %dma_wait3A_359] : memref<2x3x128x64xf32, #tpu.memory_space<vmem>> -> memref<1x1x128x64xf32, #tpu.memory_space<vmem>>
      %dma_wait3A_361 = tpu.memref_squeeze %dma_wait3A_360 : memref<1x1x128x64xf32, #tpu.memory_space<vmem>> -> memref<128x64xf32, #tpu.memory_space<vmem>>
      %dma_wait3A_362 = arith.constant 0 : i32
      %dma_wait3A_363 = tpu.memref_slice %arg5[%add3A_352, %dma_wait3A_353, %dma_wait3A_362] : memref<78x2x128xi32, #tpu.memory_space<vmem>> -> memref<1x1x128xi32, #tpu.memory_space<vmem>>
      %dma_wait3A_364 = tpu.memref_squeeze %dma_wait3A_363 : memref<1x1x128xi32, #tpu.memory_space<vmem>> -> memref<128xi32, #tpu.memory_space<vmem>>
      %dma_wait3A_365 = arith.constant 0 : i32
      %dma_wait3A_366 = arith.constant 0 : i32
      %dma_wait3A_367 = tpu.memref_slice %arg2[%dma_wait3A_365, %dma_wait3A_366] : memref<20000x64xf32, #tpu.memory_space<hbm>> -> memref<20000x64xf32, #tpu.memory_space<hbm>>
      %dma_wait3A_368 = tpu.memref_slice %arg10[%dma_wait3A_356, %dma_wait3A_357] : memref<2x3x!tpu.dma_semaphore, #tpu.memory_space<semaphore_mem>> -> memref<1x1x!tpu.dma_semaphore, #tpu.memory_space<semaphore_mem>>
      %dma_wait3A_369 = tpu.memref_squeeze %dma_wait3A_368 : memref<1x1x!tpu.dma_semaphore, #tpu.memory_space<semaphore_mem>> -> memref<!tpu.dma_semaphore, #tpu.memory_space<semaphore_mem>>
      tpu.wait_indirect_dma semaphore(%dma_wait3A_369 : memref<!tpu.dma_semaphore, #tpu.memory_space<semaphore_mem>>) src(%dma_wait3A_367 : memref<20000x64xf32, #tpu.memory_space<hbm>>) dst(%dma_wait3A_361 : memref<128x64xf32, #tpu.memory_space<vmem>>)
      %mul3A_370 = arith.constant 3 : i32
      %mul3A_371 = arith.muli %add3A_292, %mul3A_370 : i32
      %add3A_372 = arith.constant 2 : i32
      %add3A_373 = arith.addi %mul3A_371, %add3A_372 : i32
      %run_scoped3A_374 = arith.constant 1 : i32
      %run_scoped3A_375 = arith.constant 2 : i32
      %run_scoped3A_376 = arith.constant 1 : i32
      "tpu.region"() ({
        %run_scoped3A_377 = tpu.sem_alloc : memref<!tpu.dma_semaphore, #tpu.memory_space<semaphore_mem>>
        %dma_start3A_378 = arith.constant 0 : i32
        %dma_start3A_379 = arith.constant 0 : i32
        %dma_start3A_380 = tpu.memref_slice %arg7[%run_scoped3A_374, %run_scoped3A_375, %dma_start3A_378, %dma_start3A_379] : memref<2x3x128x64xf32, #tpu.memory_space<vmem>> -> memref<1x1x128x64xf32, #tpu.memory_space<vmem>>
        %dma_start3A_381 = tpu.memref_squeeze %dma_start3A_380 : memref<1x1x128x64xf32, #tpu.memory_space<vmem>> -> memref<128x64xf32, #tpu.memory_space<vmem>>
        %dma_start3A_382 = arith.constant 0 : i32
        %dma_start3A_383 = tpu.memref_slice %arg5[%add3A_373, %run_scoped3A_376, %dma_start3A_382] : memref<78x2x128xi32, #tpu.memory_space<vmem>> -> memref<1x1x128xi32, #tpu.memory_space<vmem>>
        %dma_start3A_384 = tpu.memref_squeeze %dma_start3A_383 : memref<1x1x128xi32, #tpu.memory_space<vmem>> -> memref<128xi32, #tpu.memory_space<vmem>>
        %dma_start3A_385 = arith.constant 0 : i32
        %dma_start3A_386 = arith.constant 0 : i32
        %dma_start3A_387 = tpu.memref_slice %arg9[%dma_start3A_385, %dma_start3A_386] : memref<10240x64xf32, #tpu.memory_space<vmem_shared>> -> memref<10240x64xf32, #tpu.memory_space<vmem_shared>>
        tpu.enqueue_indirect_dma source(%dma_start3A_381 : memref<128x64xf32, #tpu.memory_space<vmem>>) target(%dma_start3A_387 : memref<10240x64xf32, #tpu.memory_space<vmem_shared>>) offsets(%dma_start3A_384 : memref<128xi32, #tpu.memory_space<vmem>>) semaphore(%run_scoped3A_377 : memref<!tpu.dma_semaphore, #tpu.memory_space<semaphore_mem>>) {add = true}
        %dma_wait3A_388 = arith.constant 0 : i32
        %dma_wait3A_389 = arith.constant 0 : i32
        %dma_wait3A_390 = tpu.memref_slice %arg7[%run_scoped3A_374, %run_scoped3A_375, %dma_wait3A_388, %dma_wait3A_389] : memref<2x3x128x64xf32, #tpu.memory_space<vmem>> -> memref<1x1x128x64xf32, #tpu.memory_space<vmem>>
        %dma_wait3A_391 = tpu.memref_squeeze %dma_wait3A_390 : memref<1x1x128x64xf32, #tpu.memory_space<vmem>> -> memref<128x64xf32, #tpu.memory_space<vmem>>
        %dma_wait3A_392 = arith.constant 0 : i32
        %dma_wait3A_393 = tpu.memref_slice %arg5[%add3A_373, %run_scoped3A_376, %dma_wait3A_392] : memref<78x2x128xi32, #tpu.memory_space<vmem>> -> memref<1x1x128xi32, #tpu.memory_space<vmem>>
        %dma_wait3A_394 = tpu.memref_squeeze %dma_wait3A_393 : memref<1x1x128xi32, #tpu.memory_space<vmem>> -> memref<128xi32, #tpu.memory_space<vmem>>
        %dma_wait3A_395 = arith.constant 0 : i32
        %dma_wait3A_396 = arith.constant 0 : i32
        %dma_wait3A_397 = tpu.memref_slice %arg9[%dma_wait3A_395, %dma_wait3A_396] : memref<10240x64xf32, #tpu.memory_space<vmem_shared>> -> memref<10240x64xf32, #tpu.memory_space<vmem_shared>>
        tpu.wait_indirect_dma semaphore(%run_scoped3A_377 : memref<!tpu.dma_semaphore, #tpu.memory_space<semaphore_mem>>) src(%dma_wait3A_391 : memref<128x64xf32, #tpu.memory_space<vmem>>) dst(%dma_wait3A_397 : memref<10240x64xf32, #tpu.memory_space<vmem_shared>>)
        tpu.yield
      }) : () -> ()
    }
    %scan3A_95 = arith.constant 13 : i32
    %lt3A_96 = arith.constant 4 : i32
    %lt3A_97 = arith.cmpi slt, %add3A, %lt3A_96 : i32
    %convert_element_type3A_98 = arith.extui %lt3A_97 : i1 to i32
    %cond3A_99 = arith.constant 0 : i32
    %cond3A_100 = arith.cmpi ne, %convert_element_type3A_98, %cond3A_99 : i32
    scf.if %cond3A_100 {
      %dma_start3A_134 = arith.constant 0 : i32
      %dma_start3A_135 = arith.constant 0 : i32
      %dma_start3A_136 = arith.constant 0 : i32
      %dma_start3A_137 = arith.constant 0 : i32
      %dma_start3A_138 = arith.constant 0 : i32
      %dma_start3A_139 = arith.constant 0 : i32
      %dma_start3A_140 = arith.constant 0 : i32
      %dma_start3A_141 = arith.constant 0 : i32
      %dma_start3A_142 = tpu.memref_slice %arg7[%dma_start3A_136, %dma_start3A_137, %dma_start3A_140, %dma_start3A_141] : memref<2x3x128x64xf32, #tpu.memory_space<vmem>> -> memref<1x1x128x64xf32, #tpu.memory_space<vmem>>
      %dma_start3A_143 = tpu.memref_squeeze %dma_start3A_142 : memref<1x1x128x64xf32, #tpu.memory_space<vmem>> -> memref<128x64xf32, #tpu.memory_space<vmem>>
      %dma_start3A_144 = arith.constant 0 : i32
      %dma_start3A_145 = tpu.memref_slice %arg6[%dma_start3A_134, %dma_start3A_135, %dma_start3A_144] : memref<1x2x128xi32, #tpu.memory_space<vmem>> -> memref<1x1x128xi32, #tpu.memory_space<vmem>>
      %dma_start3A_146 = tpu.memref_squeeze %dma_start3A_145 : memref<1x1x128xi32, #tpu.memory_space<vmem>> -> memref<128xi32, #tpu.memory_space<vmem>>
      %dma_start3A_147 = arith.constant 0 : i32
      %dma_start3A_148 = arith.constant 0 : i32
      %dma_start3A_149 = tpu.memref_slice %arg2[%dma_start3A_147, %dma_start3A_148] : memref<20000x64xf32, #tpu.memory_space<hbm>> -> memref<20000x64xf32, #tpu.memory_space<hbm>>
      %dma_start3A_150 = tpu.memref_slice %arg10[%dma_start3A_138, %dma_start3A_139] : memref<2x3x!tpu.dma_semaphore, #tpu.memory_space<semaphore_mem>> -> memref<1x1x!tpu.dma_semaphore, #tpu.memory_space<semaphore_mem>>
      %dma_start3A_151 = tpu.memref_squeeze %dma_start3A_150 : memref<1x1x!tpu.dma_semaphore, #tpu.memory_space<semaphore_mem>> -> memref<!tpu.dma_semaphore, #tpu.memory_space<semaphore_mem>>
      tpu.enqueue_indirect_dma source(%dma_start3A_149 : memref<20000x64xf32, #tpu.memory_space<hbm>>) target(%dma_start3A_143 : memref<128x64xf32, #tpu.memory_space<vmem>>) offsets(%dma_start3A_146 : memref<128xi32, #tpu.memory_space<vmem>>) semaphore(%dma_start3A_151 : memref<!tpu.dma_semaphore, #tpu.memory_space<semaphore_mem>>)
      %dma_wait3A = arith.constant 0 : i32
      %dma_wait3A_152 = arith.constant 0 : i32
      %dma_wait3A_153 = arith.constant 0 : i32
      %dma_wait3A_154 = arith.constant 0 : i32
      %dma_wait3A_155 = arith.constant 0 : i32
      %dma_wait3A_156 = arith.constant 0 : i32
      %dma_wait3A_157 = arith.constant 0 : i32
      %dma_wait3A_158 = arith.constant 0 : i32
      %dma_wait3A_159 = tpu.memref_slice %arg7[%dma_wait3A_153, %dma_wait3A_154, %dma_wait3A_157, %dma_wait3A_158] : memref<2x3x128x64xf32, #tpu.memory_space<vmem>> -> memref<1x1x128x64xf32, #tpu.memory_space<vmem>>
      %dma_wait3A_160 = tpu.memref_squeeze %dma_wait3A_159 : memref<1x1x128x64xf32, #tpu.memory_space<vmem>> -> memref<128x64xf32, #tpu.memory_space<vmem>>
      %dma_wait3A_161 = arith.constant 0 : i32
      %dma_wait3A_162 = tpu.memref_slice %arg6[%dma_wait3A, %dma_wait3A_152, %dma_wait3A_161] : memref<1x2x128xi32, #tpu.memory_space<vmem>> -> memref<1x1x128xi32, #tpu.memory_space<vmem>>
      %dma_wait3A_163 = tpu.memref_squeeze %dma_wait3A_162 : memref<1x1x128xi32, #tpu.memory_space<vmem>> -> memref<128xi32, #tpu.memory_space<vmem>>
      %dma_wait3A_164 = arith.constant 0 : i32
      %dma_wait3A_165 = arith.constant 0 : i32
      %dma_wait3A_166 = tpu.memref_slice %arg2[%dma_wait3A_164, %dma_wait3A_165] : memref<20000x64xf32, #tpu.memory_space<hbm>> -> memref<20000x64xf32, #tpu.memory_space<hbm>>
      %dma_wait3A_167 = tpu.memref_slice %arg10[%dma_wait3A_155, %dma_wait3A_156] : memref<2x3x!tpu.dma_semaphore, #tpu.memory_space<semaphore_mem>> -> memref<1x1x!tpu.dma_semaphore, #tpu.memory_space<semaphore_mem>>
      %dma_wait3A_168 = tpu.memref_squeeze %dma_wait3A_167 : memref<1x1x!tpu.dma_semaphore, #tpu.memory_space<semaphore_mem>> -> memref<!tpu.dma_semaphore, #tpu.memory_space<semaphore_mem>>
      tpu.wait_indirect_dma semaphore(%dma_wait3A_168 : memref<!tpu.dma_semaphore, #tpu.memory_space<semaphore_mem>>) src(%dma_wait3A_166 : memref<20000x64xf32, #tpu.memory_space<hbm>>) dst(%dma_wait3A_160 : memref<128x64xf32, #tpu.memory_space<vmem>>)
      %run_scoped3A = arith.constant 0 : i32
      %run_scoped3A_169 = arith.constant 0 : i32
      %run_scoped3A_170 = arith.constant 0 : i32
      %run_scoped3A_171 = arith.constant 1 : i32
      "tpu.region"() ({
        %run_scoped3A_172 = tpu.sem_alloc : memref<!tpu.dma_semaphore, #tpu.memory_space<semaphore_mem>>
        %dma_start3A_173 = arith.constant 0 : i32
        %dma_start3A_174 = arith.constant 0 : i32
        %dma_start3A_175 = tpu.memref_slice %arg7[%run_scoped3A, %run_scoped3A_169, %dma_start3A_173, %dma_start3A_174] : memref<2x3x128x64xf32, #tpu.memory_space<vmem>> -> memref<1x1x128x64xf32, #tpu.memory_space<vmem>>
        %dma_start3A_176 = tpu.memref_squeeze %dma_start3A_175 : memref<1x1x128x64xf32, #tpu.memory_space<vmem>> -> memref<128x64xf32, #tpu.memory_space<vmem>>
        %dma_start3A_177 = arith.constant 0 : i32
        %dma_start3A_178 = tpu.memref_slice %arg6[%run_scoped3A_170, %run_scoped3A_171, %dma_start3A_177] : memref<1x2x128xi32, #tpu.memory_space<vmem>> -> memref<1x1x128xi32, #tpu.memory_space<vmem>>
        %dma_start3A_179 = tpu.memref_squeeze %dma_start3A_178 : memref<1x1x128xi32, #tpu.memory_space<vmem>> -> memref<128xi32, #tpu.memory_space<vmem>>
        %dma_start3A_180 = arith.constant 0 : i32
        %dma_start3A_181 = arith.constant 0 : i32
        %dma_start3A_182 = tpu.memref_slice %arg9[%dma_start3A_180, %dma_start3A_181] : memref<10240x64xf32, #tpu.memory_space<vmem_shared>> -> memref<10240x64xf32, #tpu.memory_space<vmem_shared>>
        tpu.enqueue_indirect_dma source(%dma_start3A_176 : memref<128x64xf32, #tpu.memory_space<vmem>>) target(%dma_start3A_182 : memref<10240x64xf32, #tpu.memory_space<vmem_shared>>) offsets(%dma_start3A_179 : memref<128xi32, #tpu.memory_space<vmem>>) semaphore(%run_scoped3A_172 : memref<!tpu.dma_semaphore, #tpu.memory_space<semaphore_mem>>) {add = true}
        %dma_wait3A_183 = arith.constant 0 : i32
        %dma_wait3A_184 = arith.constant 0 : i32
        %dma_wait3A_185 = tpu.memref_slice %arg7[%run_scoped3A, %run_scoped3A_169, %dma_wait3A_183, %dma_wait3A_184] : memref<2x3x128x64xf32, #tpu.memory_space<vmem>> -> memref<1x1x128x64xf32, #tpu.memory_space<vmem>>
        %dma_wait3A_186 = tpu.memref_squeeze %dma_wait3A_185 : memref<1x1x128x64xf32, #tpu.memory_space<vmem>> -> memref<128x64xf32, #tpu.memory_space<vmem>>
        %dma_wait3A_187 = arith.constant 0 : i32
        %dma_wait3A_188 = tpu.memref_slice %arg6[%run_scoped3A_170, %run_scoped3A_171, %dma_wait3A_187] : memref<1x2x128xi32, #tpu.memory_space<vmem>> -> memref<1x1x128xi32, #tpu.memory_space<vmem>>
        %dma_wait3A_189 = tpu.memref_squeeze %dma_wait3A_188 : memref<1x1x128xi32, #tpu.memory_space<vmem>> -> memref<128xi32, #tpu.memory_space<vmem>>
        %dma_wait3A_190 = arith.constant 0 : i32
        %dma_wait3A_191 = arith.constant 0 : i32
        %dma_wait3A_192 = tpu.memref_slice %arg9[%dma_wait3A_190, %dma_wait3A_191] : memref<10240x64xf32, #tpu.memory_space<vmem_shared>> -> memref<10240x64xf32, #tpu.memory_space<vmem_shared>>
        tpu.wait_indirect_dma semaphore(%run_scoped3A_172 : memref<!tpu.dma_semaphore, #tpu.memory_space<semaphore_mem>>) src(%dma_wait3A_186 : memref<128x64xf32, #tpu.memory_space<vmem>>) dst(%dma_wait3A_192 : memref<10240x64xf32, #tpu.memory_space<vmem_shared>>)
        tpu.yield
      }) : () -> ()
    } else {
    }
    %barrier3A_101 = arith.constant 0 : index
    tpu.barrier barrier_id(%barrier3A_101)
    %mul3A_102 = arith.constant 640 : i32
    %mul3A_103 = arith.muli %arg1, %mul3A_102 : i32
    %add3A_104 = arith.constant 0 : i32
    %add3A_105 = arith.addi %mul3A_103, %add3A_104 : i32
    "tpu.region"() ({
      %run_scoped3A = tpu.sem_alloc : memref<!tpu.dma_semaphore, #tpu.memory_space<semaphore_mem>>
      %dma_start3A_134 = arith.constant 0 : i32
      %dma_start3A_135 = tpu.memref_slice %arg9[%add3A_105, %dma_start3A_134] : memref<10240x64xf32, #tpu.memory_space<vmem_shared>> -> memref<160x64xf32, #tpu.memory_space<vmem_shared>>
      %dma_start3A_136 = arith.constant 0 : i32
      %dma_start3A_137 = tpu.memref_slice %arg9[%add3A_105, %dma_start3A_136] : memref<10240x64xf32, #tpu.memory_space<vmem_shared>> -> memref<160x64xf32, #tpu.memory_space<vmem_shared>>
      tpu.enqueue_dma source(%dma_start3A_137 : memref<160x64xf32, #tpu.memory_space<vmem_shared>>) target(%arg8 : memref<160x64xf32, #tpu.memory_space<vmem>>) target_semaphore(%run_scoped3A : memref<!tpu.dma_semaphore, #tpu.memory_space<semaphore_mem>>)
      %dma_wait3A = arith.constant 0 : i32
      %dma_wait3A_138 = tpu.memref_slice %arg9[%add3A_105, %dma_wait3A] : memref<10240x64xf32, #tpu.memory_space<vmem_shared>> -> memref<160x64xf32, #tpu.memory_space<vmem_shared>>
      %dma_wait3A_139 = arith.constant 0 : i32
      %dma_wait3A_140 = tpu.memref_slice %arg9[%add3A_105, %dma_wait3A_139] : memref<10240x64xf32, #tpu.memory_space<vmem_shared>> -> memref<160x64xf32, #tpu.memory_space<vmem_shared>>
      tpu.wait_dma2 semaphore(%run_scoped3A : memref<!tpu.dma_semaphore, #tpu.memory_space<semaphore_mem>>) src(%dma_wait3A_140 : memref<160x64xf32, #tpu.memory_space<vmem_shared>>) dst(%arg8 : memref<160x64xf32, #tpu.memory_space<vmem>>)
      tpu.yield
    }) : () -> ()
    %mul3A_106 = arith.constant 640 : i32
    %mul3A_107 = arith.muli %arg1, %mul3A_106 : i32
    %add3A_108 = arith.constant 0 : i32
    %add3A_109 = arith.addi %mul3A_107, %add3A_108 : i32
    "tpu.region"() ({
      %run_scoped3A = tpu.sem_alloc : memref<!tpu.dma_semaphore, #tpu.memory_space<semaphore_mem>>
      %dma_start3A_134 = arith.constant 0 : i32
      %dma_start3A_135 = tpu.memref_slice %arg4[%arg0, %add3A_109, %dma_start3A_134] : memref<2x10240x128xf32, #tpu.memory_space<hbm>> -> memref<1x160x64xf32, #tpu.memory_space<hbm>>
      %dma_start3A_136 = tpu.memref_squeeze %dma_start3A_135 : memref<1x160x64xf32, #tpu.memory_space<hbm>> -> memref<160x64xf32, #tpu.memory_space<hbm>>
      %dma_start3A_137 = arith.constant 0 : i32
      %dma_start3A_138 = tpu.memref_slice %arg4[%arg0, %add3A_109, %dma_start3A_137] : memref<2x10240x128xf32, #tpu.memory_space<hbm>> -> memref<1x160x64xf32, #tpu.memory_space<hbm>>
      %dma_start3A_139 = tpu.memref_squeeze %dma_start3A_138 : memref<1x160x64xf32, #tpu.memory_space<hbm>> -> memref<160x64xf32, #tpu.memory_space<hbm>>
      tpu.enqueue_dma source(%arg8 : memref<160x64xf32, #tpu.memory_space<vmem>>) target(%dma_start3A_139 : memref<160x64xf32, #tpu.memory_space<hbm>>) target_semaphore(%run_scoped3A : memref<!tpu.dma_semaphore, #tpu.memory_space<semaphore_mem>>)
      %dma_wait3A = arith.constant 0 : i32
      %dma_wait3A_140 = tpu.memref_slice %arg4[%arg0, %add3A_109, %dma_wait3A] : memref<2x10240x128xf32, #tpu.memory_space<hbm>> -> memref<1x160x64xf32, #tpu.memory_space<hbm>>
      %dma_wait3A_141 = tpu.memref_squeeze %dma_wait3A_140 : memref<1x160x64xf32, #tpu.memory_space<hbm>> -> memref<160x64xf32, #tpu.memory_space<hbm>>
      %dma_wait3A_142 = arith.constant 0 : i32
      %dma_wait3A_143 = tpu.memref_slice %arg4[%arg0, %add3A_109, %dma_wait3A_142] : memref<2x10240x128xf32, #tpu.memory_space<hbm>> -> memref<1x160x64xf32, #tpu.memory_space<hbm>>
      %dma_wait3A_144 = tpu.memref_squeeze %dma_wait3A_143 : memref<1x160x64xf32, #tpu.memory_space<hbm>> -> memref<160x64xf32, #tpu.memory_space<hbm>>
      tpu.wait_dma2 semaphore(%run_scoped3A : memref<!tpu.dma_semaphore, #tpu.memory_space<semaphore_mem>>) src(%arg8 : memref<160x64xf32, #tpu.memory_space<vmem>>) dst(%dma_wait3A_144 : memref<160x64xf32, #tpu.memory_space<hbm>>)
      tpu.yield
    }) : () -> ()
    %mul3A_110 = arith.constant 640 : i32
    %mul3A_111 = arith.muli %arg1, %mul3A_110 : i32
    %add3A_112 = arith.constant 160 : i32
    %add3A_113 = arith.addi %mul3A_111, %add3A_112 : i32
    "tpu.region"() ({
      %run_scoped3A = tpu.sem_alloc : memref<!tpu.dma_semaphore, #tpu.memory_space<semaphore_mem>>
      %dma_start3A_134 = arith.constant 0 : i32
      %dma_start3A_135 = tpu.memref_slice %arg9[%add3A_113, %dma_start3A_134] : memref<10240x64xf32, #tpu.memory_space<vmem_shared>> -> memref<160x64xf32, #tpu.memory_space<vmem_shared>>
      %dma_start3A_136 = arith.constant 0 : i32
      %dma_start3A_137 = tpu.memref_slice %arg9[%add3A_113, %dma_start3A_136] : memref<10240x64xf32, #tpu.memory_space<vmem_shared>> -> memref<160x64xf32, #tpu.memory_space<vmem_shared>>
      tpu.enqueue_dma source(%dma_start3A_137 : memref<160x64xf32, #tpu.memory_space<vmem_shared>>) target(%arg8 : memref<160x64xf32, #tpu.memory_space<vmem>>) target_semaphore(%run_scoped3A : memref<!tpu.dma_semaphore, #tpu.memory_space<semaphore_mem>>)
      %dma_wait3A = arith.constant 0 : i32
      %dma_wait3A_138 = tpu.memref_slice %arg9[%add3A_113, %dma_wait3A] : memref<10240x64xf32, #tpu.memory_space<vmem_shared>> -> memref<160x64xf32, #tpu.memory_space<vmem_shared>>
      %dma_wait3A_139 = arith.constant 0 : i32
      %dma_wait3A_140 = tpu.memref_slice %arg9[%add3A_113, %dma_wait3A_139] : memref<10240x64xf32, #tpu.memory_space<vmem_shared>> -> memref<160x64xf32, #tpu.memory_space<vmem_shared>>
      tpu.wait_dma2 semaphore(%run_scoped3A : memref<!tpu.dma_semaphore, #tpu.memory_space<semaphore_mem>>) src(%dma_wait3A_140 : memref<160x64xf32, #tpu.memory_space<vmem_shared>>) dst(%arg8 : memref<160x64xf32, #tpu.memory_space<vmem>>)
      tpu.yield
    }) : () -> ()
    %mul3A_114 = arith.constant 640 : i32
    %mul3A_115 = arith.muli %arg1, %mul3A_114 : i32
    %add3A_116 = arith.constant 160 : i32
    %add3A_117 = arith.addi %mul3A_115, %add3A_116 : i32
    "tpu.region"() ({
      %run_scoped3A = tpu.sem_alloc : memref<!tpu.dma_semaphore, #tpu.memory_space<semaphore_mem>>
      %dma_start3A_134 = arith.constant 0 : i32
      %dma_start3A_135 = tpu.memref_slice %arg4[%arg0, %add3A_117, %dma_start3A_134] : memref<2x10240x128xf32, #tpu.memory_space<hbm>> -> memref<1x160x64xf32, #tpu.memory_space<hbm>>
      %dma_start3A_136 = tpu.memref_squeeze %dma_start3A_135 : memref<1x160x64xf32, #tpu.memory_space<hbm>> -> memref<160x64xf32, #tpu.memory_space<hbm>>
      %dma_start3A_137 = arith.constant 0 : i32
      %dma_start3A_138 = tpu.memref_slice %arg4[%arg0, %add3A_117, %dma_start3A_137] : memref<2x10240x128xf32, #tpu.memory_space<hbm>> -> memref<1x160x64xf32, #tpu.memory_space<hbm>>
      %dma_start3A_139 = tpu.memref_squeeze %dma_start3A_138 : memref<1x160x64xf32, #tpu.memory_space<hbm>> -> memref<160x64xf32, #tpu.memory_space<hbm>>
      tpu.enqueue_dma source(%arg8 : memref<160x64xf32, #tpu.memory_space<vmem>>) target(%dma_start3A_139 : memref<160x64xf32, #tpu.memory_space<hbm>>) target_semaphore(%run_scoped3A : memref<!tpu.dma_semaphore, #tpu.memory_space<semaphore_mem>>)
      %dma_wait3A = arith.constant 0 : i32
      %dma_wait3A_140 = tpu.memref_slice %arg4[%arg0, %add3A_117, %dma_wait3A] : memref<2x10240x128xf32, #tpu.memory_space<hbm>> -> memref<1x160x64xf32, #tpu.memory_space<hbm>>
      %dma_wait3A_141 = tpu.memref_squeeze %dma_wait3A_140 : memref<1x160x64xf32, #tpu.memory_space<hbm>> -> memref<160x64xf32, #tpu.memory_space<hbm>>
      %dma_wait3A_142 = arith.constant 0 : i32
      %dma_wait3A_143 = tpu.memref_slice %arg4[%arg0, %add3A_117, %dma_wait3A_142] : memref<2x10240x128xf32, #tpu.memory_space<hbm>> -> memref<1x160x64xf32, #tpu.memory_space<hbm>>
      %dma_wait3A_144 = tpu.memref_squeeze %dma_wait3A_143 : memref<1x160x64xf32, #tpu.memory_space<hbm>> -> memref<160x64xf32, #tpu.memory_space<hbm>>
      tpu.wait_dma2 semaphore(%run_scoped3A : memref<!tpu.dma_semaphore, #tpu.memory_space<semaphore_mem>>) src(%arg8 : memref<160x64xf32, #tpu.memory_space<vmem>>) dst(%dma_wait3A_144 : memref<160x64xf32, #tpu.memory_space<hbm>>)
      tpu.yield
    }) : () -> ()
    %mul3A_118 = arith.constant 640 : i32
    %mul3A_119 = arith.muli %arg1, %mul3A_118 : i32
    %add3A_120 = arith.constant 320 : i32
    %add3A_121 = arith.addi %mul3A_119, %add3A_120 : i32
    "tpu.region"() ({
      %run_scoped3A = tpu.sem_alloc : memref<!tpu.dma_semaphore, #tpu.memory_space<semaphore_mem>>
      %dma_start3A_134 = arith.constant 0 : i32
      %dma_start3A_135 = tpu.memref_slice %arg9[%add3A_121, %dma_start3A_134] : memref<10240x64xf32, #tpu.memory_space<vmem_shared>> -> memref<160x64xf32, #tpu.memory_space<vmem_shared>>
      %dma_start3A_136 = arith.constant 0 : i32
      %dma_start3A_137 = tpu.memref_slice %arg9[%add3A_121, %dma_start3A_136] : memref<10240x64xf32, #tpu.memory_space<vmem_shared>> -> memref<160x64xf32, #tpu.memory_space<vmem_shared>>
      tpu.enqueue_dma source(%dma_start3A_137 : memref<160x64xf32, #tpu.memory_space<vmem_shared>>) target(%arg8 : memref<160x64xf32, #tpu.memory_space<vmem>>) target_semaphore(%run_scoped3A : memref<!tpu.dma_semaphore, #tpu.memory_space<semaphore_mem>>)
      %dma_wait3A = arith.constant 0 : i32
      %dma_wait3A_138 = tpu.memref_slice %arg9[%add3A_121, %dma_wait3A] : memref<10240x64xf32, #tpu.memory_space<vmem_shared>> -> memref<160x64xf32, #tpu.memory_space<vmem_shared>>
      %dma_wait3A_139 = arith.constant 0 : i32
      %dma_wait3A_140 = tpu.memref_slice %arg9[%add3A_121, %dma_wait3A_139] : memref<10240x64xf32, #tpu.memory_space<vmem_shared>> -> memref<160x64xf32, #tpu.memory_space<vmem_shared>>
      tpu.wait_dma2 semaphore(%run_scoped3A : memref<!tpu.dma_semaphore, #tpu.memory_space<semaphore_mem>>) src(%dma_wait3A_140 : memref<160x64xf32, #tpu.memory_space<vmem_shared>>) dst(%arg8 : memref<160x64xf32, #tpu.memory_space<vmem>>)
      tpu.yield
    }) : () -> ()
    %mul3A_122 = arith.constant 640 : i32
    %mul3A_123 = arith.muli %arg1, %mul3A_122 : i32
    %add3A_124 = arith.constant 320 : i32
    %add3A_125 = arith.addi %mul3A_123, %add3A_124 : i32
    "tpu.region"() ({
      %run_scoped3A = tpu.sem_alloc : memref<!tpu.dma_semaphore, #tpu.memory_space<semaphore_mem>>
      %dma_start3A_134 = arith.constant 0 : i32
      %dma_start3A_135 = tpu.memref_slice %arg4[%arg0, %add3A_125, %dma_start3A_134] : memref<2x10240x128xf32, #tpu.memory_space<hbm>> -> memref<1x160x64xf32, #tpu.memory_space<hbm>>
      %dma_start3A_136 = tpu.memref_squeeze %dma_start3A_135 : memref<1x160x64xf32, #tpu.memory_space<hbm>> -> memref<160x64xf32, #tpu.memory_space<hbm>>
      %dma_start3A_137 = arith.constant 0 : i32
      %dma_start3A_138 = tpu.memref_slice %arg4[%arg0, %add3A_125, %dma_start3A_137] : memref<2x10240x128xf32, #tpu.memory_space<hbm>> -> memref<1x160x64xf32, #tpu.memory_space<hbm>>
      %dma_start3A_139 = tpu.memref_squeeze %dma_start3A_138 : memref<1x160x64xf32, #tpu.memory_space<hbm>> -> memref<160x64xf32, #tpu.memory_space<hbm>>
      tpu.enqueue_dma source(%arg8 : memref<160x64xf32, #tpu.memory_space<vmem>>) target(%dma_start3A_139 : memref<160x64xf32, #tpu.memory_space<hbm>>) target_semaphore(%run_scoped3A : memref<!tpu.dma_semaphore, #tpu.memory_space<semaphore_mem>>)
      %dma_wait3A = arith.constant 0 : i32
      %dma_wait3A_140 = tpu.memref_slice %arg4[%arg0, %add3A_125, %dma_wait3A] : memref<2x10240x128xf32, #tpu.memory_space<hbm>> -> memref<1x160x64xf32, #tpu.memory_space<hbm>>
      %dma_wait3A_141 = tpu.memref_squeeze %dma_wait3A_140 : memref<1x160x64xf32, #tpu.memory_space<hbm>> -> memref<160x64xf32, #tpu.memory_space<hbm>>
      %dma_wait3A_142 = arith.constant 0 : i32
      %dma_wait3A_143 = tpu.memref_slice %arg4[%arg0, %add3A_125, %dma_wait3A_142] : memref<2x10240x128xf32, #tpu.memory_space<hbm>> -> memref<1x160x64xf32, #tpu.memory_space<hbm>>
      %dma_wait3A_144 = tpu.memref_squeeze %dma_wait3A_143 : memref<1x160x64xf32, #tpu.memory_space<hbm>> -> memref<160x64xf32, #tpu.memory_space<hbm>>
      tpu.wait_dma2 semaphore(%run_scoped3A : memref<!tpu.dma_semaphore, #tpu.memory_space<semaphore_mem>>) src(%arg8 : memref<160x64xf32, #tpu.memory_space<vmem>>) dst(%dma_wait3A_144 : memref<160x64xf32, #tpu.memory_space<hbm>>)
      tpu.yield
    }) : () -> ()
    %mul3A_126 = arith.constant 640 : i32
    %mul3A_127 = arith.muli %arg1, %mul3A_126 : i32
    %add3A_128 = arith.constant 480 : i32
    %add3A_129 = arith.addi %mul3A_127, %add3A_128 : i32
    "tpu.region"() ({
      %run_scoped3A = tpu.sem_alloc : memref<!tpu.dma_semaphore, #tpu.memory_space<semaphore_mem>>
      %dma_start3A_134 = arith.constant 0 : i32
      %dma_start3A_135 = tpu.memref_slice %arg9[%add3A_129, %dma_start3A_134] : memref<10240x64xf32, #tpu.memory_space<vmem_shared>> -> memref<160x64xf32, #tpu.memory_space<vmem_shared>>
      %dma_start3A_136 = arith.constant 0 : i32
      %dma_start3A_137 = tpu.memref_slice %arg9[%add3A_129, %dma_start3A_136] : memref<10240x64xf32, #tpu.memory_space<vmem_shared>> -> memref<160x64xf32, #tpu.memory_space<vmem_shared>>
      tpu.enqueue_dma source(%dma_start3A_137 : memref<160x64xf32, #tpu.memory_space<vmem_shared>>) target(%arg8 : memref<160x64xf32, #tpu.memory_space<vmem>>) target_semaphore(%run_scoped3A : memref<!tpu.dma_semaphore, #tpu.memory_space<semaphore_mem>>)
      %dma_wait3A = arith.constant 0 : i32
      %dma_wait3A_138 = tpu.memref_slice %arg9[%add3A_129, %dma_wait3A] : memref<10240x64xf32, #tpu.memory_space<vmem_shared>> -> memref<160x64xf32, #tpu.memory_space<vmem_shared>>
      %dma_wait3A_139 = arith.constant 0 : i32
      %dma_wait3A_140 = tpu.memref_slice %arg9[%add3A_129, %dma_wait3A_139] : memref<10240x64xf32, #tpu.memory_space<vmem_shared>> -> memref<160x64xf32, #tpu.memory_space<vmem_shared>>
      tpu.wait_dma2 semaphore(%run_scoped3A : memref<!tpu.dma_semaphore, #tpu.memory_space<semaphore_mem>>) src(%dma_wait3A_140 : memref<160x64xf32, #tpu.memory_space<vmem_shared>>) dst(%arg8 : memref<160x64xf32, #tpu.memory_space<vmem>>)
      tpu.yield
    }) : () -> ()
    %mul3A_130 = arith.constant 640 : i32
    %mul3A_131 = arith.muli %arg1, %mul3A_130 : i32
    %add3A_132 = arith.constant 480 : i32
    %add3A_133 = arith.addi %mul3A_131, %add3A_132 : i32
    "tpu.region"() ({
      %run_scoped3A = tpu.sem_alloc : memref<!tpu.dma_semaphore, #tpu.memory_space<semaphore_mem>>
      %dma_start3A_134 = arith.constant 0 : i32
      %dma_start3A_135 = tpu.memref_slice %arg4[%arg0, %add3A_133, %dma_start3A_134] : memref<2x10240x128xf32, #tpu.memory_space<hbm>> -> memref<1x160x64xf32, #tpu.memory_space<hbm>>
      %dma_start3A_136 = tpu.memref_squeeze %dma_start3A_135 : memref<1x160x64xf32, #tpu.memory_space<hbm>> -> memref<160x64xf32, #tpu.memory_space<hbm>>
      %dma_start3A_137 = arith.constant 0 : i32
      %dma_start3A_138 = tpu.memref_slice %arg4[%arg0, %add3A_133, %dma_start3A_137] : memref<2x10240x128xf32, #tpu.memory_space<hbm>> -> memref<1x160x64xf32, #tpu.memory_space<hbm>>
      %dma_start3A_139 = tpu.memref_squeeze %dma_start3A_138 : memref<1x160x64xf32, #tpu.memory_space<hbm>> -> memref<160x64xf32, #tpu.memory_space<hbm>>
      tpu.enqueue_dma source(%arg8 : memref<160x64xf32, #tpu.memory_space<vmem>>) target(%dma_start3A_139 : memref<160x64xf32, #tpu.memory_space<hbm>>) target_semaphore(%run_scoped3A : memref<!tpu.dma_semaphore, #tpu.memory_space<semaphore_mem>>)
      %dma_wait3A = arith.constant 0 : i32
      %dma_wait3A_140 = tpu.memref_slice %arg4[%arg0, %add3A_133, %dma_wait3A] : memref<2x10240x128xf32, #tpu.memory_space<hbm>> -> memref<1x160x64xf32, #tpu.memory_space<hbm>>
      %dma_wait3A_141 = tpu.memref_squeeze %dma_wait3A_140 : memref<1x160x64xf32, #tpu.memory_space<hbm>> -> memref<160x64xf32, #tpu.memory_space<hbm>>
      %dma_wait3A_142 = arith.constant 0 : i32
      %dma_wait3A_143 = tpu.memref_slice %arg4[%arg0, %add3A_133, %dma_wait3A_142] : memref<2x10240x128xf32, #tpu.memory_space<hbm>> -> memref<1x160x64xf32, #tpu.memory_space<hbm>>
      %dma_wait3A_144 = tpu.memref_squeeze %dma_wait3A_143 : memref<1x160x64xf32, #tpu.memory_space<hbm>> -> memref<160x64xf32, #tpu.memory_space<hbm>>
      tpu.wait_dma2 semaphore(%run_scoped3A : memref<!tpu.dma_semaphore, #tpu.memory_space<semaphore_mem>>) src(%arg8 : memref<160x64xf32, #tpu.memory_space<vmem>>) dst(%dma_wait3A_144 : memref<160x64xf32, #tpu.memory_space<hbm>>)
      tpu.yield
    }) : () -> ()
    return
  }
}

#map = affine_map<(d0, d1) -> (0, 0, 0)>
#map1 = affine_map<(d0, d1) -> (0, 0)>
module attributes {stable_mosaic.version = 14 : i64} {
  func.func @_deg_body(%arg0: i32, %arg1: i32, %arg2: memref<2500x2x128xi32, #tpu.memory_space<hbm>>, %arg3: memref<2x10240xf32, #tpu.memory_space<hbm>>, %arg4: memref<78x2x128xi32, #tpu.memory_space<vmem>>, %arg5: memref<1x2x128xi32, #tpu.memory_space<vmem>>, %arg6: memref<128xf32, #tpu.memory_space<vmem>>, %arg7: memref<640xf32, #tpu.memory_space<vmem>>, %arg8: memref<10240xf32, #tpu.memory_space<vmem_shared>>, %arg9: memref<!tpu.dma_semaphore, #tpu.memory_space<semaphore_mem>>) attributes {dimension_semantics = [#tpu.dimension_semantics<core_parallel>, #tpu.dimension_semantics<subcore_parallel>], iteration_bounds = array<i64: 2, 16>, scalar_prefetch = 0 : i64, scratch_operands = 6 : i64, tpu.core_type = #tpu.core_type<sc_vector_subcore>, window_params = [{transform_indices = #map}, {transform_indices = #map1}]} {
    %mul3A = arith.constant 16 : i32
    %mul3A_0 = arith.muli %arg0, %mul3A : i32
    %add3A = arith.addi %mul3A_0, %arg1 : i32
    %scan3A = arith.constant 0 : i32
    %scan3A_1 = arith.constant 0 : i32
    %scan3A_2 = arith.constant 8 : i32
    %scan3A_3 = arith.addi %scan3A_1, %scan3A_2 : i32
    %scan3A_4 = arith.constant 1 : i32
    scf.for %scan3A_45 = %scan3A_1 to %scan3A_3 step %scan3A_4  : i32 {
      %broadcast_in_dim3A = arith.constant 1.000000e+00 : f32
      %broadcast_in_dim3A_46 = vector.broadcast %broadcast_in_dim3A : f32 to vector<16xf32>
      %mul3A_47 = arith.constant 16 : i32
      %mul3A_48 = arith.muli %scan3A_45, %mul3A_47 : i32
      %swap3A = arith.index_cast %mul3A_48 : i32 to index
      %swap3A_49 = tpu.vector_load %arg6[%swap3A] {strides = array<i32>} : memref<128xf32, #tpu.memory_space<vmem>>, vector<16xf32>,
      %swap3A_50 = vector.shape_cast %swap3A_49 : vector<16xf32> to vector<16xf32>
      %swap3A_51 = vector.shape_cast %broadcast_in_dim3A_46 : vector<16xf32> to vector<16xf32>
      tpu.vector_store %arg6[%swap3A], %swap3A_51 {strides = array<i32>} : memref<128xf32, #tpu.memory_space<vmem>>, vector<16xf32>,
    }
    %scan3A_5 = arith.constant 8 : i32
    %scan3A_6 = arith.constant 0 : i32
    %scan3A_7 = arith.constant 0 : i32
    %scan3A_8 = arith.constant 40 : i32
    %scan3A_9 = arith.addi %scan3A_7, %scan3A_8 : i32
    %scan3A_10 = arith.constant 1 : i32
    scf.for %scan3A_45 = %scan3A_7 to %scan3A_9 step %scan3A_10  : i32 {
      %broadcast_in_dim3A = arith.constant 0.000000e+00 : f32
      %broadcast_in_dim3A_46 = vector.broadcast %broadcast_in_dim3A : f32 to vector<16xf32>
      %mul3A_47 = arith.constant 16 : i32
      %mul3A_48 = arith.muli %scan3A_45, %mul3A_47 : i32
      %swap3A = arith.index_cast %mul3A_48 : i32 to index
      %swap3A_49 = tpu.vector_load %arg7[%swap3A] {strides = array<i32>} : memref<640xf32, #tpu.memory_space<vmem>>, vector<16xf32>,
      %swap3A_50 = vector.shape_cast %swap3A_49 : vector<16xf32> to vector<16xf32>
      %swap3A_51 = vector.shape_cast %broadcast_in_dim3A_46 : vector<16xf32> to vector<16xf32>
      tpu.vector_store %arg7[%swap3A], %swap3A_51 {strides = array<i32>} : memref<640xf32, #tpu.memory_space<vmem>>, vector<16xf32>,
    }
    %scan3A_11 = arith.constant 40 : i32
    %mul3A_12 = arith.constant 640 : i32
    %mul3A_13 = arith.muli %arg1, %mul3A_12 : i32
    "tpu.region"() ({
      %run_scoped3A = tpu.sem_alloc : memref<!tpu.dma_semaphore, #tpu.memory_space<semaphore_mem>>
      %dma_start3A = tpu.memref_slice %arg8[%mul3A_13] : memref<10240xf32, #tpu.memory_space<vmem_shared>> -> memref<640xf32, #tpu.memory_space<vmem_shared>>
      %dma_start3A_45 = tpu.memref_slice %arg8[%mul3A_13] : memref<10240xf32, #tpu.memory_space<vmem_shared>> -> memref<640xf32, #tpu.memory_space<vmem_shared>>
      tpu.enqueue_dma source(%arg7 : memref<640xf32, #tpu.memory_space<vmem>>) target(%dma_start3A_45 : memref<640xf32, #tpu.memory_space<vmem_shared>>) target_semaphore(%run_scoped3A : memref<!tpu.dma_semaphore, #tpu.memory_space<semaphore_mem>>)
      %dma_wait3A = tpu.memref_slice %arg8[%mul3A_13] : memref<10240xf32, #tpu.memory_space<vmem_shared>> -> memref<640xf32, #tpu.memory_space<vmem_shared>>
      %dma_wait3A_46 = tpu.memref_slice %arg8[%mul3A_13] : memref<10240xf32, #tpu.memory_space<vmem_shared>> -> memref<640xf32, #tpu.memory_space<vmem_shared>>
      tpu.wait_dma2 semaphore(%run_scoped3A : memref<!tpu.dma_semaphore, #tpu.memory_space<semaphore_mem>>) src(%arg7 : memref<640xf32, #tpu.memory_space<vmem>>) dst(%dma_wait3A_46 : memref<640xf32, #tpu.memory_space<vmem_shared>>)
      tpu.yield
    }) : () -> ()
    %mul3A_14 = arith.constant 78 : i32
    %mul3A_15 = arith.muli %add3A, %mul3A_14 : i32
    "tpu.region"() ({
      %run_scoped3A = tpu.sem_alloc : memref<!tpu.dma_semaphore, #tpu.memory_space<semaphore_mem>>
      %dma_start3A = arith.constant 0 : i32
      %dma_start3A_45 = arith.constant 0 : i32
      %dma_start3A_46 = tpu.memref_slice %arg2[%mul3A_15, %dma_start3A, %dma_start3A_45] : memref<2500x2x128xi32, #tpu.memory_space<hbm>> -> memref<78x2x128xi32, #tpu.memory_space<hbm>>
      %dma_start3A_47 = arith.constant 0 : i32
      %dma_start3A_48 = arith.constant 0 : i32
      %dma_start3A_49 = tpu.memref_slice %arg2[%mul3A_15, %dma_start3A_47, %dma_start3A_48] : memref<2500x2x128xi32, #tpu.memory_space<hbm>> -> memref<78x2x128xi32, #tpu.memory_space<hbm>>
      tpu.enqueue_dma source(%dma_start3A_49 : memref<78x2x128xi32, #tpu.memory_space<hbm>>) target(%arg4 : memref<78x2x128xi32, #tpu.memory_space<vmem>>) target_semaphore(%run_scoped3A : memref<!tpu.dma_semaphore, #tpu.memory_space<semaphore_mem>>)
      %dma_wait3A = arith.constant 0 : i32
      %dma_wait3A_50 = arith.constant 0 : i32
      %dma_wait3A_51 = tpu.memref_slice %arg2[%mul3A_15, %dma_wait3A, %dma_wait3A_50] : memref<2500x2x128xi32, #tpu.memory_space<hbm>> -> memref<78x2x128xi32, #tpu.memory_space<hbm>>
      %dma_wait3A_52 = arith.constant 0 : i32
      %dma_wait3A_53 = arith.constant 0 : i32
      %dma_wait3A_54 = tpu.memref_slice %arg2[%mul3A_15, %dma_wait3A_52, %dma_wait3A_53] : memref<2500x2x128xi32, #tpu.memory_space<hbm>> -> memref<78x2x128xi32, #tpu.memory_space<hbm>>
      tpu.wait_dma2 semaphore(%run_scoped3A : memref<!tpu.dma_semaphore, #tpu.memory_space<semaphore_mem>>) src(%dma_wait3A_54 : memref<78x2x128xi32, #tpu.memory_space<hbm>>) dst(%arg4 : memref<78x2x128xi32, #tpu.memory_space<vmem>>)
      tpu.yield
    }) : () -> ()
    %lt3A = arith.constant 4 : i32
    %lt3A_16 = arith.cmpi slt, %add3A, %lt3A : i32
    %convert_element_type3A = arith.extui %lt3A_16 : i1 to i32
    %cond3A = arith.constant 0 : i32
    %cond3A_17 = arith.cmpi ne, %convert_element_type3A, %cond3A : i32
    scf.if %cond3A_17 {
      %add3A_45 = arith.constant 2496 : i32
      %add3A_46 = arith.addi %add3A_45, %add3A : i32
      "tpu.region"() ({
        %run_scoped3A = tpu.sem_alloc : memref<!tpu.dma_semaphore, #tpu.memory_space<semaphore_mem>>
        %dma_start3A = arith.constant 0 : i32
        %dma_start3A_47 = arith.constant 0 : i32
        %dma_start3A_48 = tpu.memref_slice %arg2[%add3A_46, %dma_start3A, %dma_start3A_47] : memref<2500x2x128xi32, #tpu.memory_space<hbm>> -> memref<1x2x128xi32, #tpu.memory_space<hbm>>
        %dma_start3A_49 = arith.constant 0 : i32
        %dma_start3A_50 = arith.constant 0 : i32
        %dma_start3A_51 = tpu.memref_slice %arg2[%add3A_46, %dma_start3A_49, %dma_start3A_50] : memref<2500x2x128xi32, #tpu.memory_space<hbm>> -> memref<1x2x128xi32, #tpu.memory_space<hbm>>
        tpu.enqueue_dma source(%dma_start3A_51 : memref<1x2x128xi32, #tpu.memory_space<hbm>>) target(%arg5 : memref<1x2x128xi32, #tpu.memory_space<vmem>>) target_semaphore(%run_scoped3A : memref<!tpu.dma_semaphore, #tpu.memory_space<semaphore_mem>>)
        %dma_wait3A = arith.constant 0 : i32
        %dma_wait3A_52 = arith.constant 0 : i32
        %dma_wait3A_53 = tpu.memref_slice %arg2[%add3A_46, %dma_wait3A, %dma_wait3A_52] : memref<2500x2x128xi32, #tpu.memory_space<hbm>> -> memref<1x2x128xi32, #tpu.memory_space<hbm>>
        %dma_wait3A_54 = arith.constant 0 : i32
        %dma_wait3A_55 = arith.constant 0 : i32
        %dma_wait3A_56 = tpu.memref_slice %arg2[%add3A_46, %dma_wait3A_54, %dma_wait3A_55] : memref<2500x2x128xi32, #tpu.memory_space<hbm>> -> memref<1x2x128xi32, #tpu.memory_space<hbm>>
        tpu.wait_dma2 semaphore(%run_scoped3A : memref<!tpu.dma_semaphore, #tpu.memory_space<semaphore_mem>>) src(%dma_wait3A_56 : memref<1x2x128xi32, #tpu.memory_space<hbm>>) dst(%arg5 : memref<1x2x128xi32, #tpu.memory_space<vmem>>)
        tpu.yield
      }) : () -> ()
    } else {
    }
    %barrier3A = arith.constant 0 : index
    tpu.barrier barrier_id(%barrier3A)
    %scan3A_18 = arith.constant 0 : i32
    %scan3A_19 = arith.constant 0 : i32
    %scan3A_20 = arith.constant 78 : i32
    %scan3A_21 = arith.addi %scan3A_19, %scan3A_20 : i32
    %scan3A_22 = arith.constant 1 : i32
    scf.for %scan3A_45 = %scan3A_19 to %scan3A_21 step %scan3A_22  : i32 {
      %dma_start3A = arith.constant 1 : i32
      %dma_start3A_46 = arith.constant 0 : i32
      %dma_start3A_47 = tpu.memref_slice %arg4[%scan3A_45, %dma_start3A, %dma_start3A_46] : memref<78x2x128xi32, #tpu.memory_space<vmem>> -> memref<1x1x128xi32, #tpu.memory_space<vmem>>
      %dma_start3A_48 = tpu.memref_squeeze %dma_start3A_47 : memref<1x1x128xi32, #tpu.memory_space<vmem>> -> memref<128xi32, #tpu.memory_space<vmem>>
      %dma_start3A_49 = arith.constant 0 : i32
      %dma_start3A_50 = tpu.memref_slice %arg8[%dma_start3A_49] : memref<10240xf32, #tpu.memory_space<vmem_shared>> -> memref<10240xf32, #tpu.memory_space<vmem_shared>>
      tpu.enqueue_indirect_dma source(%arg6 : memref<128xf32, #tpu.memory_space<vmem>>) target(%dma_start3A_50 : memref<10240xf32, #tpu.memory_space<vmem_shared>>) offsets(%dma_start3A_48 : memref<128xi32, #tpu.memory_space<vmem>>) semaphore(%arg9 : memref<!tpu.dma_semaphore, #tpu.memory_space<semaphore_mem>>) {add = true}
    }
    %scan3A_23 = arith.constant 78 : i32
    %lt3A_24 = arith.constant 4 : i32
    %lt3A_25 = arith.cmpi slt, %add3A, %lt3A_24 : i32
    %convert_element_type3A_26 = arith.extui %lt3A_25 : i1 to i32
    %cond3A_27 = arith.constant 0 : i32
    %cond3A_28 = arith.cmpi ne, %convert_element_type3A_26, %cond3A_27 : i32
    scf.if %cond3A_28 {
      %dma_start3A = arith.constant 0 : i32
      %dma_start3A_45 = arith.constant 1 : i32
      %dma_start3A_46 = arith.constant 0 : i32
      %dma_start3A_47 = tpu.memref_slice %arg5[%dma_start3A, %dma_start3A_45, %dma_start3A_46] : memref<1x2x128xi32, #tpu.memory_space<vmem>> -> memref<1x1x128xi32, #tpu.memory_space<vmem>>
      %dma_start3A_48 = tpu.memref_squeeze %dma_start3A_47 : memref<1x1x128xi32, #tpu.memory_space<vmem>> -> memref<128xi32, #tpu.memory_space<vmem>>
      %dma_start3A_49 = arith.constant 0 : i32
      %dma_start3A_50 = tpu.memref_slice %arg8[%dma_start3A_49] : memref<10240xf32, #tpu.memory_space<vmem_shared>> -> memref<10240xf32, #tpu.memory_space<vmem_shared>>
      tpu.enqueue_indirect_dma source(%arg6 : memref<128xf32, #tpu.memory_space<vmem>>) target(%dma_start3A_50 : memref<10240xf32, #tpu.memory_space<vmem_shared>>) offsets(%dma_start3A_48 : memref<128xi32, #tpu.memory_space<vmem>>) semaphore(%arg9 : memref<!tpu.dma_semaphore, #tpu.memory_space<semaphore_mem>>) {add = true}
    } else {
    }
    %scan3A_29 = arith.constant 0 : i32
    %scan3A_30 = arith.constant 0 : i32
    %scan3A_31 = arith.constant 78 : i32
    %scan3A_32 = arith.addi %scan3A_30, %scan3A_31 : i32
    %scan3A_33 = arith.constant 1 : i32
    scf.for %scan3A_45 = %scan3A_30 to %scan3A_32 step %scan3A_33  : i32 {
      %dma_wait3A = arith.constant 1 : i32
      %dma_wait3A_46 = arith.constant 0 : i32
      %dma_wait3A_47 = tpu.memref_slice %arg4[%scan3A_45, %dma_wait3A, %dma_wait3A_46] : memref<78x2x128xi32, #tpu.memory_space<vmem>> -> memref<1x1x128xi32, #tpu.memory_space<vmem>>
      %dma_wait3A_48 = tpu.memref_squeeze %dma_wait3A_47 : memref<1x1x128xi32, #tpu.memory_space<vmem>> -> memref<128xi32, #tpu.memory_space<vmem>>
      %dma_wait3A_49 = arith.constant 0 : i32
      %dma_wait3A_50 = tpu.memref_slice %arg8[%dma_wait3A_49] : memref<10240xf32, #tpu.memory_space<vmem_shared>> -> memref<10240xf32, #tpu.memory_space<vmem_shared>>
      tpu.wait_indirect_dma semaphore(%arg9 : memref<!tpu.dma_semaphore, #tpu.memory_space<semaphore_mem>>) src(%arg6 : memref<128xf32, #tpu.memory_space<vmem>>) dst(%dma_wait3A_50 : memref<10240xf32, #tpu.memory_space<vmem_shared>>)
    }
    %scan3A_34 = arith.constant 78 : i32
    %lt3A_35 = arith.constant 4 : i32
    %lt3A_36 = arith.cmpi slt, %add3A, %lt3A_35 : i32
    %convert_element_type3A_37 = arith.extui %lt3A_36 : i1 to i32
    %cond3A_38 = arith.constant 0 : i32
    %cond3A_39 = arith.cmpi ne, %convert_element_type3A_37, %cond3A_38 : i32
    scf.if %cond3A_39 {
      %dma_wait3A = arith.constant 0 : i32
      %dma_wait3A_45 = arith.constant 1 : i32
      %dma_wait3A_46 = arith.constant 0 : i32
      %dma_wait3A_47 = tpu.memref_slice %arg5[%dma_wait3A, %dma_wait3A_45, %dma_wait3A_46] : memref<1x2x128xi32, #tpu.memory_space<vmem>> -> memref<1x1x128xi32, #tpu.memory_space<vmem>>
      %dma_wait3A_48 = tpu.memref_squeeze %dma_wait3A_47 : memref<1x1x128xi32, #tpu.memory_space<vmem>> -> memref<128xi32, #tpu.memory_space<vmem>>
      %dma_wait3A_49 = arith.constant 0 : i32
      %dma_wait3A_50 = tpu.memref_slice %arg8[%dma_wait3A_49] : memref<10240xf32, #tpu.memory_space<vmem_shared>> -> memref<10240xf32, #tpu.memory_space<vmem_shared>>
      tpu.wait_indirect_dma semaphore(%arg9 : memref<!tpu.dma_semaphore, #tpu.memory_space<semaphore_mem>>) src(%arg6 : memref<128xf32, #tpu.memory_space<vmem>>) dst(%dma_wait3A_50 : memref<10240xf32, #tpu.memory_space<vmem_shared>>)
    } else {
    }
    %barrier3A_40 = arith.constant 0 : index
    tpu.barrier barrier_id(%barrier3A_40)
    %mul3A_41 = arith.constant 640 : i32
    %mul3A_42 = arith.muli %arg1, %mul3A_41 : i32
    "tpu.region"() ({
      %run_scoped3A = tpu.sem_alloc : memref<!tpu.dma_semaphore, #tpu.memory_space<semaphore_mem>>
      %dma_start3A = tpu.memref_slice %arg8[%mul3A_42] : memref<10240xf32, #tpu.memory_space<vmem_shared>> -> memref<640xf32, #tpu.memory_space<vmem_shared>>
      %dma_start3A_45 = tpu.memref_slice %arg8[%mul3A_42] : memref<10240xf32, #tpu.memory_space<vmem_shared>> -> memref<640xf32, #tpu.memory_space<vmem_shared>>
      tpu.enqueue_dma source(%dma_start3A_45 : memref<640xf32, #tpu.memory_space<vmem_shared>>) target(%arg7 : memref<640xf32, #tpu.memory_space<vmem>>) target_semaphore(%run_scoped3A : memref<!tpu.dma_semaphore, #tpu.memory_space<semaphore_mem>>)
      %dma_wait3A = tpu.memref_slice %arg8[%mul3A_42] : memref<10240xf32, #tpu.memory_space<vmem_shared>> -> memref<640xf32, #tpu.memory_space<vmem_shared>>
      %dma_wait3A_46 = tpu.memref_slice %arg8[%mul3A_42] : memref<10240xf32, #tpu.memory_space<vmem_shared>> -> memref<640xf32, #tpu.memory_space<vmem_shared>>
      tpu.wait_dma2 semaphore(%run_scoped3A : memref<!tpu.dma_semaphore, #tpu.memory_space<semaphore_mem>>) src(%dma_wait3A_46 : memref<640xf32, #tpu.memory_space<vmem_shared>>) dst(%arg7 : memref<640xf32, #tpu.memory_space<vmem>>)
      tpu.yield
    }) : () -> ()
    %mul3A_43 = arith.constant 640 : i32
    %mul3A_44 = arith.muli %arg1, %mul3A_43 : i32
    "tpu.region"() ({
      %run_scoped3A = tpu.sem_alloc : memref<!tpu.dma_semaphore, #tpu.memory_space<semaphore_mem>>
      %dma_start3A = tpu.memref_slice %arg3[%arg0, %mul3A_44] : memref<2x10240xf32, #tpu.memory_space<hbm>> -> memref<1x640xf32, #tpu.memory_space<hbm>>
      %dma_start3A_45 = tpu.memref_squeeze %dma_start3A : memref<1x640xf32, #tpu.memory_space<hbm>> -> memref<640xf32, #tpu.memory_space<hbm>>
      %dma_start3A_46 = tpu.memref_slice %arg3[%arg0, %mul3A_44] : memref<2x10240xf32, #tpu.memory_space<hbm>> -> memref<1x640xf32, #tpu.memory_space<hbm>>
      %dma_start3A_47 = tpu.memref_squeeze %dma_start3A_46 : memref<1x640xf32, #tpu.memory_space<hbm>> -> memref<640xf32, #tpu.memory_space<hbm>>
      tpu.enqueue_dma source(%arg7 : memref<640xf32, #tpu.memory_space<vmem>>) target(%dma_start3A_47 : memref<640xf32, #tpu.memory_space<hbm>>) target_semaphore(%run_scoped3A : memref<!tpu.dma_semaphore, #tpu.memory_space<semaphore_mem>>)
      %dma_wait3A = tpu.memref_slice %arg3[%arg0, %mul3A_44] : memref<2x10240xf32, #tpu.memory_space<hbm>> -> memref<1x640xf32, #tpu.memory_space<hbm>>
      %dma_wait3A_48 = tpu.memref_squeeze %dma_wait3A : memref<1x640xf32, #tpu.memory_space<hbm>> -> memref<640xf32, #tpu.memory_space<hbm>>
      %dma_wait3A_49 = tpu.memref_slice %arg3[%arg0, %mul3A_44] : memref<2x10240xf32, #tpu.memory_space<hbm>> -> memref<1x640xf32, #tpu.memory_space<hbm>>
      %dma_wait3A_50 = tpu.memref_squeeze %dma_wait3A_49 : memref<1x640xf32, #tpu.memory_space<hbm>> -> memref<640xf32, #tpu.memory_space<hbm>>
      tpu.wait_dma2 semaphore(%run_scoped3A : memref<!tpu.dma_semaphore, #tpu.memory_space<semaphore_mem>>) src(%arg7 : memref<640xf32, #tpu.memory_space<vmem>>) dst(%dma_wait3A_50 : memref<640xf32, #tpu.memory_space<hbm>>)
      tpu.yield
    }) : () -> ()
    return
  }
}

#map = affine_map<(d0, d1) -> (0, 0)>
#map1 = affine_map<(d0, d1) -> (0, 0, 0)>
module attributes {stable_mosaic.version = 14 : i64} {
  func.func @_agg_body(%arg0: i32, %arg1: i32, %arg2: memref<20000x64xf32, #tpu.memory_space<hbm>>, %arg3: memref<2500x2x128xi32, #tpu.memory_space<hbm>>, %arg4: memref<2x10240x128xf32, #tpu.memory_space<hbm>>, %arg5: memref<78x2x128xi32, #tpu.memory_space<vmem>>, %arg6: memref<1x2x128xi32, #tpu.memory_space<vmem>>, %arg7: memref<2x3x128x64xf32, #tpu.memory_space<vmem>>, %arg8: memref<160x64xf32, #tpu.memory_space<vmem>>, %arg9: memref<10240x64xf32, #tpu.memory_space<vmem_shared>>, %arg10: memref<2x3x!tpu.dma_semaphore, #tpu.memory_space<semaphore_mem>>) attributes {dimension_semantics = [#tpu.dimension_semantics<core_parallel>, #tpu.dimension_semantics<subcore_parallel>], iteration_bounds = array<i64: 2, 16>, scalar_prefetch = 0 : i64, scratch_operands = 6 : i64, tpu.core_type = #tpu.core_type<sc_vector_subcore>, window_params = [{transform_indices = #map}, {transform_indices = #map1}, {transform_indices = #map1}]} {
    %mul3A = arith.constant 16 : i32
    %mul3A_0 = arith.muli %arg0, %mul3A : i32
    %add3A = arith.addi %mul3A_0, %arg1 : i32
    %scan3A = arith.constant 0 : i32
    %scan3A_1 = arith.constant 0 : i32
    %scan3A_2 = arith.constant 160 : i32
    %scan3A_3 = arith.addi %scan3A_1, %scan3A_2 : i32
    %scan3A_4 = arith.constant 1 : i32
    scf.for %scan3A_134 = %scan3A_1 to %scan3A_3 step %scan3A_4  : i32 {
      %broadcast_in_dim3A = arith.constant 0.000000e+00 : f32
      %broadcast_in_dim3A_135 = vector.broadcast %broadcast_in_dim3A : f32 to vector<16xf32>
      %swap3A = arith.index_cast %scan3A_134 : i32 to index
      %swap3A_136 = arith.constant 0 : index
      %swap3A_137 = tpu.vector_load %arg8[%swap3A, %swap3A_136] {strides = array<i32>} : memref<160x64xf32, #tpu.memory_space<vmem>>, vector<1x16xf32>,
      %swap3A_138 = vector.shape_cast %swap3A_137 : vector<1x16xf32> to vector<16xf32>
      %swap3A_139 = vector.shape_cast %broadcast_in_dim3A_135 : vector<16xf32> to vector<1x16xf32>
      tpu.vector_store %arg8[%swap3A, %swap3A_136], %swap3A_139 {strides = array<i32>} : memref<160x64xf32, #tpu.memory_space<vmem>>, vector<1x16xf32>,
      %broadcast_in_dim3A_140 = arith.constant 0.000000e+00 : f32
      %broadcast_in_dim3A_141 = vector.broadcast %broadcast_in_dim3A_140 : f32 to vector<16xf32>
      %swap3A_142 = arith.index_cast %scan3A_134 : i32 to index
      %swap3A_143 = arith.constant 16 : index
      %swap3A_144 = tpu.vector_load %arg8[%swap3A_142, %swap3A_143] {strides = array<i32>} : memref<160x64xf32, #tpu.memory_space<vmem>>, vector<1x16xf32>,
      %swap3A_145 = vector.shape_cast %swap3A_144 : vector<1x16xf32> to vector<16xf32>
      %swap3A_146 = vector.shape_cast %broadcast_in_dim3A_141 : vector<16xf32> to vector<1x16xf32>
      tpu.vector_store %arg8[%swap3A_142, %swap3A_143], %swap3A_146 {strides = array<i32>} : memref<160x64xf32, #tpu.memory_space<vmem>>, vector<1x16xf32>,
      %broadcast_in_dim3A_147 = arith.constant 0.000000e+00 : f32
      %broadcast_in_dim3A_148 = vector.broadcast %broadcast_in_dim3A_147 : f32 to vector<16xf32>
      %swap3A_149 = arith.index_cast %scan3A_134 : i32 to index
      %swap3A_150 = arith.constant 32 : index
      %swap3A_151 = tpu.vector_load %arg8[%swap3A_149, %swap3A_150] {strides = array<i32>} : memref<160x64xf32, #tpu.memory_space<vmem>>, vector<1x16xf32>,
      %swap3A_152 = vector.shape_cast %swap3A_151 : vector<1x16xf32> to vector<16xf32>
      %swap3A_153 = vector.shape_cast %broadcast_in_dim3A_148 : vector<16xf32> to vector<1x16xf32>
      tpu.vector_store %arg8[%swap3A_149, %swap3A_150], %swap3A_153 {strides = array<i32>} : memref<160x64xf32, #tpu.memory_space<vmem>>, vector<1x16xf32>,
      %broadcast_in_dim3A_154 = arith.constant 0.000000e+00 : f32
      %broadcast_in_dim3A_155 = vector.broadcast %broadcast_in_dim3A_154 : f32 to vector<16xf32>
      %swap3A_156 = arith.index_cast %scan3A_134 : i32 to index
      %swap3A_157 = arith.constant 48 : index
      %swap3A_158 = tpu.vector_load %arg8[%swap3A_156, %swap3A_157] {strides = array<i32>} : memref<160x64xf32, #tpu.memory_space<vmem>>, vector<1x16xf32>,
      %swap3A_159 = vector.shape_cast %swap3A_158 : vector<1x16xf32> to vector<16xf32>
      %swap3A_160 = vector.shape_cast %broadcast_in_dim3A_155 : vector<16xf32> to vector<1x16xf32>
      tpu.vector_store %arg8[%swap3A_156, %swap3A_157], %swap3A_160 {strides = array<i32>} : memref<160x64xf32, #tpu.memory_space<vmem>>, vector<1x16xf32>,
    }
    %scan3A_5 = arith.constant 160 : i32
    %mul3A_6 = arith.constant 640 : i32
    %mul3A_7 = arith.muli %arg1, %mul3A_6 : i32
    %add3A_8 = arith.constant 0 : i32
    %add3A_9 = arith.addi %mul3A_7, %add3A_8 : i32
    "tpu.region"() ({
      %run_scoped3A = tpu.sem_alloc : memref<!tpu.dma_semaphore, #tpu.memory_space<semaphore_mem>>
      %dma_start3A_134 = arith.constant 0 : i32
      %dma_start3A_135 = tpu.memref_slice %arg9[%add3A_9, %dma_start3A_134] : memref<10240x64xf32, #tpu.memory_space<vmem_shared>> -> memref<160x64xf32, #tpu.memory_space<vmem_shared>>
      %dma_start3A_136 = arith.constant 0 : i32
      %dma_start3A_137 = tpu.memref_slice %arg9[%add3A_9, %dma_start3A_136] : memref<10240x64xf32, #tpu.memory_space<vmem_shared>> -> memref<160x64xf32, #tpu.memory_space<vmem_shared>>
      tpu.enqueue_dma source(%arg8 : memref<160x64xf32, #tpu.memory_space<vmem>>) target(%dma_start3A_137 : memref<160x64xf32, #tpu.memory_space<vmem_shared>>) target_semaphore(%run_scoped3A : memref<!tpu.dma_semaphore, #tpu.memory_space<semaphore_mem>>)
      %dma_wait3A = arith.constant 0 : i32
      %dma_wait3A_138 = tpu.memref_slice %arg9[%add3A_9, %dma_wait3A] : memref<10240x64xf32, #tpu.memory_space<vmem_shared>> -> memref<160x64xf32, #tpu.memory_space<vmem_shared>>
      %dma_wait3A_139 = arith.constant 0 : i32
      %dma_wait3A_140 = tpu.memref_slice %arg9[%add3A_9, %dma_wait3A_139] : memref<10240x64xf32, #tpu.memory_space<vmem_shared>> -> memref<160x64xf32, #tpu.memory_space<vmem_shared>>
      tpu.wait_dma2 semaphore(%run_scoped3A : memref<!tpu.dma_semaphore, #tpu.memory_space<semaphore_mem>>) src(%arg8 : memref<160x64xf32, #tpu.memory_space<vmem>>) dst(%dma_wait3A_140 : memref<160x64xf32, #tpu.memory_space<vmem_shared>>)
      tpu.yield
    }) : () -> ()
    %mul3A_10 = arith.constant 640 : i32
    %mul3A_11 = arith.muli %arg1, %mul3A_10 : i32
    %add3A_12 = arith.constant 160 : i32
    %add3A_13 = arith.addi %mul3A_11, %add3A_12 : i32
    "tpu.region"() ({
      %run_scoped3A = tpu.sem_alloc : memref<!tpu.dma_semaphore, #tpu.memory_space<semaphore_mem>>
      %dma_start3A_134 = arith.constant 0 : i32
      %dma_start3A_135 = tpu.memref_slice %arg9[%add3A_13, %dma_start3A_134] : memref<10240x64xf32, #tpu.memory_space<vmem_shared>> -> memref<160x64xf32, #tpu.memory_space<vmem_shared>>
      %dma_start3A_136 = arith.constant 0 : i32
      %dma_start3A_137 = tpu.memref_slice %arg9[%add3A_13, %dma_start3A_136] : memref<10240x64xf32, #tpu.memory_space<vmem_shared>> -> memref<160x64xf32, #tpu.memory_space<vmem_shared>>
      tpu.enqueue_dma source(%arg8 : memref<160x64xf32, #tpu.memory_space<vmem>>) target(%dma_start3A_137 : memref<160x64xf32, #tpu.memory_space<vmem_shared>>) target_semaphore(%run_scoped3A : memref<!tpu.dma_semaphore, #tpu.memory_space<semaphore_mem>>)
      %dma_wait3A = arith.constant 0 : i32
      %dma_wait3A_138 = tpu.memref_slice %arg9[%add3A_13, %dma_wait3A] : memref<10240x64xf32, #tpu.memory_space<vmem_shared>> -> memref<160x64xf32, #tpu.memory_space<vmem_shared>>
      %dma_wait3A_139 = arith.constant 0 : i32
      %dma_wait3A_140 = tpu.memref_slice %arg9[%add3A_13, %dma_wait3A_139] : memref<10240x64xf32, #tpu.memory_space<vmem_shared>> -> memref<160x64xf32, #tpu.memory_space<vmem_shared>>
      tpu.wait_dma2 semaphore(%run_scoped3A : memref<!tpu.dma_semaphore, #tpu.memory_space<semaphore_mem>>) src(%arg8 : memref<160x64xf32, #tpu.memory_space<vmem>>) dst(%dma_wait3A_140 : memref<160x64xf32, #tpu.memory_space<vmem_shared>>)
      tpu.yield
    }) : () -> ()
    %mul3A_14 = arith.constant 640 : i32
    %mul3A_15 = arith.muli %arg1, %mul3A_14 : i32
    %add3A_16 = arith.constant 320 : i32
    %add3A_17 = arith.addi %mul3A_15, %add3A_16 : i32
    "tpu.region"() ({
      %run_scoped3A = tpu.sem_alloc : memref<!tpu.dma_semaphore, #tpu.memory_space<semaphore_mem>>
      %dma_start3A_134 = arith.constant 0 : i32
      %dma_start3A_135 = tpu.memref_slice %arg9[%add3A_17, %dma_start3A_134] : memref<10240x64xf32, #tpu.memory_space<vmem_shared>> -> memref<160x64xf32, #tpu.memory_space<vmem_shared>>
      %dma_start3A_136 = arith.constant 0 : i32
      %dma_start3A_137 = tpu.memref_slice %arg9[%add3A_17, %dma_start3A_136] : memref<10240x64xf32, #tpu.memory_space<vmem_shared>> -> memref<160x64xf32, #tpu.memory_space<vmem_shared>>
      tpu.enqueue_dma source(%arg8 : memref<160x64xf32, #tpu.memory_space<vmem>>) target(%dma_start3A_137 : memref<160x64xf32, #tpu.memory_space<vmem_shared>>) target_semaphore(%run_scoped3A : memref<!tpu.dma_semaphore, #tpu.memory_space<semaphore_mem>>)
      %dma_wait3A = arith.constant 0 : i32
      %dma_wait3A_138 = tpu.memref_slice %arg9[%add3A_17, %dma_wait3A] : memref<10240x64xf32, #tpu.memory_space<vmem_shared>> -> memref<160x64xf32, #tpu.memory_space<vmem_shared>>
      %dma_wait3A_139 = arith.constant 0 : i32
      %dma_wait3A_140 = tpu.memref_slice %arg9[%add3A_17, %dma_wait3A_139] : memref<10240x64xf32, #tpu.memory_space<vmem_shared>> -> memref<160x64xf32, #tpu.memory_space<vmem_shared>>
      tpu.wait_dma2 semaphore(%run_scoped3A : memref<!tpu.dma_semaphore, #tpu.memory_space<semaphore_mem>>) src(%arg8 : memref<160x64xf32, #tpu.memory_space<vmem>>) dst(%dma_wait3A_140 : memref<160x64xf32, #tpu.memory_space<vmem_shared>>)
      tpu.yield
    }) : () -> ()
    %mul3A_18 = arith.constant 640 : i32
    %mul3A_19 = arith.muli %arg1, %mul3A_18 : i32
    %add3A_20 = arith.constant 480 : i32
    %add3A_21 = arith.addi %mul3A_19, %add3A_20 : i32
    "tpu.region"() ({
      %run_scoped3A = tpu.sem_alloc : memref<!tpu.dma_semaphore, #tpu.memory_space<semaphore_mem>>
      %dma_start3A_134 = arith.constant 0 : i32
      %dma_start3A_135 = tpu.memref_slice %arg9[%add3A_21, %dma_start3A_134] : memref<10240x64xf32, #tpu.memory_space<vmem_shared>> -> memref<160x64xf32, #tpu.memory_space<vmem_shared>>
      %dma_start3A_136 = arith.constant 0 : i32
      %dma_start3A_137 = tpu.memref_slice %arg9[%add3A_21, %dma_start3A_136] : memref<10240x64xf32, #tpu.memory_space<vmem_shared>> -> memref<160x64xf32, #tpu.memory_space<vmem_shared>>
      tpu.enqueue_dma source(%arg8 : memref<160x64xf32, #tpu.memory_space<vmem>>) target(%dma_start3A_137 : memref<160x64xf32, #tpu.memory_space<vmem_shared>>) target_semaphore(%run_scoped3A : memref<!tpu.dma_semaphore, #tpu.memory_space<semaphore_mem>>)
      %dma_wait3A = arith.constant 0 : i32
      %dma_wait3A_138 = tpu.memref_slice %arg9[%add3A_21, %dma_wait3A] : memref<10240x64xf32, #tpu.memory_space<vmem_shared>> -> memref<160x64xf32, #tpu.memory_space<vmem_shared>>
      %dma_wait3A_139 = arith.constant 0 : i32
      %dma_wait3A_140 = tpu.memref_slice %arg9[%add3A_21, %dma_wait3A_139] : memref<10240x64xf32, #tpu.memory_space<vmem_shared>> -> memref<160x64xf32, #tpu.memory_space<vmem_shared>>
      tpu.wait_dma2 semaphore(%run_scoped3A : memref<!tpu.dma_semaphore, #tpu.memory_space<semaphore_mem>>) src(%arg8 : memref<160x64xf32, #tpu.memory_space<vmem>>) dst(%dma_wait3A_140 : memref<160x64xf32, #tpu.memory_space<vmem_shared>>)
      tpu.yield
    }) : () -> ()
    %mul3A_22 = arith.constant 78 : i32
    %mul3A_23 = arith.muli %add3A, %mul3A_22 : i32
    "tpu.region"() ({
      %run_scoped3A = tpu.sem_alloc : memref<!tpu.dma_semaphore, #tpu.memory_space<semaphore_mem>>
      %dma_start3A_134 = arith.constant 0 : i32
      %dma_start3A_135 = arith.constant 0 : i32
      %dma_start3A_136 = tpu.memref_slice %arg3[%mul3A_23, %dma_start3A_134, %dma_start3A_135] : memref<2500x2x128xi32, #tpu.memory_space<hbm>> -> memref<78x2x128xi32, #tpu.memory_space<hbm>>
      %dma_start3A_137 = arith.constant 0 : i32
      %dma_start3A_138 = arith.constant 0 : i32
      %dma_start3A_139 = tpu.memref_slice %arg3[%mul3A_23, %dma_start3A_137, %dma_start3A_138] : memref<2500x2x128xi32, #tpu.memory_space<hbm>> -> memref<78x2x128xi32, #tpu.memory_space<hbm>>
      tpu.enqueue_dma source(%dma_start3A_139 : memref<78x2x128xi32, #tpu.memory_space<hbm>>) target(%arg5 : memref<78x2x128xi32, #tpu.memory_space<vmem>>) target_semaphore(%run_scoped3A : memref<!tpu.dma_semaphore, #tpu.memory_space<semaphore_mem>>)
      %dma_wait3A = arith.constant 0 : i32
      %dma_wait3A_140 = arith.constant 0 : i32
      %dma_wait3A_141 = tpu.memref_slice %arg3[%mul3A_23, %dma_wait3A, %dma_wait3A_140] : memref<2500x2x128xi32, #tpu.memory_space<hbm>> -> memref<78x2x128xi32, #tpu.memory_space<hbm>>
      %dma_wait3A_142 = arith.constant 0 : i32
      %dma_wait3A_143 = arith.constant 0 : i32
      %dma_wait3A_144 = tpu.memref_slice %arg3[%mul3A_23, %dma_wait3A_142, %dma_wait3A_143] : memref<2500x2x128xi32, #tpu.memory_space<hbm>> -> memref<78x2x128xi32, #tpu.memory_space<hbm>>
      tpu.wait_dma2 semaphore(%run_scoped3A : memref<!tpu.dma_semaphore, #tpu.memory_space<semaphore_mem>>) src(%dma_wait3A_144 : memref<78x2x128xi32, #tpu.memory_space<hbm>>) dst(%arg5 : memref<78x2x128xi32, #tpu.memory_space<vmem>>)
      tpu.yield
    }) : () -> ()
    %lt3A = arith.constant 4 : i32
    %lt3A_24 = arith.cmpi slt, %add3A, %lt3A : i32
    %convert_element_type3A = arith.extui %lt3A_24 : i1 to i32
    %cond3A = arith.constant 0 : i32
    %cond3A_25 = arith.cmpi ne, %convert_element_type3A, %cond3A : i32
    scf.if %cond3A_25 {
      %add3A_134 = arith.constant 2496 : i32
      %add3A_135 = arith.addi %add3A_134, %add3A : i32
      "tpu.region"() ({
        %run_scoped3A = tpu.sem_alloc : memref<!tpu.dma_semaphore, #tpu.memory_space<semaphore_mem>>
        %dma_start3A_136 = arith.constant 0 : i32
        %dma_start3A_137 = arith.constant 0 : i32
        %dma_start3A_138 = tpu.memref_slice %arg3[%add3A_135, %dma_start3A_136, %dma_start3A_137] : memref<2500x2x128xi32, #tpu.memory_space<hbm>> -> memref<1x2x128xi32, #tpu.memory_space<hbm>>
        %dma_start3A_139 = arith.constant 0 : i32
        %dma_start3A_140 = arith.constant 0 : i32
        %dma_start3A_141 = tpu.memref_slice %arg3[%add3A_135, %dma_start3A_139, %dma_start3A_140] : memref<2500x2x128xi32, #tpu.memory_space<hbm>> -> memref<1x2x128xi32, #tpu.memory_space<hbm>>
        tpu.enqueue_dma source(%dma_start3A_141 : memref<1x2x128xi32, #tpu.memory_space<hbm>>) target(%arg6 : memref<1x2x128xi32, #tpu.memory_space<vmem>>) target_semaphore(%run_scoped3A : memref<!tpu.dma_semaphore, #tpu.memory_space<semaphore_mem>>)
        %dma_wait3A = arith.constant 0 : i32
        %dma_wait3A_142 = arith.constant 0 : i32
        %dma_wait3A_143 = tpu.memref_slice %arg3[%add3A_135, %dma_wait3A, %dma_wait3A_142] : memref<2500x2x128xi32, #tpu.memory_space<hbm>> -> memref<1x2x128xi32, #tpu.memory_space<hbm>>
        %dma_wait3A_144 = arith.constant 0 : i32
        %dma_wait3A_145 = arith.constant 0 : i32
        %dma_wait3A_146 = tpu.memref_slice %arg3[%add3A_135, %dma_wait3A_144, %dma_wait3A_145] : memref<2500x2x128xi32, #tpu.memory_space<hbm>> -> memref<1x2x128xi32, #tpu.memory_space<hbm>>
        tpu.wait_dma2 semaphore(%run_scoped3A : memref<!tpu.dma_semaphore, #tpu.memory_space<semaphore_mem>>) src(%dma_wait3A_146 : memref<1x2x128xi32, #tpu.memory_space<hbm>>) dst(%arg6 : memref<1x2x128xi32, #tpu.memory_space<vmem>>)
        tpu.yield
      }) : () -> ()
    } else {
    }
    %scan3A_26 = arith.constant 0 : i32
    %scan3A_27 = arith.constant 0 : i32
    %scan3A_28 = arith.constant 78 : i32
    %scan3A_29 = arith.addi %scan3A_27, %scan3A_28 : i32
    %scan3A_30 = arith.constant 1 : i32
    scf.for %scan3A_134 = %scan3A_27 to %scan3A_29 step %scan3A_30  : i32 {
      %get3A = arith.constant 0 : i32
      %get3A_135 = arith.index_cast %scan3A_134 : i32 to index
      %get3A_136 = arith.index_cast %get3A : i32 to index
      %get3A_137 = arith.constant 0 : index
      %get3A_138 = tpu.vector_load %arg5[%get3A_135, %get3A_136, %get3A_137] {strides = array<i32>} : memref<78x2x128xi32, #tpu.memory_space<vmem>>, vector<1x1x16xi32>,
      %get3A_139 = vector.shape_cast %get3A_138 : vector<1x1x16xi32> to vector<16xi32>
      %get3A_140 = arith.constant 0 : i32
      %get3A_141 = arith.index_cast %scan3A_134 : i32 to index
      %get3A_142 = arith.index_cast %get3A_140 : i32 to index
      %get3A_143 = arith.constant 0 : index
      %get3A_144 = tpu.vector_load %arg5[%get3A_141, %get3A_142, %get3A_143] {strides = array<i32>} : memref<78x2x128xi32, #tpu.memory_space<vmem>>, vector<1x1x16xi32>,
      %get3A_145 = vector.shape_cast %get3A_144 : vector<1x1x16xi32> to vector<16xi32>
      %add3A_146 = arith.addi %get3A_139, %get3A_145 : vector<16xi32>
      %swap3A = arith.constant 0 : i32
      %swap3A_147 = arith.index_cast %scan3A_134 : i32 to index
      %swap3A_148 = arith.index_cast %swap3A : i32 to index
      %swap3A_149 = arith.constant 0 : index
      %swap3A_150 = tpu.vector_load %arg5[%swap3A_147, %swap3A_148, %swap3A_149] {strides = array<i32>} : memref<78x2x128xi32, #tpu.memory_space<vmem>>, vector<1x1x16xi32>,
      %swap3A_151 = vector.shape_cast %swap3A_150 : vector<1x1x16xi32> to vector<16xi32>
      %swap3A_152 = vector.shape_cast %add3A_146 : vector<16xi32> to vector<1x1x16xi32>
      tpu.vector_store %arg5[%swap3A_147, %swap3A_148, %swap3A_149], %swap3A_152 {strides = array<i32>} : memref<78x2x128xi32, #tpu.memory_space<vmem>>, vector<1x1x16xi32>,
      %get3A_153 = arith.constant 0 : i32
      %get3A_154 = arith.index_cast %scan3A_134 : i32 to index
      %get3A_155 = arith.index_cast %get3A_153 : i32 to index
      %get3A_156 = arith.constant 16 : index
      %get3A_157 = tpu.vector_load %arg5[%get3A_154, %get3A_155, %get3A_156] {strides = array<i32>} : memref<78x2x128xi32, #tpu.memory_space<vmem>>, vector<1x1x16xi32>,
      %get3A_158 = vector.shape_cast %get3A_157 : vector<1x1x16xi32> to vector<16xi32>
      %get3A_159 = arith.constant 0 : i32
      %get3A_160 = arith.index_cast %scan3A_134 : i32 to index
      %get3A_161 = arith.index_cast %get3A_159 : i32 to index
      %get3A_162 = arith.constant 16 : index
      %get3A_163 = tpu.vector_load %arg5[%get3A_160, %get3A_161, %get3A_162] {strides = array<i32>} : memref<78x2x128xi32, #tpu.memory_space<vmem>>, vector<1x1x16xi32>,
      %get3A_164 = vector.shape_cast %get3A_163 : vector<1x1x16xi32> to vector<16xi32>
      %add3A_165 = arith.addi %get3A_158, %get3A_164 : vector<16xi32>
      %swap3A_166 = arith.constant 0 : i32
      %swap3A_167 = arith.index_cast %scan3A_134 : i32 to index
      %swap3A_168 = arith.index_cast %swap3A_166 : i32 to index
      %swap3A_169 = arith.constant 16 : index
      %swap3A_170 = tpu.vector_load %arg5[%swap3A_167, %swap3A_168, %swap3A_169] {strides = array<i32>} : memref<78x2x128xi32, #tpu.memory_space<vmem>>, vector<1x1x16xi32>,
      %swap3A_171 = vector.shape_cast %swap3A_170 : vector<1x1x16xi32> to vector<16xi32>
      %swap3A_172 = vector.shape_cast %add3A_165 : vector<16xi32> to vector<1x1x16xi32>
      tpu.vector_store %arg5[%swap3A_167, %swap3A_168, %swap3A_169], %swap3A_172 {strides = array<i32>} : memref<78x2x128xi32, #tpu.memory_space<vmem>>, vector<1x1x16xi32>,
      %get3A_173 = arith.constant 0 : i32
      %get3A_174 = arith.index_cast %scan3A_134 : i32 to index
      %get3A_175 = arith.index_cast %get3A_173 : i32 to index
      %get3A_176 = arith.constant 32 : index
      %get3A_177 = tpu.vector_load %arg5[%get3A_174, %get3A_175, %get3A_176] {strides = array<i32>} : memref<78x2x128xi32, #tpu.memory_space<vmem>>, vector<1x1x16xi32>,
      %get3A_178 = vector.shape_cast %get3A_177 : vector<1x1x16xi32> to vector<16xi32>
      %get3A_179 = arith.constant 0 : i32
      %get3A_180 = arith.index_cast %scan3A_134 : i32 to index
      %get3A_181 = arith.index_cast %get3A_179 : i32 to index
      %get3A_182 = arith.constant 32 : index
      %get3A_183 = tpu.vector_load %arg5[%get3A_180, %get3A_181, %get3A_182] {strides = array<i32>} : memref<78x2x128xi32, #tpu.memory_space<vmem>>, vector<1x1x16xi32>,
      %get3A_184 = vector.shape_cast %get3A_183 : vector<1x1x16xi32> to vector<16xi32>
      %add3A_185 = arith.addi %get3A_178, %get3A_184 : vector<16xi32>
      %swap3A_186 = arith.constant 0 : i32
      %swap3A_187 = arith.index_cast %scan3A_134 : i32 to index
      %swap3A_188 = arith.index_cast %swap3A_186 : i32 to index
      %swap3A_189 = arith.constant 32 : index
      %swap3A_190 = tpu.vector_load %arg5[%swap3A_187, %swap3A_188, %swap3A_189] {strides = array<i32>} : memref<78x2x128xi32, #tpu.memory_space<vmem>>, vector<1x1x16xi32>,
      %swap3A_191 = vector.shape_cast %swap3A_190 : vector<1x1x16xi32> to vector<16xi32>
      %swap3A_192 = vector.shape_cast %add3A_185 : vector<16xi32> to vector<1x1x16xi32>
      tpu.vector_store %arg5[%swap3A_187, %swap3A_188, %swap3A_189], %swap3A_192 {strides = array<i32>} : memref<78x2x128xi32, #tpu.memory_space<vmem>>, vector<1x1x16xi32>,
      %get3A_193 = arith.constant 0 : i32
      %get3A_194 = arith.index_cast %scan3A_134 : i32 to index
      %get3A_195 = arith.index_cast %get3A_193 : i32 to index
      %get3A_196 = arith.constant 48 : index
      %get3A_197 = tpu.vector_load %arg5[%get3A_194, %get3A_195, %get3A_196] {strides = array<i32>} : memref<78x2x128xi32, #tpu.memory_space<vmem>>, vector<1x1x16xi32>,
      %get3A_198 = vector.shape_cast %get3A_197 : vector<1x1x16xi32> to vector<16xi32>
      %get3A_199 = arith.constant 0 : i32
      %get3A_200 = arith.index_cast %scan3A_134 : i32 to index
      %get3A_201 = arith.index_cast %get3A_199 : i32 to index
      %get3A_202 = arith.constant 48 : index
      %get3A_203 = tpu.vector_load %arg5[%get3A_200, %get3A_201, %get3A_202] {strides = array<i32>} : memref<78x2x128xi32, #tpu.memory_space<vmem>>, vector<1x1x16xi32>,
      %get3A_204 = vector.shape_cast %get3A_203 : vector<1x1x16xi32> to vector<16xi32>
      %add3A_205 = arith.addi %get3A_198, %get3A_204 : vector<16xi32>
      %swap3A_206 = arith.constant 0 : i32
      %swap3A_207 = arith.index_cast %scan3A_134 : i32 to index
      %swap3A_208 = arith.index_cast %swap3A_206 : i32 to index
      %swap3A_209 = arith.constant 48 : index
      %swap3A_210 = tpu.vector_load %arg5[%swap3A_207, %swap3A_208, %swap3A_209] {strides = array<i32>} : memref<78x2x128xi32, #tpu.memory_space<vmem>>, vector<1x1x16xi32>,
      %swap3A_211 = vector.shape_cast %swap3A_210 : vector<1x1x16xi32> to vector<16xi32>
      %swap3A_212 = vector.shape_cast %add3A_205 : vector<16xi32> to vector<1x1x16xi32>
      tpu.vector_store %arg5[%swap3A_207, %swap3A_208, %swap3A_209], %swap3A_212 {strides = array<i32>} : memref<78x2x128xi32, #tpu.memory_space<vmem>>, vector<1x1x16xi32>,
      %get3A_213 = arith.constant 0 : i32
      %get3A_214 = arith.index_cast %scan3A_134 : i32 to index
      %get3A_215 = arith.index_cast %get3A_213 : i32 to index
      %get3A_216 = arith.constant 64 : index
      %get3A_217 = tpu.vector_load %arg5[%get3A_214, %get3A_215, %get3A_216] {strides = array<i32>} : memref<78x2x128xi32, #tpu.memory_space<vmem>>, vector<1x1x16xi32>,
      %get3A_218 = vector.shape_cast %get3A_217 : vector<1x1x16xi32> to vector<16xi32>
      %get3A_219 = arith.constant 0 : i32
      %get3A_220 = arith.index_cast %scan3A_134 : i32 to index
      %get3A_221 = arith.index_cast %get3A_219 : i32 to index
      %get3A_222 = arith.constant 64 : index
      %get3A_223 = tpu.vector_load %arg5[%get3A_220, %get3A_221, %get3A_222] {strides = array<i32>} : memref<78x2x128xi32, #tpu.memory_space<vmem>>, vector<1x1x16xi32>,
      %get3A_224 = vector.shape_cast %get3A_223 : vector<1x1x16xi32> to vector<16xi32>
      %add3A_225 = arith.addi %get3A_218, %get3A_224 : vector<16xi32>
      %swap3A_226 = arith.constant 0 : i32
      %swap3A_227 = arith.index_cast %scan3A_134 : i32 to index
      %swap3A_228 = arith.index_cast %swap3A_226 : i32 to index
      %swap3A_229 = arith.constant 64 : index
      %swap3A_230 = tpu.vector_load %arg5[%swap3A_227, %swap3A_228, %swap3A_229] {strides = array<i32>} : memref<78x2x128xi32, #tpu.memory_space<vmem>>, vector<1x1x16xi32>,
      %swap3A_231 = vector.shape_cast %swap3A_230 : vector<1x1x16xi32> to vector<16xi32>
      %swap3A_232 = vector.shape_cast %add3A_225 : vector<16xi32> to vector<1x1x16xi32>
      tpu.vector_store %arg5[%swap3A_227, %swap3A_228, %swap3A_229], %swap3A_232 {strides = array<i32>} : memref<78x2x128xi32, #tpu.memory_space<vmem>>, vector<1x1x16xi32>,
      %get3A_233 = arith.constant 0 : i32
      %get3A_234 = arith.index_cast %scan3A_134 : i32 to index
      %get3A_235 = arith.index_cast %get3A_233 : i32 to index
      %get3A_236 = arith.constant 80 : index
      %get3A_237 = tpu.vector_load %arg5[%get3A_234, %get3A_235, %get3A_236] {strides = array<i32>} : memref<78x2x128xi32, #tpu.memory_space<vmem>>, vector<1x1x16xi32>,
      %get3A_238 = vector.shape_cast %get3A_237 : vector<1x1x16xi32> to vector<16xi32>
      %get3A_239 = arith.constant 0 : i32
      %get3A_240 = arith.index_cast %scan3A_134 : i32 to index
      %get3A_241 = arith.index_cast %get3A_239 : i32 to index
      %get3A_242 = arith.constant 80 : index
      %get3A_243 = tpu.vector_load %arg5[%get3A_240, %get3A_241, %get3A_242] {strides = array<i32>} : memref<78x2x128xi32, #tpu.memory_space<vmem>>, vector<1x1x16xi32>,
      %get3A_244 = vector.shape_cast %get3A_243 : vector<1x1x16xi32> to vector<16xi32>
      %add3A_245 = arith.addi %get3A_238, %get3A_244 : vector<16xi32>
      %swap3A_246 = arith.constant 0 : i32
      %swap3A_247 = arith.index_cast %scan3A_134 : i32 to index
      %swap3A_248 = arith.index_cast %swap3A_246 : i32 to index
      %swap3A_249 = arith.constant 80 : index
      %swap3A_250 = tpu.vector_load %arg5[%swap3A_247, %swap3A_248, %swap3A_249] {strides = array<i32>} : memref<78x2x128xi32, #tpu.memory_space<vmem>>, vector<1x1x16xi32>,
      %swap3A_251 = vector.shape_cast %swap3A_250 : vector<1x1x16xi32> to vector<16xi32>
      %swap3A_252 = vector.shape_cast %add3A_245 : vector<16xi32> to vector<1x1x16xi32>
      tpu.vector_store %arg5[%swap3A_247, %swap3A_248, %swap3A_249], %swap3A_252 {strides = array<i32>} : memref<78x2x128xi32, #tpu.memory_space<vmem>>, vector<1x1x16xi32>,
      %get3A_253 = arith.constant 0 : i32
      %get3A_254 = arith.index_cast %scan3A_134 : i32 to index
      %get3A_255 = arith.index_cast %get3A_253 : i32 to index
      %get3A_256 = arith.constant 96 : index
      %get3A_257 = tpu.vector_load %arg5[%get3A_254, %get3A_255, %get3A_256] {strides = array<i32>} : memref<78x2x128xi32, #tpu.memory_space<vmem>>, vector<1x1x16xi32>,
      %get3A_258 = vector.shape_cast %get3A_257 : vector<1x1x16xi32> to vector<16xi32>
      %get3A_259 = arith.constant 0 : i32
      %get3A_260 = arith.index_cast %scan3A_134 : i32 to index
      %get3A_261 = arith.index_cast %get3A_259 : i32 to index
      %get3A_262 = arith.constant 96 : index
      %get3A_263 = tpu.vector_load %arg5[%get3A_260, %get3A_261, %get3A_262] {strides = array<i32>} : memref<78x2x128xi32, #tpu.memory_space<vmem>>, vector<1x1x16xi32>,
      %get3A_264 = vector.shape_cast %get3A_263 : vector<1x1x16xi32> to vector<16xi32>
      %add3A_265 = arith.addi %get3A_258, %get3A_264 : vector<16xi32>
      %swap3A_266 = arith.constant 0 : i32
      %swap3A_267 = arith.index_cast %scan3A_134 : i32 to index
      %swap3A_268 = arith.index_cast %swap3A_266 : i32 to index
      %swap3A_269 = arith.constant 96 : index
      %swap3A_270 = tpu.vector_load %arg5[%swap3A_267, %swap3A_268, %swap3A_269] {strides = array<i32>} : memref<78x2x128xi32, #tpu.memory_space<vmem>>, vector<1x1x16xi32>,
      %swap3A_271 = vector.shape_cast %swap3A_270 : vector<1x1x16xi32> to vector<16xi32>
      %swap3A_272 = vector.shape_cast %add3A_265 : vector<16xi32> to vector<1x1x16xi32>
      tpu.vector_store %arg5[%swap3A_267, %swap3A_268, %swap3A_269], %swap3A_272 {strides = array<i32>} : memref<78x2x128xi32, #tpu.memory_space<vmem>>, vector<1x1x16xi32>,
      %get3A_273 = arith.constant 0 : i32
      %get3A_274 = arith.index_cast %scan3A_134 : i32 to index
      %get3A_275 = arith.index_cast %get3A_273 : i32 to index
      %get3A_276 = arith.constant 112 : index
      %get3A_277 = tpu.vector_load %arg5[%get3A_274, %get3A_275, %get3A_276] {strides = array<i32>} : memref<78x2x128xi32, #tpu.memory_space<vmem>>, vector<1x1x16xi32>,
      %get3A_278 = vector.shape_cast %get3A_277 : vector<1x1x16xi32> to vector<16xi32>
      %get3A_279 = arith.constant 0 : i32
      %get3A_280 = arith.index_cast %scan3A_134 : i32 to index
      %get3A_281 = arith.index_cast %get3A_279 : i32 to index
      %get3A_282 = arith.constant 112 : index
      %get3A_283 = tpu.vector_load %arg5[%get3A_280, %get3A_281, %get3A_282] {strides = array<i32>} : memref<78x2x128xi32, #tpu.memory_space<vmem>>, vector<1x1x16xi32>,
      %get3A_284 = vector.shape_cast %get3A_283 : vector<1x1x16xi32> to vector<16xi32>
      %add3A_285 = arith.addi %get3A_278, %get3A_284 : vector<16xi32>
      %swap3A_286 = arith.constant 0 : i32
      %swap3A_287 = arith.index_cast %scan3A_134 : i32 to index
      %swap3A_288 = arith.index_cast %swap3A_286 : i32 to index
      %swap3A_289 = arith.constant 112 : index
      %swap3A_290 = tpu.vector_load %arg5[%swap3A_287, %swap3A_288, %swap3A_289] {strides = array<i32>} : memref<78x2x128xi32, #tpu.memory_space<vmem>>, vector<1x1x16xi32>,
      %swap3A_291 = vector.shape_cast %swap3A_290 : vector<1x1x16xi32> to vector<16xi32>
      %swap3A_292 = vector.shape_cast %add3A_285 : vector<16xi32> to vector<1x1x16xi32>
      tpu.vector_store %arg5[%swap3A_287, %swap3A_288, %swap3A_289], %swap3A_292 {strides = array<i32>} : memref<78x2x128xi32, #tpu.memory_space<vmem>>, vector<1x1x16xi32>,
    }
    %scan3A_31 = arith.constant 78 : i32
    %lt3A_32 = arith.constant 4 : i32
    %lt3A_33 = arith.cmpi slt, %add3A, %lt3A_32 : i32
    %convert_element_type3A_34 = arith.extui %lt3A_33 : i1 to i32
    %cond3A_35 = arith.constant 0 : i32
    %cond3A_36 = arith.cmpi ne, %convert_element_type3A_34, %cond3A_35 : i32
    scf.if %cond3A_36 {
      %get3A = arith.constant 0 : i32
      %get3A_134 = arith.constant 0 : i32
      %get3A_135 = arith.index_cast %get3A : i32 to index
      %get3A_136 = arith.index_cast %get3A_134 : i32 to index
      %get3A_137 = arith.constant 0 : index
      %get3A_138 = tpu.vector_load %arg6[%get3A_135, %get3A_136, %get3A_137] {strides = array<i32>} : memref<1x2x128xi32, #tpu.memory_space<vmem>>, vector<1x1x16xi32>,
      %get3A_139 = vector.shape_cast %get3A_138 : vector<1x1x16xi32> to vector<16xi32>
      %get3A_140 = arith.constant 0 : i32
      %get3A_141 = arith.constant 0 : i32
      %get3A_142 = arith.index_cast %get3A_140 : i32 to index
      %get3A_143 = arith.index_cast %get3A_141 : i32 to index
      %get3A_144 = arith.constant 0 : index
      %get3A_145 = tpu.vector_load %arg6[%get3A_142, %get3A_143, %get3A_144] {strides = array<i32>} : memref<1x2x128xi32, #tpu.memory_space<vmem>>, vector<1x1x16xi32>,
      %get3A_146 = vector.shape_cast %get3A_145 : vector<1x1x16xi32> to vector<16xi32>
      %add3A_147 = arith.addi %get3A_139, %get3A_146 : vector<16xi32>
      %swap3A = arith.constant 0 : i32
      %swap3A_148 = arith.constant 0 : i32
      %swap3A_149 = arith.index_cast %swap3A : i32 to index
      %swap3A_150 = arith.index_cast %swap3A_148 : i32 to index
      %swap3A_151 = arith.constant 0 : index
      %swap3A_152 = tpu.vector_load %arg6[%swap3A_149, %swap3A_150, %swap3A_151] {strides = array<i32>} : memref<1x2x128xi32, #tpu.memory_space<vmem>>, vector<1x1x16xi32>,
      %swap3A_153 = vector.shape_cast %swap3A_152 : vector<1x1x16xi32> to vector<16xi32>
      %swap3A_154 = vector.shape_cast %add3A_147 : vector<16xi32> to vector<1x1x16xi32>
      tpu.vector_store %arg6[%swap3A_149, %swap3A_150, %swap3A_151], %swap3A_154 {strides = array<i32>} : memref<1x2x128xi32, #tpu.memory_space<vmem>>, vector<1x1x16xi32>,
      %get3A_155 = arith.constant 0 : i32
      %get3A_156 = arith.constant 0 : i32
      %get3A_157 = arith.index_cast %get3A_155 : i32 to index
      %get3A_158 = arith.index_cast %get3A_156 : i32 to index
      %get3A_159 = arith.constant 16 : index
      %get3A_160 = tpu.vector_load %arg6[%get3A_157, %get3A_158, %get3A_159] {strides = array<i32>} : memref<1x2x128xi32, #tpu.memory_space<vmem>>, vector<1x1x16xi32>,
      %get3A_161 = vector.shape_cast %get3A_160 : vector<1x1x16xi32> to vector<16xi32>
      %get3A_162 = arith.constant 0 : i32
      %get3A_163 = arith.constant 0 : i32
      %get3A_164 = arith.index_cast %get3A_162 : i32 to index
      %get3A_165 = arith.index_cast %get3A_163 : i32 to index
      %get3A_166 = arith.constant 16 : index
      %get3A_167 = tpu.vector_load %arg6[%get3A_164, %get3A_165, %get3A_166] {strides = array<i32>} : memref<1x2x128xi32, #tpu.memory_space<vmem>>, vector<1x1x16xi32>,
      %get3A_168 = vector.shape_cast %get3A_167 : vector<1x1x16xi32> to vector<16xi32>
      %add3A_169 = arith.addi %get3A_161, %get3A_168 : vector<16xi32>
      %swap3A_170 = arith.constant 0 : i32
      %swap3A_171 = arith.constant 0 : i32
      %swap3A_172 = arith.index_cast %swap3A_170 : i32 to index
      %swap3A_173 = arith.index_cast %swap3A_171 : i32 to index
      %swap3A_174 = arith.constant 16 : index
      %swap3A_175 = tpu.vector_load %arg6[%swap3A_172, %swap3A_173, %swap3A_174] {strides = array<i32>} : memref<1x2x128xi32, #tpu.memory_space<vmem>>, vector<1x1x16xi32>,
      %swap3A_176 = vector.shape_cast %swap3A_175 : vector<1x1x16xi32> to vector<16xi32>
      %swap3A_177 = vector.shape_cast %add3A_169 : vector<16xi32> to vector<1x1x16xi32>
      tpu.vector_store %arg6[%swap3A_172, %swap3A_173, %swap3A_174], %swap3A_177 {strides = array<i32>} : memref<1x2x128xi32, #tpu.memory_space<vmem>>, vector<1x1x16xi32>,
      %get3A_178 = arith.constant 0 : i32
      %get3A_179 = arith.constant 0 : i32
      %get3A_180 = arith.index_cast %get3A_178 : i32 to index
      %get3A_181 = arith.index_cast %get3A_179 : i32 to index
      %get3A_182 = arith.constant 32 : index
      %get3A_183 = tpu.vector_load %arg6[%get3A_180, %get3A_181, %get3A_182] {strides = array<i32>} : memref<1x2x128xi32, #tpu.memory_space<vmem>>, vector<1x1x16xi32>,
      %get3A_184 = vector.shape_cast %get3A_183 : vector<1x1x16xi32> to vector<16xi32>
      %get3A_185 = arith.constant 0 : i32
      %get3A_186 = arith.constant 0 : i32
      %get3A_187 = arith.index_cast %get3A_185 : i32 to index
      %get3A_188 = arith.index_cast %get3A_186 : i32 to index
      %get3A_189 = arith.constant 32 : index
      %get3A_190 = tpu.vector_load %arg6[%get3A_187, %get3A_188, %get3A_189] {strides = array<i32>} : memref<1x2x128xi32, #tpu.memory_space<vmem>>, vector<1x1x16xi32>,
      %get3A_191 = vector.shape_cast %get3A_190 : vector<1x1x16xi32> to vector<16xi32>
      %add3A_192 = arith.addi %get3A_184, %get3A_191 : vector<16xi32>
      %swap3A_193 = arith.constant 0 : i32
      %swap3A_194 = arith.constant 0 : i32
      %swap3A_195 = arith.index_cast %swap3A_193 : i32 to index
      %swap3A_196 = arith.index_cast %swap3A_194 : i32 to index
      %swap3A_197 = arith.constant 32 : index
      %swap3A_198 = tpu.vector_load %arg6[%swap3A_195, %swap3A_196, %swap3A_197] {strides = array<i32>} : memref<1x2x128xi32, #tpu.memory_space<vmem>>, vector<1x1x16xi32>,
      %swap3A_199 = vector.shape_cast %swap3A_198 : vector<1x1x16xi32> to vector<16xi32>
      %swap3A_200 = vector.shape_cast %add3A_192 : vector<16xi32> to vector<1x1x16xi32>
      tpu.vector_store %arg6[%swap3A_195, %swap3A_196, %swap3A_197], %swap3A_200 {strides = array<i32>} : memref<1x2x128xi32, #tpu.memory_space<vmem>>, vector<1x1x16xi32>,
      %get3A_201 = arith.constant 0 : i32
      %get3A_202 = arith.constant 0 : i32
      %get3A_203 = arith.index_cast %get3A_201 : i32 to index
      %get3A_204 = arith.index_cast %get3A_202 : i32 to index
      %get3A_205 = arith.constant 48 : index
      %get3A_206 = tpu.vector_load %arg6[%get3A_203, %get3A_204, %get3A_205] {strides = array<i32>} : memref<1x2x128xi32, #tpu.memory_space<vmem>>, vector<1x1x16xi32>,
      %get3A_207 = vector.shape_cast %get3A_206 : vector<1x1x16xi32> to vector<16xi32>
      %get3A_208 = arith.constant 0 : i32
      %get3A_209 = arith.constant 0 : i32
      %get3A_210 = arith.index_cast %get3A_208 : i32 to index
      %get3A_211 = arith.index_cast %get3A_209 : i32 to index
      %get3A_212 = arith.constant 48 : index
      %get3A_213 = tpu.vector_load %arg6[%get3A_210, %get3A_211, %get3A_212] {strides = array<i32>} : memref<1x2x128xi32, #tpu.memory_space<vmem>>, vector<1x1x16xi32>,
      %get3A_214 = vector.shape_cast %get3A_213 : vector<1x1x16xi32> to vector<16xi32>
      %add3A_215 = arith.addi %get3A_207, %get3A_214 : vector<16xi32>
      %swap3A_216 = arith.constant 0 : i32
      %swap3A_217 = arith.constant 0 : i32
      %swap3A_218 = arith.index_cast %swap3A_216 : i32 to index
      %swap3A_219 = arith.index_cast %swap3A_217 : i32 to index
      %swap3A_220 = arith.constant 48 : index
      %swap3A_221 = tpu.vector_load %arg6[%swap3A_218, %swap3A_219, %swap3A_220] {strides = array<i32>} : memref<1x2x128xi32, #tpu.memory_space<vmem>>, vector<1x1x16xi32>,
      %swap3A_222 = vector.shape_cast %swap3A_221 : vector<1x1x16xi32> to vector<16xi32>
      %swap3A_223 = vector.shape_cast %add3A_215 : vector<16xi32> to vector<1x1x16xi32>
      tpu.vector_store %arg6[%swap3A_218, %swap3A_219, %swap3A_220], %swap3A_223 {strides = array<i32>} : memref<1x2x128xi32, #tpu.memory_space<vmem>>, vector<1x1x16xi32>,
      %get3A_224 = arith.constant 0 : i32
      %get3A_225 = arith.constant 0 : i32
      %get3A_226 = arith.index_cast %get3A_224 : i32 to index
      %get3A_227 = arith.index_cast %get3A_225 : i32 to index
      %get3A_228 = arith.constant 64 : index
      %get3A_229 = tpu.vector_load %arg6[%get3A_226, %get3A_227, %get3A_228] {strides = array<i32>} : memref<1x2x128xi32, #tpu.memory_space<vmem>>, vector<1x1x16xi32>,
      %get3A_230 = vector.shape_cast %get3A_229 : vector<1x1x16xi32> to vector<16xi32>
      %get3A_231 = arith.constant 0 : i32
      %get3A_232 = arith.constant 0 : i32
      %get3A_233 = arith.index_cast %get3A_231 : i32 to index
      %get3A_234 = arith.index_cast %get3A_232 : i32 to index
      %get3A_235 = arith.constant 64 : index
      %get3A_236 = tpu.vector_load %arg6[%get3A_233, %get3A_234, %get3A_235] {strides = array<i32>} : memref<1x2x128xi32, #tpu.memory_space<vmem>>, vector<1x1x16xi32>,
      %get3A_237 = vector.shape_cast %get3A_236 : vector<1x1x16xi32> to vector<16xi32>
      %add3A_238 = arith.addi %get3A_230, %get3A_237 : vector<16xi32>
      %swap3A_239 = arith.constant 0 : i32
      %swap3A_240 = arith.constant 0 : i32
      %swap3A_241 = arith.index_cast %swap3A_239 : i32 to index
      %swap3A_242 = arith.index_cast %swap3A_240 : i32 to index
      %swap3A_243 = arith.constant 64 : index
      %swap3A_244 = tpu.vector_load %arg6[%swap3A_241, %swap3A_242, %swap3A_243] {strides = array<i32>} : memref<1x2x128xi32, #tpu.memory_space<vmem>>, vector<1x1x16xi32>,
      %swap3A_245 = vector.shape_cast %swap3A_244 : vector<1x1x16xi32> to vector<16xi32>
      %swap3A_246 = vector.shape_cast %add3A_238 : vector<16xi32> to vector<1x1x16xi32>
      tpu.vector_store %arg6[%swap3A_241, %swap3A_242, %swap3A_243], %swap3A_246 {strides = array<i32>} : memref<1x2x128xi32, #tpu.memory_space<vmem>>, vector<1x1x16xi32>,
      %get3A_247 = arith.constant 0 : i32
      %get3A_248 = arith.constant 0 : i32
      %get3A_249 = arith.index_cast %get3A_247 : i32 to index
      %get3A_250 = arith.index_cast %get3A_248 : i32 to index
      %get3A_251 = arith.constant 80 : index
      %get3A_252 = tpu.vector_load %arg6[%get3A_249, %get3A_250, %get3A_251] {strides = array<i32>} : memref<1x2x128xi32, #tpu.memory_space<vmem>>, vector<1x1x16xi32>,
      %get3A_253 = vector.shape_cast %get3A_252 : vector<1x1x16xi32> to vector<16xi32>
      %get3A_254 = arith.constant 0 : i32
      %get3A_255 = arith.constant 0 : i32
      %get3A_256 = arith.index_cast %get3A_254 : i32 to index
      %get3A_257 = arith.index_cast %get3A_255 : i32 to index
      %get3A_258 = arith.constant 80 : index
      %get3A_259 = tpu.vector_load %arg6[%get3A_256, %get3A_257, %get3A_258] {strides = array<i32>} : memref<1x2x128xi32, #tpu.memory_space<vmem>>, vector<1x1x16xi32>,
      %get3A_260 = vector.shape_cast %get3A_259 : vector<1x1x16xi32> to vector<16xi32>
      %add3A_261 = arith.addi %get3A_253, %get3A_260 : vector<16xi32>
      %swap3A_262 = arith.constant 0 : i32
      %swap3A_263 = arith.constant 0 : i32
      %swap3A_264 = arith.index_cast %swap3A_262 : i32 to index
      %swap3A_265 = arith.index_cast %swap3A_263 : i32 to index
      %swap3A_266 = arith.constant 80 : index
      %swap3A_267 = tpu.vector_load %arg6[%swap3A_264, %swap3A_265, %swap3A_266] {strides = array<i32>} : memref<1x2x128xi32, #tpu.memory_space<vmem>>, vector<1x1x16xi32>,
      %swap3A_268 = vector.shape_cast %swap3A_267 : vector<1x1x16xi32> to vector<16xi32>
      %swap3A_269 = vector.shape_cast %add3A_261 : vector<16xi32> to vector<1x1x16xi32>
      tpu.vector_store %arg6[%swap3A_264, %swap3A_265, %swap3A_266], %swap3A_269 {strides = array<i32>} : memref<1x2x128xi32, #tpu.memory_space<vmem>>, vector<1x1x16xi32>,
      %get3A_270 = arith.constant 0 : i32
      %get3A_271 = arith.constant 0 : i32
      %get3A_272 = arith.index_cast %get3A_270 : i32 to index
      %get3A_273 = arith.index_cast %get3A_271 : i32 to index
      %get3A_274 = arith.constant 96 : index
      %get3A_275 = tpu.vector_load %arg6[%get3A_272, %get3A_273, %get3A_274] {strides = array<i32>} : memref<1x2x128xi32, #tpu.memory_space<vmem>>, vector<1x1x16xi32>,
      %get3A_276 = vector.shape_cast %get3A_275 : vector<1x1x16xi32> to vector<16xi32>
      %get3A_277 = arith.constant 0 : i32
      %get3A_278 = arith.constant 0 : i32
      %get3A_279 = arith.index_cast %get3A_277 : i32 to index
      %get3A_280 = arith.index_cast %get3A_278 : i32 to index
      %get3A_281 = arith.constant 96 : index
      %get3A_282 = tpu.vector_load %arg6[%get3A_279, %get3A_280, %get3A_281] {strides = array<i32>} : memref<1x2x128xi32, #tpu.memory_space<vmem>>, vector<1x1x16xi32>,
      %get3A_283 = vector.shape_cast %get3A_282 : vector<1x1x16xi32> to vector<16xi32>
      %add3A_284 = arith.addi %get3A_276, %get3A_283 : vector<16xi32>
      %swap3A_285 = arith.constant 0 : i32
      %swap3A_286 = arith.constant 0 : i32
      %swap3A_287 = arith.index_cast %swap3A_285 : i32 to index
      %swap3A_288 = arith.index_cast %swap3A_286 : i32 to index
      %swap3A_289 = arith.constant 96 : index
      %swap3A_290 = tpu.vector_load %arg6[%swap3A_287, %swap3A_288, %swap3A_289] {strides = array<i32>} : memref<1x2x128xi32, #tpu.memory_space<vmem>>, vector<1x1x16xi32>,
      %swap3A_291 = vector.shape_cast %swap3A_290 : vector<1x1x16xi32> to vector<16xi32>
      %swap3A_292 = vector.shape_cast %add3A_284 : vector<16xi32> to vector<1x1x16xi32>
      tpu.vector_store %arg6[%swap3A_287, %swap3A_288, %swap3A_289], %swap3A_292 {strides = array<i32>} : memref<1x2x128xi32, #tpu.memory_space<vmem>>, vector<1x1x16xi32>,
      %get3A_293 = arith.constant 0 : i32
      %get3A_294 = arith.constant 0 : i32
      %get3A_295 = arith.index_cast %get3A_293 : i32 to index
      %get3A_296 = arith.index_cast %get3A_294 : i32 to index
      %get3A_297 = arith.constant 112 : index
      %get3A_298 = tpu.vector_load %arg6[%get3A_295, %get3A_296, %get3A_297] {strides = array<i32>} : memref<1x2x128xi32, #tpu.memory_space<vmem>>, vector<1x1x16xi32>,
      %get3A_299 = vector.shape_cast %get3A_298 : vector<1x1x16xi32> to vector<16xi32>
      %get3A_300 = arith.constant 0 : i32
      %get3A_301 = arith.constant 0 : i32
      %get3A_302 = arith.index_cast %get3A_300 : i32 to index
      %get3A_303 = arith.index_cast %get3A_301 : i32 to index
      %get3A_304 = arith.constant 112 : index
      %get3A_305 = tpu.vector_load %arg6[%get3A_302, %get3A_303, %get3A_304] {strides = array<i32>} : memref<1x2x128xi32, #tpu.memory_space<vmem>>, vector<1x1x16xi32>,
      %get3A_306 = vector.shape_cast %get3A_305 : vector<1x1x16xi32> to vector<16xi32>
      %add3A_307 = arith.addi %get3A_299, %get3A_306 : vector<16xi32>
      %swap3A_308 = arith.constant 0 : i32
      %swap3A_309 = arith.constant 0 : i32
      %swap3A_310 = arith.index_cast %swap3A_308 : i32 to index
      %swap3A_311 = arith.index_cast %swap3A_309 : i32 to index
      %swap3A_312 = arith.constant 112 : index
      %swap3A_313 = tpu.vector_load %arg6[%swap3A_310, %swap3A_311, %swap3A_312] {strides = array<i32>} : memref<1x2x128xi32, #tpu.memory_space<vmem>>, vector<1x1x16xi32>,
      %swap3A_314 = vector.shape_cast %swap3A_313 : vector<1x1x16xi32> to vector<16xi32>
      %swap3A_315 = vector.shape_cast %add3A_307 : vector<16xi32> to vector<1x1x16xi32>
      tpu.vector_store %arg6[%swap3A_310, %swap3A_311, %swap3A_312], %swap3A_315 {strides = array<i32>} : memref<1x2x128xi32, #tpu.memory_space<vmem>>, vector<1x1x16xi32>,
    } else {
    }
    %barrier3A = arith.constant 0 : index
    tpu.barrier barrier_id(%barrier3A)
    %dma_start3A = arith.constant 0 : i32
    %dma_start3A_37 = arith.constant 0 : i32
    %dma_start3A_38 = arith.constant 0 : i32
    %dma_start3A_39 = arith.constant 0 : i32
    %dma_start3A_40 = arith.constant 0 : i32
    %dma_start3A_41 = arith.constant 0 : i32
    %dma_start3A_42 = arith.constant 0 : i32
    %dma_start3A_43 = arith.constant 0 : i32
    %dma_start3A_44 = tpu.memref_slice %arg7[%dma_start3A_38, %dma_start3A_39, %dma_start3A_42, %dma_start3A_43] : memref<2x3x128x64xf32, #tpu.memory_space<vmem>> -> memref<1x1x128x64xf32, #tpu.memory_space<vmem>>
    %dma_start3A_45 = tpu.memref_squeeze %dma_start3A_44 : memref<1x1x128x64xf32, #tpu.memory_space<vmem>> -> memref<128x64xf32, #tpu.memory_space<vmem>>
    %dma_start3A_46 = arith.constant 0 : i32
    %dma_start3A_47 = tpu.memref_slice %arg5[%dma_start3A, %dma_start3A_37, %dma_start3A_46] : memref<78x2x128xi32, #tpu.memory_space<vmem>> -> memref<1x1x128xi32, #tpu.memory_space<vmem>>
    %dma_start3A_48 = tpu.memref_squeeze %dma_start3A_47 : memref<1x1x128xi32, #tpu.memory_space<vmem>> -> memref<128xi32, #tpu.memory_space<vmem>>
    %dma_start3A_49 = arith.constant 0 : i32
    %dma_start3A_50 = arith.constant 0 : i32
    %dma_start3A_51 = tpu.memref_slice %arg2[%dma_start3A_49, %dma_start3A_50] : memref<20000x64xf32, #tpu.memory_space<hbm>> -> memref<20000x64xf32, #tpu.memory_space<hbm>>
    %dma_start3A_52 = tpu.memref_slice %arg10[%dma_start3A_40, %dma_start3A_41] : memref<2x3x!tpu.dma_semaphore, #tpu.memory_space<semaphore_mem>> -> memref<1x1x!tpu.dma_semaphore, #tpu.memory_space<semaphore_mem>>
    %dma_start3A_53 = tpu.memref_squeeze %dma_start3A_52 : memref<1x1x!tpu.dma_semaphore, #tpu.memory_space<semaphore_mem>> -> memref<!tpu.dma_semaphore, #tpu.memory_space<semaphore_mem>>
    tpu.enqueue_indirect_dma source(%dma_start3A_51 : memref<20000x64xf32, #tpu.memory_space<hbm>>) target(%dma_start3A_45 : memref<128x64xf32, #tpu.memory_space<vmem>>) offsets(%dma_start3A_48 : memref<128xi32, #tpu.memory_space<vmem>>) semaphore(%dma_start3A_53 : memref<!tpu.dma_semaphore, #tpu.memory_space<semaphore_mem>>)
    %dma_start3A_54 = arith.constant 1 : i32
    %dma_start3A_55 = arith.constant 0 : i32
    %dma_start3A_56 = arith.constant 0 : i32
    %dma_start3A_57 = arith.constant 1 : i32
    %dma_start3A_58 = arith.constant 0 : i32
    %dma_start3A_59 = arith.constant 1 : i32
    %dma_start3A_60 = arith.constant 0 : i32
    %dma_start3A_61 = arith.constant 0 : i32
    %dma_start3A_62 = tpu.memref_slice %arg7[%dma_start3A_56, %dma_start3A_57, %dma_start3A_60, %dma_start3A_61] : memref<2x3x128x64xf32, #tpu.memory_space<vmem>> -> memref<1x1x128x64xf32, #tpu.memory_space<vmem>>
    %dma_start3A_63 = tpu.memref_squeeze %dma_start3A_62 : memref<1x1x128x64xf32, #tpu.memory_space<vmem>> -> memref<128x64xf32, #tpu.memory_space<vmem>>
    %dma_start3A_64 = arith.constant 0 : i32
    %dma_start3A_65 = tpu.memref_slice %arg5[%dma_start3A_54, %dma_start3A_55, %dma_start3A_64] : memref<78x2x128xi32, #tpu.memory_space<vmem>> -> memref<1x1x128xi32, #tpu.memory_space<vmem>>
    %dma_start3A_66 = tpu.memref_squeeze %dma_start3A_65 : memref<1x1x128xi32, #tpu.memory_space<vmem>> -> memref<128xi32, #tpu.memory_space<vmem>>
    %dma_start3A_67 = arith.constant 0 : i32
    %dma_start3A_68 = arith.constant 0 : i32
    %dma_start3A_69 = tpu.memref_slice %arg2[%dma_start3A_67, %dma_start3A_68] : memref<20000x64xf32, #tpu.memory_space<hbm>> -> memref<20000x64xf32, #tpu.memory_space<hbm>>
    %dma_start3A_70 = tpu.memref_slice %arg10[%dma_start3A_58, %dma_start3A_59] : memref<2x3x!tpu.dma_semaphore, #tpu.memory_space<semaphore_mem>> -> memref<1x1x!tpu.dma_semaphore, #tpu.memory_space<semaphore_mem>>
    %dma_start3A_71 = tpu.memref_squeeze %dma_start3A_70 : memref<1x1x!tpu.dma_semaphore, #tpu.memory_space<semaphore_mem>> -> memref<!tpu.dma_semaphore, #tpu.memory_space<semaphore_mem>>
    tpu.enqueue_indirect_dma source(%dma_start3A_69 : memref<20000x64xf32, #tpu.memory_space<hbm>>) target(%dma_start3A_63 : memref<128x64xf32, #tpu.memory_space<vmem>>) offsets(%dma_start3A_66 : memref<128xi32, #tpu.memory_space<vmem>>) semaphore(%dma_start3A_71 : memref<!tpu.dma_semaphore, #tpu.memory_space<semaphore_mem>>)
    %dma_start3A_72 = arith.constant 2 : i32
    %dma_start3A_73 = arith.constant 0 : i32
    %dma_start3A_74 = arith.constant 0 : i32
    %dma_start3A_75 = arith.constant 2 : i32
    %dma_start3A_76 = arith.constant 0 : i32
    %dma_start3A_77 = arith.constant 2 : i32
    %dma_start3A_78 = arith.constant 0 : i32
    %dma_start3A_79 = arith.constant 0 : i32
    %dma_start3A_80 = tpu.memref_slice %arg7[%dma_start3A_74, %dma_start3A_75, %dma_start3A_78, %dma_start3A_79] : memref<2x3x128x64xf32, #tpu.memory_space<vmem>> -> memref<1x1x128x64xf32, #tpu.memory_space<vmem>>
    %dma_start3A_81 = tpu.memref_squeeze %dma_start3A_80 : memref<1x1x128x64xf32, #tpu.memory_space<vmem>> -> memref<128x64xf32, #tpu.memory_space<vmem>>
    %dma_start3A_82 = arith.constant 0 : i32
    %dma_start3A_83 = tpu.memref_slice %arg5[%dma_start3A_72, %dma_start3A_73, %dma_start3A_82] : memref<78x2x128xi32, #tpu.memory_space<vmem>> -> memref<1x1x128xi32, #tpu.memory_space<vmem>>
    %dma_start3A_84 = tpu.memref_squeeze %dma_start3A_83 : memref<1x1x128xi32, #tpu.memory_space<vmem>> -> memref<128xi32, #tpu.memory_space<vmem>>
    %dma_start3A_85 = arith.constant 0 : i32
    %dma_start3A_86 = arith.constant 0 : i32
    %dma_start3A_87 = tpu.memref_slice %arg2[%dma_start3A_85, %dma_start3A_86] : memref<20000x64xf32, #tpu.memory_space<hbm>> -> memref<20000x64xf32, #tpu.memory_space<hbm>>
    %dma_start3A_88 = tpu.memref_slice %arg10[%dma_start3A_76, %dma_start3A_77] : memref<2x3x!tpu.dma_semaphore, #tpu.memory_space<semaphore_mem>> -> memref<1x1x!tpu.dma_semaphore, #tpu.memory_space<semaphore_mem>>
    %dma_start3A_89 = tpu.memref_squeeze %dma_start3A_88 : memref<1x1x!tpu.dma_semaphore, #tpu.memory_space<semaphore_mem>> -> memref<!tpu.dma_semaphore, #tpu.memory_space<semaphore_mem>>
    tpu.enqueue_indirect_dma source(%dma_start3A_87 : memref<20000x64xf32, #tpu.memory_space<hbm>>) target(%dma_start3A_81 : memref<128x64xf32, #tpu.memory_space<vmem>>) offsets(%dma_start3A_84 : memref<128xi32, #tpu.memory_space<vmem>>) semaphore(%dma_start3A_89 : memref<!tpu.dma_semaphore, #tpu.memory_space<semaphore_mem>>)
    %scan3A_90 = arith.constant 0 : i32
    %scan3A_91 = arith.constant 0 : i32
    %scan3A_92 = arith.constant 13 : i32
    %scan3A_93 = arith.addi %scan3A_91, %scan3A_92 : i32
    %scan3A_94 = arith.constant 1 : i32
    scf.for %scan3A_134 = %scan3A_91 to %scan3A_93 step %scan3A_94  : i32 {
      %mul3A_135 = arith.constant 2 : i32
      %mul3A_136 = arith.muli %scan3A_134, %mul3A_135 : i32
      %add3A_137 = arith.constant 1 : i32
      %add3A_138 = arith.addi %mul3A_136, %add3A_137 : i32
      %mul3A_139 = arith.constant 3 : i32
      %mul3A_140 = arith.muli %add3A_138, %mul3A_139 : i32
      %add3A_141 = arith.constant 0 : i32
      %add3A_142 = arith.addi %mul3A_140, %add3A_141 : i32
      %dma_start3A_143 = arith.constant 0 : i32
      %dma_start3A_144 = arith.constant 1 : i32
      %dma_start3A_145 = arith.constant 0 : i32
      %dma_start3A_146 = arith.constant 1 : i32
      %dma_start3A_147 = arith.constant 0 : i32
      %dma_start3A_148 = arith.constant 0 : i32
      %dma_start3A_149 = arith.constant 0 : i32
      %dma_start3A_150 = tpu.memref_slice %arg7[%dma_start3A_144, %dma_start3A_145, %dma_start3A_148, %dma_start3A_149] : memref<2x3x128x64xf32, #tpu.memory_space<vmem>> -> memref<1x1x128x64xf32, #tpu.memory_space<vmem>>
      %dma_start3A_151 = tpu.memref_squeeze %dma_start3A_150 : memref<1x1x128x64xf32, #tpu.memory_space<vmem>> -> memref<128x64xf32, #tpu.memory_space<vmem>>
      %dma_start3A_152 = arith.constant 0 : i32
      %dma_start3A_153 = tpu.memref_slice %arg5[%add3A_142, %dma_start3A_143, %dma_start3A_152] : memref<78x2x128xi32, #tpu.memory_space<vmem>> -> memref<1x1x128xi32, #tpu.memory_space<vmem>>
      %dma_start3A_154 = tpu.memref_squeeze %dma_start3A_153 : memref<1x1x128xi32, #tpu.memory_space<vmem>> -> memref<128xi32, #tpu.memory_space<vmem>>
      %dma_start3A_155 = arith.constant 0 : i32
      %dma_start3A_156 = arith.constant 0 : i32
      %dma_start3A_157 = tpu.memref_slice %arg2[%dma_start3A_155, %dma_start3A_156] : memref<20000x64xf32, #tpu.memory_space<hbm>> -> memref<20000x64xf32, #tpu.memory_space<hbm>>
      %dma_start3A_158 = tpu.memref_slice %arg10[%dma_start3A_146, %dma_start3A_147] : memref<2x3x!tpu.dma_semaphore, #tpu.memory_space<semaphore_mem>> -> memref<1x1x!tpu.dma_semaphore, #tpu.memory_space<semaphore_mem>>
      %dma_start3A_159 = tpu.memref_squeeze %dma_start3A_158 : memref<1x1x!tpu.dma_semaphore, #tpu.memory_space<semaphore_mem>> -> memref<!tpu.dma_semaphore, #tpu.memory_space<semaphore_mem>>
      tpu.enqueue_indirect_dma source(%dma_start3A_157 : memref<20000x64xf32, #tpu.memory_space<hbm>>) target(%dma_start3A_151 : memref<128x64xf32, #tpu.memory_space<vmem>>) offsets(%dma_start3A_154 : memref<128xi32, #tpu.memory_space<vmem>>) semaphore(%dma_start3A_159 : memref<!tpu.dma_semaphore, #tpu.memory_space<semaphore_mem>>)
      %mul3A_160 = arith.constant 3 : i32
      %mul3A_161 = arith.muli %add3A_138, %mul3A_160 : i32
      %add3A_162 = arith.constant 1 : i32
      %add3A_163 = arith.addi %mul3A_161, %add3A_162 : i32
      %dma_start3A_164 = arith.constant 0 : i32
      %dma_start3A_165 = arith.constant 1 : i32
      %dma_start3A_166 = arith.constant 1 : i32
      %dma_start3A_167 = arith.constant 1 : i32
      %dma_start3A_168 = arith.constant 1 : i32
      %dma_start3A_169 = arith.constant 0 : i32
      %dma_start3A_170 = arith.constant 0 : i32
      %dma_start3A_171 = tpu.memref_slice %arg7[%dma_start3A_165, %dma_start3A_166, %dma_start3A_169, %dma_start3A_170] : memref<2x3x128x64xf32, #tpu.memory_space<vmem>> -> memref<1x1x128x64xf32, #tpu.memory_space<vmem>>
      %dma_start3A_172 = tpu.memref_squeeze %dma_start3A_171 : memref<1x1x128x64xf32, #tpu.memory_space<vmem>> -> memref<128x64xf32, #tpu.memory_space<vmem>>
      %dma_start3A_173 = arith.constant 0 : i32
      %dma_start3A_174 = tpu.memref_slice %arg5[%add3A_163, %dma_start3A_164, %dma_start3A_173] : memref<78x2x128xi32, #tpu.memory_space<vmem>> -> memref<1x1x128xi32, #tpu.memory_space<vmem>>
      %dma_start3A_175 = tpu.memref_squeeze %dma_start3A_174 : memref<1x1x128xi32, #tpu.memory_space<vmem>> -> memref<128xi32, #tpu.memory_space<vmem>>
      %dma_start3A_176 = arith.constant 0 : i32
      %dma_start3A_177 = arith.constant 0 : i32
      %dma_start3A_178 = tpu.memref_slice %arg2[%dma_start3A_176, %dma_start3A_177] : memref<20000x64xf32, #tpu.memory_space<hbm>> -> memref<20000x64xf32, #tpu.memory_space<hbm>>
      %dma_start3A_179 = tpu.memref_slice %arg10[%dma_start3A_167, %dma_start3A_168] : memref<2x3x!tpu.dma_semaphore, #tpu.memory_space<semaphore_mem>> -> memref<1x1x!tpu.dma_semaphore, #tpu.memory_space<semaphore_mem>>
      %dma_start3A_180 = tpu.memref_squeeze %dma_start3A_179 : memref<1x1x!tpu.dma_semaphore, #tpu.memory_space<semaphore_mem>> -> memref<!tpu.dma_semaphore, #tpu.memory_space<semaphore_mem>>
      tpu.enqueue_indirect_dma source(%dma_start3A_178 : memref<20000x64xf32, #tpu.memory_space<hbm>>) target(%dma_start3A_172 : memref<128x64xf32, #tpu.memory_space<vmem>>) offsets(%dma_start3A_175 : memref<128xi32, #tpu.memory_space<vmem>>) semaphore(%dma_start3A_180 : memref<!tpu.dma_semaphore, #tpu.memory_space<semaphore_mem>>)
      %mul3A_181 = arith.constant 3 : i32
      %mul3A_182 = arith.muli %add3A_138, %mul3A_181 : i32
      %add3A_183 = arith.constant 2 : i32
      %add3A_184 = arith.addi %mul3A_182, %add3A_183 : i32
      %dma_start3A_185 = arith.constant 0 : i32
      %dma_start3A_186 = arith.constant 1 : i32
      %dma_start3A_187 = arith.constant 2 : i32
      %dma_start3A_188 = arith.constant 1 : i32
      %dma_start3A_189 = arith.constant 2 : i32
      %dma_start3A_190 = arith.constant 0 : i32
      %dma_start3A_191 = arith.constant 0 : i32
      %dma_start3A_192 = tpu.memref_slice %arg7[%dma_start3A_186, %dma_start3A_187, %dma_start3A_190, %dma_start3A_191] : memref<2x3x128x64xf32, #tpu.memory_space<vmem>> -> memref<1x1x128x64xf32, #tpu.memory_space<vmem>>
      %dma_start3A_193 = tpu.memref_squeeze %dma_start3A_192 : memref<1x1x128x64xf32, #tpu.memory_space<vmem>> -> memref<128x64xf32, #tpu.memory_space<vmem>>
      %dma_start3A_194 = arith.constant 0 : i32
      %dma_start3A_195 = tpu.memref_slice %arg5[%add3A_184, %dma_start3A_185, %dma_start3A_194] : memref<78x2x128xi32, #tpu.memory_space<vmem>> -> memref<1x1x128xi32, #tpu.memory_space<vmem>>
      %dma_start3A_196 = tpu.memref_squeeze %dma_start3A_195 : memref<1x1x128xi32, #tpu.memory_space<vmem>> -> memref<128xi32, #tpu.memory_space<vmem>>
      %dma_start3A_197 = arith.constant 0 : i32
      %dma_start3A_198 = arith.constant 0 : i32
      %dma_start3A_199 = tpu.memref_slice %arg2[%dma_start3A_197, %dma_start3A_198] : memref<20000x64xf32, #tpu.memory_space<hbm>> -> memref<20000x64xf32, #tpu.memory_space<hbm>>
      %dma_start3A_200 = tpu.memref_slice %arg10[%dma_start3A_188, %dma_start3A_189] : memref<2x3x!tpu.dma_semaphore, #tpu.memory_space<semaphore_mem>> -> memref<1x1x!tpu.dma_semaphore, #tpu.memory_space<semaphore_mem>>
      %dma_start3A_201 = tpu.memref_squeeze %dma_start3A_200 : memref<1x1x!tpu.dma_semaphore, #tpu.memory_space<semaphore_mem>> -> memref<!tpu.dma_semaphore, #tpu.memory_space<semaphore_mem>>
      tpu.enqueue_indirect_dma source(%dma_start3A_199 : memref<20000x64xf32, #tpu.memory_space<hbm>>) target(%dma_start3A_193 : memref<128x64xf32, #tpu.memory_space<vmem>>) offsets(%dma_start3A_196 : memref<128xi32, #tpu.memory_space<vmem>>) semaphore(%dma_start3A_201 : memref<!tpu.dma_semaphore, #tpu.memory_space<semaphore_mem>>)
      %mul3A_202 = arith.constant 3 : i32
      %mul3A_203 = arith.muli %mul3A_136, %mul3A_202 : i32
      %add3A_204 = arith.constant 0 : i32
      %add3A_205 = arith.addi %mul3A_203, %add3A_204 : i32
      %dma_wait3A = arith.constant 0 : i32
      %dma_wait3A_206 = arith.constant 0 : i32
      %dma_wait3A_207 = arith.constant 0 : i32
      %dma_wait3A_208 = arith.constant 0 : i32
      %dma_wait3A_209 = arith.constant 0 : i32
      %dma_wait3A_210 = arith.constant 0 : i32
      %dma_wait3A_211 = arith.constant 0 : i32
      %dma_wait3A_212 = tpu.memref_slice %arg7[%dma_wait3A_206, %dma_wait3A_207, %dma_wait3A_210, %dma_wait3A_211] : memref<2x3x128x64xf32, #tpu.memory_space<vmem>> -> memref<1x1x128x64xf32, #tpu.memory_space<vmem>>
      %dma_wait3A_213 = tpu.memref_squeeze %dma_wait3A_212 : memref<1x1x128x64xf32, #tpu.memory_space<vmem>> -> memref<128x64xf32, #tpu.memory_space<vmem>>
      %dma_wait3A_214 = arith.constant 0 : i32
      %dma_wait3A_215 = tpu.memref_slice %arg5[%add3A_205, %dma_wait3A, %dma_wait3A_214] : memref<78x2x128xi32, #tpu.memory_space<vmem>> -> memref<1x1x128xi32, #tpu.memory_space<vmem>>
      %dma_wait3A_216 = tpu.memref_squeeze %dma_wait3A_215 : memref<1x1x128xi32, #tpu.memory_space<vmem>> -> memref<128xi32, #tpu.memory_space<vmem>>
      %dma_wait3A_217 = arith.constant 0 : i32
      %dma_wait3A_218 = arith.constant 0 : i32
      %dma_wait3A_219 = tpu.memref_slice %arg2[%dma_wait3A_217, %dma_wait3A_218] : memref<20000x64xf32, #tpu.memory_space<hbm>> -> memref<20000x64xf32, #tpu.memory_space<hbm>>
      %dma_wait3A_220 = tpu.memref_slice %arg10[%dma_wait3A_208, %dma_wait3A_209] : memref<2x3x!tpu.dma_semaphore, #tpu.memory_space<semaphore_mem>> -> memref<1x1x!tpu.dma_semaphore, #tpu.memory_space<semaphore_mem>>
      %dma_wait3A_221 = tpu.memref_squeeze %dma_wait3A_220 : memref<1x1x!tpu.dma_semaphore, #tpu.memory_space<semaphore_mem>> -> memref<!tpu.dma_semaphore, #tpu.memory_space<semaphore_mem>>
      tpu.wait_indirect_dma semaphore(%dma_wait3A_221 : memref<!tpu.dma_semaphore, #tpu.memory_space<semaphore_mem>>) src(%dma_wait3A_219 : memref<20000x64xf32, #tpu.memory_space<hbm>>) dst(%dma_wait3A_213 : memref<128x64xf32, #tpu.memory_space<vmem>>)
      %mul3A_222 = arith.constant 3 : i32
      %mul3A_223 = arith.muli %mul3A_136, %mul3A_222 : i32
      %add3A_224 = arith.constant 0 : i32
      %add3A_225 = arith.addi %mul3A_223, %add3A_224 : i32
      %run_scoped3A = arith.constant 0 : i32
      %run_scoped3A_226 = arith.constant 0 : i32
      %run_scoped3A_227 = arith.constant 1 : i32
      "tpu.region"() ({
        %run_scoped3A_377 = tpu.sem_alloc : memref<!tpu.dma_semaphore, #tpu.memory_space<semaphore_mem>>
        %dma_start3A_378 = arith.constant 0 : i32
        %dma_start3A_379 = arith.constant 0 : i32
        %dma_start3A_380 = tpu.memref_slice %arg7[%run_scoped3A, %run_scoped3A_226, %dma_start3A_378, %dma_start3A_379] : memref<2x3x128x64xf32, #tpu.memory_space<vmem>> -> memref<1x1x128x64xf32, #tpu.memory_space<vmem>>
        %dma_start3A_381 = tpu.memref_squeeze %dma_start3A_380 : memref<1x1x128x64xf32, #tpu.memory_space<vmem>> -> memref<128x64xf32, #tpu.memory_space<vmem>>
        %dma_start3A_382 = arith.constant 0 : i32
        %dma_start3A_383 = tpu.memref_slice %arg5[%add3A_225, %run_scoped3A_227, %dma_start3A_382] : memref<78x2x128xi32, #tpu.memory_space<vmem>> -> memref<1x1x128xi32, #tpu.memory_space<vmem>>
        %dma_start3A_384 = tpu.memref_squeeze %dma_start3A_383 : memref<1x1x128xi32, #tpu.memory_space<vmem>> -> memref<128xi32, #tpu.memory_space<vmem>>
        %dma_start3A_385 = arith.constant 0 : i32
        %dma_start3A_386 = arith.constant 0 : i32
        %dma_start3A_387 = tpu.memref_slice %arg9[%dma_start3A_385, %dma_start3A_386] : memref<10240x64xf32, #tpu.memory_space<vmem_shared>> -> memref<10240x64xf32, #tpu.memory_space<vmem_shared>>
        tpu.enqueue_indirect_dma source(%dma_start3A_381 : memref<128x64xf32, #tpu.memory_space<vmem>>) target(%dma_start3A_387 : memref<10240x64xf32, #tpu.memory_space<vmem_shared>>) offsets(%dma_start3A_384 : memref<128xi32, #tpu.memory_space<vmem>>) semaphore(%run_scoped3A_377 : memref<!tpu.dma_semaphore, #tpu.memory_space<semaphore_mem>>) {add = true}
        %dma_wait3A_388 = arith.constant 0 : i32
        %dma_wait3A_389 = arith.constant 0 : i32
        %dma_wait3A_390 = tpu.memref_slice %arg7[%run_scoped3A, %run_scoped3A_226, %dma_wait3A_388, %dma_wait3A_389] : memref<2x3x128x64xf32, #tpu.memory_space<vmem>> -> memref<1x1x128x64xf32, #tpu.memory_space<vmem>>
        %dma_wait3A_391 = tpu.memref_squeeze %dma_wait3A_390 : memref<1x1x128x64xf32, #tpu.memory_space<vmem>> -> memref<128x64xf32, #tpu.memory_space<vmem>>
        %dma_wait3A_392 = arith.constant 0 : i32
        %dma_wait3A_393 = tpu.memref_slice %arg5[%add3A_225, %run_scoped3A_227, %dma_wait3A_392] : memref<78x2x128xi32, #tpu.memory_space<vmem>> -> memref<1x1x128xi32, #tpu.memory_space<vmem>>
        %dma_wait3A_394 = tpu.memref_squeeze %dma_wait3A_393 : memref<1x1x128xi32, #tpu.memory_space<vmem>> -> memref<128xi32, #tpu.memory_space<vmem>>
        %dma_wait3A_395 = arith.constant 0 : i32
        %dma_wait3A_396 = arith.constant 0 : i32
        %dma_wait3A_397 = tpu.memref_slice %arg9[%dma_wait3A_395, %dma_wait3A_396] : memref<10240x64xf32, #tpu.memory_space<vmem_shared>> -> memref<10240x64xf32, #tpu.memory_space<vmem_shared>>
        tpu.wait_indirect_dma semaphore(%run_scoped3A_377 : memref<!tpu.dma_semaphore, #tpu.memory_space<semaphore_mem>>) src(%dma_wait3A_391 : memref<128x64xf32, #tpu.memory_space<vmem>>) dst(%dma_wait3A_397 : memref<10240x64xf32, #tpu.memory_space<vmem_shared>>)
        tpu.yield
      }) : () -> ()
      %mul3A_228 = arith.constant 3 : i32
      %mul3A_229 = arith.muli %mul3A_136, %mul3A_228 : i32
      %add3A_230 = arith.constant 1 : i32
      %add3A_231 = arith.addi %mul3A_229, %add3A_230 : i32
      %dma_wait3A_232 = arith.constant 0 : i32
      %dma_wait3A_233 = arith.constant 0 : i32
      %dma_wait3A_234 = arith.constant 1 : i32
      %dma_wait3A_235 = arith.constant 0 : i32
      %dma_wait3A_236 = arith.constant 1 : i32
      %dma_wait3A_237 = arith.constant 0 : i32
      %dma_wait3A_238 = arith.constant 0 : i32
      %dma_wait3A_239 = tpu.memref_slice %arg7[%dma_wait3A_233, %dma_wait3A_234, %dma_wait3A_237, %dma_wait3A_238] : memref<2x3x128x64xf32, #tpu.memory_space<vmem>> -> memref<1x1x128x64xf32, #tpu.memory_space<vmem>>
      %dma_wait3A_240 = tpu.memref_squeeze %dma_wait3A_239 : memref<1x1x128x64xf32, #tpu.memory_space<vmem>> -> memref<128x64xf32, #tpu.memory_space<vmem>>
      %dma_wait3A_241 = arith.constant 0 : i32
      %dma_wait3A_242 = tpu.memref_slice %arg5[%add3A_231, %dma_wait3A_232, %dma_wait3A_241] : memref<78x2x128xi32, #tpu.memory_space<vmem>> -> memref<1x1x128xi32, #tpu.memory_space<vmem>>
      %dma_wait3A_243 = tpu.memref_squeeze %dma_wait3A_242 : memref<1x1x128xi32, #tpu.memory_space<vmem>> -> memref<128xi32, #tpu.memory_space<vmem>>
      %dma_wait3A_244 = arith.constant 0 : i32
      %dma_wait3A_245 = arith.constant 0 : i32
      %dma_wait3A_246 = tpu.memref_slice %arg2[%dma_wait3A_244, %dma_wait3A_245] : memref<20000x64xf32, #tpu.memory_space<hbm>> -> memref<20000x64xf32, #tpu.memory_space<hbm>>
      %dma_wait3A_247 = tpu.memref_slice %arg10[%dma_wait3A_235, %dma_wait3A_236] : memref<2x3x!tpu.dma_semaphore, #tpu.memory_space<semaphore_mem>> -> memref<1x1x!tpu.dma_semaphore, #tpu.memory_space<semaphore_mem>>
      %dma_wait3A_248 = tpu.memref_squeeze %dma_wait3A_247 : memref<1x1x!tpu.dma_semaphore, #tpu.memory_space<semaphore_mem>> -> memref<!tpu.dma_semaphore, #tpu.memory_space<semaphore_mem>>
      tpu.wait_indirect_dma semaphore(%dma_wait3A_248 : memref<!tpu.dma_semaphore, #tpu.memory_space<semaphore_mem>>) src(%dma_wait3A_246 : memref<20000x64xf32, #tpu.memory_space<hbm>>) dst(%dma_wait3A_240 : memref<128x64xf32, #tpu.memory_space<vmem>>)
      %mul3A_249 = arith.constant 3 : i32
      %mul3A_250 = arith.muli %mul3A_136, %mul3A_249 : i32
      %add3A_251 = arith.constant 1 : i32
      %add3A_252 = arith.addi %mul3A_250, %add3A_251 : i32
      %run_scoped3A_253 = arith.constant 0 : i32
      %run_scoped3A_254 = arith.constant 1 : i32
      %run_scoped3A_255 = arith.constant 1 : i32
      "tpu.region"() ({
        %run_scoped3A_377 = tpu.sem_alloc : memref<!tpu.dma_semaphore, #tpu.memory_space<semaphore_mem>>
        %dma_start3A_378 = arith.constant 0 : i32
        %dma_start3A_379 = arith.constant 0 : i32
        %dma_start3A_380 = tpu.memref_slice %arg7[%run_scoped3A_253, %run_scoped3A_254, %dma_start3A_378, %dma_start3A_379] : memref<2x3x128x64xf32, #tpu.memory_space<vmem>> -> memref<1x1x128x64xf32, #tpu.memory_space<vmem>>
        %dma_start3A_381 = tpu.memref_squeeze %dma_start3A_380 : memref<1x1x128x64xf32, #tpu.memory_space<vmem>> -> memref<128x64xf32, #tpu.memory_space<vmem>>
        %dma_start3A_382 = arith.constant 0 : i32
        %dma_start3A_383 = tpu.memref_slice %arg5[%add3A_252, %run_scoped3A_255, %dma_start3A_382] : memref<78x2x128xi32, #tpu.memory_space<vmem>> -> memref<1x1x128xi32, #tpu.memory_space<vmem>>
        %dma_start3A_384 = tpu.memref_squeeze %dma_start3A_383 : memref<1x1x128xi32, #tpu.memory_space<vmem>> -> memref<128xi32, #tpu.memory_space<vmem>>
        %dma_start3A_385 = arith.constant 0 : i32
        %dma_start3A_386 = arith.constant 0 : i32
        %dma_start3A_387 = tpu.memref_slice %arg9[%dma_start3A_385, %dma_start3A_386] : memref<10240x64xf32, #tpu.memory_space<vmem_shared>> -> memref<10240x64xf32, #tpu.memory_space<vmem_shared>>
        tpu.enqueue_indirect_dma source(%dma_start3A_381 : memref<128x64xf32, #tpu.memory_space<vmem>>) target(%dma_start3A_387 : memref<10240x64xf32, #tpu.memory_space<vmem_shared>>) offsets(%dma_start3A_384 : memref<128xi32, #tpu.memory_space<vmem>>) semaphore(%run_scoped3A_377 : memref<!tpu.dma_semaphore, #tpu.memory_space<semaphore_mem>>) {add = true}
        %dma_wait3A_388 = arith.constant 0 : i32
        %dma_wait3A_389 = arith.constant 0 : i32
        %dma_wait3A_390 = tpu.memref_slice %arg7[%run_scoped3A_253, %run_scoped3A_254, %dma_wait3A_388, %dma_wait3A_389] : memref<2x3x128x64xf32, #tpu.memory_space<vmem>> -> memref<1x1x128x64xf32, #tpu.memory_space<vmem>>
        %dma_wait3A_391 = tpu.memref_squeeze %dma_wait3A_390 : memref<1x1x128x64xf32, #tpu.memory_space<vmem>> -> memref<128x64xf32, #tpu.memory_space<vmem>>
        %dma_wait3A_392 = arith.constant 0 : i32
        %dma_wait3A_393 = tpu.memref_slice %arg5[%add3A_252, %run_scoped3A_255, %dma_wait3A_392] : memref<78x2x128xi32, #tpu.memory_space<vmem>> -> memref<1x1x128xi32, #tpu.memory_space<vmem>>
        %dma_wait3A_394 = tpu.memref_squeeze %dma_wait3A_393 : memref<1x1x128xi32, #tpu.memory_space<vmem>> -> memref<128xi32, #tpu.memory_space<vmem>>
        %dma_wait3A_395 = arith.constant 0 : i32
        %dma_wait3A_396 = arith.constant 0 : i32
        %dma_wait3A_397 = tpu.memref_slice %arg9[%dma_wait3A_395, %dma_wait3A_396] : memref<10240x64xf32, #tpu.memory_space<vmem_shared>> -> memref<10240x64xf32, #tpu.memory_space<vmem_shared>>
        tpu.wait_indirect_dma semaphore(%run_scoped3A_377 : memref<!tpu.dma_semaphore, #tpu.memory_space<semaphore_mem>>) src(%dma_wait3A_391 : memref<128x64xf32, #tpu.memory_space<vmem>>) dst(%dma_wait3A_397 : memref<10240x64xf32, #tpu.memory_space<vmem_shared>>)
        tpu.yield
      }) : () -> ()
      %mul3A_256 = arith.constant 3 : i32
      %mul3A_257 = arith.muli %mul3A_136, %mul3A_256 : i32
      %add3A_258 = arith.constant 2 : i32
      %add3A_259 = arith.addi %mul3A_257, %add3A_258 : i32
      %dma_wait3A_260 = arith.constant 0 : i32
      %dma_wait3A_261 = arith.constant 0 : i32
      %dma_wait3A_262 = arith.constant 2 : i32
      %dma_wait3A_263 = arith.constant 0 : i32
      %dma_wait3A_264 = arith.constant 2 : i32
      %dma_wait3A_265 = arith.constant 0 : i32
      %dma_wait3A_266 = arith.constant 0 : i32
      %dma_wait3A_267 = tpu.memref_slice %arg7[%dma_wait3A_261, %dma_wait3A_262, %dma_wait3A_265, %dma_wait3A_266] : memref<2x3x128x64xf32, #tpu.memory_space<vmem>> -> memref<1x1x128x64xf32, #tpu.memory_space<vmem>>
      %dma_wait3A_268 = tpu.memref_squeeze %dma_wait3A_267 : memref<1x1x128x64xf32, #tpu.memory_space<vmem>> -> memref<128x64xf32, #tpu.memory_space<vmem>>
      %dma_wait3A_269 = arith.constant 0 : i32
      %dma_wait3A_270 = tpu.memref_slice %arg5[%add3A_259, %dma_wait3A_260, %dma_wait3A_269] : memref<78x2x128xi32, #tpu.memory_space<vmem>> -> memref<1x1x128xi32, #tpu.memory_space<vmem>>
      %dma_wait3A_271 = tpu.memref_squeeze %dma_wait3A_270 : memref<1x1x128xi32, #tpu.memory_space<vmem>> -> memref<128xi32, #tpu.memory_space<vmem>>
      %dma_wait3A_272 = arith.constant 0 : i32
      %dma_wait3A_273 = arith.constant 0 : i32
      %dma_wait3A_274 = tpu.memref_slice %arg2[%dma_wait3A_272, %dma_wait3A_273] : memref<20000x64xf32, #tpu.memory_space<hbm>> -> memref<20000x64xf32, #tpu.memory_space<hbm>>
      %dma_wait3A_275 = tpu.memref_slice %arg10[%dma_wait3A_263, %dma_wait3A_264] : memref<2x3x!tpu.dma_semaphore, #tpu.memory_space<semaphore_mem>> -> memref<1x1x!tpu.dma_semaphore, #tpu.memory_space<semaphore_mem>>
      %dma_wait3A_276 = tpu.memref_squeeze %dma_wait3A_275 : memref<1x1x!tpu.dma_semaphore, #tpu.memory_space<semaphore_mem>> -> memref<!tpu.dma_semaphore, #tpu.memory_space<semaphore_mem>>
      tpu.wait_indirect_dma semaphore(%dma_wait3A_276 : memref<!tpu.dma_semaphore, #tpu.memory_space<semaphore_mem>>) src(%dma_wait3A_274 : memref<20000x64xf32, #tpu.memory_space<hbm>>) dst(%dma_wait3A_268 : memref<128x64xf32, #tpu.memory_space<vmem>>)
      %mul3A_277 = arith.constant 3 : i32
      %mul3A_278 = arith.muli %mul3A_136, %mul3A_277 : i32
      %add3A_279 = arith.constant 2 : i32
      %add3A_280 = arith.addi %mul3A_278, %add3A_279 : i32
      %run_scoped3A_281 = arith.constant 0 : i32
      %run_scoped3A_282 = arith.constant 2 : i32
      %run_scoped3A_283 = arith.constant 1 : i32
      "tpu.region"() ({
        %run_scoped3A_377 = tpu.sem_alloc : memref<!tpu.dma_semaphore, #tpu.memory_space<semaphore_mem>>
        %dma_start3A_378 = arith.constant 0 : i32
        %dma_start3A_379 = arith.constant 0 : i32
        %dma_start3A_380 = tpu.memref_slice %arg7[%run_scoped3A_281, %run_scoped3A_282, %dma_start3A_378, %dma_start3A_379] : memref<2x3x128x64xf32, #tpu.memory_space<vmem>> -> memref<1x1x128x64xf32, #tpu.memory_space<vmem>>
        %dma_start3A_381 = tpu.memref_squeeze %dma_start3A_380 : memref<1x1x128x64xf32, #tpu.memory_space<vmem>> -> memref<128x64xf32, #tpu.memory_space<vmem>>
        %dma_start3A_382 = arith.constant 0 : i32
        %dma_start3A_383 = tpu.memref_slice %arg5[%add3A_280, %run_scoped3A_283, %dma_start3A_382] : memref<78x2x128xi32, #tpu.memory_space<vmem>> -> memref<1x1x128xi32, #tpu.memory_space<vmem>>
        %dma_start3A_384 = tpu.memref_squeeze %dma_start3A_383 : memref<1x1x128xi32, #tpu.memory_space<vmem>> -> memref<128xi32, #tpu.memory_space<vmem>>
        %dma_start3A_385 = arith.constant 0 : i32
        %dma_start3A_386 = arith.constant 0 : i32
        %dma_start3A_387 = tpu.memref_slice %arg9[%dma_start3A_385, %dma_start3A_386] : memref<10240x64xf32, #tpu.memory_space<vmem_shared>> -> memref<10240x64xf32, #tpu.memory_space<vmem_shared>>
        tpu.enqueue_indirect_dma source(%dma_start3A_381 : memref<128x64xf32, #tpu.memory_space<vmem>>) target(%dma_start3A_387 : memref<10240x64xf32, #tpu.memory_space<vmem_shared>>) offsets(%dma_start3A_384 : memref<128xi32, #tpu.memory_space<vmem>>) semaphore(%run_scoped3A_377 : memref<!tpu.dma_semaphore, #tpu.memory_space<semaphore_mem>>) {add = true}
        %dma_wait3A_388 = arith.constant 0 : i32
        %dma_wait3A_389 = arith.constant 0 : i32
        %dma_wait3A_390 = tpu.memref_slice %arg7[%run_scoped3A_281, %run_scoped3A_282, %dma_wait3A_388, %dma_wait3A_389] : memref<2x3x128x64xf32, #tpu.memory_space<vmem>> -> memref<1x1x128x64xf32, #tpu.memory_space<vmem>>
        %dma_wait3A_391 = tpu.memref_squeeze %dma_wait3A_390 : memref<1x1x128x64xf32, #tpu.memory_space<vmem>> -> memref<128x64xf32, #tpu.memory_space<vmem>>
        %dma_wait3A_392 = arith.constant 0 : i32
        %dma_wait3A_393 = tpu.memref_slice %arg5[%add3A_280, %run_scoped3A_283, %dma_wait3A_392] : memref<78x2x128xi32, #tpu.memory_space<vmem>> -> memref<1x1x128xi32, #tpu.memory_space<vmem>>
        %dma_wait3A_394 = tpu.memref_squeeze %dma_wait3A_393 : memref<1x1x128xi32, #tpu.memory_space<vmem>> -> memref<128xi32, #tpu.memory_space<vmem>>
        %dma_wait3A_395 = arith.constant 0 : i32
        %dma_wait3A_396 = arith.constant 0 : i32
        %dma_wait3A_397 = tpu.memref_slice %arg9[%dma_wait3A_395, %dma_wait3A_396] : memref<10240x64xf32, #tpu.memory_space<vmem_shared>> -> memref<10240x64xf32, #tpu.memory_space<vmem_shared>>
        tpu.wait_indirect_dma semaphore(%run_scoped3A_377 : memref<!tpu.dma_semaphore, #tpu.memory_space<semaphore_mem>>) src(%dma_wait3A_391 : memref<128x64xf32, #tpu.memory_space<vmem>>) dst(%dma_wait3A_397 : memref<10240x64xf32, #tpu.memory_space<vmem_shared>>)
        tpu.yield
      }) : () -> ()
      %add3A_284 = arith.constant 2 : i32
      %add3A_285 = arith.addi %mul3A_136, %add3A_284 : i32
      %lt3A_286 = arith.constant 26 : i32
      %lt3A_287 = arith.cmpi slt, %add3A_285, %lt3A_286 : i32
      %convert_element_type3A_288 = arith.extui %lt3A_287 : i1 to i32
      %cond3A_289 = arith.constant 0 : i32
      %cond3A_290 = arith.cmpi ne, %convert_element_type3A_288, %cond3A_289 : i32
      scf.if %cond3A_290 {
        %add3A_377 = arith.constant 2 : i32
        %add3A_378 = arith.addi %mul3A_136, %add3A_377 : i32
        %mul3A_379 = arith.constant 3 : i32
        %mul3A_380 = arith.muli %add3A_378, %mul3A_379 : i32
        %add3A_381 = arith.constant 0 : i32
        %add3A_382 = arith.addi %mul3A_380, %add3A_381 : i32
        %dma_start3A_383 = arith.constant 0 : i32
        %dma_start3A_384 = arith.constant 0 : i32
        %dma_start3A_385 = arith.constant 0 : i32
        %dma_start3A_386 = arith.constant 0 : i32
        %dma_start3A_387 = arith.constant 0 : i32
        %dma_start3A_388 = arith.constant 0 : i32
        %dma_start3A_389 = arith.constant 0 : i32
        %dma_start3A_390 = tpu.memref_slice %arg7[%dma_start3A_384, %dma_start3A_385, %dma_start3A_388, %dma_start3A_389] : memref<2x3x128x64xf32, #tpu.memory_space<vmem>> -> memref<1x1x128x64xf32, #tpu.memory_space<vmem>>
        %dma_start3A_391 = tpu.memref_squeeze %dma_start3A_390 : memref<1x1x128x64xf32, #tpu.memory_space<vmem>> -> memref<128x64xf32, #tpu.memory_space<vmem>>
        %dma_start3A_392 = arith.constant 0 : i32
        %dma_start3A_393 = tpu.memref_slice %arg5[%add3A_382, %dma_start3A_383, %dma_start3A_392] : memref<78x2x128xi32, #tpu.memory_space<vmem>> -> memref<1x1x128xi32, #tpu.memory_space<vmem>>
        %dma_start3A_394 = tpu.memref_squeeze %dma_start3A_393 : memref<1x1x128xi32, #tpu.memory_space<vmem>> -> memref<128xi32, #tpu.memory_space<vmem>>
        %dma_start3A_395 = arith.constant 0 : i32
        %dma_start3A_396 = arith.constant 0 : i32
        %dma_start3A_397 = tpu.memref_slice %arg2[%dma_start3A_395, %dma_start3A_396] : memref<20000x64xf32, #tpu.memory_space<hbm>> -> memref<20000x64xf32, #tpu.memory_space<hbm>>
        %dma_start3A_398 = tpu.memref_slice %arg10[%dma_start3A_386, %dma_start3A_387] : memref<2x3x!tpu.dma_semaphore, #tpu.memory_space<semaphore_mem>> -> memref<1x1x!tpu.dma_semaphore, #tpu.memory_space<semaphore_mem>>
        %dma_start3A_399 = tpu.memref_squeeze %dma_start3A_398 : memref<1x1x!tpu.dma_semaphore, #tpu.memory_space<semaphore_mem>> -> memref<!tpu.dma_semaphore, #tpu.memory_space<semaphore_mem>>
        tpu.enqueue_indirect_dma source(%dma_start3A_397 : memref<20000x64xf32, #tpu.memory_space<hbm>>) target(%dma_start3A_391 : memref<128x64xf32, #tpu.memory_space<vmem>>) offsets(%dma_start3A_394 : memref<128xi32, #tpu.memory_space<vmem>>) semaphore(%dma_start3A_399 : memref<!tpu.dma_semaphore, #tpu.memory_space<semaphore_mem>>)
        %mul3A_400 = arith.constant 3 : i32
        %mul3A_401 = arith.muli %add3A_378, %mul3A_400 : i32
        %add3A_402 = arith.constant 1 : i32
        %add3A_403 = arith.addi %mul3A_401, %add3A_402 : i32
        %dma_start3A_404 = arith.constant 0 : i32
        %dma_start3A_405 = arith.constant 0 : i32
        %dma_start3A_406 = arith.constant 1 : i32
        %dma_start3A_407 = arith.constant 0 : i32
        %dma_start3A_408 = arith.constant 1 : i32
        %dma_start3A_409 = arith.constant 0 : i32
        %dma_start3A_410 = arith.constant 0 : i32
        %dma_start3A_411 = tpu.memref_slice %arg7[%dma_start3A_405, %dma_start3A_406, %dma_start3A_409, %dma_start3A_410] : memref<2x3x128x64xf32, #tpu.memory_space<vmem>> -> memref<1x1x128x64xf32, #tpu.memory_space<vmem>>
        %dma_start3A_412 = tpu.memref_squeeze %dma_start3A_411 : memref<1x1x128x64xf32, #tpu.memory_space<vmem>> -> memref<128x64xf32, #tpu.memory_space<vmem>>
        %dma_start3A_413 = arith.constant 0 : i32
        %dma_start3A_414 = tpu.memref_slice %arg5[%add3A_403, %dma_start3A_404, %dma_start3A_413] : memref<78x2x128xi32, #tpu.memory_space<vmem>> -> memref<1x1x128xi32, #tpu.memory_space<vmem>>
        %dma_start3A_415 = tpu.memref_squeeze %dma_start3A_414 : memref<1x1x128xi32, #tpu.memory_space<vmem>> -> memref<128xi32, #tpu.memory_space<vmem>>
        %dma_start3A_416 = arith.constant 0 : i32
        %dma_start3A_417 = arith.constant 0 : i32
        %dma_start3A_418 = tpu.memref_slice %arg2[%dma_start3A_416, %dma_start3A_417] : memref<20000x64xf32, #tpu.memory_space<hbm>> -> memref<20000x64xf32, #tpu.memory_space<hbm>>
        %dma_start3A_419 = tpu.memref_slice %arg10[%dma_start3A_407, %dma_start3A_408] : memref<2x3x!tpu.dma_semaphore, #tpu.memory_space<semaphore_mem>> -> memref<1x1x!tpu.dma_semaphore, #tpu.memory_space<semaphore_mem>>
        %dma_start3A_420 = tpu.memref_squeeze %dma_start3A_419 : memref<1x1x!tpu.dma_semaphore, #tpu.memory_space<semaphore_mem>> -> memref<!tpu.dma_semaphore, #tpu.memory_space<semaphore_mem>>
        tpu.enqueue_indirect_dma source(%dma_start3A_418 : memref<20000x64xf32, #tpu.memory_space<hbm>>) target(%dma_start3A_412 : memref<128x64xf32, #tpu.memory_space<vmem>>) offsets(%dma_start3A_415 : memref<128xi32, #tpu.memory_space<vmem>>) semaphore(%dma_start3A_420 : memref<!tpu.dma_semaphore, #tpu.memory_space<semaphore_mem>>)
        %mul3A_421 = arith.constant 3 : i32
        %mul3A_422 = arith.muli %add3A_378, %mul3A_421 : i32
        %add3A_423 = arith.constant 2 : i32
        %add3A_424 = arith.addi %mul3A_422, %add3A_423 : i32
        %dma_start3A_425 = arith.constant 0 : i32
        %dma_start3A_426 = arith.constant 0 : i32
        %dma_start3A_427 = arith.constant 2 : i32
        %dma_start3A_428 = arith.constant 0 : i32
        %dma_start3A_429 = arith.constant 2 : i32
        %dma_start3A_430 = arith.constant 0 : i32
        %dma_start3A_431 = arith.constant 0 : i32
        %dma_start3A_432 = tpu.memref_slice %arg7[%dma_start3A_426, %dma_start3A_427, %dma_start3A_430, %dma_start3A_431] : memref<2x3x128x64xf32, #tpu.memory_space<vmem>> -> memref<1x1x128x64xf32, #tpu.memory_space<vmem>>
        %dma_start3A_433 = tpu.memref_squeeze %dma_start3A_432 : memref<1x1x128x64xf32, #tpu.memory_space<vmem>> -> memref<128x64xf32, #tpu.memory_space<vmem>>
        %dma_start3A_434 = arith.constant 0 : i32
        %dma_start3A_435 = tpu.memref_slice %arg5[%add3A_424, %dma_start3A_425, %dma_start3A_434] : memref<78x2x128xi32, #tpu.memory_space<vmem>> -> memref<1x1x128xi32, #tpu.memory_space<vmem>>
        %dma_start3A_436 = tpu.memref_squeeze %dma_start3A_435 : memref<1x1x128xi32, #tpu.memory_space<vmem>> -> memref<128xi32, #tpu.memory_space<vmem>>
        %dma_start3A_437 = arith.constant 0 : i32
        %dma_start3A_438 = arith.constant 0 : i32
        %dma_start3A_439 = tpu.memref_slice %arg2[%dma_start3A_437, %dma_start3A_438] : memref<20000x64xf32, #tpu.memory_space<hbm>> -> memref<20000x64xf32, #tpu.memory_space<hbm>>
        %dma_start3A_440 = tpu.memref_slice %arg10[%dma_start3A_428, %dma_start3A_429] : memref<2x3x!tpu.dma_semaphore, #tpu.memory_space<semaphore_mem>> -> memref<1x1x!tpu.dma_semaphore, #tpu.memory_space<semaphore_mem>>
        %dma_start3A_441 = tpu.memref_squeeze %dma_start3A_440 : memref<1x1x!tpu.dma_semaphore, #tpu.memory_space<semaphore_mem>> -> memref<!tpu.dma_semaphore, #tpu.memory_space<semaphore_mem>>
        tpu.enqueue_indirect_dma source(%dma_start3A_439 : memref<20000x64xf32, #tpu.memory_space<hbm>>) target(%dma_start3A_433 : memref<128x64xf32, #tpu.memory_space<vmem>>) offsets(%dma_start3A_436 : memref<128xi32, #tpu.memory_space<vmem>>) semaphore(%dma_start3A_441 : memref<!tpu.dma_semaphore, #tpu.memory_space<semaphore_mem>>)
      } else {
      }
      %add3A_291 = arith.constant 1 : i32
      %add3A_292 = arith.addi %mul3A_136, %add3A_291 : i32
      %mul3A_293 = arith.constant 3 : i32
      %mul3A_294 = arith.muli %add3A_292, %mul3A_293 : i32
      %add3A_295 = arith.constant 0 : i32
      %add3A_296 = arith.addi %mul3A_294, %add3A_295 : i32
      %dma_wait3A_297 = arith.constant 0 : i32
      %dma_wait3A_298 = arith.constant 1 : i32
      %dma_wait3A_299 = arith.constant 0 : i32
      %dma_wait3A_300 = arith.constant 1 : i32
      %dma_wait3A_301 = arith.constant 0 : i32
      %dma_wait3A_302 = arith.constant 0 : i32
      %dma_wait3A_303 = arith.constant 0 : i32
      %dma_wait3A_304 = tpu.memref_slice %arg7[%dma_wait3A_298, %dma_wait3A_299, %dma_wait3A_302, %dma_wait3A_303] : memref<2x3x128x64xf32, #tpu.memory_space<vmem>> -> memref<1x1x128x64xf32, #tpu.memory_space<vmem>>
      %dma_wait3A_305 = tpu.memref_squeeze %dma_wait3A_304 : memref<1x1x128x64xf32, #tpu.memory_space<vmem>> -> memref<128x64xf32, #tpu.memory_space<vmem>>
      %dma_wait3A_306 = arith.constant 0 : i32
      %dma_wait3A_307 = tpu.memref_slice %arg5[%add3A_296, %dma_wait3A_297, %dma_wait3A_306] : memref<78x2x128xi32, #tpu.memory_space<vmem>> -> memref<1x1x128xi32, #tpu.memory_space<vmem>>
      %dma_wait3A_308 = tpu.memref_squeeze %dma_wait3A_307 : memref<1x1x128xi32, #tpu.memory_space<vmem>> -> memref<128xi32, #tpu.memory_space<vmem>>
      %dma_wait3A_309 = arith.constant 0 : i32
      %dma_wait3A_310 = arith.constant 0 : i32
      %dma_wait3A_311 = tpu.memref_slice %arg2[%dma_wait3A_309, %dma_wait3A_310] : memref<20000x64xf32, #tpu.memory_space<hbm>> -> memref<20000x64xf32, #tpu.memory_space<hbm>>
      %dma_wait3A_312 = tpu.memref_slice %arg10[%dma_wait3A_300, %dma_wait3A_301] : memref<2x3x!tpu.dma_semaphore, #tpu.memory_space<semaphore_mem>> -> memref<1x1x!tpu.dma_semaphore, #tpu.memory_space<semaphore_mem>>
      %dma_wait3A_313 = tpu.memref_squeeze %dma_wait3A_312 : memref<1x1x!tpu.dma_semaphore, #tpu.memory_space<semaphore_mem>> -> memref<!tpu.dma_semaphore, #tpu.memory_space<semaphore_mem>>
      tpu.wait_indirect_dma semaphore(%dma_wait3A_313 : memref<!tpu.dma_semaphore, #tpu.memory_space<semaphore_mem>>) src(%dma_wait3A_311 : memref<20000x64xf32, #tpu.memory_space<hbm>>) dst(%dma_wait3A_305 : memref<128x64xf32, #tpu.memory_space<vmem>>)
      %mul3A_314 = arith.constant 3 : i32
      %mul3A_315 = arith.muli %add3A_292, %mul3A_314 : i32
      %add3A_316 = arith.constant 0 : i32
      %add3A_317 = arith.addi %mul3A_315, %add3A_316 : i32
      %run_scoped3A_318 = arith.constant 1 : i32
      %run_scoped3A_319 = arith.constant 0 : i32
      %run_scoped3A_320 = arith.constant 1 : i32
      "tpu.region"() ({
        %run_scoped3A_377 = tpu.sem_alloc : memref<!tpu.dma_semaphore, #tpu.memory_space<semaphore_mem>>
        %dma_start3A_378 = arith.constant 0 : i32
        %dma_start3A_379 = arith.constant 0 : i32
        %dma_start3A_380 = tpu.memref_slice %arg7[%run_scoped3A_318, %run_scoped3A_319, %dma_start3A_378, %dma_start3A_379] : memref<2x3x128x64xf32, #tpu.memory_space<vmem>> -> memref<1x1x128x64xf32, #tpu.memory_space<vmem>>
        %dma_start3A_381 = tpu.memref_squeeze %dma_start3A_380 : memref<1x1x128x64xf32, #tpu.memory_space<vmem>> -> memref<128x64xf32, #tpu.memory_space<vmem>>
        %dma_start3A_382 = arith.constant 0 : i32
        %dma_start3A_383 = tpu.memref_slice %arg5[%add3A_317, %run_scoped3A_320, %dma_start3A_382] : memref<78x2x128xi32, #tpu.memory_space<vmem>> -> memref<1x1x128xi32, #tpu.memory_space<vmem>>
        %dma_start3A_384 = tpu.memref_squeeze %dma_start3A_383 : memref<1x1x128xi32, #tpu.memory_space<vmem>> -> memref<128xi32, #tpu.memory_space<vmem>>
        %dma_start3A_385 = arith.constant 0 : i32
        %dma_start3A_386 = arith.constant 0 : i32
        %dma_start3A_387 = tpu.memref_slice %arg9[%dma_start3A_385, %dma_start3A_386] : memref<10240x64xf32, #tpu.memory_space<vmem_shared>> -> memref<10240x64xf32, #tpu.memory_space<vmem_shared>>
        tpu.enqueue_indirect_dma source(%dma_start3A_381 : memref<128x64xf32, #tpu.memory_space<vmem>>) target(%dma_start3A_387 : memref<10240x64xf32, #tpu.memory_space<vmem_shared>>) offsets(%dma_start3A_384 : memref<128xi32, #tpu.memory_space<vmem>>) semaphore(%run_scoped3A_377 : memref<!tpu.dma_semaphore, #tpu.memory_space<semaphore_mem>>) {add = true}
        %dma_wait3A_388 = arith.constant 0 : i32
        %dma_wait3A_389 = arith.constant 0 : i32
        %dma_wait3A_390 = tpu.memref_slice %arg7[%run_scoped3A_318, %run_scoped3A_319, %dma_wait3A_388, %dma_wait3A_389] : memref<2x3x128x64xf32, #tpu.memory_space<vmem>> -> memref<1x1x128x64xf32, #tpu.memory_space<vmem>>
        %dma_wait3A_391 = tpu.memref_squeeze %dma_wait3A_390 : memref<1x1x128x64xf32, #tpu.memory_space<vmem>> -> memref<128x64xf32, #tpu.memory_space<vmem>>
        %dma_wait3A_392 = arith.constant 0 : i32
        %dma_wait3A_393 = tpu.memref_slice %arg5[%add3A_317, %run_scoped3A_320, %dma_wait3A_392] : memref<78x2x128xi32, #tpu.memory_space<vmem>> -> memref<1x1x128xi32, #tpu.memory_space<vmem>>
        %dma_wait3A_394 = tpu.memref_squeeze %dma_wait3A_393 : memref<1x1x128xi32, #tpu.memory_space<vmem>> -> memref<128xi32, #tpu.memory_space<vmem>>
        %dma_wait3A_395 = arith.constant 0 : i32
        %dma_wait3A_396 = arith.constant 0 : i32
        %dma_wait3A_397 = tpu.memref_slice %arg9[%dma_wait3A_395, %dma_wait3A_396] : memref<10240x64xf32, #tpu.memory_space<vmem_shared>> -> memref<10240x64xf32, #tpu.memory_space<vmem_shared>>
        tpu.wait_indirect_dma semaphore(%run_scoped3A_377 : memref<!tpu.dma_semaphore, #tpu.memory_space<semaphore_mem>>) src(%dma_wait3A_391 : memref<128x64xf32, #tpu.memory_space<vmem>>) dst(%dma_wait3A_397 : memref<10240x64xf32, #tpu.memory_space<vmem_shared>>)
        tpu.yield
      }) : () -> ()
      %mul3A_321 = arith.constant 3 : i32
      %mul3A_322 = arith.muli %add3A_292, %mul3A_321 : i32
      %add3A_323 = arith.constant 1 : i32
      %add3A_324 = arith.addi %mul3A_322, %add3A_323 : i32
      %dma_wait3A_325 = arith.constant 0 : i32
      %dma_wait3A_326 = arith.constant 1 : i32
      %dma_wait3A_327 = arith.constant 1 : i32
      %dma_wait3A_328 = arith.constant 1 : i32
      %dma_wait3A_329 = arith.constant 1 : i32
      %dma_wait3A_330 = arith.constant 0 : i32
      %dma_wait3A_331 = arith.constant 0 : i32
      %dma_wait3A_332 = tpu.memref_slice %arg7[%dma_wait3A_326, %dma_wait3A_327, %dma_wait3A_330, %dma_wait3A_331] : memref<2x3x128x64xf32, #tpu.memory_space<vmem>> -> memref<1x1x128x64xf32, #tpu.memory_space<vmem>>
      %dma_wait3A_333 = tpu.memref_squeeze %dma_wait3A_332 : memref<1x1x128x64xf32, #tpu.memory_space<vmem>> -> memref<128x64xf32, #tpu.memory_space<vmem>>
      %dma_wait3A_334 = arith.constant 0 : i32
      %dma_wait3A_335 = tpu.memref_slice %arg5[%add3A_324, %dma_wait3A_325, %dma_wait3A_334] : memref<78x2x128xi32, #tpu.memory_space<vmem>> -> memref<1x1x128xi32, #tpu.memory_space<vmem>>
      %dma_wait3A_336 = tpu.memref_squeeze %dma_wait3A_335 : memref<1x1x128xi32, #tpu.memory_space<vmem>> -> memref<128xi32, #tpu.memory_space<vmem>>
      %dma_wait3A_337 = arith.constant 0 : i32
      %dma_wait3A_338 = arith.constant 0 : i32
      %dma_wait3A_339 = tpu.memref_slice %arg2[%dma_wait3A_337, %dma_wait3A_338] : memref<20000x64xf32, #tpu.memory_space<hbm>> -> memref<20000x64xf32, #tpu.memory_space<hbm>>
      %dma_wait3A_340 = tpu.memref_slice %arg10[%dma_wait3A_328, %dma_wait3A_329] : memref<2x3x!tpu.dma_semaphore, #tpu.memory_space<semaphore_mem>> -> memref<1x1x!tpu.dma_semaphore, #tpu.memory_space<semaphore_mem>>
      %dma_wait3A_341 = tpu.memref_squeeze %dma_wait3A_340 : memref<1x1x!tpu.dma_semaphore, #tpu.memory_space<semaphore_mem>> -> memref<!tpu.dma_semaphore, #tpu.memory_space<semaphore_mem>>
      tpu.wait_indirect_dma semaphore(%dma_wait3A_341 : memref<!tpu.dma_semaphore, #tpu.memory_space<semaphore_mem>>) src(%dma_wait3A_339 : memref<20000x64xf32, #tpu.memory_space<hbm>>) dst(%dma_wait3A_333 : memref<128x64xf32, #tpu.memory_space<vmem>>)
      %mul3A_342 = arith.constant 3 : i32
      %mul3A_343 = arith.muli %add3A_292, %mul3A_342 : i32
      %add3A_344 = arith.constant 1 : i32
      %add3A_345 = arith.addi %mul3A_343, %add3A_344 : i32
      %run_scoped3A_346 = arith.constant 1 : i32
      %run_scoped3A_347 = arith.constant 1 : i32
      %run_scoped3A_348 = arith.constant 1 : i32
      "tpu.region"() ({
        %run_scoped3A_377 = tpu.sem_alloc : memref<!tpu.dma_semaphore, #tpu.memory_space<semaphore_mem>>
        %dma_start3A_378 = arith.constant 0 : i32
        %dma_start3A_379 = arith.constant 0 : i32
        %dma_start3A_380 = tpu.memref_slice %arg7[%run_scoped3A_346, %run_scoped3A_347, %dma_start3A_378, %dma_start3A_379] : memref<2x3x128x64xf32, #tpu.memory_space<vmem>> -> memref<1x1x128x64xf32, #tpu.memory_space<vmem>>
        %dma_start3A_381 = tpu.memref_squeeze %dma_start3A_380 : memref<1x1x128x64xf32, #tpu.memory_space<vmem>> -> memref<128x64xf32, #tpu.memory_space<vmem>>
        %dma_start3A_382 = arith.constant 0 : i32
        %dma_start3A_383 = tpu.memref_slice %arg5[%add3A_345, %run_scoped3A_348, %dma_start3A_382] : memref<78x2x128xi32, #tpu.memory_space<vmem>> -> memref<1x1x128xi32, #tpu.memory_space<vmem>>
        %dma_start3A_384 = tpu.memref_squeeze %dma_start3A_383 : memref<1x1x128xi32, #tpu.memory_space<vmem>> -> memref<128xi32, #tpu.memory_space<vmem>>
        %dma_start3A_385 = arith.constant 0 : i32
        %dma_start3A_386 = arith.constant 0 : i32
        %dma_start3A_387 = tpu.memref_slice %arg9[%dma_start3A_385, %dma_start3A_386] : memref<10240x64xf32, #tpu.memory_space<vmem_shared>> -> memref<10240x64xf32, #tpu.memory_space<vmem_shared>>
        tpu.enqueue_indirect_dma source(%dma_start3A_381 : memref<128x64xf32, #tpu.memory_space<vmem>>) target(%dma_start3A_387 : memref<10240x64xf32, #tpu.memory_space<vmem_shared>>) offsets(%dma_start3A_384 : memref<128xi32, #tpu.memory_space<vmem>>) semaphore(%run_scoped3A_377 : memref<!tpu.dma_semaphore, #tpu.memory_space<semaphore_mem>>) {add = true}
        %dma_wait3A_388 = arith.constant 0 : i32
        %dma_wait3A_389 = arith.constant 0 : i32
        %dma_wait3A_390 = tpu.memref_slice %arg7[%run_scoped3A_346, %run_scoped3A_347, %dma_wait3A_388, %dma_wait3A_389] : memref<2x3x128x64xf32, #tpu.memory_space<vmem>> -> memref<1x1x128x64xf32, #tpu.memory_space<vmem>>
        %dma_wait3A_391 = tpu.memref_squeeze %dma_wait3A_390 : memref<1x1x128x64xf32, #tpu.memory_space<vmem>> -> memref<128x64xf32, #tpu.memory_space<vmem>>
        %dma_wait3A_392 = arith.constant 0 : i32
        %dma_wait3A_393 = tpu.memref_slice %arg5[%add3A_345, %run_scoped3A_348, %dma_wait3A_392] : memref<78x2x128xi32, #tpu.memory_space<vmem>> -> memref<1x1x128xi32, #tpu.memory_space<vmem>>
        %dma_wait3A_394 = tpu.memref_squeeze %dma_wait3A_393 : memref<1x1x128xi32, #tpu.memory_space<vmem>> -> memref<128xi32, #tpu.memory_space<vmem>>
        %dma_wait3A_395 = arith.constant 0 : i32
        %dma_wait3A_396 = arith.constant 0 : i32
        %dma_wait3A_397 = tpu.memref_slice %arg9[%dma_wait3A_395, %dma_wait3A_396] : memref<10240x64xf32, #tpu.memory_space<vmem_shared>> -> memref<10240x64xf32, #tpu.memory_space<vmem_shared>>
        tpu.wait_indirect_dma semaphore(%run_scoped3A_377 : memref<!tpu.dma_semaphore, #tpu.memory_space<semaphore_mem>>) src(%dma_wait3A_391 : memref<128x64xf32, #tpu.memory_space<vmem>>) dst(%dma_wait3A_397 : memref<10240x64xf32, #tpu.memory_space<vmem_shared>>)
        tpu.yield
      }) : () -> ()
      %mul3A_349 = arith.constant 3 : i32
      %mul3A_350 = arith.muli %add3A_292, %mul3A_349 : i32
      %add3A_351 = arith.constant 2 : i32
      %add3A_352 = arith.addi %mul3A_350, %add3A_351 : i32
      %dma_wait3A_353 = arith.constant 0 : i32
      %dma_wait3A_354 = arith.constant 1 : i32
      %dma_wait3A_355 = arith.constant 2 : i32
      %dma_wait3A_356 = arith.constant 1 : i32
      %dma_wait3A_357 = arith.constant 2 : i32
      %dma_wait3A_358 = arith.constant 0 : i32
      %dma_wait3A_359 = arith.constant 0 : i32
      %dma_wait3A_360 = tpu.memref_slice %arg7[%dma_wait3A_354, %dma_wait3A_355, %dma_wait3A_358, %dma_wait3A_359] : memref<2x3x128x64xf32, #tpu.memory_space<vmem>> -> memref<1x1x128x64xf32, #tpu.memory_space<vmem>>
      %dma_wait3A_361 = tpu.memref_squeeze %dma_wait3A_360 : memref<1x1x128x64xf32, #tpu.memory_space<vmem>> -> memref<128x64xf32, #tpu.memory_space<vmem>>
      %dma_wait3A_362 = arith.constant 0 : i32
      %dma_wait3A_363 = tpu.memref_slice %arg5[%add3A_352, %dma_wait3A_353, %dma_wait3A_362] : memref<78x2x128xi32, #tpu.memory_space<vmem>> -> memref<1x1x128xi32, #tpu.memory_space<vmem>>
      %dma_wait3A_364 = tpu.memref_squeeze %dma_wait3A_363 : memref<1x1x128xi32, #tpu.memory_space<vmem>> -> memref<128xi32, #tpu.memory_space<vmem>>
      %dma_wait3A_365 = arith.constant 0 : i32
      %dma_wait3A_366 = arith.constant 0 : i32
      %dma_wait3A_367 = tpu.memref_slice %arg2[%dma_wait3A_365, %dma_wait3A_366] : memref<20000x64xf32, #tpu.memory_space<hbm>> -> memref<20000x64xf32, #tpu.memory_space<hbm>>
      %dma_wait3A_368 = tpu.memref_slice %arg10[%dma_wait3A_356, %dma_wait3A_357] : memref<2x3x!tpu.dma_semaphore, #tpu.memory_space<semaphore_mem>> -> memref<1x1x!tpu.dma_semaphore, #tpu.memory_space<semaphore_mem>>
      %dma_wait3A_369 = tpu.memref_squeeze %dma_wait3A_368 : memref<1x1x!tpu.dma_semaphore, #tpu.memory_space<semaphore_mem>> -> memref<!tpu.dma_semaphore, #tpu.memory_space<semaphore_mem>>
      tpu.wait_indirect_dma semaphore(%dma_wait3A_369 : memref<!tpu.dma_semaphore, #tpu.memory_space<semaphore_mem>>) src(%dma_wait3A_367 : memref<20000x64xf32, #tpu.memory_space<hbm>>) dst(%dma_wait3A_361 : memref<128x64xf32, #tpu.memory_space<vmem>>)
      %mul3A_370 = arith.constant 3 : i32
      %mul3A_371 = arith.muli %add3A_292, %mul3A_370 : i32
      %add3A_372 = arith.constant 2 : i32
      %add3A_373 = arith.addi %mul3A_371, %add3A_372 : i32
      %run_scoped3A_374 = arith.constant 1 : i32
      %run_scoped3A_375 = arith.constant 2 : i32
      %run_scoped3A_376 = arith.constant 1 : i32
      "tpu.region"() ({
        %run_scoped3A_377 = tpu.sem_alloc : memref<!tpu.dma_semaphore, #tpu.memory_space<semaphore_mem>>
        %dma_start3A_378 = arith.constant 0 : i32
        %dma_start3A_379 = arith.constant 0 : i32
        %dma_start3A_380 = tpu.memref_slice %arg7[%run_scoped3A_374, %run_scoped3A_375, %dma_start3A_378, %dma_start3A_379] : memref<2x3x128x64xf32, #tpu.memory_space<vmem>> -> memref<1x1x128x64xf32, #tpu.memory_space<vmem>>
        %dma_start3A_381 = tpu.memref_squeeze %dma_start3A_380 : memref<1x1x128x64xf32, #tpu.memory_space<vmem>> -> memref<128x64xf32, #tpu.memory_space<vmem>>
        %dma_start3A_382 = arith.constant 0 : i32
        %dma_start3A_383 = tpu.memref_slice %arg5[%add3A_373, %run_scoped3A_376, %dma_start3A_382] : memref<78x2x128xi32, #tpu.memory_space<vmem>> -> memref<1x1x128xi32, #tpu.memory_space<vmem>>
        %dma_start3A_384 = tpu.memref_squeeze %dma_start3A_383 : memref<1x1x128xi32, #tpu.memory_space<vmem>> -> memref<128xi32, #tpu.memory_space<vmem>>
        %dma_start3A_385 = arith.constant 0 : i32
        %dma_start3A_386 = arith.constant 0 : i32
        %dma_start3A_387 = tpu.memref_slice %arg9[%dma_start3A_385, %dma_start3A_386] : memref<10240x64xf32, #tpu.memory_space<vmem_shared>> -> memref<10240x64xf32, #tpu.memory_space<vmem_shared>>
        tpu.enqueue_indirect_dma source(%dma_start3A_381 : memref<128x64xf32, #tpu.memory_space<vmem>>) target(%dma_start3A_387 : memref<10240x64xf32, #tpu.memory_space<vmem_shared>>) offsets(%dma_start3A_384 : memref<128xi32, #tpu.memory_space<vmem>>) semaphore(%run_scoped3A_377 : memref<!tpu.dma_semaphore, #tpu.memory_space<semaphore_mem>>) {add = true}
        %dma_wait3A_388 = arith.constant 0 : i32
        %dma_wait3A_389 = arith.constant 0 : i32
        %dma_wait3A_390 = tpu.memref_slice %arg7[%run_scoped3A_374, %run_scoped3A_375, %dma_wait3A_388, %dma_wait3A_389] : memref<2x3x128x64xf32, #tpu.memory_space<vmem>> -> memref<1x1x128x64xf32, #tpu.memory_space<vmem>>
        %dma_wait3A_391 = tpu.memref_squeeze %dma_wait3A_390 : memref<1x1x128x64xf32, #tpu.memory_space<vmem>> -> memref<128x64xf32, #tpu.memory_space<vmem>>
        %dma_wait3A_392 = arith.constant 0 : i32
        %dma_wait3A_393 = tpu.memref_slice %arg5[%add3A_373, %run_scoped3A_376, %dma_wait3A_392] : memref<78x2x128xi32, #tpu.memory_space<vmem>> -> memref<1x1x128xi32, #tpu.memory_space<vmem>>
        %dma_wait3A_394 = tpu.memref_squeeze %dma_wait3A_393 : memref<1x1x128xi32, #tpu.memory_space<vmem>> -> memref<128xi32, #tpu.memory_space<vmem>>
        %dma_wait3A_395 = arith.constant 0 : i32
        %dma_wait3A_396 = arith.constant 0 : i32
        %dma_wait3A_397 = tpu.memref_slice %arg9[%dma_wait3A_395, %dma_wait3A_396] : memref<10240x64xf32, #tpu.memory_space<vmem_shared>> -> memref<10240x64xf32, #tpu.memory_space<vmem_shared>>
        tpu.wait_indirect_dma semaphore(%run_scoped3A_377 : memref<!tpu.dma_semaphore, #tpu.memory_space<semaphore_mem>>) src(%dma_wait3A_391 : memref<128x64xf32, #tpu.memory_space<vmem>>) dst(%dma_wait3A_397 : memref<10240x64xf32, #tpu.memory_space<vmem_shared>>)
        tpu.yield
      }) : () -> ()
    }
    %scan3A_95 = arith.constant 13 : i32
    %lt3A_96 = arith.constant 4 : i32
    %lt3A_97 = arith.cmpi slt, %add3A, %lt3A_96 : i32
    %convert_element_type3A_98 = arith.extui %lt3A_97 : i1 to i32
    %cond3A_99 = arith.constant 0 : i32
    %cond3A_100 = arith.cmpi ne, %convert_element_type3A_98, %cond3A_99 : i32
    scf.if %cond3A_100 {
      %dma_start3A_134 = arith.constant 0 : i32
      %dma_start3A_135 = arith.constant 0 : i32
      %dma_start3A_136 = arith.constant 0 : i32
      %dma_start3A_137 = arith.constant 0 : i32
      %dma_start3A_138 = arith.constant 0 : i32
      %dma_start3A_139 = arith.constant 0 : i32
      %dma_start3A_140 = arith.constant 0 : i32
      %dma_start3A_141 = arith.constant 0 : i32
      %dma_start3A_142 = tpu.memref_slice %arg7[%dma_start3A_136, %dma_start3A_137, %dma_start3A_140, %dma_start3A_141] : memref<2x3x128x64xf32, #tpu.memory_space<vmem>> -> memref<1x1x128x64xf32, #tpu.memory_space<vmem>>
      %dma_start3A_143 = tpu.memref_squeeze %dma_start3A_142 : memref<1x1x128x64xf32, #tpu.memory_space<vmem>> -> memref<128x64xf32, #tpu.memory_space<vmem>>
      %dma_start3A_144 = arith.constant 0 : i32
      %dma_start3A_145 = tpu.memref_slice %arg6[%dma_start3A_134, %dma_start3A_135, %dma_start3A_144] : memref<1x2x128xi32, #tpu.memory_space<vmem>> -> memref<1x1x128xi32, #tpu.memory_space<vmem>>
      %dma_start3A_146 = tpu.memref_squeeze %dma_start3A_145 : memref<1x1x128xi32, #tpu.memory_space<vmem>> -> memref<128xi32, #tpu.memory_space<vmem>>
      %dma_start3A_147 = arith.constant 0 : i32
      %dma_start3A_148 = arith.constant 0 : i32
      %dma_start3A_149 = tpu.memref_slice %arg2[%dma_start3A_147, %dma_start3A_148] : memref<20000x64xf32, #tpu.memory_space<hbm>> -> memref<20000x64xf32, #tpu.memory_space<hbm>>
      %dma_start3A_150 = tpu.memref_slice %arg10[%dma_start3A_138, %dma_start3A_139] : memref<2x3x!tpu.dma_semaphore, #tpu.memory_space<semaphore_mem>> -> memref<1x1x!tpu.dma_semaphore, #tpu.memory_space<semaphore_mem>>
      %dma_start3A_151 = tpu.memref_squeeze %dma_start3A_150 : memref<1x1x!tpu.dma_semaphore, #tpu.memory_space<semaphore_mem>> -> memref<!tpu.dma_semaphore, #tpu.memory_space<semaphore_mem>>
      tpu.enqueue_indirect_dma source(%dma_start3A_149 : memref<20000x64xf32, #tpu.memory_space<hbm>>) target(%dma_start3A_143 : memref<128x64xf32, #tpu.memory_space<vmem>>) offsets(%dma_start3A_146 : memref<128xi32, #tpu.memory_space<vmem>>) semaphore(%dma_start3A_151 : memref<!tpu.dma_semaphore, #tpu.memory_space<semaphore_mem>>)
      %dma_wait3A = arith.constant 0 : i32
      %dma_wait3A_152 = arith.constant 0 : i32
      %dma_wait3A_153 = arith.constant 0 : i32
      %dma_wait3A_154 = arith.constant 0 : i32
      %dma_wait3A_155 = arith.constant 0 : i32
      %dma_wait3A_156 = arith.constant 0 : i32
      %dma_wait3A_157 = arith.constant 0 : i32
      %dma_wait3A_158 = arith.constant 0 : i32
      %dma_wait3A_159 = tpu.memref_slice %arg7[%dma_wait3A_153, %dma_wait3A_154, %dma_wait3A_157, %dma_wait3A_158] : memref<2x3x128x64xf32, #tpu.memory_space<vmem>> -> memref<1x1x128x64xf32, #tpu.memory_space<vmem>>
      %dma_wait3A_160 = tpu.memref_squeeze %dma_wait3A_159 : memref<1x1x128x64xf32, #tpu.memory_space<vmem>> -> memref<128x64xf32, #tpu.memory_space<vmem>>
      %dma_wait3A_161 = arith.constant 0 : i32
      %dma_wait3A_162 = tpu.memref_slice %arg6[%dma_wait3A, %dma_wait3A_152, %dma_wait3A_161] : memref<1x2x128xi32, #tpu.memory_space<vmem>> -> memref<1x1x128xi32, #tpu.memory_space<vmem>>
      %dma_wait3A_163 = tpu.memref_squeeze %dma_wait3A_162 : memref<1x1x128xi32, #tpu.memory_space<vmem>> -> memref<128xi32, #tpu.memory_space<vmem>>
      %dma_wait3A_164 = arith.constant 0 : i32
      %dma_wait3A_165 = arith.constant 0 : i32
      %dma_wait3A_166 = tpu.memref_slice %arg2[%dma_wait3A_164, %dma_wait3A_165] : memref<20000x64xf32, #tpu.memory_space<hbm>> -> memref<20000x64xf32, #tpu.memory_space<hbm>>
      %dma_wait3A_167 = tpu.memref_slice %arg10[%dma_wait3A_155, %dma_wait3A_156] : memref<2x3x!tpu.dma_semaphore, #tpu.memory_space<semaphore_mem>> -> memref<1x1x!tpu.dma_semaphore, #tpu.memory_space<semaphore_mem>>
      %dma_wait3A_168 = tpu.memref_squeeze %dma_wait3A_167 : memref<1x1x!tpu.dma_semaphore, #tpu.memory_space<semaphore_mem>> -> memref<!tpu.dma_semaphore, #tpu.memory_space<semaphore_mem>>
      tpu.wait_indirect_dma semaphore(%dma_wait3A_168 : memref<!tpu.dma_semaphore, #tpu.memory_space<semaphore_mem>>) src(%dma_wait3A_166 : memref<20000x64xf32, #tpu.memory_space<hbm>>) dst(%dma_wait3A_160 : memref<128x64xf32, #tpu.memory_space<vmem>>)
      %run_scoped3A = arith.constant 0 : i32
      %run_scoped3A_169 = arith.constant 0 : i32
      %run_scoped3A_170 = arith.constant 0 : i32
      %run_scoped3A_171 = arith.constant 1 : i32
      "tpu.region"() ({
        %run_scoped3A_172 = tpu.sem_alloc : memref<!tpu.dma_semaphore, #tpu.memory_space<semaphore_mem>>
        %dma_start3A_173 = arith.constant 0 : i32
        %dma_start3A_174 = arith.constant 0 : i32
        %dma_start3A_175 = tpu.memref_slice %arg7[%run_scoped3A, %run_scoped3A_169, %dma_start3A_173, %dma_start3A_174] : memref<2x3x128x64xf32, #tpu.memory_space<vmem>> -> memref<1x1x128x64xf32, #tpu.memory_space<vmem>>
        %dma_start3A_176 = tpu.memref_squeeze %dma_start3A_175 : memref<1x1x128x64xf32, #tpu.memory_space<vmem>> -> memref<128x64xf32, #tpu.memory_space<vmem>>
        %dma_start3A_177 = arith.constant 0 : i32
        %dma_start3A_178 = tpu.memref_slice %arg6[%run_scoped3A_170, %run_scoped3A_171, %dma_start3A_177] : memref<1x2x128xi32, #tpu.memory_space<vmem>> -> memref<1x1x128xi32, #tpu.memory_space<vmem>>
        %dma_start3A_179 = tpu.memref_squeeze %dma_start3A_178 : memref<1x1x128xi32, #tpu.memory_space<vmem>> -> memref<128xi32, #tpu.memory_space<vmem>>
        %dma_start3A_180 = arith.constant 0 : i32
        %dma_start3A_181 = arith.constant 0 : i32
        %dma_start3A_182 = tpu.memref_slice %arg9[%dma_start3A_180, %dma_start3A_181] : memref<10240x64xf32, #tpu.memory_space<vmem_shared>> -> memref<10240x64xf32, #tpu.memory_space<vmem_shared>>
        tpu.enqueue_indirect_dma source(%dma_start3A_176 : memref<128x64xf32, #tpu.memory_space<vmem>>) target(%dma_start3A_182 : memref<10240x64xf32, #tpu.memory_space<vmem_shared>>) offsets(%dma_start3A_179 : memref<128xi32, #tpu.memory_space<vmem>>) semaphore(%run_scoped3A_172 : memref<!tpu.dma_semaphore, #tpu.memory_space<semaphore_mem>>) {add = true}
        %dma_wait3A_183 = arith.constant 0 : i32
        %dma_wait3A_184 = arith.constant 0 : i32
        %dma_wait3A_185 = tpu.memref_slice %arg7[%run_scoped3A, %run_scoped3A_169, %dma_wait3A_183, %dma_wait3A_184] : memref<2x3x128x64xf32, #tpu.memory_space<vmem>> -> memref<1x1x128x64xf32, #tpu.memory_space<vmem>>
        %dma_wait3A_186 = tpu.memref_squeeze %dma_wait3A_185 : memref<1x1x128x64xf32, #tpu.memory_space<vmem>> -> memref<128x64xf32, #tpu.memory_space<vmem>>
        %dma_wait3A_187 = arith.constant 0 : i32
        %dma_wait3A_188 = tpu.memref_slice %arg6[%run_scoped3A_170, %run_scoped3A_171, %dma_wait3A_187] : memref<1x2x128xi32, #tpu.memory_space<vmem>> -> memref<1x1x128xi32, #tpu.memory_space<vmem>>
        %dma_wait3A_189 = tpu.memref_squeeze %dma_wait3A_188 : memref<1x1x128xi32, #tpu.memory_space<vmem>> -> memref<128xi32, #tpu.memory_space<vmem>>
        %dma_wait3A_190 = arith.constant 0 : i32
        %dma_wait3A_191 = arith.constant 0 : i32
        %dma_wait3A_192 = tpu.memref_slice %arg9[%dma_wait3A_190, %dma_wait3A_191] : memref<10240x64xf32, #tpu.memory_space<vmem_shared>> -> memref<10240x64xf32, #tpu.memory_space<vmem_shared>>
        tpu.wait_indirect_dma semaphore(%run_scoped3A_172 : memref<!tpu.dma_semaphore, #tpu.memory_space<semaphore_mem>>) src(%dma_wait3A_186 : memref<128x64xf32, #tpu.memory_space<vmem>>) dst(%dma_wait3A_192 : memref<10240x64xf32, #tpu.memory_space<vmem_shared>>)
        tpu.yield
      }) : () -> ()
    } else {
    }
    %barrier3A_101 = arith.constant 0 : index
    tpu.barrier barrier_id(%barrier3A_101)
    %mul3A_102 = arith.constant 640 : i32
    %mul3A_103 = arith.muli %arg1, %mul3A_102 : i32
    %add3A_104 = arith.constant 0 : i32
    %add3A_105 = arith.addi %mul3A_103, %add3A_104 : i32
    "tpu.region"() ({
      %run_scoped3A = tpu.sem_alloc : memref<!tpu.dma_semaphore, #tpu.memory_space<semaphore_mem>>
      %dma_start3A_134 = arith.constant 0 : i32
      %dma_start3A_135 = tpu.memref_slice %arg9[%add3A_105, %dma_start3A_134] : memref<10240x64xf32, #tpu.memory_space<vmem_shared>> -> memref<160x64xf32, #tpu.memory_space<vmem_shared>>
      %dma_start3A_136 = arith.constant 0 : i32
      %dma_start3A_137 = tpu.memref_slice %arg9[%add3A_105, %dma_start3A_136] : memref<10240x64xf32, #tpu.memory_space<vmem_shared>> -> memref<160x64xf32, #tpu.memory_space<vmem_shared>>
      tpu.enqueue_dma source(%dma_start3A_137 : memref<160x64xf32, #tpu.memory_space<vmem_shared>>) target(%arg8 : memref<160x64xf32, #tpu.memory_space<vmem>>) target_semaphore(%run_scoped3A : memref<!tpu.dma_semaphore, #tpu.memory_space<semaphore_mem>>)
      %dma_wait3A = arith.constant 0 : i32
      %dma_wait3A_138 = tpu.memref_slice %arg9[%add3A_105, %dma_wait3A] : memref<10240x64xf32, #tpu.memory_space<vmem_shared>> -> memref<160x64xf32, #tpu.memory_space<vmem_shared>>
      %dma_wait3A_139 = arith.constant 0 : i32
      %dma_wait3A_140 = tpu.memref_slice %arg9[%add3A_105, %dma_wait3A_139] : memref<10240x64xf32, #tpu.memory_space<vmem_shared>> -> memref<160x64xf32, #tpu.memory_space<vmem_shared>>
      tpu.wait_dma2 semaphore(%run_scoped3A : memref<!tpu.dma_semaphore, #tpu.memory_space<semaphore_mem>>) src(%dma_wait3A_140 : memref<160x64xf32, #tpu.memory_space<vmem_shared>>) dst(%arg8 : memref<160x64xf32, #tpu.memory_space<vmem>>)
      tpu.yield
    }) : () -> ()
    %mul3A_106 = arith.constant 640 : i32
    %mul3A_107 = arith.muli %arg1, %mul3A_106 : i32
    %add3A_108 = arith.constant 0 : i32
    %add3A_109 = arith.addi %mul3A_107, %add3A_108 : i32
    "tpu.region"() ({
      %run_scoped3A = tpu.sem_alloc : memref<!tpu.dma_semaphore, #tpu.memory_space<semaphore_mem>>
      %dma_start3A_134 = arith.constant 0 : i32
      %dma_start3A_135 = tpu.memref_slice %arg4[%arg0, %add3A_109, %dma_start3A_134] : memref<2x10240x128xf32, #tpu.memory_space<hbm>> -> memref<1x160x64xf32, #tpu.memory_space<hbm>>
      %dma_start3A_136 = tpu.memref_squeeze %dma_start3A_135 : memref<1x160x64xf32, #tpu.memory_space<hbm>> -> memref<160x64xf32, #tpu.memory_space<hbm>>
      %dma_start3A_137 = arith.constant 0 : i32
      %dma_start3A_138 = tpu.memref_slice %arg4[%arg0, %add3A_109, %dma_start3A_137] : memref<2x10240x128xf32, #tpu.memory_space<hbm>> -> memref<1x160x64xf32, #tpu.memory_space<hbm>>
      %dma_start3A_139 = tpu.memref_squeeze %dma_start3A_138 : memref<1x160x64xf32, #tpu.memory_space<hbm>> -> memref<160x64xf32, #tpu.memory_space<hbm>>
      tpu.enqueue_dma source(%arg8 : memref<160x64xf32, #tpu.memory_space<vmem>>) target(%dma_start3A_139 : memref<160x64xf32, #tpu.memory_space<hbm>>) target_semaphore(%run_scoped3A : memref<!tpu.dma_semaphore, #tpu.memory_space<semaphore_mem>>)
      %dma_wait3A = arith.constant 0 : i32
      %dma_wait3A_140 = tpu.memref_slice %arg4[%arg0, %add3A_109, %dma_wait3A] : memref<2x10240x128xf32, #tpu.memory_space<hbm>> -> memref<1x160x64xf32, #tpu.memory_space<hbm>>
      %dma_wait3A_141 = tpu.memref_squeeze %dma_wait3A_140 : memref<1x160x64xf32, #tpu.memory_space<hbm>> -> memref<160x64xf32, #tpu.memory_space<hbm>>
      %dma_wait3A_142 = arith.constant 0 : i32
      %dma_wait3A_143 = tpu.memref_slice %arg4[%arg0, %add3A_109, %dma_wait3A_142] : memref<2x10240x128xf32, #tpu.memory_space<hbm>> -> memref<1x160x64xf32, #tpu.memory_space<hbm>>
      %dma_wait3A_144 = tpu.memref_squeeze %dma_wait3A_143 : memref<1x160x64xf32, #tpu.memory_space<hbm>> -> memref<160x64xf32, #tpu.memory_space<hbm>>
      tpu.wait_dma2 semaphore(%run_scoped3A : memref<!tpu.dma_semaphore, #tpu.memory_space<semaphore_mem>>) src(%arg8 : memref<160x64xf32, #tpu.memory_space<vmem>>) dst(%dma_wait3A_144 : memref<160x64xf32, #tpu.memory_space<hbm>>)
      tpu.yield
    }) : () -> ()
    %mul3A_110 = arith.constant 640 : i32
    %mul3A_111 = arith.muli %arg1, %mul3A_110 : i32
    %add3A_112 = arith.constant 160 : i32
    %add3A_113 = arith.addi %mul3A_111, %add3A_112 : i32
    "tpu.region"() ({
      %run_scoped3A = tpu.sem_alloc : memref<!tpu.dma_semaphore, #tpu.memory_space<semaphore_mem>>
      %dma_start3A_134 = arith.constant 0 : i32
      %dma_start3A_135 = tpu.memref_slice %arg9[%add3A_113, %dma_start3A_134] : memref<10240x64xf32, #tpu.memory_space<vmem_shared>> -> memref<160x64xf32, #tpu.memory_space<vmem_shared>>
      %dma_start3A_136 = arith.constant 0 : i32
      %dma_start3A_137 = tpu.memref_slice %arg9[%add3A_113, %dma_start3A_136] : memref<10240x64xf32, #tpu.memory_space<vmem_shared>> -> memref<160x64xf32, #tpu.memory_space<vmem_shared>>
      tpu.enqueue_dma source(%dma_start3A_137 : memref<160x64xf32, #tpu.memory_space<vmem_shared>>) target(%arg8 : memref<160x64xf32, #tpu.memory_space<vmem>>) target_semaphore(%run_scoped3A : memref<!tpu.dma_semaphore, #tpu.memory_space<semaphore_mem>>)
      %dma_wait3A = arith.constant 0 : i32
      %dma_wait3A_138 = tpu.memref_slice %arg9[%add3A_113, %dma_wait3A] : memref<10240x64xf32, #tpu.memory_space<vmem_shared>> -> memref<160x64xf32, #tpu.memory_space<vmem_shared>>
      %dma_wait3A_139 = arith.constant 0 : i32
      %dma_wait3A_140 = tpu.memref_slice %arg9[%add3A_113, %dma_wait3A_139] : memref<10240x64xf32, #tpu.memory_space<vmem_shared>> -> memref<160x64xf32, #tpu.memory_space<vmem_shared>>
      tpu.wait_dma2 semaphore(%run_scoped3A : memref<!tpu.dma_semaphore, #tpu.memory_space<semaphore_mem>>) src(%dma_wait3A_140 : memref<160x64xf32, #tpu.memory_space<vmem_shared>>) dst(%arg8 : memref<160x64xf32, #tpu.memory_space<vmem>>)
      tpu.yield
    }) : () -> ()
    %mul3A_114 = arith.constant 640 : i32
    %mul3A_115 = arith.muli %arg1, %mul3A_114 : i32
    %add3A_116 = arith.constant 160 : i32
    %add3A_117 = arith.addi %mul3A_115, %add3A_116 : i32
    "tpu.region"() ({
      %run_scoped3A = tpu.sem_alloc : memref<!tpu.dma_semaphore, #tpu.memory_space<semaphore_mem>>
      %dma_start3A_134 = arith.constant 0 : i32
      %dma_start3A_135 = tpu.memref_slice %arg4[%arg0, %add3A_117, %dma_start3A_134] : memref<2x10240x128xf32, #tpu.memory_space<hbm>> -> memref<1x160x64xf32, #tpu.memory_space<hbm>>
      %dma_start3A_136 = tpu.memref_squeeze %dma_start3A_135 : memref<1x160x64xf32, #tpu.memory_space<hbm>> -> memref<160x64xf32, #tpu.memory_space<hbm>>
      %dma_start3A_137 = arith.constant 0 : i32
      %dma_start3A_138 = tpu.memref_slice %arg4[%arg0, %add3A_117, %dma_start3A_137] : memref<2x10240x128xf32, #tpu.memory_space<hbm>> -> memref<1x160x64xf32, #tpu.memory_space<hbm>>
      %dma_start3A_139 = tpu.memref_squeeze %dma_start3A_138 : memref<1x160x64xf32, #tpu.memory_space<hbm>> -> memref<160x64xf32, #tpu.memory_space<hbm>>
      tpu.enqueue_dma source(%arg8 : memref<160x64xf32, #tpu.memory_space<vmem>>) target(%dma_start3A_139 : memref<160x64xf32, #tpu.memory_space<hbm>>) target_semaphore(%run_scoped3A : memref<!tpu.dma_semaphore, #tpu.memory_space<semaphore_mem>>)
      %dma_wait3A = arith.constant 0 : i32
      %dma_wait3A_140 = tpu.memref_slice %arg4[%arg0, %add3A_117, %dma_wait3A] : memref<2x10240x128xf32, #tpu.memory_space<hbm>> -> memref<1x160x64xf32, #tpu.memory_space<hbm>>
      %dma_wait3A_141 = tpu.memref_squeeze %dma_wait3A_140 : memref<1x160x64xf32, #tpu.memory_space<hbm>> -> memref<160x64xf32, #tpu.memory_space<hbm>>
      %dma_wait3A_142 = arith.constant 0 : i32
      %dma_wait3A_143 = tpu.memref_slice %arg4[%arg0, %add3A_117, %dma_wait3A_142] : memref<2x10240x128xf32, #tpu.memory_space<hbm>> -> memref<1x160x64xf32, #tpu.memory_space<hbm>>
      %dma_wait3A_144 = tpu.memref_squeeze %dma_wait3A_143 : memref<1x160x64xf32, #tpu.memory_space<hbm>> -> memref<160x64xf32, #tpu.memory_space<hbm>>
      tpu.wait_dma2 semaphore(%run_scoped3A : memref<!tpu.dma_semaphore, #tpu.memory_space<semaphore_mem>>) src(%arg8 : memref<160x64xf32, #tpu.memory_space<vmem>>) dst(%dma_wait3A_144 : memref<160x64xf32, #tpu.memory_space<hbm>>)
      tpu.yield
    }) : () -> ()
    %mul3A_118 = arith.constant 640 : i32
    %mul3A_119 = arith.muli %arg1, %mul3A_118 : i32
    %add3A_120 = arith.constant 320 : i32
    %add3A_121 = arith.addi %mul3A_119, %add3A_120 : i32
    "tpu.region"() ({
      %run_scoped3A = tpu.sem_alloc : memref<!tpu.dma_semaphore, #tpu.memory_space<semaphore_mem>>
      %dma_start3A_134 = arith.constant 0 : i32
      %dma_start3A_135 = tpu.memref_slice %arg9[%add3A_121, %dma_start3A_134] : memref<10240x64xf32, #tpu.memory_space<vmem_shared>> -> memref<160x64xf32, #tpu.memory_space<vmem_shared>>
      %dma_start3A_136 = arith.constant 0 : i32
      %dma_start3A_137 = tpu.memref_slice %arg9[%add3A_121, %dma_start3A_136] : memref<10240x64xf32, #tpu.memory_space<vmem_shared>> -> memref<160x64xf32, #tpu.memory_space<vmem_shared>>
      tpu.enqueue_dma source(%dma_start3A_137 : memref<160x64xf32, #tpu.memory_space<vmem_shared>>) target(%arg8 : memref<160x64xf32, #tpu.memory_space<vmem>>) target_semaphore(%run_scoped3A : memref<!tpu.dma_semaphore, #tpu.memory_space<semaphore_mem>>)
      %dma_wait3A = arith.constant 0 : i32
      %dma_wait3A_138 = tpu.memref_slice %arg9[%add3A_121, %dma_wait3A] : memref<10240x64xf32, #tpu.memory_space<vmem_shared>> -> memref<160x64xf32, #tpu.memory_space<vmem_shared>>
      %dma_wait3A_139 = arith.constant 0 : i32
      %dma_wait3A_140 = tpu.memref_slice %arg9[%add3A_121, %dma_wait3A_139] : memref<10240x64xf32, #tpu.memory_space<vmem_shared>> -> memref<160x64xf32, #tpu.memory_space<vmem_shared>>
      tpu.wait_dma2 semaphore(%run_scoped3A : memref<!tpu.dma_semaphore, #tpu.memory_space<semaphore_mem>>) src(%dma_wait3A_140 : memref<160x64xf32, #tpu.memory_space<vmem_shared>>) dst(%arg8 : memref<160x64xf32, #tpu.memory_space<vmem>>)
      tpu.yield
    }) : () -> ()
    %mul3A_122 = arith.constant 640 : i32
    %mul3A_123 = arith.muli %arg1, %mul3A_122 : i32
    %add3A_124 = arith.constant 320 : i32
    %add3A_125 = arith.addi %mul3A_123, %add3A_124 : i32
    "tpu.region"() ({
      %run_scoped3A = tpu.sem_alloc : memref<!tpu.dma_semaphore, #tpu.memory_space<semaphore_mem>>
      %dma_start3A_134 = arith.constant 0 : i32
      %dma_start3A_135 = tpu.memref_slice %arg4[%arg0, %add3A_125, %dma_start3A_134] : memref<2x10240x128xf32, #tpu.memory_space<hbm>> -> memref<1x160x64xf32, #tpu.memory_space<hbm>>
      %dma_start3A_136 = tpu.memref_squeeze %dma_start3A_135 : memref<1x160x64xf32, #tpu.memory_space<hbm>> -> memref<160x64xf32, #tpu.memory_space<hbm>>
      %dma_start3A_137 = arith.constant 0 : i32
      %dma_start3A_138 = tpu.memref_slice %arg4[%arg0, %add3A_125, %dma_start3A_137] : memref<2x10240x128xf32, #tpu.memory_space<hbm>> -> memref<1x160x64xf32, #tpu.memory_space<hbm>>
      %dma_start3A_139 = tpu.memref_squeeze %dma_start3A_138 : memref<1x160x64xf32, #tpu.memory_space<hbm>> -> memref<160x64xf32, #tpu.memory_space<hbm>>
      tpu.enqueue_dma source(%arg8 : memref<160x64xf32, #tpu.memory_space<vmem>>) target(%dma_start3A_139 : memref<160x64xf32, #tpu.memory_space<hbm>>) target_semaphore(%run_scoped3A : memref<!tpu.dma_semaphore, #tpu.memory_space<semaphore_mem>>)
      %dma_wait3A = arith.constant 0 : i32
      %dma_wait3A_140 = tpu.memref_slice %arg4[%arg0, %add3A_125, %dma_wait3A] : memref<2x10240x128xf32, #tpu.memory_space<hbm>> -> memref<1x160x64xf32, #tpu.memory_space<hbm>>
      %dma_wait3A_141 = tpu.memref_squeeze %dma_wait3A_140 : memref<1x160x64xf32, #tpu.memory_space<hbm>> -> memref<160x64xf32, #tpu.memory_space<hbm>>
      %dma_wait3A_142 = arith.constant 0 : i32
      %dma_wait3A_143 = tpu.memref_slice %arg4[%arg0, %add3A_125, %dma_wait3A_142] : memref<2x10240x128xf32, #tpu.memory_space<hbm>> -> memref<1x160x64xf32, #tpu.memory_space<hbm>>
      %dma_wait3A_144 = tpu.memref_squeeze %dma_wait3A_143 : memref<1x160x64xf32, #tpu.memory_space<hbm>> -> memref<160x64xf32, #tpu.memory_space<hbm>>
      tpu.wait_dma2 semaphore(%run_scoped3A : memref<!tpu.dma_semaphore, #tpu.memory_space<semaphore_mem>>) src(%arg8 : memref<160x64xf32, #tpu.memory_space<vmem>>) dst(%dma_wait3A_144 : memref<160x64xf32, #tpu.memory_space<hbm>>)
      tpu.yield
    }) : () -> ()
    %mul3A_126 = arith.constant 640 : i32
    %mul3A_127 = arith.muli %arg1, %mul3A_126 : i32
    %add3A_128 = arith.constant 480 : i32
    %add3A_129 = arith.addi %mul3A_127, %add3A_128 : i32
    "tpu.region"() ({
      %run_scoped3A = tpu.sem_alloc : memref<!tpu.dma_semaphore, #tpu.memory_space<semaphore_mem>>
      %dma_start3A_134 = arith.constant 0 : i32
      %dma_start3A_135 = tpu.memref_slice %arg9[%add3A_129, %dma_start3A_134] : memref<10240x64xf32, #tpu.memory_space<vmem_shared>> -> memref<160x64xf32, #tpu.memory_space<vmem_shared>>
      %dma_start3A_136 = arith.constant 0 : i32
      %dma_start3A_137 = tpu.memref_slice %arg9[%add3A_129, %dma_start3A_136] : memref<10240x64xf32, #tpu.memory_space<vmem_shared>> -> memref<160x64xf32, #tpu.memory_space<vmem_shared>>
      tpu.enqueue_dma source(%dma_start3A_137 : memref<160x64xf32, #tpu.memory_space<vmem_shared>>) target(%arg8 : memref<160x64xf32, #tpu.memory_space<vmem>>) target_semaphore(%run_scoped3A : memref<!tpu.dma_semaphore, #tpu.memory_space<semaphore_mem>>)
      %dma_wait3A = arith.constant 0 : i32
      %dma_wait3A_138 = tpu.memref_slice %arg9[%add3A_129, %dma_wait3A] : memref<10240x64xf32, #tpu.memory_space<vmem_shared>> -> memref<160x64xf32, #tpu.memory_space<vmem_shared>>
      %dma_wait3A_139 = arith.constant 0 : i32
      %dma_wait3A_140 = tpu.memref_slice %arg9[%add3A_129, %dma_wait3A_139] : memref<10240x64xf32, #tpu.memory_space<vmem_shared>> -> memref<160x64xf32, #tpu.memory_space<vmem_shared>>
      tpu.wait_dma2 semaphore(%run_scoped3A : memref<!tpu.dma_semaphore, #tpu.memory_space<semaphore_mem>>) src(%dma_wait3A_140 : memref<160x64xf32, #tpu.memory_space<vmem_shared>>) dst(%arg8 : memref<160x64xf32, #tpu.memory_space<vmem>>)
      tpu.yield
    }) : () -> ()
    %mul3A_130 = arith.constant 640 : i32
    %mul3A_131 = arith.muli %arg1, %mul3A_130 : i32
    %add3A_132 = arith.constant 480 : i32
    %add3A_133 = arith.addi %mul3A_131, %add3A_132 : i32
    "tpu.region"() ({
      %run_scoped3A = tpu.sem_alloc : memref<!tpu.dma_semaphore, #tpu.memory_space<semaphore_mem>>
      %dma_start3A_134 = arith.constant 0 : i32
      %dma_start3A_135 = tpu.memref_slice %arg4[%arg0, %add3A_133, %dma_start3A_134] : memref<2x10240x128xf32, #tpu.memory_space<hbm>> -> memref<1x160x64xf32, #tpu.memory_space<hbm>>
      %dma_start3A_136 = tpu.memref_squeeze %dma_start3A_135 : memref<1x160x64xf32, #tpu.memory_space<hbm>> -> memref<160x64xf32, #tpu.memory_space<hbm>>
      %dma_start3A_137 = arith.constant 0 : i32
      %dma_start3A_138 = tpu.memref_slice %arg4[%arg0, %add3A_133, %dma_start3A_137] : memref<2x10240x128xf32, #tpu.memory_space<hbm>> -> memref<1x160x64xf32, #tpu.memory_space<hbm>>
      %dma_start3A_139 = tpu.memref_squeeze %dma_start3A_138 : memref<1x160x64xf32, #tpu.memory_space<hbm>> -> memref<160x64xf32, #tpu.memory_space<hbm>>
      tpu.enqueue_dma source(%arg8 : memref<160x64xf32, #tpu.memory_space<vmem>>) target(%dma_start3A_139 : memref<160x64xf32, #tpu.memory_space<hbm>>) target_semaphore(%run_scoped3A : memref<!tpu.dma_semaphore, #tpu.memory_space<semaphore_mem>>)
      %dma_wait3A = arith.constant 0 : i32
      %dma_wait3A_140 = tpu.memref_slice %arg4[%arg0, %add3A_133, %dma_wait3A] : memref<2x10240x128xf32, #tpu.memory_space<hbm>> -> memref<1x160x64xf32, #tpu.memory_space<hbm>>
      %dma_wait3A_141 = tpu.memref_squeeze %dma_wait3A_140 : memref<1x160x64xf32, #tpu.memory_space<hbm>> -> memref<160x64xf32, #tpu.memory_space<hbm>>
      %dma_wait3A_142 = arith.constant 0 : i32
      %dma_wait3A_143 = tpu.memref_slice %arg4[%arg0, %add3A_133, %dma_wait3A_142] : memref<2x10240x128xf32, #tpu.memory_space<hbm>> -> memref<1x160x64xf32, #tpu.memory_space<hbm>>
      %dma_wait3A_144 = tpu.memref_squeeze %dma_wait3A_143 : memref<1x160x64xf32, #tpu.memory_space<hbm>> -> memref<160x64xf32, #tpu.memory_space<hbm>>
      tpu.wait_dma2 semaphore(%run_scoped3A : memref<!tpu.dma_semaphore, #tpu.memory_space<semaphore_mem>>) src(%arg8 : memref<160x64xf32, #tpu.memory_space<vmem>>) dst(%dma_wait3A_144 : memref<160x64xf32, #tpu.memory_space<hbm>>)
      tpu.yield
    }) : () -> ()
    return
  }
}

module attributes {stable_mosaic.version = 14 : i64} {
  func.func @_stage_a1_body(%arg0: i32, %arg1: memref<2000x128xf32, #tpu.memory_space<vmem>>, %arg2: memref<128x64xf32, #tpu.memory_space<vmem>>, %arg3: memref<2000x64xf32, #tpu.memory_space<vmem>>) attributes {dimension_semantics = [#tpu.dimension_semantics<arbitrary>], iteration_bounds = array<i64: 5>, scalar_prefetch = 0 : i64, scratch_operands = 0 : i64, tpu.core_type = #tpu.core_type<tc>, window_params = [{transform_indices = @transform_0, window_bounds = array<i64: 2000, 128>}, {pipeline_mode = #tpu.pipeline_mode<synchronous>, transform_indices = @transform_1, window_bounds = array<i64: 128, 64>}, {transform_indices = @transform_2, window_bounds = array<i64: 2000, 64>}]} {
    %get3A = arith.constant 0 : index
    %get3A_0 = arith.constant 0 : index
    %get3A_1 = vector.load %arg1[%get3A, %get3A_0] : memref<2000x128xf32, #tpu.memory_space<vmem>>, vector<2000x128xf32>
    %get3A_2 = arith.constant 0 : index
    %get3A_3 = arith.constant 0 : index
    %get3A_4 = vector.load %arg2[%get3A_2, %get3A_3] : memref<128x64xf32, #tpu.memory_space<vmem>>, vector<128x64xf32>
    %dot_general3A = arith.constant dense<0.000000e+00> : vector<2000x64xf32>
    %dot_general3A_5 = tpu.matmul %get3A_1, %get3A_4, %dot_general3A {dimension_numbers = #tpu.dot_dimension_numbers<[1], [0], [0], [1], [0, 0, 1, 1], [], []>, transpose_lhs_hint = false} : vector<2000x128xf32>, vector<128x64xf32>, vector<2000x64xf32> -> vector<2000x64xf32>
    %swap3A = arith.constant 0 : index
    %swap3A_6 = arith.constant 0 : index
    %swap3A_7 = vector.load %arg3[%swap3A, %swap3A_6] : memref<2000x64xf32, #tpu.memory_space<vmem>>, vector<2000x64xf32>
    tpu.vector_store %arg3[%swap3A, %swap3A_6], %dot_general3A_5 {strides = array<i32>} : memref<2000x64xf32, #tpu.memory_space<vmem>>, vector<2000x64xf32>,
    return
  }
  func.func @transform_0(%arg0: i32) -> (i32, i32) {
    %c0_i32 = arith.constant 0 : i32
    %c0_i32_0 = arith.constant 0 : i32
    return %arg0, %c0_i32 : i32, i32
  }
  func.func @transform_1(%arg0: i32) -> (i32, i32) {
    %c0_i32 = arith.constant 0 : i32
    %c0_i32_0 = arith.constant 0 : i32
    %c0_i32_1 = arith.constant 0 : i32
    return %c0_i32, %c0_i32_0 : i32, i32
  }
  func.func @transform_2(%arg0: i32) -> (i32, i32) {
    %c0_i32 = arith.constant 0 : i32
    %c0_i32_0 = arith.constant 0 : i32
    return %arg0, %c0_i32 : i32, i32
  }
}

module attributes {stable_mosaic.version = 14 : i64} {
  func.func @_stage_a2_body(%arg0: i32, %arg1: memref<2000x64xf32, #tpu.memory_space<vmem>>, %arg2: memref<2000x2xf32, #tpu.memory_space<vmem>>, %arg3: memref<2000x128xf32, #tpu.memory_space<vmem>>, %arg4: memref<2000x1xf32, #tpu.memory_space<vmem>>) attributes {dimension_semantics = [#tpu.dimension_semantics<arbitrary>], iteration_bounds = array<i64: 5>, scalar_prefetch = 0 : i64, scratch_operands = 0 : i64, tpu.core_type = #tpu.core_type<tc>, window_params = [{transform_indices = @transform_0, window_bounds = array<i64: 2000, 64>}, {transform_indices = @transform_1, window_bounds = array<i64: 2000, 2>}, {transform_indices = @transform_2, window_bounds = array<i64: 2000, 128>}, {transform_indices = @transform_3, window_bounds = array<i64: 2000, 1>}]} {
    %get3A = arith.constant 0 : index
    %get3A_0 = arith.constant 0 : index
    %get3A_1 = vector.load %arg2[%get3A, %get3A_0] : memref<2000x2xf32, #tpu.memory_space<vmem>>, vector<2000x1xf32>
    %get3A_2 = arith.constant 0 : index
    %get3A_3 = arith.constant 1 : index
    %get3A_4 = vector.load %arg2[%get3A_2, %get3A_3] : memref<2000x2xf32, #tpu.memory_space<vmem>>, vector<2000x1xf32>
    %add3A = arith.addf %get3A_1, %get3A_4 : vector<2000x1xf32>
    %add3A_5 = arith.constant 1.000000e+00 : f32
    %add3A_6 = vector.broadcast %add3A_5 : f32 to vector<2000x1xf32>
    %add3A_7 = arith.addf %add3A, %add3A_6 : vector<2000x1xf32>
    %rsqrt3A = math.rsqrt %add3A_7 : vector<2000x1xf32>
    %get3A_8 = arith.constant 0 : index
    %get3A_9 = arith.constant 0 : index
    %get3A_10 = vector.load %arg1[%get3A_8, %get3A_9] : memref<2000x64xf32, #tpu.memory_space<vmem>>, vector<2000x64xf32>
    %mul3A = vector.broadcast %rsqrt3A : vector<2000x1xf32> to vector<2000x64xf32>
    %mul3A_11 = arith.mulf %get3A_10, %mul3A : vector<2000x64xf32>
    %swap3A = arith.constant 0 : index
    %swap3A_12 = arith.constant 0 : index
    %swap3A_13 = vector.load %arg3[%swap3A, %swap3A_12] : memref<2000x128xf32, #tpu.memory_space<vmem>>, vector<2000x64xf32>
    tpu.vector_store %arg3[%swap3A, %swap3A_12], %mul3A_11 {strides = array<i32>} : memref<2000x128xf32, #tpu.memory_space<vmem>>, vector<2000x64xf32>,
    %broadcast_in_dim3A = arith.constant 0.000000e+00 : f32
    %broadcast_in_dim3A_14 = vector.broadcast %broadcast_in_dim3A : f32 to vector<2000x64xf32>
    %swap3A_15 = arith.constant 0 : index
    %swap3A_16 = arith.constant 64 : index
    %swap3A_17 = vector.load %arg3[%swap3A_15, %swap3A_16] : memref<2000x128xf32, #tpu.memory_space<vmem>>, vector<2000x64xf32>
    tpu.vector_store %arg3[%swap3A_15, %swap3A_16], %broadcast_in_dim3A_14 {strides = array<i32>} : memref<2000x128xf32, #tpu.memory_space<vmem>>, vector<2000x64xf32>,
    %swap3A_18 = arith.constant 0 : index
    %swap3A_19 = arith.constant 0 : index
    %swap3A_20 = vector.load %arg4[%swap3A_18, %swap3A_19] : memref<2000x1xf32, #tpu.memory_space<vmem>>, vector<2000x1xf32>
    tpu.vector_store %arg4[%swap3A_18, %swap3A_19], %rsqrt3A {strides = array<i32>} : memref<2000x1xf32, #tpu.memory_space<vmem>>, vector<2000x1xf32>,
    return
  }
  func.func @transform_0(%arg0: i32) -> (i32, i32) {
    %c0_i32 = arith.constant 0 : i32
    %c0_i32_0 = arith.constant 0 : i32
    return %arg0, %c0_i32 : i32, i32
  }
  func.func @transform_1(%arg0: i32) -> (i32, i32) {
    %c0_i32 = arith.constant 0 : i32
    %c0_i32_0 = arith.constant 0 : i32
    return %arg0, %c0_i32 : i32, i32
  }
  func.func @transform_2(%arg0: i32) -> (i32, i32) {
    %c0_i32 = arith.constant 0 : i32
    %c0_i32_0 = arith.constant 0 : i32
    return %arg0, %c0_i32 : i32, i32
  }
  func.func @transform_3(%arg0: i32) -> (i32, i32) {
    %c0_i32 = arith.constant 0 : i32
    %c0_i32_0 = arith.constant 0 : i32
    return %arg0, %c0_i32 : i32, i32
  }
}

module attributes {stable_mosaic.version = 14 : i64} {
  func.func @_stage_b_body(%arg0: i32, %arg1: memref<2x2000x128xf32, #tpu.memory_space<vmem>>, %arg2: memref<2000x64xf32, #tpu.memory_space<vmem>>, %arg3: memref<2000x1xf32, #tpu.memory_space<vmem>>, %arg4: memref<64x64xf32, #tpu.memory_space<vmem>>, %arg5: memref<1x64xf32, #tpu.memory_space<vmem>>, %arg6: memref<1x64xf32, #tpu.memory_space<vmem>>, %arg7: memref<1x64xf32, #tpu.memory_space<vmem>>, %arg8: memref<2000x64xf32, #tpu.memory_space<vmem>>, %arg9: memref<2000x128xf32, #tpu.memory_space<vmem>>, %arg10: memref<2000x64xf32, #tpu.memory_space<vmem>>) attributes {dimension_semantics = [#tpu.dimension_semantics<arbitrary>], iteration_bounds = array<i64: 5>, scalar_prefetch = 0 : i64, scratch_operands = 0 : i64, tpu.core_type = #tpu.core_type<tc>, window_params = [{transform_indices = @transform_0, window_bounds = array<i64: 2, 2000, 128>}, {transform_indices = @transform_1, window_bounds = array<i64: 2000, 64>}, {transform_indices = @transform_2, window_bounds = array<i64: 2000, 1>}, {pipeline_mode = #tpu.pipeline_mode<synchronous>, transform_indices = @transform_3, window_bounds = array<i64: 64, 64>}, {pipeline_mode = #tpu.pipeline_mode<synchronous>, transform_indices = @transform_4, window_bounds = array<i64: 1, 64>}, {pipeline_mode = #tpu.pipeline_mode<synchronous>, transform_indices = @transform_5, window_bounds = array<i64: 1, 64>}, {pipeline_mode = #tpu.pipeline_mode<synchronous>, transform_indices = @transform_6, window_bounds = array<i64: 1, 64>}, {transform_indices = @transform_7, window_bounds = array<i64: 2000, 64>}, {transform_indices = @transform_8, window_bounds = array<i64: 2000, 128>}, {transform_indices = @transform_9, window_bounds = array<i64: 2000, 64>}]} {
    %get3A = arith.constant 0 : index
    %get3A_0 = arith.constant 0 : index
    %get3A_1 = vector.load %arg3[%get3A, %get3A_0] : memref<2000x1xf32, #tpu.memory_space<vmem>>, vector<2000x1xf32>
    %get3A_2 = arith.constant 0 : index
    %get3A_3 = arith.constant 0 : index
    %get3A_4 = arith.constant 0 : index
    %get3A_5 = vector.load %arg1[%get3A_2, %get3A_3, %get3A_4] : memref<2x2000x128xf32, #tpu.memory_space<vmem>>, vector<1x2000x64xf32>
    %get3A_6 = vector.shape_cast %get3A_5 : vector<1x2000x64xf32> to vector<2000x64xf32>
    %get3A_7 = arith.constant 1 : index
    %get3A_8 = arith.constant 0 : index
    %get3A_9 = arith.constant 0 : index
    %get3A_10 = vector.load %arg1[%get3A_7, %get3A_8, %get3A_9] : memref<2x2000x128xf32, #tpu.memory_space<vmem>>, vector<1x2000x64xf32>
    %get3A_11 = vector.shape_cast %get3A_10 : vector<1x2000x64xf32> to vector<2000x64xf32>
    %add3A = arith.addf %get3A_6, %get3A_11 : vector<2000x64xf32>
    %mul3A = vector.broadcast %get3A_1 : vector<2000x1xf32> to vector<2000x64xf32>
    %mul3A_12 = arith.mulf %mul3A, %add3A : vector<2000x64xf32>
    %mul3A_13 = arith.mulf %get3A_1, %get3A_1 : vector<2000x1xf32>
    %get3A_14 = arith.constant 0 : index
    %get3A_15 = arith.constant 0 : index
    %get3A_16 = vector.load %arg2[%get3A_14, %get3A_15] : memref<2000x64xf32, #tpu.memory_space<vmem>>, vector<2000x64xf32>
    %mul3A_17 = vector.broadcast %mul3A_13 : vector<2000x1xf32> to vector<2000x64xf32>
    %mul3A_18 = arith.mulf %mul3A_17, %get3A_16 : vector<2000x64xf32>
    %add3A_19 = arith.addf %mul3A_12, %mul3A_18 : vector<2000x64xf32>
    %get3A_20 = arith.constant 0 : index
    %get3A_21 = arith.constant 0 : index
    %get3A_22 = vector.load %arg5[%get3A_20, %get3A_21] : memref<1x64xf32, #tpu.memory_space<vmem>>, vector<1x64xf32>
    %add3A_23 = vector.broadcast %get3A_22 : vector<1x64xf32> to vector<2000x64xf32>
    %add3A_24 = arith.addf %add3A_19, %add3A_23 : vector<2000x64xf32>
    %get3A_25 = arith.constant 0 : index
    %get3A_26 = arith.constant 0 : index
    %get3A_27 = vector.load %arg6[%get3A_25, %get3A_26] : memref<1x64xf32, #tpu.memory_space<vmem>>, vector<1x64xf32>
    %mul3A_28 = arith.constant 0.999994993 : f32
    %mul3A_29 = vector.broadcast %mul3A_28 : f32 to vector<1x64xf32>
    %mul3A_30 = arith.mulf %get3A_27, %mul3A_29 : vector<1x64xf32>
    %mul3A_31 = vector.broadcast %mul3A_30 : vector<1x64xf32> to vector<2000x64xf32>
    %mul3A_32 = arith.mulf %add3A_24, %mul3A_31 : vector<2000x64xf32>
    %get3A_33 = arith.constant 0 : index
    %get3A_34 = arith.constant 0 : index
    %get3A_35 = vector.load %arg7[%get3A_33, %get3A_34] : memref<1x64xf32, #tpu.memory_space<vmem>>, vector<1x64xf32>
    %add3A_36 = vector.broadcast %get3A_35 : vector<1x64xf32> to vector<2000x64xf32>
    %add3A_37 = arith.addf %mul3A_32, %add3A_36 : vector<2000x64xf32>
    %max3A = arith.constant 0.000000e+00 : f32
    %max3A_38 = vector.broadcast %max3A : f32 to vector<2000x64xf32>
    %max3A_39 = arith.maximumf %add3A_37, %max3A_38 : vector<2000x64xf32>
    %swap3A = arith.constant 0 : index
    %swap3A_40 = arith.constant 0 : index
    %swap3A_41 = vector.load %arg8[%swap3A, %swap3A_40] : memref<2000x64xf32, #tpu.memory_space<vmem>>, vector<2000x64xf32>
    tpu.vector_store %arg8[%swap3A, %swap3A_40], %max3A_39 {strides = array<i32>} : memref<2000x64xf32, #tpu.memory_space<vmem>>, vector<2000x64xf32>,
    %get3A_42 = arith.constant 0 : index
    %get3A_43 = arith.constant 0 : index
    %get3A_44 = vector.load %arg4[%get3A_42, %get3A_43] : memref<64x64xf32, #tpu.memory_space<vmem>>, vector<64x64xf32>
    %dot_general3A = arith.constant dense<0.000000e+00> : vector<2000x64xf32>
    %dot_general3A_45 = tpu.matmul %max3A_39, %get3A_44, %dot_general3A {dimension_numbers = #tpu.dot_dimension_numbers<[1], [0], [0], [1], [0, 0, 1, 1], [], []>, transpose_lhs_hint = false} : vector<2000x64xf32>, vector<64x64xf32>, vector<2000x64xf32> -> vector<2000x64xf32>
    %swap3A_46 = arith.constant 0 : index
    %swap3A_47 = arith.constant 0 : index
    %swap3A_48 = vector.load %arg10[%swap3A_46, %swap3A_47] : memref<2000x64xf32, #tpu.memory_space<vmem>>, vector<2000x64xf32>
    tpu.vector_store %arg10[%swap3A_46, %swap3A_47], %dot_general3A_45 {strides = array<i32>} : memref<2000x64xf32, #tpu.memory_space<vmem>>, vector<2000x64xf32>,
    %mul3A_49 = vector.broadcast %get3A_1 : vector<2000x1xf32> to vector<2000x64xf32>
    %mul3A_50 = arith.mulf %dot_general3A_45, %mul3A_49 : vector<2000x64xf32>
    %swap3A_51 = arith.constant 0 : index
    %swap3A_52 = arith.constant 0 : index
    %swap3A_53 = vector.load %arg9[%swap3A_51, %swap3A_52] : memref<2000x128xf32, #tpu.memory_space<vmem>>, vector<2000x64xf32>
    tpu.vector_store %arg9[%swap3A_51, %swap3A_52], %mul3A_50 {strides = array<i32>} : memref<2000x128xf32, #tpu.memory_space<vmem>>, vector<2000x64xf32>,
    %broadcast_in_dim3A = arith.constant 0.000000e+00 : f32
    %broadcast_in_dim3A_54 = vector.broadcast %broadcast_in_dim3A : f32 to vector<2000x64xf32>
    %swap3A_55 = arith.constant 0 : index
    %swap3A_56 = arith.constant 64 : index
    %swap3A_57 = vector.load %arg9[%swap3A_55, %swap3A_56] : memref<2000x128xf32, #tpu.memory_space<vmem>>, vector<2000x64xf32>
    tpu.vector_store %arg9[%swap3A_55, %swap3A_56], %broadcast_in_dim3A_54 {strides = array<i32>} : memref<2000x128xf32, #tpu.memory_space<vmem>>, vector<2000x64xf32>,
    return
  }
  func.func @transform_0(%arg0: i32) -> (i32, i32, i32) {
    %c0_i32 = arith.constant 0 : i32
    %c0_i32_0 = arith.constant 0 : i32
    %c0_i32_1 = arith.constant 0 : i32
    return %c0_i32, %arg0, %c0_i32_0 : i32, i32, i32
  }
  func.func @transform_1(%arg0: i32) -> (i32, i32) {
    %c0_i32 = arith.constant 0 : i32
    %c0_i32_0 = arith.constant 0 : i32
    return %arg0, %c0_i32 : i32, i32
  }
  func.func @transform_2(%arg0: i32) -> (i32, i32) {
    %c0_i32 = arith.constant 0 : i32
    %c0_i32_0 = arith.constant 0 : i32
    return %arg0, %c0_i32 : i32, i32
  }
  func.func @transform_3(%arg0: i32) -> (i32, i32) {
    %c0_i32 = arith.constant 0 : i32
    %c0_i32_0 = arith.constant 0 : i32
    %c0_i32_1 = arith.constant 0 : i32
    return %c0_i32, %c0_i32_0 : i32, i32
  }
  func.func @transform_4(%arg0: i32) -> (i32, i32) {
    %c0_i32 = arith.constant 0 : i32
    %c0_i32_0 = arith.constant 0 : i32
    %c0_i32_1 = arith.constant 0 : i32
    return %c0_i32, %c0_i32_0 : i32, i32
  }
  func.func @transform_5(%arg0: i32) -> (i32, i32) {
    %c0_i32 = arith.constant 0 : i32
    %c0_i32_0 = arith.constant 0 : i32
    %c0_i32_1 = arith.constant 0 : i32
    return %c0_i32, %c0_i32_0 : i32, i32
  }
  func.func @transform_6(%arg0: i32) -> (i32, i32) {
    %c0_i32 = arith.constant 0 : i32
    %c0_i32_0 = arith.constant 0 : i32
    %c0_i32_1 = arith.constant 0 : i32
    return %c0_i32, %c0_i32_0 : i32, i32
  }
  func.func @transform_7(%arg0: i32) -> (i32, i32) {
    %c0_i32 = arith.constant 0 : i32
    %c0_i32_0 = arith.constant 0 : i32
    return %arg0, %c0_i32 : i32, i32
  }
  func.func @transform_8(%arg0: i32) -> (i32, i32) {
    %c0_i32 = arith.constant 0 : i32
    %c0_i32_0 = arith.constant 0 : i32
    return %arg0, %c0_i32 : i32, i32
  }
  func.func @transform_9(%arg0: i32) -> (i32, i32) {
    %c0_i32 = arith.constant 0 : i32
    %c0_i32_0 = arith.constant 0 : i32
    return %arg0, %c0_i32 : i32, i32
  }
}

module attributes {stable_mosaic.version = 14 : i64} {
  func.func @_stage_c0_body(%arg0: i32, %arg1: memref<2x2000x128xf32, #tpu.memory_space<vmem>>, %arg2: memref<2000x64xf32, #tpu.memory_space<vmem>>, %arg3: memref<2000x1xf32, #tpu.memory_space<vmem>>, %arg4: memref<2000x64xf32, #tpu.memory_space<vmem>>, %arg5: memref<1x64xf32, #tpu.memory_space<vmem>>, %arg6: memref<1x64xf32, #tpu.memory_space<vmem>>, %arg7: memref<1x64xf32, #tpu.memory_space<vmem>>, %arg8: memref<2000x64xf32, #tpu.memory_space<vmem>>) attributes {dimension_semantics = [#tpu.dimension_semantics<arbitrary>], iteration_bounds = array<i64: 5>, scalar_prefetch = 0 : i64, scratch_operands = 0 : i64, tpu.core_type = #tpu.core_type<tc>, window_params = [{transform_indices = @transform_0, window_bounds = array<i64: 2, 2000, 128>}, {transform_indices = @transform_1, window_bounds = array<i64: 2000, 64>}, {transform_indices = @transform_2, window_bounds = array<i64: 2000, 1>}, {transform_indices = @transform_3, window_bounds = array<i64: 2000, 64>}, {pipeline_mode = #tpu.pipeline_mode<synchronous>, transform_indices = @transform_4, window_bounds = array<i64: 1, 64>}, {pipeline_mode = #tpu.pipeline_mode<synchronous>, transform_indices = @transform_5, window_bounds = array<i64: 1, 64>}, {pipeline_mode = #tpu.pipeline_mode<synchronous>, transform_indices = @transform_6, window_bounds = array<i64: 1, 64>}, {transform_indices = @transform_7, window_bounds = array<i64: 2000, 64>}]} {
    %get3A = arith.constant 0 : index
    %get3A_0 = arith.constant 0 : index
    %get3A_1 = vector.load %arg3[%get3A, %get3A_0] : memref<2000x1xf32, #tpu.memory_space<vmem>>, vector<2000x1xf32>
    %get3A_2 = arith.constant 0 : index
    %get3A_3 = arith.constant 0 : index
    %get3A_4 = arith.constant 0 : index
    %get3A_5 = vector.load %arg1[%get3A_2, %get3A_3, %get3A_4] : memref<2x2000x128xf32, #tpu.memory_space<vmem>>, vector<1x2000x64xf32>
    %get3A_6 = vector.shape_cast %get3A_5 : vector<1x2000x64xf32> to vector<2000x64xf32>
    %get3A_7 = arith.constant 1 : index
    %get3A_8 = arith.constant 0 : index
    %get3A_9 = arith.constant 0 : index
    %get3A_10 = vector.load %arg1[%get3A_7, %get3A_8, %get3A_9] : memref<2x2000x128xf32, #tpu.memory_space<vmem>>, vector<1x2000x64xf32>
    %get3A_11 = vector.shape_cast %get3A_10 : vector<1x2000x64xf32> to vector<2000x64xf32>
    %add3A = arith.addf %get3A_6, %get3A_11 : vector<2000x64xf32>
    %mul3A = vector.broadcast %get3A_1 : vector<2000x1xf32> to vector<2000x64xf32>
    %mul3A_12 = arith.mulf %mul3A, %add3A : vector<2000x64xf32>
    %mul3A_13 = arith.mulf %get3A_1, %get3A_1 : vector<2000x1xf32>
    %get3A_14 = arith.constant 0 : index
    %get3A_15 = arith.constant 0 : index
    %get3A_16 = vector.load %arg2[%get3A_14, %get3A_15] : memref<2000x64xf32, #tpu.memory_space<vmem>>, vector<2000x64xf32>
    %mul3A_17 = vector.broadcast %mul3A_13 : vector<2000x1xf32> to vector<2000x64xf32>
    %mul3A_18 = arith.mulf %mul3A_17, %get3A_16 : vector<2000x64xf32>
    %add3A_19 = arith.addf %mul3A_12, %mul3A_18 : vector<2000x64xf32>
    %get3A_20 = arith.constant 0 : index
    %get3A_21 = arith.constant 0 : index
    %get3A_22 = vector.load %arg5[%get3A_20, %get3A_21] : memref<1x64xf32, #tpu.memory_space<vmem>>, vector<1x64xf32>
    %add3A_23 = vector.broadcast %get3A_22 : vector<1x64xf32> to vector<2000x64xf32>
    %add3A_24 = arith.addf %add3A_19, %add3A_23 : vector<2000x64xf32>
    %get3A_25 = arith.constant 0 : index
    %get3A_26 = arith.constant 0 : index
    %get3A_27 = vector.load %arg6[%get3A_25, %get3A_26] : memref<1x64xf32, #tpu.memory_space<vmem>>, vector<1x64xf32>
    %mul3A_28 = arith.constant 0.999994993 : f32
    %mul3A_29 = vector.broadcast %mul3A_28 : f32 to vector<1x64xf32>
    %mul3A_30 = arith.mulf %get3A_27, %mul3A_29 : vector<1x64xf32>
    %mul3A_31 = vector.broadcast %mul3A_30 : vector<1x64xf32> to vector<2000x64xf32>
    %mul3A_32 = arith.mulf %add3A_24, %mul3A_31 : vector<2000x64xf32>
    %get3A_33 = arith.constant 0 : index
    %get3A_34 = arith.constant 0 : index
    %get3A_35 = vector.load %arg7[%get3A_33, %get3A_34] : memref<1x64xf32, #tpu.memory_space<vmem>>, vector<1x64xf32>
    %add3A_36 = vector.broadcast %get3A_35 : vector<1x64xf32> to vector<2000x64xf32>
    %add3A_37 = arith.addf %mul3A_32, %add3A_36 : vector<2000x64xf32>
    %max3A = arith.constant 0.000000e+00 : f32
    %max3A_38 = vector.broadcast %max3A : f32 to vector<2000x64xf32>
    %max3A_39 = arith.maximumf %add3A_37, %max3A_38 : vector<2000x64xf32>
    %get3A_40 = arith.constant 0 : index
    %get3A_41 = arith.constant 0 : index
    %get3A_42 = vector.load %arg4[%get3A_40, %get3A_41] : memref<2000x64xf32, #tpu.memory_space<vmem>>, vector<2000x64xf32>
    %add3A_43 = arith.addf %get3A_42, %max3A_39 : vector<2000x64xf32>
    %swap3A = arith.constant 0 : index
    %swap3A_44 = arith.constant 0 : index
    %swap3A_45 = vector.load %arg8[%swap3A, %swap3A_44] : memref<2000x64xf32, #tpu.memory_space<vmem>>, vector<2000x64xf32>
    tpu.vector_store %arg8[%swap3A, %swap3A_44], %add3A_43 {strides = array<i32>} : memref<2000x64xf32, #tpu.memory_space<vmem>>, vector<2000x64xf32>,
    return
  }
  func.func @transform_0(%arg0: i32) -> (i32, i32, i32) {
    %c0_i32 = arith.constant 0 : i32
    %c0_i32_0 = arith.constant 0 : i32
    %c0_i32_1 = arith.constant 0 : i32
    return %c0_i32, %arg0, %c0_i32_0 : i32, i32, i32
  }
  func.func @transform_1(%arg0: i32) -> (i32, i32) {
    %c0_i32 = arith.constant 0 : i32
    %c0_i32_0 = arith.constant 0 : i32
    return %arg0, %c0_i32 : i32, i32
  }
  func.func @transform_2(%arg0: i32) -> (i32, i32) {
    %c0_i32 = arith.constant 0 : i32
    %c0_i32_0 = arith.constant 0 : i32
    return %arg0, %c0_i32 : i32, i32
  }
  func.func @transform_3(%arg0: i32) -> (i32, i32) {
    %c0_i32 = arith.constant 0 : i32
    %c0_i32_0 = arith.constant 0 : i32
    return %arg0, %c0_i32 : i32, i32
  }
  func.func @transform_4(%arg0: i32) -> (i32, i32) {
    %c0_i32 = arith.constant 0 : i32
    %c0_i32_0 = arith.constant 0 : i32
    %c0_i32_1 = arith.constant 0 : i32
    return %c0_i32, %c0_i32_0 : i32, i32
  }
  func.func @transform_5(%arg0: i32) -> (i32, i32) {
    %c0_i32 = arith.constant 0 : i32
    %c0_i32_0 = arith.constant 0 : i32
    %c0_i32_1 = arith.constant 0 : i32
    return %c0_i32, %c0_i32_0 : i32, i32
  }
  func.func @transform_6(%arg0: i32) -> (i32, i32) {
    %c0_i32 = arith.constant 0 : i32
    %c0_i32_0 = arith.constant 0 : i32
    %c0_i32_1 = arith.constant 0 : i32
    return %c0_i32, %c0_i32_0 : i32, i32
  }
  func.func @transform_7(%arg0: i32) -> (i32, i32) {
    %c0_i32 = arith.constant 0 : i32
    %c0_i32_0 = arith.constant 0 : i32
    return %arg0, %c0_i32 : i32, i32
  }
}

module attributes {stable_mosaic.version = 14 : i64} {
  func.func @_pool_body(%arg0: i32, %arg1: memref<1000x128xf32, #tpu.memory_space<vmem>>, %arg2: memref<1000x2xi32, #tpu.memory_space<vmem>>, %arg3: memref<16x64xf32, #tpu.memory_space<vmem>>, %arg4: memref<16x128xf32, #tpu.memory_space<vmem>>, %arg5: memref<16x64xf32, #tpu.memory_space<vmem>>) attributes {dimension_semantics = [#tpu.dimension_semantics<arbitrary>], iteration_bounds = array<i64: 5>, scalar_prefetch = 0 : i64, scratch_operands = 0 : i64, tpu.core_type = #tpu.core_type<tc>, window_params = [{transform_indices = @transform_0, window_bounds = array<i64: 1000, 128>}, {transform_indices = @transform_1, window_bounds = array<i64: 1000, 2>}, {pipeline_mode = #tpu.pipeline_mode<synchronous>, transform_indices = @transform_2, window_bounds = array<i64: 16, 64>}, {pipeline_mode = #tpu.pipeline_mode<synchronous>, transform_indices = @transform_3, window_bounds = array<i64: 16, 128>}, {pipeline_mode = #tpu.pipeline_mode<synchronous>, transform_indices = @transform_4, window_bounds = array<i64: 16, 64>}]} {
    %get3A = arith.constant 0 : index
    %get3A_0 = arith.constant 0 : index
    %get3A_1 = vector.load %arg1[%get3A, %get3A_0] : memref<1000x128xf32, #tpu.memory_space<vmem>>, vector<1000x128xf32>
    %get3A_2 = arith.constant 0 : index
    %get3A_3 = arith.constant 0 : index
    %get3A_4 = vector.load %arg2[%get3A_2, %get3A_3] : memref<1000x2xi32, #tpu.memory_space<vmem>>, vector<1000x2xi32>
    %iota3A = tpu.iota {dimensions = array<i32: 1>} : vector<1000x16xi32>
    %slice3A = vector.extract_strided_slice %get3A_4 {offsets = [0, 0], sizes = [1000, 1], strides = [1, 1]} : vector<1000x2xi32> to vector<1000x1xi32>
    %eq3A = vector.broadcast %slice3A : vector<1000x1xi32> to vector<1000x16xi32>
    %eq3A_5 = arith.cmpi eq, %eq3A, %iota3A : vector<1000x16xi32>
    %convert_element_type3A = arith.extui %eq3A_5 : vector<1000x16xi1> to vector<1000x16xi32>
    %convert_element_type3A_6 = arith.sitofp %convert_element_type3A : vector<1000x16xi32> to vector<1000x16xf32>
    %slice3A_7 = vector.extract_strided_slice %get3A_4 {offsets = [0, 1], sizes = [1000, 1], strides = [1, 1]} : vector<1000x2xi32> to vector<1000x1xi32>
    %eq3A_8 = vector.broadcast %slice3A_7 : vector<1000x1xi32> to vector<1000x16xi32>
    %eq3A_9 = arith.cmpi eq, %eq3A_8, %iota3A : vector<1000x16xi32>
    %convert_element_type3A_10 = arith.extui %eq3A_9 : vector<1000x16xi1> to vector<1000x16xi32>
    %convert_element_type3A_11 = arith.sitofp %convert_element_type3A_10 : vector<1000x16xi32> to vector<1000x16xf32>
    %dot_general3A = arith.constant dense<0.000000e+00> : vector<16x128xf32>
    %dot_general3A_12 = tpu.matmul %convert_element_type3A_6, %get3A_1, %dot_general3A {dimension_numbers = #tpu.dot_dimension_numbers<[0], [0], [1], [1], [0, 1, 1, 1], [], []>, transpose_lhs_hint = false} : vector<1000x16xf32>, vector<1000x128xf32>, vector<16x128xf32> -> vector<16x128xf32>
    %dot_general3A_13 = arith.constant dense<0.000000e+00> : vector<16x128xf32>
    %dot_general3A_14 = tpu.matmul %convert_element_type3A_11, %get3A_1, %dot_general3A_13 {dimension_numbers = #tpu.dot_dimension_numbers<[0], [0], [1], [1], [0, 1, 1, 1], [], []>, transpose_lhs_hint = false} : vector<1000x16xf32>, vector<1000x128xf32>, vector<16x128xf32> -> vector<16x128xf32>
    %slice3A_15 = vector.extract_strided_slice %dot_general3A_12 {offsets = [0, 0], sizes = [16, 64], strides = [1, 1]} : vector<16x128xf32> to vector<16x64xf32>
    %slice3A_16 = vector.extract_strided_slice %dot_general3A_14 {offsets = [0, 64], sizes = [16, 64], strides = [1, 1]} : vector<16x128xf32> to vector<16x64xf32>
    %add3A = arith.addf %slice3A_15, %slice3A_16 : vector<16x64xf32>
    %add3A_17 = arith.addf %convert_element_type3A_6, %convert_element_type3A_11 : vector<1000x16xf32>
    %broadcast_in_dim3A = arith.constant 1.000000e+00 : f32
    %broadcast_in_dim3A_18 = vector.broadcast %broadcast_in_dim3A : f32 to vector<1000x64xf32>
    %dot_general3A_19 = arith.constant dense<0.000000e+00> : vector<16x64xf32>
    %dot_general3A_20 = tpu.matmul %add3A_17, %broadcast_in_dim3A_18, %dot_general3A_19 {dimension_numbers = #tpu.dot_dimension_numbers<[0], [0], [1], [1], [0, 1, 1, 1], [], []>, transpose_lhs_hint = false} : vector<1000x16xf32>, vector<1000x64xf32>, vector<16x64xf32> -> vector<16x64xf32>
    %iota3A_21 = tpu.iota {dimensions = array<i32: 1>} : vector<1000x128xi32>
    %lt3A = arith.constant 64 : i32
    %lt3A_22 = vector.broadcast %lt3A : i32 to vector<1000x128xi32>
    %lt3A_23 = arith.cmpi slt, %iota3A_21, %lt3A_22 : vector<1000x128xi32>
    %slice3A_24 = vector.extract_strided_slice %get3A_4 {offsets = [0, 0], sizes = [1000, 1], strides = [1, 1]} : vector<1000x2xi32> to vector<1000x1xi32>
    %slice3A_25 = vector.extract_strided_slice %get3A_4 {offsets = [0, 1], sizes = [1000, 1], strides = [1, 1]} : vector<1000x2xi32> to vector<1000x1xi32>
    %broadcast_in_dim3A_26 = vector.shape_cast %slice3A_24 : vector<1000x1xi32> to vector<1000x1xi32>
    %broadcast_in_dim3A_27 = vector.broadcast %broadcast_in_dim3A_26 : vector<1000x1xi32> to vector<1000x128xi32>
    %broadcast_in_dim3A_28 = vector.shape_cast %slice3A_25 : vector<1000x1xi32> to vector<1000x1xi32>
    %broadcast_in_dim3A_29 = vector.broadcast %broadcast_in_dim3A_28 : vector<1000x1xi32> to vector<1000x128xi32>
    %select_n3A = arith.select %lt3A_23, %broadcast_in_dim3A_27, %broadcast_in_dim3A_29 : vector<1000x128xi1>, vector<1000x128xi32>
    %eq3A_30 = arith.constant 0 : i32
    %eq3A_31 = vector.broadcast %eq3A_30 : i32 to vector<1000x128xi32>
    %eq3A_32 = arith.cmpi eq, %select_n3A, %eq3A_31 : vector<1000x128xi32>
    %jit3A = arith.constant 0xFF800000 : f32
    %broadcast_in_dim3A_33 = vector.broadcast %jit3A : f32 to vector<1000x128xf32>
    %select_n3A_34 = arith.select %eq3A_32, %get3A_1, %broadcast_in_dim3A_33 : vector<1000x128xi1>, vector<1000x128xf32>
    %reduce_max3A = arith.constant dense<0xFF800000> : vector<128xf32>
    %reduce_max3A_35 = vector.multi_reduction <maximumf>, %select_n3A_34, %reduce_max3A [0] : vector<1000x128xf32> to vector<128xf32>
    %broadcast_in_dim3A_36 = vector.shape_cast %reduce_max3A_35 : vector<128xf32> to vector<1x128xf32>
    %eq3A_37 = arith.constant 1 : i32
    %eq3A_38 = vector.broadcast %eq3A_37 : i32 to vector<1000x128xi32>
    %eq3A_39 = arith.cmpi eq, %select_n3A, %eq3A_38 : vector<1000x128xi32>
    %jit3A_40 = arith.constant 0xFF800000 : f32
    %broadcast_in_dim3A_41 = vector.broadcast %jit3A_40 : f32 to vector<1000x128xf32>
    %select_n3A_42 = arith.select %eq3A_39, %get3A_1, %broadcast_in_dim3A_41 : vector<1000x128xi1>, vector<1000x128xf32>
    %reduce_max3A_43 = arith.constant dense<0xFF800000> : vector<128xf32>
    %reduce_max3A_44 = vector.multi_reduction <maximumf>, %select_n3A_42, %reduce_max3A_43 [0] : vector<1000x128xf32> to vector<128xf32>
    %broadcast_in_dim3A_45 = vector.shape_cast %reduce_max3A_44 : vector<128xf32> to vector<1x128xf32>
    %eq3A_46 = arith.constant 2 : i32
    %eq3A_47 = vector.broadcast %eq3A_46 : i32 to vector<1000x128xi32>
    %eq3A_48 = arith.cmpi eq, %select_n3A, %eq3A_47 : vector<1000x128xi32>
    %jit3A_49 = arith.constant 0xFF800000 : f32
    %broadcast_in_dim3A_50 = vector.broadcast %jit3A_49 : f32 to vector<1000x128xf32>
    %select_n3A_51 = arith.select %eq3A_48, %get3A_1, %broadcast_in_dim3A_50 : vector<1000x128xi1>, vector<1000x128xf32>
    %reduce_max3A_52 = arith.constant dense<0xFF800000> : vector<128xf32>
    %reduce_max3A_53 = vector.multi_reduction <maximumf>, %select_n3A_51, %reduce_max3A_52 [0] : vector<1000x128xf32> to vector<128xf32>
    %broadcast_in_dim3A_54 = vector.shape_cast %reduce_max3A_53 : vector<128xf32> to vector<1x128xf32>
    %eq3A_55 = arith.constant 3 : i32
    %eq3A_56 = vector.broadcast %eq3A_55 : i32 to vector<1000x128xi32>
    %eq3A_57 = arith.cmpi eq, %select_n3A, %eq3A_56 : vector<1000x128xi32>
    %jit3A_58 = arith.constant 0xFF800000 : f32
    %broadcast_in_dim3A_59 = vector.broadcast %jit3A_58 : f32 to vector<1000x128xf32>
    %select_n3A_60 = arith.select %eq3A_57, %get3A_1, %broadcast_in_dim3A_59 : vector<1000x128xi1>, vector<1000x128xf32>
    %reduce_max3A_61 = arith.constant dense<0xFF800000> : vector<128xf32>
    %reduce_max3A_62 = vector.multi_reduction <maximumf>, %select_n3A_60, %reduce_max3A_61 [0] : vector<1000x128xf32> to vector<128xf32>
    %broadcast_in_dim3A_63 = vector.shape_cast %reduce_max3A_62 : vector<128xf32> to vector<1x128xf32>
    %eq3A_64 = arith.constant 4 : i32
    %eq3A_65 = vector.broadcast %eq3A_64 : i32 to vector<1000x128xi32>
    %eq3A_66 = arith.cmpi eq, %select_n3A, %eq3A_65 : vector<1000x128xi32>
    %jit3A_67 = arith.constant 0xFF800000 : f32
    %broadcast_in_dim3A_68 = vector.broadcast %jit3A_67 : f32 to vector<1000x128xf32>
    %select_n3A_69 = arith.select %eq3A_66, %get3A_1, %broadcast_in_dim3A_68 : vector<1000x128xi1>, vector<1000x128xf32>
    %reduce_max3A_70 = arith.constant dense<0xFF800000> : vector<128xf32>
    %reduce_max3A_71 = vector.multi_reduction <maximumf>, %select_n3A_69, %reduce_max3A_70 [0] : vector<1000x128xf32> to vector<128xf32>
    %broadcast_in_dim3A_72 = vector.shape_cast %reduce_max3A_71 : vector<128xf32> to vector<1x128xf32>
    %eq3A_73 = arith.constant 5 : i32
    %eq3A_74 = vector.broadcast %eq3A_73 : i32 to vector<1000x128xi32>
    %eq3A_75 = arith.cmpi eq, %select_n3A, %eq3A_74 : vector<1000x128xi32>
    %jit3A_76 = arith.constant 0xFF800000 : f32
    %broadcast_in_dim3A_77 = vector.broadcast %jit3A_76 : f32 to vector<1000x128xf32>
    %select_n3A_78 = arith.select %eq3A_75, %get3A_1, %broadcast_in_dim3A_77 : vector<1000x128xi1>, vector<1000x128xf32>
    %reduce_max3A_79 = arith.constant dense<0xFF800000> : vector<128xf32>
    %reduce_max3A_80 = vector.multi_reduction <maximumf>, %select_n3A_78, %reduce_max3A_79 [0] : vector<1000x128xf32> to vector<128xf32>
    %broadcast_in_dim3A_81 = vector.shape_cast %reduce_max3A_80 : vector<128xf32> to vector<1x128xf32>
    %eq3A_82 = arith.constant 6 : i32
    %eq3A_83 = vector.broadcast %eq3A_82 : i32 to vector<1000x128xi32>
    %eq3A_84 = arith.cmpi eq, %select_n3A, %eq3A_83 : vector<1000x128xi32>
    %jit3A_85 = arith.constant 0xFF800000 : f32
    %broadcast_in_dim3A_86 = vector.broadcast %jit3A_85 : f32 to vector<1000x128xf32>
    %select_n3A_87 = arith.select %eq3A_84, %get3A_1, %broadcast_in_dim3A_86 : vector<1000x128xi1>, vector<1000x128xf32>
    %reduce_max3A_88 = arith.constant dense<0xFF800000> : vector<128xf32>
    %reduce_max3A_89 = vector.multi_reduction <maximumf>, %select_n3A_87, %reduce_max3A_88 [0] : vector<1000x128xf32> to vector<128xf32>
    %broadcast_in_dim3A_90 = vector.shape_cast %reduce_max3A_89 : vector<128xf32> to vector<1x128xf32>
    %eq3A_91 = arith.constant 7 : i32
    %eq3A_92 = vector.broadcast %eq3A_91 : i32 to vector<1000x128xi32>
    %eq3A_93 = arith.cmpi eq, %select_n3A, %eq3A_92 : vector<1000x128xi32>
    %jit3A_94 = arith.constant 0xFF800000 : f32
    %broadcast_in_dim3A_95 = vector.broadcast %jit3A_94 : f32 to vector<1000x128xf32>
    %select_n3A_96 = arith.select %eq3A_93, %get3A_1, %broadcast_in_dim3A_95 : vector<1000x128xi1>, vector<1000x128xf32>
    %reduce_max3A_97 = arith.constant dense<0xFF800000> : vector<128xf32>
    %reduce_max3A_98 = vector.multi_reduction <maximumf>, %select_n3A_96, %reduce_max3A_97 [0] : vector<1000x128xf32> to vector<128xf32>
    %broadcast_in_dim3A_99 = vector.shape_cast %reduce_max3A_98 : vector<128xf32> to vector<1x128xf32>
    %eq3A_100 = arith.constant 8 : i32
    %eq3A_101 = vector.broadcast %eq3A_100 : i32 to vector<1000x128xi32>
    %eq3A_102 = arith.cmpi eq, %select_n3A, %eq3A_101 : vector<1000x128xi32>
    %jit3A_103 = arith.constant 0xFF800000 : f32
    %broadcast_in_dim3A_104 = vector.broadcast %jit3A_103 : f32 to vector<1000x128xf32>
    %select_n3A_105 = arith.select %eq3A_102, %get3A_1, %broadcast_in_dim3A_104 : vector<1000x128xi1>, vector<1000x128xf32>
    %reduce_max3A_106 = arith.constant dense<0xFF800000> : vector<128xf32>
    %reduce_max3A_107 = vector.multi_reduction <maximumf>, %select_n3A_105, %reduce_max3A_106 [0] : vector<1000x128xf32> to vector<128xf32>
    %broadcast_in_dim3A_108 = vector.shape_cast %reduce_max3A_107 : vector<128xf32> to vector<1x128xf32>
    %eq3A_109 = arith.constant 9 : i32
    %eq3A_110 = vector.broadcast %eq3A_109 : i32 to vector<1000x128xi32>
    %eq3A_111 = arith.cmpi eq, %select_n3A, %eq3A_110 : vector<1000x128xi32>
    %jit3A_112 = arith.constant 0xFF800000 : f32
    %broadcast_in_dim3A_113 = vector.broadcast %jit3A_112 : f32 to vector<1000x128xf32>
    %select_n3A_114 = arith.select %eq3A_111, %get3A_1, %broadcast_in_dim3A_113 : vector<1000x128xi1>, vector<1000x128xf32>
    %reduce_max3A_115 = arith.constant dense<0xFF800000> : vector<128xf32>
    %reduce_max3A_116 = vector.multi_reduction <maximumf>, %select_n3A_114, %reduce_max3A_115 [0] : vector<1000x128xf32> to vector<128xf32>
    %broadcast_in_dim3A_117 = vector.shape_cast %reduce_max3A_116 : vector<128xf32> to vector<1x128xf32>
    %eq3A_118 = arith.constant 10 : i32
    %eq3A_119 = vector.broadcast %eq3A_118 : i32 to vector<1000x128xi32>
    %eq3A_120 = arith.cmpi eq, %select_n3A, %eq3A_119 : vector<1000x128xi32>
    %jit3A_121 = arith.constant 0xFF800000 : f32
    %broadcast_in_dim3A_122 = vector.broadcast %jit3A_121 : f32 to vector<1000x128xf32>
    %select_n3A_123 = arith.select %eq3A_120, %get3A_1, %broadcast_in_dim3A_122 : vector<1000x128xi1>, vector<1000x128xf32>
    %reduce_max3A_124 = arith.constant dense<0xFF800000> : vector<128xf32>
    %reduce_max3A_125 = vector.multi_reduction <maximumf>, %select_n3A_123, %reduce_max3A_124 [0] : vector<1000x128xf32> to vector<128xf32>
    %broadcast_in_dim3A_126 = vector.shape_cast %reduce_max3A_125 : vector<128xf32> to vector<1x128xf32>
    %eq3A_127 = arith.constant 11 : i32
    %eq3A_128 = vector.broadcast %eq3A_127 : i32 to vector<1000x128xi32>
    %eq3A_129 = arith.cmpi eq, %select_n3A, %eq3A_128 : vector<1000x128xi32>
    %jit3A_130 = arith.constant 0xFF800000 : f32
    %broadcast_in_dim3A_131 = vector.broadcast %jit3A_130 : f32 to vector<1000x128xf32>
    %select_n3A_132 = arith.select %eq3A_129, %get3A_1, %broadcast_in_dim3A_131 : vector<1000x128xi1>, vector<1000x128xf32>
    %reduce_max3A_133 = arith.constant dense<0xFF800000> : vector<128xf32>
    %reduce_max3A_134 = vector.multi_reduction <maximumf>, %select_n3A_132, %reduce_max3A_133 [0] : vector<1000x128xf32> to vector<128xf32>
    %broadcast_in_dim3A_135 = vector.shape_cast %reduce_max3A_134 : vector<128xf32> to vector<1x128xf32>
    %eq3A_136 = arith.constant 12 : i32
    %eq3A_137 = vector.broadcast %eq3A_136 : i32 to vector<1000x128xi32>
    %eq3A_138 = arith.cmpi eq, %select_n3A, %eq3A_137 : vector<1000x128xi32>
    %jit3A_139 = arith.constant 0xFF800000 : f32
    %broadcast_in_dim3A_140 = vector.broadcast %jit3A_139 : f32 to vector<1000x128xf32>
    %select_n3A_141 = arith.select %eq3A_138, %get3A_1, %broadcast_in_dim3A_140 : vector<1000x128xi1>, vector<1000x128xf32>
    %reduce_max3A_142 = arith.constant dense<0xFF800000> : vector<128xf32>
    %reduce_max3A_143 = vector.multi_reduction <maximumf>, %select_n3A_141, %reduce_max3A_142 [0] : vector<1000x128xf32> to vector<128xf32>
    %broadcast_in_dim3A_144 = vector.shape_cast %reduce_max3A_143 : vector<128xf32> to vector<1x128xf32>
    %eq3A_145 = arith.constant 13 : i32
    %eq3A_146 = vector.broadcast %eq3A_145 : i32 to vector<1000x128xi32>
    %eq3A_147 = arith.cmpi eq, %select_n3A, %eq3A_146 : vector<1000x128xi32>
    %jit3A_148 = arith.constant 0xFF800000 : f32
    %broadcast_in_dim3A_149 = vector.broadcast %jit3A_148 : f32 to vector<1000x128xf32>
    %select_n3A_150 = arith.select %eq3A_147, %get3A_1, %broadcast_in_dim3A_149 : vector<1000x128xi1>, vector<1000x128xf32>
    %reduce_max3A_151 = arith.constant dense<0xFF800000> : vector<128xf32>
    %reduce_max3A_152 = vector.multi_reduction <maximumf>, %select_n3A_150, %reduce_max3A_151 [0] : vector<1000x128xf32> to vector<128xf32>
    %broadcast_in_dim3A_153 = vector.shape_cast %reduce_max3A_152 : vector<128xf32> to vector<1x128xf32>
    %eq3A_154 = arith.constant 14 : i32
    %eq3A_155 = vector.broadcast %eq3A_154 : i32 to vector<1000x128xi32>
    %eq3A_156 = arith.cmpi eq, %select_n3A, %eq3A_155 : vector<1000x128xi32>
    %jit3A_157 = arith.constant 0xFF800000 : f32
    %broadcast_in_dim3A_158 = vector.broadcast %jit3A_157 : f32 to vector<1000x128xf32>
    %select_n3A_159 = arith.select %eq3A_156, %get3A_1, %broadcast_in_dim3A_158 : vector<1000x128xi1>, vector<1000x128xf32>
    %reduce_max3A_160 = arith.constant dense<0xFF800000> : vector<128xf32>
    %reduce_max3A_161 = vector.multi_reduction <maximumf>, %select_n3A_159, %reduce_max3A_160 [0] : vector<1000x128xf32> to vector<128xf32>
    %broadcast_in_dim3A_162 = vector.shape_cast %reduce_max3A_161 : vector<128xf32> to vector<1x128xf32>
    %eq3A_163 = arith.constant 15 : i32
    %eq3A_164 = vector.broadcast %eq3A_163 : i32 to vector<1000x128xi32>
    %eq3A_165 = arith.cmpi eq, %select_n3A, %eq3A_164 : vector<1000x128xi32>
    %jit3A_166 = arith.constant 0xFF800000 : f32
    %broadcast_in_dim3A_167 = vector.broadcast %jit3A_166 : f32 to vector<1000x128xf32>
    %select_n3A_168 = arith.select %eq3A_165, %get3A_1, %broadcast_in_dim3A_167 : vector<1000x128xi1>, vector<1000x128xf32>
    %reduce_max3A_169 = arith.constant dense<0xFF800000> : vector<128xf32>
    %reduce_max3A_170 = vector.multi_reduction <maximumf>, %select_n3A_168, %reduce_max3A_169 [0] : vector<1000x128xf32> to vector<128xf32>
    %broadcast_in_dim3A_171 = vector.shape_cast %reduce_max3A_170 : vector<128xf32> to vector<1x128xf32>
    %concatenate3A = tpu.concatenate %broadcast_in_dim3A_36, %broadcast_in_dim3A_45, %broadcast_in_dim3A_54, %broadcast_in_dim3A_63, %broadcast_in_dim3A_72, %broadcast_in_dim3A_81, %broadcast_in_dim3A_90, %broadcast_in_dim3A_99, %broadcast_in_dim3A_108, %broadcast_in_dim3A_117, %broadcast_in_dim3A_126, %broadcast_in_dim3A_135, %broadcast_in_dim3A_144, %broadcast_in_dim3A_153, %broadcast_in_dim3A_162, %broadcast_in_dim3A_171 in 0 : vector<1x128xf32>, vector<1x128xf32>, vector<1x128xf32>, vector<1x128xf32>, vector<1x128xf32>, vector<1x128xf32>, vector<1x128xf32>, vector<1x128xf32>, vector<1x128xf32>, vector<1x128xf32>, vector<1x128xf32>, vector<1x128xf32>, vector<1x128xf32>, vector<1x128xf32>, vector<1x128xf32>, vector<1x128xf32> -> vector<16x128xf32>
    %eq3A_172 = arith.constant 0 : i32
    %eq3A_173 = arith.cmpi eq, %arg0, %eq3A_172 : i32
    %convert_element_type3A_174 = arith.extui %eq3A_173 : i1 to i32
    %cond3A = arith.constant 0 : i32
    %cond3A_175 = arith.cmpi ne, %convert_element_type3A_174, %cond3A : i32
    scf.if %cond3A_175 {
      %swap3A = arith.constant 0 : index
      %swap3A_180 = arith.constant 0 : index
      %swap3A_181 = vector.load %arg3[%swap3A, %swap3A_180] : memref<16x64xf32, #tpu.memory_space<vmem>>, vector<16x64xf32>
      tpu.vector_store %arg3[%swap3A, %swap3A_180], %add3A {strides = array<i32>} : memref<16x64xf32, #tpu.memory_space<vmem>>, vector<16x64xf32>,
      %swap3A_182 = arith.constant 0 : index
      %swap3A_183 = arith.constant 0 : index
      %swap3A_184 = vector.load %arg5[%swap3A_182, %swap3A_183] : memref<16x64xf32, #tpu.memory_space<vmem>>, vector<16x64xf32>
      tpu.vector_store %arg5[%swap3A_182, %swap3A_183], %dot_general3A_20 {strides = array<i32>} : memref<16x64xf32, #tpu.memory_space<vmem>>, vector<16x64xf32>,
      %swap3A_185 = arith.constant 0 : index
      %swap3A_186 = arith.constant 0 : index
      %swap3A_187 = vector.load %arg4[%swap3A_185, %swap3A_186] : memref<16x128xf32, #tpu.memory_space<vmem>>, vector<16x128xf32>
      tpu.vector_store %arg4[%swap3A_185, %swap3A_186], %concatenate3A {strides = array<i32>} : memref<16x128xf32, #tpu.memory_space<vmem>>, vector<16x128xf32>,
    } else {
    }
    %gt3A = arith.constant 0 : i32
    %gt3A_176 = arith.cmpi sgt, %arg0, %gt3A : i32
    %convert_element_type3A_177 = arith.extui %gt3A_176 : i1 to i32
    %cond3A_178 = arith.constant 0 : i32
    %cond3A_179 = arith.cmpi ne, %convert_element_type3A_177, %cond3A_178 : i32
    scf.if %cond3A_179 {
      %get3A_180 = arith.constant 0 : index
      %get3A_181 = arith.constant 0 : index
      %get3A_182 = vector.load %arg3[%get3A_180, %get3A_181] : memref<16x64xf32, #tpu.memory_space<vmem>>, vector<16x64xf32>
      %add3A_183 = arith.addf %get3A_182, %add3A : vector<16x64xf32>
      %swap3A = arith.constant 0 : index
      %swap3A_184 = arith.constant 0 : index
      %swap3A_185 = vector.load %arg3[%swap3A, %swap3A_184] : memref<16x64xf32, #tpu.memory_space<vmem>>, vector<16x64xf32>
      tpu.vector_store %arg3[%swap3A, %swap3A_184], %add3A_183 {strides = array<i32>} : memref<16x64xf32, #tpu.memory_space<vmem>>, vector<16x64xf32>,
      %get3A_186 = arith.constant 0 : index
      %get3A_187 = arith.constant 0 : index
      %get3A_188 = vector.load %arg5[%get3A_186, %get3A_187] : memref<16x64xf32, #tpu.memory_space<vmem>>, vector<16x64xf32>
      %add3A_189 = arith.addf %get3A_188, %dot_general3A_20 : vector<16x64xf32>
      %swap3A_190 = arith.constant 0 : index
      %swap3A_191 = arith.constant 0 : index
      %swap3A_192 = vector.load %arg5[%swap3A_190, %swap3A_191] : memref<16x64xf32, #tpu.memory_space<vmem>>, vector<16x64xf32>
      tpu.vector_store %arg5[%swap3A_190, %swap3A_191], %add3A_189 {strides = array<i32>} : memref<16x64xf32, #tpu.memory_space<vmem>>, vector<16x64xf32>,
      %get3A_193 = arith.constant 0 : index
      %get3A_194 = arith.constant 0 : index
      %get3A_195 = vector.load %arg4[%get3A_193, %get3A_194] : memref<16x128xf32, #tpu.memory_space<vmem>>, vector<16x128xf32>
      %max3A = arith.maximumf %get3A_195, %concatenate3A : vector<16x128xf32>
      %swap3A_196 = arith.constant 0 : index
      %swap3A_197 = arith.constant 0 : index
      %swap3A_198 = vector.load %arg4[%swap3A_196, %swap3A_197] : memref<16x128xf32, #tpu.memory_space<vmem>>, vector<16x128xf32>
      tpu.vector_store %arg4[%swap3A_196, %swap3A_197], %max3A {strides = array<i32>} : memref<16x128xf32, #tpu.memory_space<vmem>>, vector<16x128xf32>,
    } else {
    }
    return
  }
  func.func @transform_0(%arg0: i32) -> (i32, i32) {
    %c0_i32 = arith.constant 0 : i32
    %c0_i32_0 = arith.constant 0 : i32
    return %arg0, %c0_i32 : i32, i32
  }
  func.func @transform_1(%arg0: i32) -> (i32, i32) {
    %c0_i32 = arith.constant 0 : i32
    %c0_i32_0 = arith.constant 0 : i32
    return %arg0, %c0_i32 : i32, i32
  }
  func.func @transform_2(%arg0: i32) -> (i32, i32) {
    %c0_i32 = arith.constant 0 : i32
    %c0_i32_0 = arith.constant 0 : i32
    %c0_i32_1 = arith.constant 0 : i32
    return %c0_i32, %c0_i32_0 : i32, i32
  }
  func.func @transform_3(%arg0: i32) -> (i32, i32) {
    %c0_i32 = arith.constant 0 : i32
    %c0_i32_0 = arith.constant 0 : i32
    %c0_i32_1 = arith.constant 0 : i32
    return %c0_i32, %c0_i32_0 : i32, i32
  }
  func.func @transform_4(%arg0: i32) -> (i32, i32) {
    %c0_i32 = arith.constant 0 : i32
    %c0_i32_0 = arith.constant 0 : i32
    %c0_i32_1 = arith.constant 0 : i32
    return %c0_i32, %c0_i32_0 : i32, i32
  }
}

module attributes {stable_mosaic.version = 14 : i64} {
  func.func @_head_body(%arg0: memref<16x64xf32, #tpu.memory_space<vmem>>, %arg1: memref<16x128xf32, #tpu.memory_space<vmem>>, %arg2: memref<16x64xf32, #tpu.memory_space<vmem>>, %arg3: memref<128x64xf32, #tpu.memory_space<vmem>>, %arg4: memref<1x64xf32, #tpu.memory_space<vmem>>, %arg5: memref<64x32xf32, #tpu.memory_space<vmem>>, %arg6: memref<1x32xf32, #tpu.memory_space<vmem>>, %arg7: memref<32x1xf32, #tpu.memory_space<vmem>>, %arg8: memref<1x1xf32, #tpu.memory_space<vmem>>, %arg9: memref<16x1xf32, #tpu.memory_space<vmem>>) attributes {dimension_semantics = [], scalar_prefetch = 0 : i64, scratch_operands = 0 : i64, tpu.core_type = #tpu.core_type<tc>} {
    %get3A = arith.constant 0 : index
    %get3A_0 = arith.constant 0 : index
    %get3A_1 = vector.load %arg2[%get3A, %get3A_0] : memref<16x64xf32, #tpu.memory_space<vmem>>, vector<16x64xf32>
    %max3A = arith.constant 1.000000e+00 : f32
    %max3A_2 = vector.broadcast %max3A : f32 to vector<16x64xf32>
    %max3A_3 = arith.maximumf %get3A_1, %max3A_2 : vector<16x64xf32>
    %get3A_4 = arith.constant 0 : index
    %get3A_5 = arith.constant 0 : index
    %get3A_6 = vector.load %arg0[%get3A_4, %get3A_5] : memref<16x64xf32, #tpu.memory_space<vmem>>, vector<16x64xf32>
    %div3A = arith.divf %get3A_6, %max3A_3 : vector<16x64xf32>
    %get3A_7 = arith.constant 0 : index
    %get3A_8 = arith.constant 0 : index
    %get3A_9 = vector.load %arg1[%get3A_7, %get3A_8] : memref<16x128xf32, #tpu.memory_space<vmem>>, vector<16x64xf32>
    %get3A_10 = arith.constant 0 : index
    %get3A_11 = arith.constant 64 : index
    %get3A_12 = vector.load %arg1[%get3A_10, %get3A_11] : memref<16x128xf32, #tpu.memory_space<vmem>>, vector<16x64xf32>
    %max3A_13 = arith.maximumf %get3A_9, %get3A_12 : vector<16x64xf32>
    %concatenate3A = tpu.concatenate %div3A, %max3A_13 in 1 : vector<16x64xf32>, vector<16x64xf32> -> vector<16x128xf32>
    %get3A_14 = arith.constant 0 : index
    %get3A_15 = arith.constant 0 : index
    %get3A_16 = vector.load %arg3[%get3A_14, %get3A_15] : memref<128x64xf32, #tpu.memory_space<vmem>>, vector<128x64xf32>
    %dot_general3A = arith.constant dense<0.000000e+00> : vector<16x64xf32>
    %dot_general3A_17 = tpu.matmul %concatenate3A, %get3A_16, %dot_general3A {dimension_numbers = #tpu.dot_dimension_numbers<[1], [0], [0], [1], [0, 0, 1, 1], [], []>, transpose_lhs_hint = false} : vector<16x128xf32>, vector<128x64xf32>, vector<16x64xf32> -> vector<16x64xf32>
    %get3A_18 = arith.constant 0 : index
    %get3A_19 = arith.constant 0 : index
    %get3A_20 = vector.load %arg4[%get3A_18, %get3A_19] : memref<1x64xf32, #tpu.memory_space<vmem>>, vector<1x64xf32>
    %add3A = vector.broadcast %get3A_20 : vector<1x64xf32> to vector<16x64xf32>
    %add3A_21 = arith.addf %dot_general3A_17, %add3A : vector<16x64xf32>
    %max3A_22 = arith.constant 0.000000e+00 : f32
    %max3A_23 = vector.broadcast %max3A_22 : f32 to vector<16x64xf32>
    %max3A_24 = arith.maximumf %add3A_21, %max3A_23 : vector<16x64xf32>
    %get3A_25 = arith.constant 0 : index
    %get3A_26 = arith.constant 0 : index
    %get3A_27 = vector.load %arg5[%get3A_25, %get3A_26] : memref<64x32xf32, #tpu.memory_space<vmem>>, vector<64x32xf32>
    %dot_general3A_28 = arith.constant dense<0.000000e+00> : vector<16x32xf32>
    %dot_general3A_29 = tpu.matmul %max3A_24, %get3A_27, %dot_general3A_28 {dimension_numbers = #tpu.dot_dimension_numbers<[1], [0], [0], [1], [0, 0, 1, 1], [], []>, transpose_lhs_hint = false} : vector<16x64xf32>, vector<64x32xf32>, vector<16x32xf32> -> vector<16x32xf32>
    %get3A_30 = arith.constant 0 : index
    %get3A_31 = arith.constant 0 : index
    %get3A_32 = vector.load %arg6[%get3A_30, %get3A_31] : memref<1x32xf32, #tpu.memory_space<vmem>>, vector<1x32xf32>
    %add3A_33 = vector.broadcast %get3A_32 : vector<1x32xf32> to vector<16x32xf32>
    %add3A_34 = arith.addf %dot_general3A_29, %add3A_33 : vector<16x32xf32>
    %max3A_35 = arith.constant 0.000000e+00 : f32
    %max3A_36 = vector.broadcast %max3A_35 : f32 to vector<16x32xf32>
    %max3A_37 = arith.maximumf %add3A_34, %max3A_36 : vector<16x32xf32>
    %get3A_38 = arith.constant 0 : index
    %get3A_39 = arith.constant 0 : index
    %get3A_40 = vector.load %arg7[%get3A_38, %get3A_39] : memref<32x1xf32, #tpu.memory_space<vmem>>, vector<32x1xf32>
    %dot_general3A_41 = arith.constant dense<0.000000e+00> : vector<16x1xf32>
    %dot_general3A_42 = tpu.matmul %max3A_37, %get3A_40, %dot_general3A_41 {dimension_numbers = #tpu.dot_dimension_numbers<[1], [0], [0], [1], [0, 0, 1, 1], [], []>, transpose_lhs_hint = false} : vector<16x32xf32>, vector<32x1xf32>, vector<16x1xf32> -> vector<16x1xf32>
    %get3A_43 = arith.constant 0 : index
    %get3A_44 = arith.constant 0 : index
    %get3A_45 = vector.load %arg8[%get3A_43, %get3A_44] : memref<1x1xf32, #tpu.memory_space<vmem>>, vector<1x1xf32>
    %add3A_46 = vector.broadcast %get3A_45 : vector<1x1xf32> to vector<16x1xf32>
    %add3A_47 = arith.addf %dot_general3A_42, %add3A_46 : vector<16x1xf32>
    %logistic3A = arith.negf %add3A_47 : vector<16x1xf32>
    %logistic3A_48 = math.exp %logistic3A : vector<16x1xf32>
    %logistic3A_49 = arith.constant 1.000000e+00 : f32
    %logistic3A_50 = vector.broadcast %logistic3A_49 : f32 to vector<16x1xf32>
    %logistic3A_51 = arith.addf %logistic3A_50, %logistic3A_48 : vector<16x1xf32>
    %logistic3A_52 = arith.divf %logistic3A_50, %logistic3A_51 : vector<16x1xf32>
    %swap3A = arith.constant 0 : index
    %swap3A_53 = arith.constant 0 : index
    %swap3A_54 = vector.load %arg9[%swap3A, %swap3A_53] : memref<16x1xf32, #tpu.memory_space<vmem>>, vector<16x1xf32>
    tpu.vector_store %arg9[%swap3A, %swap3A_53], %logistic3A_52 {strides = array<i32>} : memref<16x1xf32, #tpu.memory_space<vmem>>, vector<16x1xf32>,
    return
  }
}

</mosaic_0001>

<sc_bundles>
// kernel: kernel.11.cloned.1.call-start
scs
__scs_entry_jumppad:
0x0: {  	(pc) =	sbr.rel $0x88, $3  }
0x1: {  	(tag) =	ssettag $0x0;
	lr =	simm.s32 $0x1  }
0x2: {  	[smem:$0x3F90] =	sst lr;
	_ =	strace $0xD0000000  }
0x3: {  	_ = 	snop  }
0x4: {  	_ = 	snop  }
0x5: {  	_ = 	snop  }
0x6: {  	_ = 	snop  }
0x7: {  	_ = 	snop  }
__scs_overlays_trampoline_lowered:
0x8: {  	[smem:$0x3F9F] =	sst s0  }
0x9: {  	[smem:$0x3FA0] =	sst s1  }
0xa: {  	[smem:$0x3FA1] =	sst s2  }
0xb: {  	[smem:$0x3FA2] =	sst s3  }
0xc: {  	[smem:$0x3FA3] =	sst s4  }
0xd: {  	[smem:$0x3FA4] =	sst s5  }
0xe: {  	[smem:$0x3FA5] =	sst s6  }
0xf: {  	[smem:$0x3FA6] =	sst s7  }
0x10: {  	[smem:$0x3FA7] =	sst s8  }
0x11: {  	[smem:$0x3FA8] =	sst s9;
	s0 =	simm.s32 @!p0 $0x0  }
0x12: {  	s1 =	sld [smem:$0x3F8E];
	s0 =	simm.s32 @p0 $0x1  }
0x13: {  	[smem:$0x3FA9] =	sst s0;
	s0 =	simm.s32 @!p1 $0x0  }
0x14: {  	s2 =	sld [smem:$0x3F8D];
	s0 =	simm.s32 @p1 $0x1  }
0x15: {  	[smem:$0x3FAA] =	sst s0;
	s0 =	simm.s32 @!p2 $0x0  }
0x16: {  	s3 =	sld [smem:$0x3FDB];
	s0 =	simm.s32 @p2 $0x1  }
0x17: {  	s4 =	simm.s32 $0x1BF5;
	[smem:$0x3FAC] =	sst s0  }
0x18: {  	s0 =	sld [smem:$0x3F8F];
	_ =	swait.ge [sflag:s4], $0x0  }
0x19: {  	s7 =	sld [smem:$0x3F90]  }
0x1a: {  	s8 =	sadd.s32 $0xFFFFE003, lr  }
0x1b: {  	s9 =	sadd.s32 $0xFFFFFEF7, lr;
	s5 =	simm.s32 $0xFFFFFFFF;
	p2 =	slt.u32 s8, $0xFFFFF086  }
0x1c: {  	p1 =	slt.u32 s9, $0xF7A;
	s5 =	simm.s32 @!p2 $0x0  }
0x1d: {  	s5 =	simm.s32 @p1 $0x1;
	p0 =	seq.s32 s7, s2  }
0x1e: {  	s7 =	smul.u32 @!p0 $0xF7A, s2;
	p2 =	seq.s32 @!p0 s5, $0x0  }
0x1f: {  	s9 =	smul.u32 $0xF7A, s1;
	s8 =	simm.s32 @!p0 $0x1BF5;
	p2 =	por !p2, p0  }
0x20: {  	[sflag:s8] =	ssyncset.s32 @!p0 $0xFFFFF086;
	s6 =	sadd.s32 @!p0 s3, s7;
	s7 =	simm.s32 @!p0 $0x108  }
0x21: {  	s3 =	sadd.s32 s3, s9;
	s6 =	sadd.s32 @!p0 $0x88, s6;
	s7 =	simm.s32 @p2 $0x1082  }
0x22: {  	[simem:s7], [sflag:s8] =	dma.local @!p0 [hbm:s6], $0xF7A  }
0x23: {  	s9 =	sor.u32 $0xD0000000, s2;
	s6 =	simm.s32 $0x108;
	_ =	swait.ge @!p0 [sflag:s8], $0x0  }
0x24: {  	s3 =	sadd.s32 $0x88, s3;
	s6 =	simm.s32 @!p1 $0x1082;
	[sflag:s4] =	ssyncset.s32 $0xFFFFF086  }
0x25: {  	[simem:s6], [sflag:s4] =	dma.local [hbm:s3], $0xF7A  }
0x26: {  	[smem:$0x3F90] =	sst s1;
	(tag) =	ssettag s2;
	_ =	strace s9  }
0x27: {  	s1 =	sld [smem:$0x3FA0]  }
0x28: {  	s2 =	sld [smem:$0x3FA1]  }
0x29: {  	s4 =	sld [smem:$0x3FA3]  }
0x2a: {  	p0 =	seq.s32 s5, $0x0;
	s5 =	sld [smem:$0x3FA4]  }
0x2b: {  	s6 =	sld [smem:$0x3FA5]  }
0x2c: {  	s7 =	sld [smem:$0x3FA6]  }
0x2d: {  	s3 =	simm.s32 $0x108;
	s8 =	sld [smem:$0x3FA7]  }
0x2e: {  	s3 =	simm.s32 @!p0 $0x1082;
	s9 =	sld [smem:$0x3FA8]  }
0x2f: {  	lr =	sadd.s32 s0, s3;
	s0 =	sld [smem:$0x3F9F]  }
0x30: {  	s3 =	sld [smem:$0x3FA2]  }
0x31: {  	[smem:$0x3FAB] =	sst s10  }
0x32: {  	s10 =	sld [smem:$0x3FA9];
	_ =	sdelay $0x3  }
0x33: {  	p0 =	seq.s32 s10, $0x1;
	s10 =	sld [smem:$0x3FAB];
	_ =	sdelay $0x3  }
0x34: {  	[smem:$0x3FAB] =	sst s10  }
0x35: {  	s10 =	sld [smem:$0x3FAA];
	_ =	sdelay $0x3  }
0x36: {  	p1 =	seq.s32 s10, $0x1;
	s10 =	sld [smem:$0x3FAB];
	_ =	sdelay $0x3  }
0x37: {  	[smem:$0x3FAB] =	sst s10  }
0x38: {  	s10 =	sld [smem:$0x3FAC]  }
0x39: {  	_ = 	snop;
	(pc) =	sbr.ind lr, $3  }
0x3a: {  	_ = 	snop  }
0x3b: {  	_ = 	snop  }
0x3c: {  	p2 =	seq.s32 s10, $0x1;
	s10 =	sld [smem:$0x3FAB]  }
0x3d: {  	_ =	shalt  }
0x3e: {  	_ =	shalt  }
0x3f: {  	_ =	shalt  }
0x40: {  	_ =	shalt  }
0x41: {  	_ =	shalt  }
0x42: {  	_ =	shalt  }
0x43: {  	_ =	shalt  }
0x44: {  	_ =	shalt  }
0x45: {  	_ =	shalt  }
0x46: {  	_ =	shalt  }
0x47: {  	_ =	shalt  }
0x48: {  	_ =	shalt  }
0x49: {  	_ =	shalt  }
0x4a: {  	_ =	shalt  }
0x4b: {  	_ =	shalt  }
0x4c: {  	_ =	shalt  }
0x4d: {  	_ =	shalt  }
0x4e: {  	_ =	shalt  }
0x4f: {  	_ =	shalt  }
0x50: {  	_ =	shalt  }
0x51: {  	_ =	shalt  }
0x52: {  	_ =	shalt  }
0x53: {  	_ =	shalt  }
0x54: {  	_ =	shalt  }
0x55: {  	_ =	shalt  }
0x56: {  	_ =	shalt  }
0x57: {  	_ =	shalt  }
0x58: {  	_ =	shalt  }
0x59: {  	_ =	shalt  }
0x5a: {  	_ =	shalt  }
0x5b: {  	_ =	shalt  }
0x5c: {  	_ =	shalt  }
0x5d: {  	_ =	shalt  }
0x5e: {  	_ =	shalt  }
0x5f: {  	_ =	shalt  }
0x60: {  	_ =	shalt  }
0x61: {  	_ =	shalt  }
0x62: {  	_ =	shalt  }
0x63: {  	_ =	shalt  }
0x64: {  	_ =	shalt  }
0x65: {  	_ =	shalt  }
0x66: {  	_ =	shalt  }
0x67: {  	_ =	shalt  }
0x68: {  	_ =	shalt  }
0x69: {  	_ =	shalt  }
0x6a: {  	_ =	shalt  }
0x6b: {  	_ =	shalt  }
0x6c: {  	_ =	shalt  }
0x6d: {  	_ =	shalt  }
0x6e: {  	_ =	shalt  }
0x6f: {  	_ =	shalt  }
0x70: {  	_ =	shalt  }
0x71: {  	_ =	shalt  }
0x72: {  	_ =	shalt  }
0x73: {  	_ =	shalt  }
0x74: {  	_ =	shalt  }
0x75: {  	_ =	shalt  }
0x76: {  	_ =	shalt  }
0x77: {  	_ =	shalt  }
0x78: {  	_ =	shalt  }
0x79: {  	_ =	shalt  }
0x7a: {  	_ =	shalt  }
0x7b: {  	_ =	shalt  }
0x7c: {  	_ =	shalt  }
0x7d: {  	_ =	shalt  }
0x7e: {  	_ =	shalt  }
0x7f: {  	_ =	shalt  }
0x80: {  	_ =	shalt  }
0x81: {  	_ =	shalt  }
0x82: {  	_ =	shalt  }
0x83: {  	_ =	shalt  }
0x84: {  	_ =	shalt  }
0x85: {  	_ =	shalt  }
0x86: {  	_ =	shalt  }
0x87: {  	_ =	shalt  }
.Lfunc_end0:
.L_simem_size_0:
called_computation_lowered:
.L_overlay_start_0:
0x88: {  	s2 =	sld [smem:$0x3FD9]  }
0x89: {  	s3 =	sld [smem:$0x3FFE];
	_ =	sdelay $0x1  }
0x8a: {  	s1 =	srdreg.scid  }
0x8b: {  	s0 =	sand.u32 $0x1, s1  }
0x8c: {  	s17 =	sshll.u32 s0, $0xA;
	s2 =	sadd.s32 s3, s2  }
0x8d: {  	s2 =	sadd.s32 s2, s17  }
0x8e: {  	[smem:$0x3FB7] =	sst s2  }
0x8f: {  	_ = 	snop  }
0x90: {  	s2 =	sld [smem:$0x3FC8];
	(tm) =	ssettm $0x1  }
0x91: {  	s18 =	sld [smem:$0x3FFB];
	_ =	sdelay $0x3  }
0x92: {  	_ =	strace s18  }
0x93: {  	s3 =	sld [smem:$0x3FFC];
	_ =	sdelay $0x3  }
0x94: {  	_ =	strace s3  }
0x95: {  	s3 =	sld [smem:$0x3FFD];
	_ =	sdelay $0x3  }
0x96: {  	_ =	strace s3  }
0x97: {  	_ =	strace $0x8FFFFFFF  }
0x98: {  	s19 =	sld [smem:$0x3FDB];
	_ =	sdelay $0x1  }
0x99: {  	s4 =	simm.s32 $_scs_section_size  }
0x9a: {  	s5 =	simm.s32 $_size__tile_overlayer_lowered;
	s6 =	simm.s32 $_tile_overlayer_lowered  }
0x9b: {  	s22 =	simm.s32 $0x1BFF;
	s21 =	sshll.u32 s6, $0x1;
	s3 =	sadd.s32 s4, s19  }
0x9c: {  	s7 =	simm.s32 $0x0;
	s20 =	sshll.u32 s5, $0x1;
	s5 =	sadd.s32 s21, s3  }
0x9d: {  	[timem:s7], [sflag:s22] =	dma.local [hbm:s5], s20  }
0x9e: {  	_ =	swait.ge [sflag:s22], s20  }
0x9f: {  	s4 =	ssub.s32 $0x0, s20;
	[sflag:s22] =	ssyncset.done $0x0  }
0xa0: {  	[sflag:s22] =	ssyncadd.s32 s4;
	_ =	sdelay $0x1  }
0xa1: {  	s23 =	simm.s32 $0x1B8B  }
0xa2: {  	_ =	swait.ge [sflag:s23], $0x1  }
0xa3: {  	[sflag:s23] =	ssyncset.done $0x0  }
0xa4: {  	s25 =	simm.s32 $0x1B8E;
	s24 =	sld [smem:$0x3FFE];
	[sflag:s23] =	ssyncadd.s32 $0xFFFFFFFF  }
0xa5: {  	s26 =	simm.s32 $execute0_lowered;
	[smem:$0x3FD2] =	sst s25  }
0xa6: {  	s5 =	sshll.u32 s26, $0x1;
	_ =	strace $0x80000046;
	[dreg:$0x1] =	wrdreg $0xFFFFFFFF  }
0xa7: {  	s28 =	simm.s32 $_size_execute0_lowered;
	s3 =	sadd.s32 s3, s5;
	[dreg:$0x0] =	wrdreg $0x0  }
0xa8: {  	s5 =	sshll.u32 s28, $0x1;
	[dreg:$0x2] =	wrdreg s3  }
0xa9: {  	[dreg:$0x3] =	wrdreg s5  }
0xaa: {  	[dreg:$0x4] =	wrdreg $0xC0  }
0xab: {  	_ =	task [dreg:s7], $0x5FFFF  }
0xac: {  	[dreg:$0x1] =	wrdreg $0xFFFFFFFF  }
0xad: {  	[dreg:$0x0] =	wrdreg $0x60  }
0xae: {  	[dreg:$0x2] =	wrdreg s2  }
0xaf: {  	[dreg:$0x3] =	wrdreg s24  }
0xb0: {  	[dreg:$0x4] =	wrdreg $0x52000  }
0xb1: {  	[dreg:$0x5] =	wrdreg $0x9  }
0xb2: {  	_ =	task.clear_ibuf [dreg:s7], $0x6FFFF;
	_ =	strace $0x90000046  }
0xb3: {  	s29 =	simm.s32 $0x9;
	_ =	strace $0x80000048  }
0xb4: {  	_ =	swait.ge [sflag:s29], $0x1  }
0xb5: {  	[sflag:s29] =	ssyncadd.s32 $0xFFFFFFFF  }
0xb6: {  	_ =	strace $0x90000048  }
0xb7: {  	_ =	sfence  }
0xb8: {  	s30 =	sld [smem:$0x0];
	_ =	sdelay $0x2  }
0xb9: {  	s31 =	sshll.u32 s1, $0xD;
	s1 =	sshrl.u32 s1, $0x2  }
0xba: {  	s3 =	sand.u32 $0x4000, s31;
	s1 =	sadd.s32 s1, s30  }
0xbb: {  	s0 =	sor.u32 s3, s0;
	s1 =	sshll.u32 s1, $0x11  }
0xbc: {  	s0 =	sor.u32 s1, s0  }
0xbd: {  	s0 =	sadd.s32 $0x8F2B, s0  }
0xbe: {  	[sflag:s0] =	ssyncadd.remote.s32 $0x1  }
0xbf: {  	_ =	sfence.sel $0xFFFF  }
0xc0: {  	[dreg:$0x0] =	wrdreg $0xFFFFFFFF;
	(pc) =	sbr.abs _section_cstart, $3  }
0xc1: {  	[dreg:$0x1] =	wrdreg $0xFFFFFFFF  }
0xc2: {  	_ =	task.clear_ibuf [dreg:s7], $0x2FFFF;
	_ =	strace $0x9FFFFFFF  }
0xc3: {  	(tm) =	ssettm $0x7FFFFFFF  }
tec
execute0_lowered:
.L_overlay_start_1:
0x0: {  	(tag) =	ssettag $0x1  }
0x1: {  	s5 =	rddreg [dreg:$0x0]  }
0x2: {  	s4 =	rddreg [dreg:$0x1];
	s1 =	srdreg.scid  }
0x3: {  	s0 =	stileid.u32;
	s2 =	rddreg [dreg:$0x2]  }
0x4: {  	s3 =	simm.s32 $0x0;
	s13 =	simm.s32 $0x1;
	s14 =	simm.s32 $0x0  }
0x5: {  	s6 =	sand.u32 $0x1, s1;
	s7 =	smul.u32 $0x280, s0;
	s1 =	rddreg [dreg:$0x3]  }
0x6: {  	[smem:$0x7FF] =	sst s3;
	s12 =	sshll.u32 s0, $0x5;
	s8 =	smul.u32 $0x2800, s6  }
0x7: {  	_ =	strace $0x80000047;
	s9 =	sshll.u32 s6, $0x4;
	s6 =	ssub.s32 $0x2, s6  }
0x8: {  	s31 =	sadd.s32 s12, s5;
	s12 =	simm.s32 $0x4F00;
	s9 =	sor.u32 s0, s9  }
0x9: {  	s10 =	sshrl.u32 s6, $0x1;
	s8 =	sadd.s32 s7, s8;
	s11 =	smul.u32 $0x9C0, s9  }
0xa: {  	s10 =	ssub.s32 s6, s10;
	s6 =	sadd.s32 $0x13800, s31;
	s8 =	sshrl.u32 s8, $0x3  }
0xb: {  	p0 =	sgt.u32 s9, $0x3;
	s9 =	simm.s32 $0x4F80;
	s8 =	sadd.s32 s8, s4  }
0xc: {  	s4 =	sadd.s32 s7, s2;
	s5 =	sadd.s32 s5, s11;
	s11 =	simm.s32 $0x80  }
0xd: {  	v0 =	vimm.f32 $1.000000000e+00;
	v1 =	vimm.f32 $0.0e+00;
	s7 =	sadd.s32 $0x3A00, s8;
	s8 =	smax.u32 s10, $0x1;
	s10 =	simm.s32 $0x2  }
.LBB2_1:
0xe: {  	[tilespmem:$0x4F00] =	vst v0  }
0xf: {  	[tilespmem:$0x4F10] =	vst v0  }
0x10: {  	[tilespmem:$0x4F20] =	vst v0  }
0x11: {  	[tilespmem:$0x4F30] =	vst v0  }
0x12: {  	[tilespmem:$0x4F40] =	vst v0  }
0x13: {  	[tilespmem:$0x4F50] =	vst v0  }
0x14: {  	[tilespmem:$0x4F60] =	vst v0  }
0x15: {  	[tilespmem:$0x4F70] =	vst v0  }
0x16: {  	[tilespmem:$0x4F80] =	vst v1  }
0x17: {  	[tilespmem:$0x4F90] =	vst v1  }
0x18: {  	[tilespmem:$0x4FA0] =	vst v1  }
0x19: {  	[tilespmem:$0x4FB0] =	vst v1  }
0x1a: {  	[tilespmem:$0x4FC0] =	vst v1  }
0x1b: {  	[tilespmem:$0x4FD0] =	vst v1  }
0x1c: {  	[tilespmem:$0x4FE0] =	vst v1  }
0x1d: {  	[tilespmem:$0x4FF0] =	vst v1  }
0x1e: {  	[tilespmem:$0x5000] =	vst v1  }
0x1f: {  	[tilespmem:$0x5010] =	vst v1  }
0x20: {  	[tilespmem:$0x5020] =	vst v1  }
0x21: {  	[tilespmem:$0x5030] =	vst v1  }
0x22: {  	[tilespmem:$0x5040] =	vst v1  }
0x23: {  	[tilespmem:$0x5050] =	vst v1  }
0x24: {  	[tilespmem:$0x5060] =	vst v1  }
0x25: {  	[tilespmem:$0x5070] =	vst v1  }
0x26: {  	[tilespmem:$0x5080] =	vst v1  }
0x27: {  	[tilespmem:$0x5090] =	vst v1  }
0x28: {  	[tilespmem:$0x50A0] =	vst v1  }
0x29: {  	[tilespmem:$0x50B0] =	vst v1  }
0x2a: {  	[tilespmem:$0x50C0] =	vst v1  }
0x2b: {  	[tilespmem:$0x50D0] =	vst v1  }
0x2c: {  	[tilespmem:$0x50E0] =	vst v1  }
0x2d: {  	[tilespmem:$0x50F0] =	vst v1  }
0x2e: {  	[tilespmem:$0x5100] =	vst v1  }
0x2f: {  	[tilespmem:$0x5110] =	vst v1  }
0x30: {  	[tilespmem:$0x5120] =	vst v1  }
0x31: {  	[tilespmem:$0x5130] =	vst v1  }
0x32: {  	[tilespmem:$0x5140] =	vst v1  }
0x33: {  	[tilespmem:$0x5150] =	vst v1  }
0x34: {  	[tilespmem:$0x5160] =	vst v1  }
0x35: {  	[tilespmem:$0x5170] =	vst v1  }
0x36: {  	[tilespmem:$0x5180] =	vst v1  }
0x37: {  	[tilespmem:$0x5190] =	vst v1  }
0x38: {  	[tilespmem:$0x51A0] =	vst v1  }
0x39: {  	[tilespmem:$0x51B0] =	vst v1  }
0x3a: {  	[tilespmem:$0x51C0] =	vst v1  }
0x3b: {  	[tilespmem:$0x51D0] =	vst v1  }
0x3c: {  	[tilespmem:$0x51E0] =	vst v1  }
0x3d: {  	[tilespmem:$0x51F0] =	vst v1  }
0x3e: {  	[spmem:s4] =	stream.linear.scatter [tilespmem:s9], [sflag:$0x2], $0x280, $0x38;
	[tilespmem:$0x5480] =	vst v63  }
0x3f: {  	_ =	swait.ge [sflag:s10], $0x280  }
0x40: {  	[sflag:s10] =	ssyncset.done $0x0  }
0x41: {  	[sflag:s10] =	ssyncadd.s32 $0xFFFFFD80  }
0x42: {  	[tilespmem:s3], [sflag:$0x2] =	stream.linear.gather [hbm4b:s5+s3], $0x4E00, $0x38;
	[tilespmem:$0x5480] =	vst v63  }
0x43: {  	_ =	swait.ge [sflag:s10], $0x4E00  }
0x44: {  	[sflag:s10] =	ssyncset.done $0x0  }
0x45: {  	s15 =	simm.s32 @!p0 $0x0;
	s16 =	simm.s32 @!p0 $0x4E00;
	[sflag:s10] =	ssyncadd.s32 $0xFFFFB200  }
0x46: {  	[tilespmem:s16], [sflag:$0x2] =	stream.linear.gather @!p0 [hbm4b:s6+s15], $0x100, $0x38;
	[tilespmem:$0x5480] =	vst v63  }
0x47: {  	s15 =	simm.s32 @!p0 $0x2  }
0x48: {  	_ =	swait.ge @!p0 [sflag:s15], $0x100  }
0x49: {  	[sflag:s15] =	ssyncset.done @!p0 $0x0  }
0x4a: {  	[sflag:s15] =	ssyncadd.s32 @!p0 $0xFFFFFF00  }
0x4b: {  	s16 =	simm.s32 $0x80;
	s15 =	simm.s32 $0x600;
	[bflag:$0x0] =	sbarrier.arrive $0xFFFF  }
.LBB2_2:
0x4c: {  	[spmem:s2] =	stream.indirect.scatter.add.f32 [tilespmem:s12], [sflag:$0x1], $0x1, s16, s11, $0xb8;
	[tilespmem:$0x5480] =	vst v63  }
0x4d: {  	s16 =	smov.u32 s15;
	p1 =	sne.s32 s15, $0x13600  }
.Ltmp0:
0x4e: {  	s15 =	sadd.s32 $0x400, s15;
	(pc) =	sbr.rel @p1 .LBB2_2-.Ltmp0, $2  }
0x4f: {  	_ =	sdelay $0x2  }
0x50: {  	s16 =	sshra.s32 s16, $0x2  }
0x51: {  	[spmem:s2] =	stream.indirect.scatter.add.f32 [tilespmem:s12], [sflag:$0x1], $0x1, s16, s11, $0xb8;
	[tilespmem:$0x5480] =	vst v63  }
0x52: {  	s15 =	simm.s32 @!p0 $0x80;
	s16 =	simm.s32 @!p0 $0x4E80;
	s17 =	simm.s32 @!p0 $0x4F00  }
0x53: {  	[spmem:s2] =	stream.indirect.scatter.add.f32 @!p0 [tilespmem:s17], [sflag:$0x1], $0x1, s16, s15, $0xb8;
	[tilespmem:$0x5480] =	vst v63  }
0x54: {  	_ =	swait.ge [sflag:s13], $0x80  }
0x55: {  	s15 =	simm.s32 $0x4D;
	[sflag:s13] =	ssyncset.done $0x0  }
.LBB2_4:
0x56: {  	p1 =	sne.s32 s15, $0x1;
	s15 =	sadd.s32 $0xFFFFFFFF, s15;
	[sflag:s13] =	ssyncadd.s32 $0xFFFFFF80  }
.Ltmp1:
0x57: {  	(pc) =	sbr.rel @p1 .LBB2_4-.Ltmp1, $3  }
0x58: {  	_ =	sdelay $0x1  }
0x59: {  	_ =	swait.ge [sflag:s13], $0x80  }
0x5a: {  	[sflag:s13] =	ssyncset.done $0x0  }
0x5b: {  	[sflag:s13] =	ssyncadd.s32 $0xFFFFFF80;
	s15 =	simm.s32 @!p0 $0x1  }
0x5c: {  	_ =	swait.ge @!p0 [sflag:s15], $0x80  }
0x5d: {  	[sflag:s15] =	ssyncset.done @!p0 $0x0  }
0x5e: {  	[sflag:s15] =	ssyncadd.s32 @!p0 $0xFFFFFF80  }
0x5f: {  	[bflag:$0x0] =	sbarrier.arrive $0xFFFF  }
0x60: {  	[tilespmem:s9], [sflag:$0x2] =	stream.linear.gather [spmem:s4], $0x280, $0x38;
	[tilespmem:$0x5480] =	vst v63  }
0x61: {  	s14 =	sadd.s32 $0x1, s14;
	_ =	swait.ge [sflag:s10], $0x280  }
0x62: {  	p1 =	sne.s32 s14, s8;
	[sflag:s10] =	ssyncset.done $0x0  }
.Ltmp2:
0x63: {  	[sflag:s10] =	ssyncadd.s32 $0xFFFFFD80;
	(pc) =	sbr.rel @p1 .LBB2_1-.Ltmp2, $4  }
0x64: {  	[hbm4b:s7+s3] =	stream.linear.scatter [tilespmem:s9], [sflag:$0x2], $0x280, $0x38;
	[tilespmem:$0x5480] =	vst v63  }
0x65: {  	_ =	swait.ge [sflag:s10], $0x280  }
0x66: {  	[sflag:s10] =	ssyncset.done $0x0  }
0x67: {  	[sflag:s10] =	ssyncadd.s32 $0xFFFFFD80  }
0x68: {  	_ =	sfence.sel $0x180000  }
0x69: {  	[bflag:$0x0] =	sbarrier.arrive $0xFFFF  }
0x6a: {  	p0 =	sne.s32 s0, $0x0;
	_ =	strace $0x90000047  }
0x6b: {  	s0 =	sadd.s32 @!p0 $0x100000, s1;
	[bflag:$0x2] =	sbarrier.arrive $0xFFFF  }
0x6c: {  	[sflag:s0] =	ssyncadd.tile.s32 @!p0 $0x1;
	_ =	shalt  }
.Lfunc_end2:
_tile_overlayer_lowered:
.L_overlay_start_2:
0x6d: {  	(tag) =	ssettag $0x2  }
0x6e: {  	s0 =	rddreg [dreg:$0x0];
	s2 =	stileid.u32  }
0x6f: {  	s1 =	rddreg [dreg:$0x1];
	p0 =	sne.s32 s2, $0x0  }
0x70: {  	s3 =	rddreg [dreg:$0x2];
	[bflag:$0x3] =	sbarrier.arrive $0xFFFF;
	s2 =	simm.s32 @!p0 $0x1C02  }
0x71: {  	[timem:s3], [sflag:s2] =	dma.local @!p0 [hbm:s0], s1  }
0x72: {  	s0 =	simm.s32 @!p0 $0x2  }
0x73: {  	_ =	swait.ge @!p0 [sflag:s0], s1  }
0x74: {  	s1 =	ssub.s32 @!p0 $0x0, s1;
	[sflag:s0] =	ssyncset.done @!p0 $0x0  }
0x75: {  	[sflag:s0] =	ssyncadd.s32 @!p0 s1  }
0x76: {  	[bflag:$0x3] =	sbarrier.arrive $0xFFFF  }
0x77: {  	_ =	shalt  }

// kernel: kernel.14.cloned.1.call-start
scs
__scs_entry_jumppad:
0x0: {  	(pc) =	sbr.rel $0x88, $3  }
0x1: {  	(tag) =	ssettag $0x0;
	lr =	simm.s32 $0x1  }
0x2: {  	[smem:$0x3F90] =	sst lr;
	_ =	strace $0xD0000000  }
0x3: {  	_ = 	snop  }
0x4: {  	_ = 	snop  }
0x5: {  	_ = 	snop  }
0x6: {  	_ = 	snop  }
0x7: {  	_ = 	snop  }
__scs_overlays_trampoline_lowered:
0x8: {  	[smem:$0x3F9F] =	sst s0  }
0x9: {  	[smem:$0x3FA0] =	sst s1  }
0xa: {  	[smem:$0x3FA1] =	sst s2  }
0xb: {  	[smem:$0x3FA2] =	sst s3  }
0xc: {  	[smem:$0x3FA3] =	sst s4  }
0xd: {  	[smem:$0x3FA4] =	sst s5  }
0xe: {  	[smem:$0x3FA5] =	sst s6  }
0xf: {  	[smem:$0x3FA6] =	sst s7  }
0x10: {  	[smem:$0x3FA7] =	sst s8  }
0x11: {  	[smem:$0x3FA8] =	sst s9;
	s0 =	simm.s32 @!p0 $0x0  }
0x12: {  	s1 =	sld [smem:$0x3F8E];
	s0 =	simm.s32 @p0 $0x1  }
0x13: {  	[smem:$0x3FA9] =	sst s0;
	s0 =	simm.s32 @!p1 $0x0  }
0x14: {  	s2 =	sld [smem:$0x3F8D];
	s0 =	simm.s32 @p1 $0x1  }
0x15: {  	[smem:$0x3FAA] =	sst s0;
	s0 =	simm.s32 @!p2 $0x0  }
0x16: {  	s3 =	sld [smem:$0x3FDB];
	s0 =	simm.s32 @p2 $0x1  }
0x17: {  	s4 =	simm.s32 $0x1BF5;
	[smem:$0x3FAC] =	sst s0  }
0x18: {  	s0 =	sld [smem:$0x3F8F];
	_ =	swait.ge [sflag:s4], $0x0  }
0x19: {  	s7 =	sld [smem:$0x3F90]  }
0x1a: {  	s8 =	sadd.s32 $0xFFFFE003, lr  }
0x1b: {  	s9 =	sadd.s32 $0xFFFFFEF7, lr;
	s5 =	simm.s32 $0xFFFFFFFF;
	p2 =	slt.u32 s8, $0xFFFFF086  }
0x1c: {  	p1 =	slt.u32 s9, $0xF7A;
	s5 =	simm.s32 @!p2 $0x0  }
0x1d: {  	s5 =	simm.s32 @p1 $0x1;
	p0 =	seq.s32 s7, s2  }
0x1e: {  	s7 =	smul.u32 @!p0 $0xF7A, s2;
	p2 =	seq.s32 @!p0 s5, $0x0  }
0x1f: {  	s9 =	smul.u32 $0xF7A, s1;
	s8 =	simm.s32 @!p0 $0x1BF5;
	p2 =	por !p2, p0  }
0x20: {  	[sflag:s8] =	ssyncset.s32 @!p0 $0xFFFFF086;
	s6 =	sadd.s32 @!p0 s3, s7;
	s7 =	simm.s32 @!p0 $0x108  }
0x21: {  	s3 =	sadd.s32 s3, s9;
	s6 =	sadd.s32 @!p0 $0x88, s6;
	s7 =	simm.s32 @p2 $0x1082  }
0x22: {  	[simem:s7], [sflag:s8] =	dma.local @!p0 [hbm:s6], $0xF7A  }
0x23: {  	s9 =	sor.u32 $0xD0000000, s2;
	s6 =	simm.s32 $0x108;
	_ =	swait.ge @!p0 [sflag:s8], $0x0  }
0x24: {  	s3 =	sadd.s32 $0x88, s3;
	s6 =	simm.s32 @!p1 $0x1082;
	[sflag:s4] =	ssyncset.s32 $0xFFFFF086  }
0x25: {  	[simem:s6], [sflag:s4] =	dma.local [hbm:s3], $0xF7A  }
0x26: {  	[smem:$0x3F90] =	sst s1;
	(tag) =	ssettag s2;
	_ =	strace s9  }
0x27: {  	s1 =	sld [smem:$0x3FA0]  }
0x28: {  	s2 =	sld [smem:$0x3FA1]  }
0x29: {  	s4 =	sld [smem:$0x3FA3]  }
0x2a: {  	p0 =	seq.s32 s5, $0x0;
	s5 =	sld [smem:$0x3FA4]  }
0x2b: {  	s6 =	sld [smem:$0x3FA5]  }
0x2c: {  	s7 =	sld [smem:$0x3FA6]  }
0x2d: {  	s3 =	simm.s32 $0x108;
	s8 =	sld [smem:$0x3FA7]  }
0x2e: {  	s3 =	simm.s32 @!p0 $0x1082;
	s9 =	sld [smem:$0x3FA8]  }
0x2f: {  	lr =	sadd.s32 s0, s3;
	s0 =	sld [smem:$0x3F9F]  }
0x30: {  	s3 =	sld [smem:$0x3FA2]  }
0x31: {  	[smem:$0x3FAB] =	sst s10  }
0x32: {  	s10 =	sld [smem:$0x3FA9];
	_ =	sdelay $0x3  }
0x33: {  	p0 =	seq.s32 s10, $0x1;
	s10 =	sld [smem:$0x3FAB];
	_ =	sdelay $0x3  }
0x34: {  	[smem:$0x3FAB] =	sst s10  }
0x35: {  	s10 =	sld [smem:$0x3FAA];
	_ =	sdelay $0x3  }
0x36: {  	p1 =	seq.s32 s10, $0x1;
	s10 =	sld [smem:$0x3FAB];
	_ =	sdelay $0x3  }
0x37: {  	[smem:$0x3FAB] =	sst s10  }
0x38: {  	s10 =	sld [smem:$0x3FAC]  }
0x39: {  	_ = 	snop;
	(pc) =	sbr.ind lr, $3  }
0x3a: {  	_ = 	snop  }
0x3b: {  	_ = 	snop  }
0x3c: {  	p2 =	seq.s32 s10, $0x1;
	s10 =	sld [smem:$0x3FAB]  }
0x3d: {  	_ =	shalt  }
0x3e: {  	_ =	shalt  }
0x3f: {  	_ =	shalt  }
0x40: {  	_ =	shalt  }
0x41: {  	_ =	shalt  }
0x42: {  	_ =	shalt  }
0x43: {  	_ =	shalt  }
0x44: {  	_ =	shalt  }
0x45: {  	_ =	shalt  }
0x46: {  	_ =	shalt  }
0x47: {  	_ =	shalt  }
0x48: {  	_ =	shalt  }
0x49: {  	_ =	shalt  }
0x4a: {  	_ =	shalt  }
0x4b: {  	_ =	shalt  }
0x4c: {  	_ =	shalt  }
0x4d: {  	_ =	shalt  }
0x4e: {  	_ =	shalt  }
0x4f: {  	_ =	shalt  }
0x50: {  	_ =	shalt  }
0x51: {  	_ =	shalt  }
0x52: {  	_ =	shalt  }
0x53: {  	_ =	shalt  }
0x54: {  	_ =	shalt  }
0x55: {  	_ =	shalt  }
0x56: {  	_ =	shalt  }
0x57: {  	_ =	shalt  }
0x58: {  	_ =	shalt  }
0x59: {  	_ =	shalt  }
0x5a: {  	_ =	shalt  }
0x5b: {  	_ =	shalt  }
0x5c: {  	_ =	shalt  }
0x5d: {  	_ =	shalt  }
0x5e: {  	_ =	shalt  }
0x5f: {  	_ =	shalt  }
0x60: {  	_ =	shalt  }
0x61: {  	_ =	shalt  }
0x62: {  	_ =	shalt  }
0x63: {  	_ =	shalt  }
0x64: {  	_ =	shalt  }
0x65: {  	_ =	shalt  }
0x66: {  	_ =	shalt  }
0x67: {  	_ =	shalt  }
0x68: {  	_ =	shalt  }
0x69: {  	_ =	shalt  }
0x6a: {  	_ =	shalt  }
0x6b: {  	_ =	shalt  }
0x6c: {  	_ =	shalt  }
0x6d: {  	_ =	shalt  }
0x6e: {  	_ =	shalt  }
0x6f: {  	_ =	shalt  }
0x70: {  	_ =	shalt  }
0x71: {  	_ =	shalt  }
0x72: {  	_ =	shalt  }
0x73: {  	_ =	shalt  }
0x74: {  	_ =	shalt  }
0x75: {  	_ =	shalt  }
0x76: {  	_ =	shalt  }
0x77: {  	_ =	shalt  }
0x78: {  	_ =	shalt  }
0x79: {  	_ =	shalt  }
0x7a: {  	_ =	shalt  }
0x7b: {  	_ =	shalt  }
0x7c: {  	_ =	shalt  }
0x7d: {  	_ =	shalt  }
0x7e: {  	_ =	shalt  }
0x7f: {  	_ =	shalt  }
0x80: {  	_ =	shalt  }
0x81: {  	_ =	shalt  }
0x82: {  	_ =	shalt  }
0x83: {  	_ =	shalt  }
0x84: {  	_ =	shalt  }
0x85: {  	_ =	shalt  }
0x86: {  	_ =	shalt  }
0x87: {  	_ =	shalt  }
.Lfunc_end0:
.L_simem_size_0:
called_computation.1_lowered:
.L_overlay_start_0:
0x88: {  	s2 =	sld [smem:$0x3FD9]  }
0x89: {  	s3 =	sld [smem:$0x3FFE];
	_ =	sdelay $0x1  }
0x8a: {  	s1 =	srdreg.scid  }
0x8b: {  	s0 =	sand.u32 $0x1, s1  }
0x8c: {  	s17 =	sshll.u32 s0, $0xA;
	s2 =	sadd.s32 s3, s2  }
0x8d: {  	s2 =	sadd.s32 s2, s17  }
0x8e: {  	[smem:$0x3FB7] =	sst s2  }
0x8f: {  	_ = 	snop  }
0x90: {  	s2 =	sld [smem:$0x3FC8];
	(tm) =	ssettm $0x1  }
0x91: {  	s18 =	sld [smem:$0x3FFB];
	_ =	sdelay $0x3  }
0x92: {  	_ =	strace s18  }
0x93: {  	s3 =	sld [smem:$0x3FFC];
	_ =	sdelay $0x3  }
0x94: {  	_ =	strace s3  }
0x95: {  	s3 =	sld [smem:$0x3FFD];
	_ =	sdelay $0x3  }
0x96: {  	_ =	strace s3  }
0x97: {  	_ =	strace $0x8FFFFFFF  }
0x98: {  	s19 =	sld [smem:$0x3FDB];
	_ =	sdelay $0x1  }
0x99: {  	s4 =	simm.s32 $_scs_section_size  }
0x9a: {  	s5 =	simm.s32 $_size__tile_overlayer_lowered;
	s6 =	simm.s32 $_tile_overlayer_lowered  }
0x9b: {  	s22 =	simm.s32 $0x1BFF;
	s21 =	sshll.u32 s6, $0x1;
	s3 =	sadd.s32 s4, s19  }
0x9c: {  	s7 =	simm.s32 $0x0;
	s20 =	sshll.u32 s5, $0x1;
	s5 =	sadd.s32 s21, s3  }
0x9d: {  	[timem:s7], [sflag:s22] =	dma.local [hbm:s5], s20  }
0x9e: {  	_ =	swait.ge [sflag:s22], s20  }
0x9f: {  	s4 =	ssub.s32 $0x0, s20;
	[sflag:s22] =	ssyncset.done $0x0  }
0xa0: {  	[sflag:s22] =	ssyncadd.s32 s4;
	_ =	sdelay $0x1  }
0xa1: {  	s23 =	simm.s32 $0x1B8B  }
0xa2: {  	_ =	swait.ge [sflag:s23], $0x1  }
0xa3: {  	[sflag:s23] =	ssyncset.done $0x0  }
0xa4: {  	s25 =	simm.s32 $0x1B8E;
	s24 =	sld [smem:$0x3FFE];
	[sflag:s23] =	ssyncadd.s32 $0xFFFFFFFF  }
0xa5: {  	s26 =	simm.s32 $execute0_lowered;
	[smem:$0x3FD2] =	sst s25  }
0xa6: {  	s5 =	sshll.u32 s26, $0x1;
	_ =	strace $0x80000049;
	[dreg:$0x1] =	wrdreg $0xFFFFFFFF  }
0xa7: {  	s28 =	simm.s32 $_size_execute0_lowered;
	s3 =	sadd.s32 s3, s5;
	[dreg:$0x0] =	wrdreg $0x0  }
0xa8: {  	s5 =	sshll.u32 s28, $0x1;
	[dreg:$0x2] =	wrdreg s3  }
0xa9: {  	[dreg:$0x3] =	wrdreg s5  }
0xaa: {  	[dreg:$0x4] =	wrdreg $0xC0  }
0xab: {  	_ =	task [dreg:s7], $0x5FFFF  }
0xac: {  	[dreg:$0x1] =	wrdreg $0xFFFFFFFF  }
0xad: {  	[dreg:$0x0] =	wrdreg $0x60  }
0xae: {  	[dreg:$0x2] =	wrdreg s24  }
0xaf: {  	[dreg:$0x3] =	wrdreg s2  }
0xb0: {  	[dreg:$0x4] =	wrdreg $0x137000  }
0xb1: {  	[dreg:$0x5] =	wrdreg $0x9  }
0xb2: {  	_ =	task.clear_ibuf [dreg:s7], $0x6FFFF;
	_ =	strace $0x90000049  }
0xb3: {  	s29 =	simm.s32 $0x9;
	_ =	strace $0x8000004B  }
0xb4: {  	_ =	swait.ge [sflag:s29], $0x1  }
0xb5: {  	[sflag:s29] =	ssyncadd.s32 $0xFFFFFFFF  }
0xb6: {  	_ =	strace $0x9000004B  }
0xb7: {  	_ =	sfence  }
0xb8: {  	s30 =	sld [smem:$0x0];
	_ =	sdelay $0x2  }
0xb9: {  	s31 =	sshll.u32 s1, $0xD;
	s1 =	sshrl.u32 s1, $0x2  }
0xba: {  	s3 =	sand.u32 $0x4000, s31;
	s1 =	sadd.s32 s1, s30  }
0xbb: {  	s0 =	sor.u32 s3, s0;
	s1 =	sshll.u32 s1, $0x11  }
0xbc: {  	s0 =	sor.u32 s1, s0  }
0xbd: {  	s0 =	sadd.s32 $0x8F2B, s0  }
0xbe: {  	[sflag:s0] =	ssyncadd.remote.s32 $0x1  }
0xbf: {  	_ =	sfence.sel $0xFFFF  }
0xc0: {  	[dreg:$0x0] =	wrdreg $0xFFFFFFFF;
	(pc) =	sbr.abs _section_cstart, $3  }
0xc1: {  	[dreg:$0x1] =	wrdreg $0xFFFFFFFF  }
0xc2: {  	_ =	task.clear_ibuf [dreg:s7], $0x2FFFF;
	_ =	strace $0x9FFFFFFF  }
0xc3: {  	(tm) =	ssettm $0x7FFFFFFF  }
tec
execute0_lowered:
.L_overlay_start_1:
0x0: {  	(tag) =	ssettag $0x1  }
0x1: {  	s0 =	rddreg [dreg:$0x0]  }
0x2: {  	s2 =	rddreg [dreg:$0x1]  }
0x3: {  	s1 =	rddreg [dreg:$0x2];
	s3 =	simm.s32 $0x0;
	s14 =	srdreg.scid  }
0x4: {  	s16 =	stileid.u32;
	s28 =	simm.s32 $0x1;
	s29 =	simm.s32 $0x2  }
0x5: {  	s30 =	simm.s32 $0x3;
	s31 =	simm.s32 $0x4;
	s6 =	smul.u32 $0x28000, s16  }
0x6: {  	[smem:$0x7FF] =	sst s3;
	s3 =	sand.u32 $0x1, s14;
	s8 =	smul.u32 $0x280, s16  }
0x7: {  	s4 =	sadd.s32 $0x3A00, s0;
	s0 =	sadd.s32 $0x51E00, s0;
	s19 =	smul.u32 $0x14000, s16  }
0x8: {  	_ =	strace $0x8000004A;
	s5 =	ssub.s32 $0x2, s3;
	s15 =	sshll.u32 s3, $0x4  }
0x9: {  	s3 =	smul.u32 $0x140000, s3;
	s7 =	sshrl.u32 s5, $0x1;
	s6 =	sshrl.u32 s6, $0x2  }
0xa: {  	s10 =	sor.u32 s16, s15;
	s11 =	sadd.s32 $0xA0, s8;
	s12 =	sadd.s32 $0x140, s8  }
0xb: {  	s13 =	sadd.s32 $0x1E0, s8;
	s16 =	sshll.u32 s16, $0x5;
	s9 =	ssub.s32 s5, s7  }
0xc: {  	s5 =	sadd.s32 s6, s1;
	s17 =	sshll.u32 s11, $0x6;
	s18 =	sshll.u32 s12, $0x6  }
0xd: {  	s14 =	sshll.u32 s13, $0x6;
	s15 =	smul.u32 $0x9C0, s10;
	s20 =	sadd.s32 s16, s2  }
0xe: {  	s24 =	sshll.u32 s11, $0x7;
	s25 =	sshll.u32 s12, $0x7;
	s26 =	sshll.u32 s13, $0x7  }
0xf: {  	p0 =	sgt.u32 s10, $0x3;
	s16 =	simm.s32 $0x10F00;
	s6 =	sadd.s32 s17, s1  }
0x10: {  	s7 =	sadd.s32 s18, s1;
	s17 =	sadd.s32 s19, s3;
	s8 =	sadd.s32 s14, s1  }
0x11: {  	s22 =	sadd.s32 $0x13800, s20;
	s11 =	sadd.s32 s3, s25;
	s18 =	simm.s32 $0x80  }
0x12: {  	s19 =	simm.s32 $0x4F00;
	s25 =	simm.s32 $0xCF00;
	s20 =	simm.s32 $0x0  }
0x13: {  	s21 =	sshrl.u32 s17, $0x3;
	s2 =	sadd.s32 s2, s15;
	[dreg:$0x5] =	wrdreg s22  }
0x14: {  	s11 =	sshrl.u32 s11, $0x3;
	s15 =	smax.u32 s9, $0x1;
	s17 =	simm.s32 $0x7  }
0x15: {  	[dreg:$0x4] =	wrdreg s2;
	s23 =	sadd.s32 s0, s21;
	s2 =	sadd.s32 s3, s24  }
0x16: {  	s3 =	sadd.s32 s3, s26;
	s13 =	sadd.s32 s0, s11;
	s21 =	simm.s32 $0x6F00  }
0x17: {  	s24 =	simm.s32 $0xAF00;
	s26 =	simm.s32 $0xEF00;
	[dreg:$0x6] =	wrdreg s23  }
0x18: {  	s2 =	sshrl.u32 s2, $0x3;
	s3 =	sshrl.u32 s3, $0x3;
	s23 =	simm.s32 $0x8F00  }
0x19: {  	s2 =	sadd.s32 s0, s2;
	s14 =	sadd.s32 s0, s3;
	s0 =	simm.s32 $0x5  }
0x1a: {  	v0 =	vimm.f32 $0.0e+00;
	s3 =	simm.s32 $0x40;
	[dreg:$0x7] =	wrdreg s2;
	s2 =	simm.s32 $0x6  }
.LBB2_1:
0x1b: {  	s10 =	simm.s32 $0x100;
	s9 =	simm.s32 $0x0  }
.LBB2_2:
0x1c: {  	p1 =	sne.s32 s10, $0x9F00;
	[tilespmem:s9+$0x10F30] =	vst v0;
	s11 =	smov.u32 s10;
	s10 =	sadd.s32 $0x100, s10  }
.Ltmp0:
0x1d: {  	[tilespmem:s9+$0x10F20] =	vst v0;
	(pc) =	sbr.rel @p1 .LBB2_2-.Ltmp0, $3  }
0x1e: {  	[tilespmem:s9+$0x10F00] =	vst v0  }
0x1f: {  	[tilespmem:s9+$0x10F10] =	vst v0;
	_ =	sdelay $0x1  }
0x20: {  	s9 =	sshra.s32 s11, $0x2  }
0x21: {  	[tilespmem:s9+$0x10F30] =	vst v0  }
0x22: {  	[tilespmem:s9+$0x10F20] =	vst v0  }
0x23: {  	[tilespmem:s9+$0x10F00] =	vst v0  }
0x24: {  	[tilespmem:s9+$0x10F10] =	vst v0  }
0x25: {  	[spmem:s5] =	stream.linear.scatter [tilespmem:s16], [sflag:$0x7], $0x2800, $0x38;
	[tilespmem:$0x1D700] =	vst v63  }
0x26: {  	_ =	swait.ge [sflag:s17], $0x2800  }
0x27: {  	[sflag:s17] =	ssyncset.done $0x0  }
0x28: {  	[sflag:s17] =	ssyncadd.s32 $0xFFFFD800  }
0x29: {  	[spmem:s6] =	stream.linear.scatter [tilespmem:s16], [sflag:$0x7], $0x2800, $0x38;
	[tilespmem:$0x1D700] =	vst v63  }
0x2a: {  	_ =	swait.ge [sflag:s17], $0x2800  }
0x2b: {  	[sflag:s17] =	ssyncset.done $0x0  }
0x2c: {  	[sflag:s17] =	ssyncadd.s32 $0xFFFFD800  }
0x2d: {  	[spmem:s7] =	stream.linear.scatter [tilespmem:s16], [sflag:$0x7], $0x2800, $0x38;
	[tilespmem:$0x1D700] =	vst v63  }
0x2e: {  	_ =	swait.ge [sflag:s17], $0x2800  }
0x2f: {  	[sflag:s17] =	ssyncset.done $0x0  }
0x30: {  	[sflag:s17] =	ssyncadd.s32 $0xFFFFD800  }
0x31: {  	[spmem:s8] =	stream.linear.scatter [tilespmem:s16], [sflag:$0x7], $0x2800, $0x38;
	[tilespmem:$0x1D700] =	vst v63  }
0x32: {  	_ =	swait.ge [sflag:s17], $0x2800  }
0x33: {  	[sflag:s17] =	ssyncset.done $0x0  }
0x34: {  	s22 =	simm.s32 $0x0;
	s10 =	rddreg [dreg:$0x4];
	[sflag:s17] =	ssyncadd.s32 $0xFFFFD800  }
0x35: {  	[tilespmem:s22], [sflag:$0x7] =	stream.linear.gather [hbm4b:s10+s22], $0x4E00, $0x38;
	[tilespmem:$0x1D700] =	vst v63  }
0x36: {  	_ =	swait.ge [sflag:s17], $0x4E00  }
0x37: {  	s9 =	simm.s32 @!p0 $0x0;
	[sflag:s17] =	ssyncset.done $0x0  }
0x38: {  	s10 =	simm.s32 @!p0 $0x4E00;
	s11 =	rddreg [dreg:$0x5];
	[sflag:s17] =	ssyncadd.s32 $0xFFFFB200  }
0x39: {  	[tilespmem:s10], [sflag:$0x7] =	stream.linear.gather @!p0 [hbm4b:s11+s9], $0x100, $0x38;
	[tilespmem:$0x1D700] =	vst v63  }
0x3a: {  	s9 =	simm.s32 @!p0 $0x7  }
0x3b: {  	_ =	swait.ge @!p0 [sflag:s9], $0x100  }
0x3c: {  	[sflag:s9] =	ssyncset.done @!p0 $0x0  }
0x3d: {  	[sflag:s9] =	ssyncadd.s32 @!p0 $0xFFFFFF00;
	s9 =	simm.s32 $0x0  }
0x3e: {  	v3 =	vld [tilespmem:s9+$0x0]  }
0x3f: {  	v5 =	vld [tilespmem:s9+$0x10]  }
0x40: {  	v4 =	vld [tilespmem:s9+$0x20]  }
0x41: {  	v2 =	vld [tilespmem:s9+$0x30]  }
0x42: {  	v1 =	vld [tilespmem:s9+$0x40]  }
0x43: {  	v6 =	vshll.u32 v3, $0x1;
	v3 =	vld [tilespmem:s9+$0x50]  }
0x44: {  	s10 =	simm.s32 $0x400;
	[tilespmem:s9+$0x0] =	vst v6;
	v6 =	vshll.u32 v5, $0x1;
	v5 =	vld [tilespmem:s9+$0x60]  }
.LBB2_4:
0x45: {  	s11 =	sshra.s32 s10, $0x2;
	p1 =	sne.s32 s10, $0x13400;
	[tilespmem:s9+$0x10] =	vst v6;
	v4 =	vshll.u32 v4, $0x1;
	v6 =	vld [tilespmem:s9+$0x70]  }
0x46: {  	v7 =	vld [tilespmem:s11+$0x0];
	[tilespmem:s9+$0x20] =	vst v4;
	v2 =	vshll.u32 v2, $0x1  }
0x47: {  	v8 =	vld [tilespmem:s11+$0x10];
	[tilespmem:s9+$0x30] =	vst v2;
	v1 =	vshll.u32 v1, $0x1  }
.Ltmp1:
0x48: {  	v4 =	vld [tilespmem:s11+$0x20];
	[tilespmem:s9+$0x40] =	vst v1;
	v1 =	vshll.u32 v3, $0x1;
	(pc) =	sbr.rel @p1 .LBB2_4-.Ltmp1, $4  }
0x49: {  	v2 =	vld [tilespmem:s11+$0x30];
	[tilespmem:s9+$0x50] =	vst v1;
	v3 =	vshll.u32 v5, $0x1  }
0x4a: {  	v1 =	vld [tilespmem:s11+$0x40];
	[tilespmem:s9+$0x60] =	vst v3;
	v5 =	vshll.u32 v6, $0x1  }
0x4b: {  	v6 =	vshll.u32 v7, $0x1;
	v3 =	vld [tilespmem:s11+$0x50];
	[tilespmem:s9+$0x70] =	vst v5;
	s9 =	smov.u32 s11  }
0x4c: {  	s10 =	sadd.s32 $0x400, s10;
	[tilespmem:s9+$0x0] =	vst v6;
	v6 =	vshll.u32 v8, $0x1;
	v5 =	vld [tilespmem:s9+$0x60]  }
0x4d: {  	[tilespmem:s9+$0x10] =	vst v6;
	v4 =	vshll.u32 v4, $0x1;
	v63 =	vld [tilespmem:s9+$0x70]  }
0x4e: {  	[tilespmem:s9+$0x20] =	vst v4;
	v2 =	vshll.u32 v2, $0x1  }
0x4f: {  	[tilespmem:s9+$0x30] =	vst v2;
	v1 =	vshll.u32 v1, $0x1  }
0x50: {  	[tilespmem:s9+$0x40] =	vst v1;
	v1 =	vshll.u32 v3, $0x1  }
0x51: {  	[tilespmem:s9+$0x50] =	vst v1;
	v1 =	vshll.u32 v5, $0x1  }
0x52: {  	[tilespmem:s9+$0x60] =	vst v1;
	v1 =	vshll.u32 v63, $0x1  }
0x53: {  	[tilespmem:s9+$0x70] =	vst v1  }
0x54: {  	v1 =	vld @!p0 [tilespmem:$0x4E00]  }
0x55: {  	v2 =	vld @!p0 [tilespmem:$0x4E10]  }
0x56: {  	v3 =	vld @!p0 [tilespmem:$0x4E20]  }
0x57: {  	v4 =	vld @!p0 [tilespmem:$0x4E30]  }
0x58: {  	v5 =	vld @!p0 [tilespmem:$0x4E40]  }
0x59: {  	v6 =	vld @!p0 [tilespmem:$0x4E50];
	v1 =	vshll.u32 @!p0 v1, $0x1  }
0x5a: {  	[tilespmem:$0x4E00] =	vst @!p0 v1;
	v1 =	vshll.u32 @!p0 v2, $0x1;
	v2 =	vld @!p0 [tilespmem:$0x4E60]  }
0x5b: {  	[tilespmem:$0x4E10] =	vst @!p0 v1;
	v1 =	vshll.u32 @!p0 v3, $0x1;
	v3 =	vld @!p0 [tilespmem:$0x4E70]  }
0x5c: {  	[tilespmem:$0x4E20] =	vst @!p0 v1;
	v1 =	vshll.u32 @!p0 v4, $0x1  }
0x5d: {  	[tilespmem:$0x4E30] =	vst @!p0 v1;
	v1 =	vshll.u32 @!p0 v5, $0x1  }
0x5e: {  	[tilespmem:$0x4E40] =	vst @!p0 v1;
	v1 =	vshll.u32 @!p0 v6, $0x1  }
0x5f: {  	[tilespmem:$0x4E50] =	vst @!p0 v1;
	v1 =	vshll.u32 @!p0 v2, $0x1  }
0x60: {  	[tilespmem:$0x4E60] =	vst @!p0 v1;
	v1 =	vshll.u32 @!p0 v3, $0x1  }
0x61: {  	[tilespmem:$0x4E70] =	vst @!p0 v1  }
0x62: {  	s11 =	simm.s32 $0x0;
	[bflag:$0x0] =	sbarrier.arrive $0xFFFF  }
0x63: {  	[tilespmem:s19], [sflag:$0x1] =	stream.indirect.gather [hbm4b:s4+s18], $0x40, s11, s18, $0xb8;
	[tilespmem:$0x1D700] =	vst v63  }
0x64: {  	s12 =	simm.s32 $0x100  }
0x65: {  	[tilespmem:s21], [sflag:$0x2] =	stream.indirect.gather [hbm4b:s4+s18], $0x40, s12, s18, $0xb8;
	[tilespmem:$0x1D700] =	vst v63  }
0x66: {  	s22 =	simm.s32 $0x200  }
0x67: {  	[tilespmem:s23], [sflag:$0x3] =	stream.indirect.gather [hbm4b:s4+s18], $0x40, s22, s18, $0xb8;
	[tilespmem:$0x1D700] =	vst v63  }
0x68: {  	s10 =	simm.s32 $0x300  }
0x69: {  	[tilespmem:s24], [sflag:$0x4] =	stream.indirect.gather [hbm4b:s4+s18], $0x40, s10, s18, $0xb8;
	[tilespmem:$0x1D700] =	vst v63  }
0x6a: {  	s11 =	simm.s32 $0x400  }
0x6b: {  	[tilespmem:s25], [sflag:$0x5] =	stream.indirect.gather [hbm4b:s4+s18], $0x40, s11, s18, $0xb8;
	[tilespmem:$0x1D700] =	vst v63  }
0x6c: {  	s12 =	simm.s32 $0x500  }
0x6d: {  	[tilespmem:s26], [sflag:$0x6] =	stream.indirect.gather [hbm4b:s4+s18], $0x40, s12, s18, $0xb8;
	[tilespmem:$0x1D700] =	vst v63  }
0x6e: {  	_ =	swait.ge [sflag:s28], $0x2000  }
0x6f: {  	[sflag:s28] =	ssyncset.done $0x0  }
0x70: {  	s22 =	simm.s32 $0x80;
	[sflag:s28] =	ssyncadd.s32 $0xFFFFE000  }
0x71: {  	[spmem:s1] =	stream.indirect.scatter.add.f32 [tilespmem:s19], [sflag:$0x7], $0x40, s22, s18, $0xb8;
	[tilespmem:$0x1D700] =	vst v63  }
0x72: {  	_ =	swait.ge [sflag:s17], $0x2000  }
0x73: {  	[sflag:s17] =	ssyncset.done $0x0  }
0x74: {  	[sflag:s17] =	ssyncadd.s32 $0xFFFFE000  }
0x75: {  	_ =	swait.ge [sflag:s29], $0x2000  }
0x76: {  	[sflag:s29] =	ssyncset.done $0x0  }
0x77: {  	s10 =	simm.s32 $0x180;
	[sflag:s29] =	ssyncadd.s32 $0xFFFFE000  }
0x78: {  	[spmem:s1] =	stream.indirect.scatter.add.f32 [tilespmem:s21], [sflag:$0x7], $0x40, s10, s18, $0xb8;
	[tilespmem:$0x1D700] =	vst v63  }
0x79: {  	_ =	swait.ge [sflag:s17], $0x2000  }
0x7a: {  	[sflag:s17] =	ssyncset.done $0x0  }
0x7b: {  	[sflag:s17] =	ssyncadd.s32 $0xFFFFE000  }
0x7c: {  	_ =	swait.ge [sflag:s30], $0x2000  }
0x7d: {  	[sflag:s30] =	ssyncset.done $0x0  }
0x7e: {  	s11 =	simm.s32 $0x280;
	[sflag:s30] =	ssyncadd.s32 $0xFFFFE000  }
0x7f: {  	[spmem:s1] =	stream.indirect.scatter.add.f32 [tilespmem:s23], [sflag:$0x7], $0x40, s11, s18, $0xb8;
	[tilespmem:$0x1D700] =	vst v63  }
0x80: {  	_ =	swait.ge [sflag:s17], $0x2000  }
0x81: {  	[sflag:s17] =	ssyncset.done $0x0  }
0x82: {  	s12 =	simm.s32 $0x600;
	[sflag:s17] =	ssyncadd.s32 $0xFFFFE000  }
0x83: {  	[tilespmem:s19], [sflag:$0x1] =	stream.indirect.gather [hbm4b:s4+s18], $0x40, s12, s18, $0xb8;
	[tilespmem:$0x1D700] =	vst v63  }
0x84: {  	s22 =	simm.s32 $0x700  }
0x85: {  	[tilespmem:s21], [sflag:$0x2] =	stream.indirect.gather [hbm4b:s4+s18], $0x40, s22, s18, $0xb8;
	[tilespmem:$0x1D700] =	vst v63  }
0x86: {  	s10 =	simm.s32 $0x800  }
0x87: {  	[tilespmem:s23], [sflag:$0x3] =	stream.indirect.gather [hbm4b:s4+s18], $0x40, s10, s18, $0xb8;
	[tilespmem:$0x1D700] =	vst v63  }
0x88: {  	_ =	swait.ge [sflag:s31], $0x2000  }
0x89: {  	[sflag:s31] =	ssyncset.done $0x0  }
0x8a: {  	s11 =	simm.s32 $0x380;
	[sflag:s31] =	ssyncadd.s32 $0xFFFFE000  }
0x8b: {  	[spmem:s1] =	stream.indirect.scatter.add.f32 [tilespmem:s24], [sflag:$0x7], $0x40, s11, s18, $0xb8;
	[tilespmem:$0x1D700] =	vst v63  }
0x8c: {  	_ =	swait.ge [sflag:s17], $0x2000  }
0x8d: {  	[sflag:s17] =	ssyncset.done $0x0  }
0x8e: {  	[sflag:s17] =	ssyncadd.s32 $0xFFFFE000  }
0x8f: {  	_ =	swait.ge [sflag:s0], $0x2000  }
0x90: {  	[sflag:s0] =	ssyncset.done $0x0  }
0x91: {  	s12 =	simm.s32 $0x480;
	[sflag:s0] =	ssyncadd.s32 $0xFFFFE000  }
0x92: {  	[spmem:s1] =	stream.indirect.scatter.add.f32 [tilespmem:s25], [sflag:$0x7], $0x40, s12, s18, $0xb8;
	[tilespmem:$0x1D700] =	vst v63  }
0x93: {  	_ =	swait.ge [sflag:s17], $0x2000  }
0x94: {  	[sflag:s17] =	ssyncset.done $0x0  }
0x95: {  	[sflag:s17] =	ssyncadd.s32 $0xFFFFE000  }
0x96: {  	_ =	swait.ge [sflag:s2], $0x2000  }
0x97: {  	[sflag:s2] =	ssyncset.done $0x0  }
0x98: {  	s22 =	simm.s32 $0x580;
	[sflag:s2] =	ssyncadd.s32 $0xFFFFE000  }
0x99: {  	[spmem:s1] =	stream.indirect.scatter.add.f32 [tilespmem:s26], [sflag:$0x7], $0x40, s22, s18, $0xb8;
	[tilespmem:$0x1D700] =	vst v63  }
0x9a: {  	_ =	swait.ge [sflag:s17], $0x2000  }
0x9b: {  	s9 =	simm.s32 $0x3000;
	s22 =	simm.s32 $0x600;
	[sflag:s17] =	ssyncset.done $0x0  }
.LBB2_6:
0x9c: {  	s12 =	sadd.s32 $0x300, s22  }
0x9d: {  	[sflag:s17] =	ssyncadd.s32 $0xFFFFE000;
	s10 =	smov.u32 s9;
	s11 =	sadd.s32 $0x1800, s9  }
0x9e: {  	[tilespmem:s24], [sflag:$0x4] =	stream.indirect.gather [hbm4b:s4+s18], $0x40, s12, s18, $0xb8;
	[tilespmem:$0x1D700] =	vst v63  }
0x9f: {  	p1 =	sne.s32 s9, $0x10800;
	s9 =	sadd.s32 $0x400, s22  }
0xa0: {  	[tilespmem:s25], [sflag:$0x5] =	stream.indirect.gather [hbm4b:s4+s18], $0x40, s9, s18, $0xb8;
	[tilespmem:$0x1D700] =	vst v63  }
0xa1: {  	s9 =	sadd.s32 $0x500, s22  }
0xa2: {  	[tilespmem:s26], [sflag:$0x6] =	stream.indirect.gather [hbm4b:s4+s18], $0x40, s9, s18, $0xb8;
	[tilespmem:$0x1D700] =	vst v63  }
0xa3: {  	_ =	swait.ge [sflag:s28], $0x2000  }
0xa4: {  	[sflag:s28] =	ssyncset.done $0x0  }
0xa5: {  	s9 =	sadd.s32 $0x80, s22;
	[sflag:s28] =	ssyncadd.s32 $0xFFFFE000  }
0xa6: {  	[spmem:s1] =	stream.indirect.scatter.add.f32 [tilespmem:s19], [sflag:$0x7], $0x40, s9, s18, $0xb8;
	[tilespmem:$0x1D700] =	vst v63  }
0xa7: {  	_ =	swait.ge [sflag:s17], $0x2000  }
0xa8: {  	[sflag:s17] =	ssyncset.done $0x0  }
0xa9: {  	[sflag:s17] =	ssyncadd.s32 $0xFFFFE000  }
0xaa: {  	_ =	swait.ge [sflag:s29], $0x2000  }
0xab: {  	[sflag:s29] =	ssyncset.done $0x0  }
0xac: {  	s9 =	sadd.s32 $0x180, s22;
	[sflag:s29] =	ssyncadd.s32 $0xFFFFE000  }
0xad: {  	[spmem:s1] =	stream.indirect.scatter.add.f32 [tilespmem:s21], [sflag:$0x7], $0x40, s9, s18, $0xb8;
	[tilespmem:$0x1D700] =	vst v63  }
0xae: {  	_ =	swait.ge [sflag:s17], $0x2000  }
0xaf: {  	[sflag:s17] =	ssyncset.done $0x0  }
0xb0: {  	[sflag:s17] =	ssyncadd.s32 $0xFFFFE000  }
0xb1: {  	_ =	swait.ge [sflag:s30], $0x2000  }
0xb2: {  	[sflag:s30] =	ssyncset.done $0x0  }
0xb3: {  	s9 =	sadd.s32 $0x280, s22;
	[sflag:s30] =	ssyncadd.s32 $0xFFFFE000  }
0xb4: {  	[spmem:s1] =	stream.indirect.scatter.add.f32 [tilespmem:s23], [sflag:$0x7], $0x40, s9, s18, $0xb8;
	[tilespmem:$0x1D700] =	vst v63  }
0xb5: {  	_ =	swait.ge [sflag:s17], $0x2000  }
0xb6: {  	[sflag:s17] =	ssyncset.done $0x0  }
0xb7: {  	s9 =	sadd.s32 $0x600, s22;
	[sflag:s17] =	ssyncadd.s32 $0xFFFFE000  }
0xb8: {  	[tilespmem:s19], [sflag:$0x1] =	stream.indirect.gather [hbm4b:s4+s18], $0x40, s9, s18, $0xb8;
	[tilespmem:$0x1D700] =	vst v63  }
0xb9: {  	s9 =	sadd.s32 $0x700, s22  }
0xba: {  	[tilespmem:s21], [sflag:$0x2] =	stream.indirect.gather [hbm4b:s4+s18], $0x40, s9, s18, $0xb8;
	[tilespmem:$0x1D700] =	vst v63  }
0xbb: {  	s9 =	sadd.s32 $0x800, s22  }
0xbc: {  	[tilespmem:s23], [sflag:$0x3] =	stream.indirect.gather [hbm4b:s4+s18], $0x40, s9, s18, $0xb8;
	[tilespmem:$0x1D700] =	vst v63  }
0xbd: {  	_ =	swait.ge [sflag:s31], $0x2000  }
0xbe: {  	[sflag:s31] =	ssyncset.done $0x0  }
0xbf: {  	s9 =	sadd.s32 $0x380, s22;
	[sflag:s31] =	ssyncadd.s32 $0xFFFFE000  }
0xc0: {  	[spmem:s1] =	stream.indirect.scatter.add.f32 [tilespmem:s24], [sflag:$0x7], $0x40, s9, s18, $0xb8;
	[tilespmem:$0x1D700] =	vst v63  }
0xc1: {  	_ =	swait.ge [sflag:s17], $0x2000  }
0xc2: {  	[sflag:s17] =	ssyncset.done $0x0  }
0xc3: {  	[sflag:s17] =	ssyncadd.s32 $0xFFFFE000  }
0xc4: {  	_ =	swait.ge [sflag:s0], $0x2000  }
0xc5: {  	[sflag:s0] =	ssyncset.done $0x0  }
0xc6: {  	s9 =	sadd.s32 $0x480, s22;
	[sflag:s0] =	ssyncadd.s32 $0xFFFFE000  }
0xc7: {  	[spmem:s1] =	stream.indirect.scatter.add.f32 [tilespmem:s25], [sflag:$0x7], $0x40, s9, s18, $0xb8;
	[tilespmem:$0x1D700] =	vst v63  }
0xc8: {  	_ =	swait.ge [sflag:s17], $0x2000  }
0xc9: {  	[sflag:s17] =	ssyncset.done $0x0  }
0xca: {  	[sflag:s17] =	ssyncadd.s32 $0xFFFFE000  }
0xcb: {  	_ =	swait.ge [sflag:s2], $0x2000  }
.Ltmp2:
0xcc: {  	[sflag:s2] =	ssyncset.done $0x0;
	(pc) =	sbr.rel @p1 .LBB2_6-.Ltmp2, $4  }
0xcd: {  	s9 =	sadd.s32 $0x580, s22;
	[sflag:s2] =	ssyncadd.s32 $0xFFFFE000  }
0xce: {  	[spmem:s1] =	stream.indirect.scatter.add.f32 [tilespmem:s26], [sflag:$0x7], $0x40, s9, s18, $0xb8;
	[tilespmem:$0x1D700] =	vst v63  }
0xcf: {  	_ =	swait.ge [sflag:s17], $0x2000  }
0xd0: {  	s22 =	sshra.s32 s10, $0x2;
	s9 =	smov.u32 s11;
	[sflag:s17] =	ssyncset.done $0x0  }
0xd1: {  	s9 =	sadd.s32 $0x300, s22;
	[sflag:s17] =	ssyncadd.s32 $0xFFFFE000  }
0xd2: {  	[tilespmem:s24], [sflag:$0x4] =	stream.indirect.gather [hbm4b:s4+s18], $0x40, s9, s18, $0xb8;
	[tilespmem:$0x1D700] =	vst v63  }
0xd3: {  	s12 =	sadd.s32 $0x400, s22  }
0xd4: {  	[tilespmem:s25], [sflag:$0x5] =	stream.indirect.gather [hbm4b:s4+s18], $0x40, s12, s18, $0xb8;
	[tilespmem:$0x1D700] =	vst v63  }
0xd5: {  	s10 =	sadd.s32 $0x500, s22  }
0xd6: {  	[tilespmem:s26], [sflag:$0x6] =	stream.indirect.gather [hbm4b:s4+s18], $0x40, s10, s18, $0xb8;
	[tilespmem:$0x1D700] =	vst v63  }
0xd7: {  	_ =	swait.ge [sflag:s28], $0x2000  }
0xd8: {  	[sflag:s28] =	ssyncset.done $0x0  }
0xd9: {  	s11 =	sadd.s32 $0x80, s22;
	[sflag:s28] =	ssyncadd.s32 $0xFFFFE000  }
0xda: {  	[spmem:s1] =	stream.indirect.scatter.add.f32 [tilespmem:s19], [sflag:$0x7], $0x40, s11, s18, $0xb8;
	[tilespmem:$0x1D700] =	vst v63  }
0xdb: {  	_ =	swait.ge [sflag:s17], $0x2000  }
0xdc: {  	[sflag:s17] =	ssyncset.done $0x0  }
0xdd: {  	[sflag:s17] =	ssyncadd.s32 $0xFFFFE000  }
0xde: {  	_ =	swait.ge [sflag:s29], $0x2000  }
0xdf: {  	[sflag:s29] =	ssyncset.done $0x0  }
0xe0: {  	s12 =	sadd.s32 $0x180, s22;
	[sflag:s29] =	ssyncadd.s32 $0xFFFFE000  }
0xe1: {  	[spmem:s1] =	stream.indirect.scatter.add.f32 [tilespmem:s21], [sflag:$0x7], $0x40, s12, s18, $0xb8;
	[tilespmem:$0x1D700] =	vst v63  }
0xe2: {  	_ =	swait.ge [sflag:s17], $0x2000  }
0xe3: {  	[sflag:s17] =	ssyncset.done $0x0  }
0xe4: {  	[sflag:s17] =	ssyncadd.s32 $0xFFFFE000  }
0xe5: {  	_ =	swait.ge [sflag:s30], $0x2000  }
0xe6: {  	[sflag:s30] =	ssyncset.done $0x0  }
0xe7: {  	s10 =	sadd.s32 $0x280, s22;
	[sflag:s30] =	ssyncadd.s32 $0xFFFFE000  }
0xe8: {  	[spmem:s1] =	stream.indirect.scatter.add.f32 [tilespmem:s23], [sflag:$0x7], $0x40, s10, s18, $0xb8;
	[tilespmem:$0x1D700] =	vst v63  }
0xe9: {  	_ =	swait.ge [sflag:s17], $0x2000  }
0xea: {  	[sflag:s17] =	ssyncset.done $0x0  }
0xeb: {  	s11 =	sadd.s32 $0x600, s22;
	[sflag:s17] =	ssyncadd.s32 $0xFFFFE000  }
0xec: {  	[tilespmem:s19], [sflag:$0x1] =	stream.indirect.gather [hbm4b:s4+s18], $0x40, s11, s18, $0xb8;
	[tilespmem:$0x1D700] =	vst v63  }
0xed: {  	s12 =	sadd.s32 $0x700, s22  }
0xee: {  	[tilespmem:s21], [sflag:$0x2] =	stream.indirect.gather [hbm4b:s4+s18], $0x40, s12, s18, $0xb8;
	[tilespmem:$0x1D700] =	vst v63  }
0xef: {  	s10 =	sadd.s32 $0x800, s22  }
0xf0: {  	[tilespmem:s23], [sflag:$0x3] =	stream.indirect.gather [hbm4b:s4+s18], $0x40, s10, s18, $0xb8;
	[tilespmem:$0x1D700] =	vst v63  }
0xf1: {  	_ =	swait.ge [sflag:s31], $0x2000  }
0xf2: {  	[sflag:s31] =	ssyncset.done $0x0  }
0xf3: {  	s11 =	sadd.s32 $0x380, s22;
	[sflag:s31] =	ssyncadd.s32 $0xFFFFE000  }
0xf4: {  	[spmem:s1] =	stream.indirect.scatter.add.f32 [tilespmem:s24], [sflag:$0x7], $0x40, s11, s18, $0xb8;
	[tilespmem:$0x1D700] =	vst v63  }
0xf5: {  	_ =	swait.ge [sflag:s17], $0x2000  }
0xf6: {  	[sflag:s17] =	ssyncset.done $0x0  }
0xf7: {  	[sflag:s17] =	ssyncadd.s32 $0xFFFFE000  }
0xf8: {  	_ =	swait.ge [sflag:s0], $0x2000  }
0xf9: {  	[sflag:s0] =	ssyncset.done $0x0  }
0xfa: {  	s12 =	sadd.s32 $0x480, s22;
	[sflag:s0] =	ssyncadd.s32 $0xFFFFE000  }
0xfb: {  	[spmem:s1] =	stream.indirect.scatter.add.f32 [tilespmem:s25], [sflag:$0x7], $0x40, s12, s18, $0xb8;
	[tilespmem:$0x1D700] =	vst v63  }
0xfc: {  	_ =	swait.ge [sflag:s17], $0x2000  }
0xfd: {  	[sflag:s17] =	ssyncset.done $0x0  }
0xfe: {  	[sflag:s17] =	ssyncadd.s32 $0xFFFFE000  }
0xff: {  	_ =	swait.ge [sflag:s2], $0x2000  }
0x100: {  	[sflag:s2] =	ssyncset.done $0x0  }
0x101: {  	s10 =	sadd.s32 $0x580, s22;
	[sflag:s2] =	ssyncadd.s32 $0xFFFFE000  }
0x102: {  	[spmem:s1] =	stream.indirect.scatter.add.f32 [tilespmem:s26], [sflag:$0x7], $0x40, s10, s18, $0xb8;
	[tilespmem:$0x1D700] =	vst v63  }
0x103: {  	_ =	swait.ge [sflag:s17], $0x2000  }
0x104: {  	[sflag:s17] =	ssyncset.done $0x0  }
0x105: {  	s11 =	simm.s32 $0x4B00;
	[sflag:s17] =	ssyncadd.s32 $0xFFFFE000  }
0x106: {  	[tilespmem:s24], [sflag:$0x4] =	stream.indirect.gather [hbm4b:s4+s18], $0x40, s11, s18, $0xb8;
	[tilespmem:$0x1D700] =	vst v63  }
0x107: {  	s12 =	simm.s32 $0x4C00  }
0x108: {  	[tilespmem:s25], [sflag:$0x5] =	stream.indirect.gather [hbm4b:s4+s18], $0x40, s12, s18, $0xb8;
	[tilespmem:$0x1D700] =	vst v63  }
0x109: {  	s22 =	simm.s32 $0x4D00  }
0x10a: {  	[tilespmem:s26], [sflag:$0x6] =	stream.indirect.gather [hbm4b:s4+s18], $0x40, s22, s18, $0xb8;
	[tilespmem:$0x1D700] =	vst v63  }
0x10b: {  	_ =	swait.ge [sflag:s28], $0x2000  }
0x10c: {  	[sflag:s28] =	ssyncset.done $0x0  }
0x10d: {  	s10 =	simm.s32 $0x4880;
	[sflag:s28] =	ssyncadd.s32 $0xFFFFE000  }
0x10e: {  	[spmem:s1] =	stream.indirect.scatter.add.f32 [tilespmem:s19], [sflag:$0x7], $0x40, s10, s18, $0xb8;
	[tilespmem:$0x1D700] =	vst v63  }
0x10f: {  	_ =	swait.ge [sflag:s17], $0x2000  }
0x110: {  	[sflag:s17] =	ssyncset.done $0x0  }
0x111: {  	[sflag:s17] =	ssyncadd.s32 $0xFFFFE000  }
0x112: {  	_ =	swait.ge [sflag:s29], $0x2000  }
0x113: {  	[sflag:s29] =	ssyncset.done $0x0  }
0x114: {  	s11 =	simm.s32 $0x4980;
	[sflag:s29] =	ssyncadd.s32 $0xFFFFE000  }
0x115: {  	[spmem:s1] =	stream.indirect.scatter.add.f32 [tilespmem:s21], [sflag:$0x7], $0x40, s11, s18, $0xb8;
	[tilespmem:$0x1D700] =	vst v63  }
0x116: {  	_ =	swait.ge [sflag:s17], $0x2000  }
0x117: {  	[sflag:s17] =	ssyncset.done $0x0  }
0x118: {  	[sflag:s17] =	ssyncadd.s32 $0xFFFFE000  }
0x119: {  	_ =	swait.ge [sflag:s30], $0x2000  }
0x11a: {  	[sflag:s30] =	ssyncset.done $0x0  }
0x11b: {  	s12 =	simm.s32 $0x4A80;
	[sflag:s30] =	ssyncadd.s32 $0xFFFFE000  }
0x11c: {  	[spmem:s1] =	stream.indirect.scatter.add.f32 [tilespmem:s23], [sflag:$0x7], $0x40, s12, s18, $0xb8;
	[tilespmem:$0x1D700] =	vst v63  }
0x11d: {  	_ =	swait.ge [sflag:s17], $0x2000  }
0x11e: {  	[sflag:s17] =	ssyncset.done $0x0  }
0x11f: {  	[sflag:s17] =	ssyncadd.s32 $0xFFFFE000  }
0x120: {  	_ =	swait.ge [sflag:s31], $0x2000  }
0x121: {  	[sflag:s31] =	ssyncset.done $0x0  }
0x122: {  	s22 =	simm.s32 $0x4B80;
	[sflag:s31] =	ssyncadd.s32 $0xFFFFE000  }
0x123: {  	[spmem:s1] =	stream.indirect.scatter.add.f32 [tilespmem:s24], [sflag:$0x7], $0x40, s22, s18, $0xb8;
	[tilespmem:$0x1D700] =	vst v63  }
0x124: {  	_ =	swait.ge [sflag:s17], $0x2000  }
0x125: {  	[sflag:s17] =	ssyncset.done $0x0  }
0x126: {  	[sflag:s17] =	ssyncadd.s32 $0xFFFFE000  }
0x127: {  	_ =	swait.ge [sflag:s0], $0x2000  }
0x128: {  	[sflag:s0] =	ssyncset.done $0x0  }
0x129: {  	s10 =	simm.s32 $0x4C80;
	[sflag:s0] =	ssyncadd.s32 $0xFFFFE000  }
0x12a: {  	[spmem:s1] =	stream.indirect.scatter.add.f32 [tilespmem:s25], [sflag:$0x7], $0x40, s10, s18, $0xb8;
	[tilespmem:$0x1D700] =	vst v63  }
0x12b: {  	_ =	swait.ge [sflag:s17], $0x2000  }
0x12c: {  	[sflag:s17] =	ssyncset.done $0x0  }
0x12d: {  	[sflag:s17] =	ssyncadd.s32 $0xFFFFE000  }
0x12e: {  	_ =	swait.ge [sflag:s2], $0x2000  }
0x12f: {  	[sflag:s2] =	ssyncset.done $0x0  }
0x130: {  	s11 =	simm.s32 $0x4D80;
	[sflag:s2] =	ssyncadd.s32 $0xFFFFE000  }
0x131: {  	[spmem:s1] =	stream.indirect.scatter.add.f32 [tilespmem:s26], [sflag:$0x7], $0x40, s11, s18, $0xb8;
	[tilespmem:$0x1D700] =	vst v63  }
0x132: {  	_ =	swait.ge [sflag:s17], $0x2000  }
0x133: {  	s9 =	simm.s32 @!p0 $0x80;
	[sflag:s17] =	ssyncset.done $0x0  }
0x134: {  	s10 =	simm.s32 @!p0 $0x4E00;
	s11 =	simm.s32 @!p0 $0x4F00;
	[sflag:s17] =	ssyncadd.s32 $0xFFFFE000  }
0x135: {  	[tilespmem:s11], [sflag:$0x1] =	stream.indirect.gather @!p0 [hbm4b:s4+s9], $0x40, s10, s9, $0xb8;
	[tilespmem:$0x1D700] =	vst v63  }
0x136: {  	s10 =	simm.s32 @!p0 $0x1  }
0x137: {  	_ =	swait.ge @!p0 [sflag:s10], $0x2000  }
0x138: {  	[sflag:s10] =	ssyncset.done @!p0 $0x0  }
0x139: {  	[sflag:s10] =	ssyncadd.s32 @!p0 $0xFFFFE000;
	s10 =	simm.s32 @!p0 $0x4E80  }
0x13a: {  	[spmem:s1] =	stream.indirect.scatter.add.f32 @!p0 [tilespmem:s11], [sflag:$0x7], $0x40, s10, s9, $0xb8;
	[tilespmem:$0x1D700] =	vst v63  }
0x13b: {  	s9 =	simm.s32 @!p0 $0x7  }
0x13c: {  	_ =	swait.ge @!p0 [sflag:s9], $0x2000  }
0x13d: {  	[sflag:s9] =	ssyncset.done @!p0 $0x0  }
0x13e: {  	[sflag:s9] =	ssyncadd.s32 @!p0 $0xFFFFE000  }
0x13f: {  	[bflag:$0x0] =	sbarrier.arrive $0xFFFF  }
0x140: {  	[tilespmem:s16], [sflag:$0x7] =	stream.linear.gather [spmem:s5], $0x2800, $0x38;
	[tilespmem:$0x1D700] =	vst v63  }
0x141: {  	_ =	swait.ge [sflag:s17], $0x2800  }
0x142: {  	[sflag:s17] =	ssyncset.done $0x0  }
0x143: {  	s12 =	rddreg [dreg:$0x6];
	[sflag:s17] =	ssyncadd.s32 $0xFFFFD800  }
0x144: {  	[hbm4b:s12+s3] =	stream.strided.scatter [tilespmem:s16], [sflag:$0x7], $0x2800, s18, s3, $0x38;
	[tilespmem:$0x1D700] =	vst v63  }
0x145: {  	_ =	swait.ge [sflag:s17], $0x2800  }
0x146: {  	[sflag:s17] =	ssyncset.done $0x0  }
0x147: {  	[sflag:s17] =	ssyncadd.s32 $0xFFFFD800  }
0x148: {  	[tilespmem:s16], [sflag:$0x7] =	stream.linear.gather [spmem:s6], $0x2800, $0x38;
	[tilespmem:$0x1D700] =	vst v63  }
0x149: {  	_ =	swait.ge [sflag:s17], $0x2800  }
0x14a: {  	[sflag:s17] =	ssyncset.done $0x0  }
0x14b: {  	s22 =	rddreg [dreg:$0x7];
	[sflag:s17] =	ssyncadd.s32 $0xFFFFD800  }
0x14c: {  	[hbm4b:s22+s3] =	stream.strided.scatter [tilespmem:s16], [sflag:$0x7], $0x2800, s18, s3, $0x38;
	[tilespmem:$0x1D700] =	vst v63  }
0x14d: {  	_ =	swait.ge [sflag:s17], $0x2800  }
0x14e: {  	[sflag:s17] =	ssyncset.done $0x0  }
0x14f: {  	[sflag:s17] =	ssyncadd.s32 $0xFFFFD800  }
0x150: {  	[tilespmem:s16], [sflag:$0x7] =	stream.linear.gather [spmem:s7], $0x2800, $0x38;
	[tilespmem:$0x1D700] =	vst v63  }
0x151: {  	_ =	swait.ge [sflag:s17], $0x2800  }
0x152: {  	[sflag:s17] =	ssyncset.done $0x0  }
0x153: {  	[sflag:s17] =	ssyncadd.s32 $0xFFFFD800  }
0x154: {  	[hbm4b:s13+s3] =	stream.strided.scatter [tilespmem:s16], [sflag:$0x7], $0x2800, s18, s3, $0x38;
	[tilespmem:$0x1D700] =	vst v63  }
0x155: {  	_ =	swait.ge [sflag:s17], $0x2800  }
0x156: {  	[sflag:s17] =	ssyncset.done $0x0  }
0x157: {  	[sflag:s17] =	ssyncadd.s32 $0xFFFFD800  }
0x158: {  	[tilespmem:s16], [sflag:$0x7] =	stream.linear.gather [spmem:s8], $0x2800, $0x38;
	[tilespmem:$0x1D700] =	vst v63  }
0x159: {  	s20 =	sadd.s32 $0x1, s20;
	_ =	swait.ge [sflag:s17], $0x2800  }
0x15a: {  	p1 =	sne.s32 s20, s15;
	[sflag:s17] =	ssyncset.done $0x0  }
.Ltmp3:
0x15b: {  	[sflag:s17] =	ssyncadd.s32 $0xFFFFD800;
	(pc) =	sbr.rel @p1 .LBB2_1-.Ltmp3, $4  }
0x15c: {  	[hbm4b:s14+s3] =	stream.strided.scatter [tilespmem:s16], [sflag:$0x7], $0x2800, s18, s3, $0x38;
	[tilespmem:$0x1D700] =	vst v63  }
0x15d: {  	_ =	swait.ge [sflag:s17], $0x2800  }
0x15e: {  	[sflag:s17] =	ssyncset.done $0x0  }
0x15f: {  	[sflag:s17] =	ssyncadd.s32 $0xFFFFD800  }
0x160: {  	_ =	sfence.sel $0x180000  }
0x161: {  	[bflag:$0x0] =	sbarrier.arrive $0xFFFF  }
0x162: {  	_ =	strace $0x9000004A  }
0x163: {  	s0 =	stileid.u32;
	[bflag:$0x2] =	sbarrier.arrive $0xFFFF  }
0x164: {  	p0 =	sne.s32 s0, $0x0;
	s0 =	rddreg [dreg:$0x3]  }
0x165: {  	s0 =	sadd.s32 @!p0 $0x100000, s0  }
0x166: {  	[sflag:s0] =	ssyncadd.tile.s32 @!p0 $0x1;
	_ =	shalt  }
.Lfunc_end2:
_tile_overlayer_lowered:
.L_overlay_start_2:
0x167: {  	(tag) =	ssettag $0x2  }
0x168: {  	s0 =	rddreg [dreg:$0x0];
	s2 =	stileid.u32  }
0x169: {  	s1 =	rddreg [dreg:$0x1];
	p0 =	sne.s32 s2, $0x0  }
0x16a: {  	s3 =	rddreg [dreg:$0x2];
	[bflag:$0x3] =	sbarrier.arrive $0xFFFF;
	s2 =	simm.s32 @!p0 $0x1C07  }
0x16b: {  	[timem:s3], [sflag:s2] =	dma.local @!p0 [hbm:s0], s1  }
0x16c: {  	s0 =	simm.s32 @!p0 $0x7  }
0x16d: {  	_ =	swait.ge @!p0 [sflag:s0], s1  }
0x16e: {  	s1 =	ssub.s32 @!p0 $0x0, s1;
	[sflag:s0] =	ssyncset.done @!p0 $0x0  }
0x16f: {  	[sflag:s0] =	ssyncadd.s32 @!p0 s1  }
0x170: {  	[bflag:$0x3] =	sbarrier.arrive $0xFFFF  }
0x171: {  	_ =	shalt  }

// kernel: kernel.17.cloned.1.call-start
scs
__scs_entry_jumppad:
0x0: {  	(pc) =	sbr.rel $0x88, $3  }
0x1: {  	(tag) =	ssettag $0x0;
	lr =	simm.s32 $0x1  }
0x2: {  	[smem:$0x3F90] =	sst lr;
	_ =	strace $0xD0000000  }
0x3: {  	_ = 	snop  }
0x4: {  	_ = 	snop  }
0x5: {  	_ = 	snop  }
0x6: {  	_ = 	snop  }
0x7: {  	_ = 	snop  }
__scs_overlays_trampoline_lowered:
0x8: {  	[smem:$0x3F9F] =	sst s0  }
0x9: {  	[smem:$0x3FA0] =	sst s1  }
0xa: {  	[smem:$0x3FA1] =	sst s2  }
0xb: {  	[smem:$0x3FA2] =	sst s3  }
0xc: {  	[smem:$0x3FA3] =	sst s4  }
0xd: {  	[smem:$0x3FA4] =	sst s5  }
0xe: {  	[smem:$0x3FA5] =	sst s6  }
0xf: {  	[smem:$0x3FA6] =	sst s7  }
0x10: {  	[smem:$0x3FA7] =	sst s8  }
0x11: {  	[smem:$0x3FA8] =	sst s9;
	s0 =	simm.s32 @!p0 $0x0  }
0x12: {  	s1 =	sld [smem:$0x3F8E];
	s0 =	simm.s32 @p0 $0x1  }
0x13: {  	[smem:$0x3FA9] =	sst s0;
	s0 =	simm.s32 @!p1 $0x0  }
0x14: {  	s2 =	sld [smem:$0x3F8D];
	s0 =	simm.s32 @p1 $0x1  }
0x15: {  	[smem:$0x3FAA] =	sst s0;
	s0 =	simm.s32 @!p2 $0x0  }
0x16: {  	s3 =	sld [smem:$0x3FDB];
	s0 =	simm.s32 @p2 $0x1  }
0x17: {  	s4 =	simm.s32 $0x1BF5;
	[smem:$0x3FAC] =	sst s0  }
0x18: {  	s0 =	sld [smem:$0x3F8F];
	_ =	swait.ge [sflag:s4], $0x0  }
0x19: {  	s7 =	sld [smem:$0x3F90]  }
0x1a: {  	s8 =	sadd.s32 $0xFFFFE003, lr  }
0x1b: {  	s9 =	sadd.s32 $0xFFFFFEF7, lr;
	s5 =	simm.s32 $0xFFFFFFFF;
	p2 =	slt.u32 s8, $0xFFFFF086  }
0x1c: {  	p1 =	slt.u32 s9, $0xF7A;
	s5 =	simm.s32 @!p2 $0x0  }
0x1d: {  	s5 =	simm.s32 @p1 $0x1;
	p0 =	seq.s32 s7, s2  }
0x1e: {  	s7 =	smul.u32 @!p0 $0xF7A, s2;
	p2 =	seq.s32 @!p0 s5, $0x0  }
0x1f: {  	s9 =	smul.u32 $0xF7A, s1;
	s8 =	simm.s32 @!p0 $0x1BF5;
	p2 =	por !p2, p0  }
0x20: {  	[sflag:s8] =	ssyncset.s32 @!p0 $0xFFFFF086;
	s6 =	sadd.s32 @!p0 s3, s7;
	s7 =	simm.s32 @!p0 $0x108  }
0x21: {  	s3 =	sadd.s32 s3, s9;
	s6 =	sadd.s32 @!p0 $0x88, s6;
	s7 =	simm.s32 @p2 $0x1082  }
0x22: {  	[simem:s7], [sflag:s8] =	dma.local @!p0 [hbm:s6], $0xF7A  }
0x23: {  	s9 =	sor.u32 $0xD0000000, s2;
	s6 =	simm.s32 $0x108;
	_ =	swait.ge @!p0 [sflag:s8], $0x0  }
0x24: {  	s3 =	sadd.s32 $0x88, s3;
	s6 =	simm.s32 @!p1 $0x1082;
	[sflag:s4] =	ssyncset.s32 $0xFFFFF086  }
0x25: {  	[simem:s6], [sflag:s4] =	dma.local [hbm:s3], $0xF7A  }
0x26: {  	[smem:$0x3F90] =	sst s1;
	(tag) =	ssettag s2;
	_ =	strace s9  }
0x27: {  	s1 =	sld [smem:$0x3FA0]  }
0x28: {  	s2 =	sld [smem:$0x3FA1]  }
0x29: {  	s4 =	sld [smem:$0x3FA3]  }
0x2a: {  	p0 =	seq.s32 s5, $0x0;
	s5 =	sld [smem:$0x3FA4]  }
0x2b: {  	s6 =	sld [smem:$0x3FA5]  }
0x2c: {  	s7 =	sld [smem:$0x3FA6]  }
0x2d: {  	s3 =	simm.s32 $0x108;
	s8 =	sld [smem:$0x3FA7]  }
0x2e: {  	s3 =	simm.s32 @!p0 $0x1082;
	s9 =	sld [smem:$0x3FA8]  }
0x2f: {  	lr =	sadd.s32 s0, s3;
	s0 =	sld [smem:$0x3F9F]  }
0x30: {  	s3 =	sld [smem:$0x3FA2]  }
0x31: {  	[smem:$0x3FAB] =	sst s10  }
0x32: {  	s10 =	sld [smem:$0x3FA9];
	_ =	sdelay $0x3  }
0x33: {  	p0 =	seq.s32 s10, $0x1;
	s10 =	sld [smem:$0x3FAB];
	_ =	sdelay $0x3  }
0x34: {  	[smem:$0x3FAB] =	sst s10  }
0x35: {  	s10 =	sld [smem:$0x3FAA];
	_ =	sdelay $0x3  }
0x36: {  	p1 =	seq.s32 s10, $0x1;
	s10 =	sld [smem:$0x3FAB];
	_ =	sdelay $0x3  }
0x37: {  	[smem:$0x3FAB] =	sst s10  }
0x38: {  	s10 =	sld [smem:$0x3FAC]  }
0x39: {  	_ = 	snop;
	(pc) =	sbr.ind lr, $3  }
0x3a: {  	_ = 	snop  }
0x3b: {  	_ = 	snop  }
0x3c: {  	p2 =	seq.s32 s10, $0x1;
	s10 =	sld [smem:$0x3FAB]  }
0x3d: {  	_ =	shalt  }
0x3e: {  	_ =	shalt  }
0x3f: {  	_ =	shalt  }
0x40: {  	_ =	shalt  }
0x41: {  	_ =	shalt  }
0x42: {  	_ =	shalt  }
0x43: {  	_ =	shalt  }
0x44: {  	_ =	shalt  }
0x45: {  	_ =	shalt  }
0x46: {  	_ =	shalt  }
0x47: {  	_ =	shalt  }
0x48: {  	_ =	shalt  }
0x49: {  	_ =	shalt  }
0x4a: {  	_ =	shalt  }
0x4b: {  	_ =	shalt  }
0x4c: {  	_ =	shalt  }
0x4d: {  	_ =	shalt  }
0x4e: {  	_ =	shalt  }
0x4f: {  	_ =	shalt  }
0x50: {  	_ =	shalt  }
0x51: {  	_ =	shalt  }
0x52: {  	_ =	shalt  }
0x53: {  	_ =	shalt  }
0x54: {  	_ =	shalt  }
0x55: {  	_ =	shalt  }
0x56: {  	_ =	shalt  }
0x57: {  	_ =	shalt  }
0x58: {  	_ =	shalt  }
0x59: {  	_ =	shalt  }
0x5a: {  	_ =	shalt  }
0x5b: {  	_ =	shalt  }
0x5c: {  	_ =	shalt  }
0x5d: {  	_ =	shalt  }
0x5e: {  	_ =	shalt  }
0x5f: {  	_ =	shalt  }
0x60: {  	_ =	shalt  }
0x61: {  	_ =	shalt  }
0x62: {  	_ =	shalt  }
0x63: {  	_ =	shalt  }
0x64: {  	_ =	shalt  }
0x65: {  	_ =	shalt  }
0x66: {  	_ =	shalt  }
0x67: {  	_ =	shalt  }
0x68: {  	_ =	shalt  }
0x69: {  	_ =	shalt  }
0x6a: {  	_ =	shalt  }
0x6b: {  	_ =	shalt  }
0x6c: {  	_ =	shalt  }
0x6d: {  	_ =	shalt  }
0x6e: {  	_ =	shalt  }
0x6f: {  	_ =	shalt  }
0x70: {  	_ =	shalt  }
0x71: {  	_ =	shalt  }
0x72: {  	_ =	shalt  }
0x73: {  	_ =	shalt  }
0x74: {  	_ =	shalt  }
0x75: {  	_ =	shalt  }
0x76: {  	_ =	shalt  }
0x77: {  	_ =	shalt  }
0x78: {  	_ =	shalt  }
0x79: {  	_ =	shalt  }
0x7a: {  	_ =	shalt  }
0x7b: {  	_ =	shalt  }
0x7c: {  	_ =	shalt  }
0x7d: {  	_ =	shalt  }
0x7e: {  	_ =	shalt  }
0x7f: {  	_ =	shalt  }
0x80: {  	_ =	shalt  }
0x81: {  	_ =	shalt  }
0x82: {  	_ =	shalt  }
0x83: {  	_ =	shalt  }
0x84: {  	_ =	shalt  }
0x85: {  	_ =	shalt  }
0x86: {  	_ =	shalt  }
0x87: {  	_ =	shalt  }
.Lfunc_end0:
.L_simem_size_0:
called_computation.2_lowered:
.L_overlay_start_0:
0x88: {  	s2 =	sld [smem:$0x3FD9]  }
0x89: {  	s3 =	sld [smem:$0x3FFE];
	_ =	sdelay $0x1  }
0x8a: {  	s1 =	srdreg.scid  }
0x8b: {  	s0 =	sand.u32 $0x1, s1  }
0x8c: {  	s17 =	sshll.u32 s0, $0xA;
	s2 =	sadd.s32 s3, s2  }
0x8d: {  	s2 =	sadd.s32 s2, s17  }
0x8e: {  	[smem:$0x3FB7] =	sst s2  }
0x8f: {  	_ = 	snop  }
0x90: {  	s2 =	sld [smem:$0x3FC8];
	(tm) =	ssettm $0x1  }
0x91: {  	s18 =	sld [smem:$0x3FFB];
	_ =	sdelay $0x3  }
0x92: {  	_ =	strace s18  }
0x93: {  	s3 =	sld [smem:$0x3FFC];
	_ =	sdelay $0x3  }
0x94: {  	_ =	strace s3  }
0x95: {  	s3 =	sld [smem:$0x3FFD];
	_ =	sdelay $0x3  }
0x96: {  	_ =	strace s3  }
0x97: {  	_ =	strace $0x8FFFFFFF  }
0x98: {  	s19 =	sld [smem:$0x3FDB];
	_ =	sdelay $0x1  }
0x99: {  	s4 =	simm.s32 $_scs_section_size  }
0x9a: {  	s5 =	simm.s32 $_size__tile_overlayer_lowered;
	s6 =	simm.s32 $_tile_overlayer_lowered  }
0x9b: {  	s22 =	simm.s32 $0x1BFF;
	s21 =	sshll.u32 s6, $0x1;
	s3 =	sadd.s32 s4, s19  }
0x9c: {  	s7 =	simm.s32 $0x0;
	s20 =	sshll.u32 s5, $0x1;
	s5 =	sadd.s32 s21, s3  }
0x9d: {  	[timem:s7], [sflag:s22] =	dma.local [hbm:s5], s20  }
0x9e: {  	_ =	swait.ge [sflag:s22], s20  }
0x9f: {  	s4 =	ssub.s32 $0x0, s20;
	[sflag:s22] =	ssyncset.done $0x0  }
0xa0: {  	[sflag:s22] =	ssyncadd.s32 s4;
	_ =	sdelay $0x1  }
0xa1: {  	s23 =	simm.s32 $0x1B8B  }
0xa2: {  	_ =	swait.ge [sflag:s23], $0x1  }
0xa3: {  	[sflag:s23] =	ssyncset.done $0x0  }
0xa4: {  	s25 =	simm.s32 $0x1B8E;
	s24 =	sld [smem:$0x3FFE];
	[sflag:s23] =	ssyncadd.s32 $0xFFFFFFFF  }
0xa5: {  	s26 =	simm.s32 $execute0_lowered;
	[smem:$0x3FD2] =	sst s25  }
0xa6: {  	s5 =	sshll.u32 s26, $0x1;
	_ =	strace $0x8000004C;
	[dreg:$0x1] =	wrdreg $0xFFFFFFFF  }
0xa7: {  	s28 =	simm.s32 $_size_execute0_lowered;
	s3 =	sadd.s32 s3, s5;
	[dreg:$0x0] =	wrdreg $0x0  }
0xa8: {  	s5 =	sshll.u32 s28, $0x1;
	[dreg:$0x2] =	wrdreg s3  }
0xa9: {  	[dreg:$0x3] =	wrdreg s5  }
0xaa: {  	[dreg:$0x4] =	wrdreg $0xC0  }
0xab: {  	_ =	task [dreg:s7], $0x5FFFF  }
0xac: {  	[dreg:$0x1] =	wrdreg $0xFFFFFFFF  }
0xad: {  	[dreg:$0x0] =	wrdreg $0x60  }
0xae: {  	[dreg:$0x2] =	wrdreg s24  }
0xaf: {  	[dreg:$0x3] =	wrdreg s2  }
0xb0: {  	[dreg:$0x4] =	wrdreg $0x137000  }
0xb1: {  	[dreg:$0x5] =	wrdreg $0x9  }
0xb2: {  	_ =	task.clear_ibuf [dreg:s7], $0x6FFFF;
	_ =	strace $0x9000004C  }
0xb3: {  	s29 =	simm.s32 $0x9;
	_ =	strace $0x8000004E  }
0xb4: {  	_ =	swait.ge [sflag:s29], $0x1  }
0xb5: {  	[sflag:s29] =	ssyncadd.s32 $0xFFFFFFFF  }
0xb6: {  	_ =	strace $0x9000004E  }
0xb7: {  	_ =	sfence  }
0xb8: {  	s30 =	sld [smem:$0x0];
	_ =	sdelay $0x2  }
0xb9: {  	s31 =	sshll.u32 s1, $0xD;
	s1 =	sshrl.u32 s1, $0x2  }
0xba: {  	s3 =	sand.u32 $0x4000, s31;
	s1 =	sadd.s32 s1, s30  }
0xbb: {  	s0 =	sor.u32 s3, s0;
	s1 =	sshll.u32 s1, $0x11  }
0xbc: {  	s0 =	sor.u32 s1, s0  }
0xbd: {  	s0 =	sadd.s32 $0x8F2B, s0  }
0xbe: {  	[sflag:s0] =	ssyncadd.remote.s32 $0x1  }
0xbf: {  	_ =	sfence.sel $0xFFFF  }
0xc0: {  	[dreg:$0x0] =	wrdreg $0xFFFFFFFF;
	(pc) =	sbr.abs _section_cstart, $3  }
0xc1: {  	[dreg:$0x1] =	wrdreg $0xFFFFFFFF  }
0xc2: {  	_ =	task.clear_ibuf [dreg:s7], $0x2FFFF;
	_ =	strace $0x9FFFFFFF  }
0xc3: {  	(tm) =	ssettm $0x7FFFFFFF  }
tec
execute0_lowered:
.L_overlay_start_1:
0x0: {  	(tag) =	ssettag $0x1  }
0x1: {  	s0 =	rddreg [dreg:$0x0]  }
0x2: {  	s2 =	rddreg [dreg:$0x1]  }
0x3: {  	s1 =	rddreg [dreg:$0x2];
	s3 =	simm.s32 $0x0;
	s14 =	srdreg.scid  }
0x4: {  	s16 =	stileid.u32;
	s28 =	simm.s32 $0x1;
	s29 =	simm.s32 $0x2  }
0x5: {  	s30 =	simm.s32 $0x3;
	s31 =	simm.s32 $0x4;
	s6 =	smul.u32 $0x28000, s16  }
0x6: {  	[smem:$0x7FF] =	sst s3;
	s3 =	sand.u32 $0x1, s14;
	s8 =	smul.u32 $0x280, s16  }
0x7: {  	s4 =	sadd.s32 $0x3A00, s0;
	s0 =	sadd.s32 $0x51E00, s0;
	s19 =	smul.u32 $0x14000, s16  }
0x8: {  	_ =	strace $0x8000004D;
	s5 =	ssub.s32 $0x2, s3;
	s15 =	sshll.u32 s3, $0x4  }
0x9: {  	s3 =	smul.u32 $0x140000, s3;
	s7 =	sshrl.u32 s5, $0x1;
	s6 =	sshrl.u32 s6, $0x2  }
0xa: {  	s10 =	sor.u32 s16, s15;
	s11 =	sadd.s32 $0xA0, s8;
	s12 =	sadd.s32 $0x140, s8  }
0xb: {  	s13 =	sadd.s32 $0x1E0, s8;
	s16 =	sshll.u32 s16, $0x5;
	s9 =	ssub.s32 s5, s7  }
0xc: {  	s5 =	sadd.s32 s6, s1;
	s17 =	sshll.u32 s11, $0x6;
	s18 =	sshll.u32 s12, $0x6  }
0xd: {  	s14 =	sshll.u32 s13, $0x6;
	s15 =	smul.u32 $0x9C0, s10;
	s20 =	sadd.s32 s16, s2  }
0xe: {  	s24 =	sshll.u32 s11, $0x7;
	s25 =	sshll.u32 s12, $0x7;
	s26 =	sshll.u32 s13, $0x7  }
0xf: {  	p0 =	sgt.u32 s10, $0x3;
	s16 =	simm.s32 $0x10F00;
	s6 =	sadd.s32 s17, s1  }
0x10: {  	s7 =	sadd.s32 s18, s1;
	s17 =	sadd.s32 s19, s3;
	s8 =	sadd.s32 s14, s1  }
0x11: {  	s22 =	sadd.s32 $0x13800, s20;
	s11 =	sadd.s32 s3, s25;
	s18 =	simm.s32 $0x80  }
0x12: {  	s19 =	simm.s32 $0x4F00;
	s25 =	simm.s32 $0xCF00;
	s20 =	simm.s32 $0x0  }
0x13: {  	s21 =	sshrl.u32 s17, $0x3;
	s2 =	sadd.s32 s2, s15;
	[dreg:$0x5] =	wrdreg s22  }
0x14: {  	s11 =	sshrl.u32 s11, $0x3;
	s15 =	smax.u32 s9, $0x1;
	s17 =	simm.s32 $0x7  }
0x15: {  	[dreg:$0x4] =	wrdreg s2;
	s23 =	sadd.s32 s0, s21;
	s2 =	sadd.s32 s3, s24  }
0x16: {  	s3 =	sadd.s32 s3, s26;
	s13 =	sadd.s32 s0, s11;
	s21 =	simm.s32 $0x6F00  }
0x17: {  	s24 =	simm.s32 $0xAF00;
	s26 =	simm.s32 $0xEF00;
	[dreg:$0x6] =	wrdreg s23  }
0x18: {  	s2 =	sshrl.u32 s2, $0x3;
	s3 =	sshrl.u32 s3, $0x3;
	s23 =	simm.s32 $0x8F00  }
0x19: {  	s2 =	sadd.s32 s0, s2;
	s14 =	sadd.s32 s0, s3;
	s0 =	simm.s32 $0x5  }
0x1a: {  	v0 =	vimm.f32 $0.0e+00;
	s3 =	simm.s32 $0x40;
	[dreg:$0x7] =	wrdreg s2;
	s2 =	simm.s32 $0x6  }
.LBB2_1:
0x1b: {  	s10 =	simm.s32 $0x100;
	s9 =	simm.s32 $0x0  }
.LBB2_2:
0x1c: {  	p1 =	sne.s32 s10, $0x9F00;
	[tilespmem:s9+$0x10F30] =	vst v0;
	s11 =	smov.u32 s10;
	s10 =	sadd.s32 $0x100, s10  }
.Ltmp0:
0x1d: {  	[tilespmem:s9+$0x10F20] =	vst v0;
	(pc) =	sbr.rel @p1 .LBB2_2-.Ltmp0, $3  }
0x1e: {  	[tilespmem:s9+$0x10F00] =	vst v0  }
0x1f: {  	[tilespmem:s9+$0x10F10] =	vst v0;
	_ =	sdelay $0x1  }
0x20: {  	s9 =	sshra.s32 s11, $0x2  }
0x21: {  	[tilespmem:s9+$0x10F30] =	vst v0  }
0x22: {  	[tilespmem:s9+$0x10F20] =	vst v0  }
0x23: {  	[tilespmem:s9+$0x10F00] =	vst v0  }
0x24: {  	[tilespmem:s9+$0x10F10] =	vst v0  }
0x25: {  	[spmem:s5] =	stream.linear.scatter [tilespmem:s16], [sflag:$0x7], $0x2800, $0x38;
	[tilespmem:$0x1D700] =	vst v63  }
0x26: {  	_ =	swait.ge [sflag:s17], $0x2800  }
0x27: {  	[sflag:s17] =	ssyncset.done $0x0  }
0x28: {  	[sflag:s17] =	ssyncadd.s32 $0xFFFFD800  }
0x29: {  	[spmem:s6] =	stream.linear.scatter [tilespmem:s16], [sflag:$0x7], $0x2800, $0x38;
	[tilespmem:$0x1D700] =	vst v63  }
0x2a: {  	_ =	swait.ge [sflag:s17], $0x2800  }
0x2b: {  	[sflag:s17] =	ssyncset.done $0x0  }
0x2c: {  	[sflag:s17] =	ssyncadd.s32 $0xFFFFD800  }
0x2d: {  	[spmem:s7] =	stream.linear.scatter [tilespmem:s16], [sflag:$0x7], $0x2800, $0x38;
	[tilespmem:$0x1D700] =	vst v63  }
0x2e: {  	_ =	swait.ge [sflag:s17], $0x2800  }
0x2f: {  	[sflag:s17] =	ssyncset.done $0x0  }
0x30: {  	[sflag:s17] =	ssyncadd.s32 $0xFFFFD800  }
0x31: {  	[spmem:s8] =	stream.linear.scatter [tilespmem:s16], [sflag:$0x7], $0x2800, $0x38;
	[tilespmem:$0x1D700] =	vst v63  }
0x32: {  	_ =	swait.ge [sflag:s17], $0x2800  }
0x33: {  	[sflag:s17] =	ssyncset.done $0x0  }
0x34: {  	s22 =	simm.s32 $0x0;
	s10 =	rddreg [dreg:$0x4];
	[sflag:s17] =	ssyncadd.s32 $0xFFFFD800  }
0x35: {  	[tilespmem:s22], [sflag:$0x7] =	stream.linear.gather [hbm4b:s10+s22], $0x4E00, $0x38;
	[tilespmem:$0x1D700] =	vst v63  }
0x36: {  	_ =	swait.ge [sflag:s17], $0x4E00  }
0x37: {  	s9 =	simm.s32 @!p0 $0x0;
	[sflag:s17] =	ssyncset.done $0x0  }
0x38: {  	s10 =	simm.s32 @!p0 $0x4E00;
	s11 =	rddreg [dreg:$0x5];
	[sflag:s17] =	ssyncadd.s32 $0xFFFFB200  }
0x39: {  	[tilespmem:s10], [sflag:$0x7] =	stream.linear.gather @!p0 [hbm4b:s11+s9], $0x100, $0x38;
	[tilespmem:$0x1D700] =	vst v63  }
0x3a: {  	s9 =	simm.s32 @!p0 $0x7  }
0x3b: {  	_ =	swait.ge @!p0 [sflag:s9], $0x100  }
0x3c: {  	[sflag:s9] =	ssyncset.done @!p0 $0x0  }
0x3d: {  	[sflag:s9] =	ssyncadd.s32 @!p0 $0xFFFFFF00;
	s9 =	simm.s32 $0x0  }
0x3e: {  	v3 =	vld [tilespmem:s9+$0x0]  }
0x3f: {  	v5 =	vld [tilespmem:s9+$0x10]  }
0x40: {  	v4 =	vld [tilespmem:s9+$0x20]  }
0x41: {  	v2 =	vld [tilespmem:s9+$0x30]  }
0x42: {  	v1 =	vld [tilespmem:s9+$0x40]  }
0x43: {  	v6 =	vshll.u32 v3, $0x1;
	v3 =	vld [tilespmem:s9+$0x50]  }
0x44: {  	s10 =	simm.s32 $0x400;
	[tilespmem:s9+$0x0] =	vst v6;
	v6 =	vshll.u32 v5, $0x1;
	v5 =	vld [tilespmem:s9+$0x60]  }
.LBB2_4:
0x45: {  	s11 =	sshra.s32 s10, $0x2;
	p1 =	sne.s32 s10, $0x13400;
	[tilespmem:s9+$0x10] =	vst v6;
	v4 =	vshll.u32 v4, $0x1;
	v6 =	vld [tilespmem:s9+$0x70]  }
0x46: {  	v7 =	vld [tilespmem:s11+$0x0];
	[tilespmem:s9+$0x20] =	vst v4;
	v2 =	vshll.u32 v2, $0x1  }
0x47: {  	v8 =	vld [tilespmem:s11+$0x10];
	[tilespmem:s9+$0x30] =	vst v2;
	v1 =	vshll.u32 v1, $0x1  }
.Ltmp1:
0x48: {  	v4 =	vld [tilespmem:s11+$0x20];
	[tilespmem:s9+$0x40] =	vst v1;
	v1 =	vshll.u32 v3, $0x1;
	(pc) =	sbr.rel @p1 .LBB2_4-.Ltmp1, $4  }
0x49: {  	v2 =	vld [tilespmem:s11+$0x30];
	[tilespmem:s9+$0x50] =	vst v1;
	v3 =	vshll.u32 v5, $0x1  }
0x4a: {  	v1 =	vld [tilespmem:s11+$0x40];
	[tilespmem:s9+$0x60] =	vst v3;
	v5 =	vshll.u32 v6, $0x1  }
0x4b: {  	v6 =	vshll.u32 v7, $0x1;
	v3 =	vld [tilespmem:s11+$0x50];
	[tilespmem:s9+$0x70] =	vst v5;
	s9 =	smov.u32 s11  }
0x4c: {  	s10 =	sadd.s32 $0x400, s10;
	[tilespmem:s9+$0x0] =	vst v6;
	v6 =	vshll.u32 v8, $0x1;
	v5 =	vld [tilespmem:s9+$0x60]  }
0x4d: {  	[tilespmem:s9+$0x10] =	vst v6;
	v4 =	vshll.u32 v4, $0x1;
	v63 =	vld [tilespmem:s9+$0x70]  }
0x4e: {  	[tilespmem:s9+$0x20] =	vst v4;
	v2 =	vshll.u32 v2, $0x1  }
0x4f: {  	[tilespmem:s9+$0x30] =	vst v2;
	v1 =	vshll.u32 v1, $0x1  }
0x50: {  	[tilespmem:s9+$0x40] =	vst v1;
	v1 =	vshll.u32 v3, $0x1  }
0x51: {  	[tilespmem:s9+$0x50] =	vst v1;
	v1 =	vshll.u32 v5, $0x1  }
0x52: {  	[tilespmem:s9+$0x60] =	vst v1;
	v1 =	vshll.u32 v63, $0x1  }
0x53: {  	[tilespmem:s9+$0x70] =	vst v1  }
0x54: {  	v1 =	vld @!p0 [tilespmem:$0x4E00]  }
0x55: {  	v2 =	vld @!p0 [tilespmem:$0x4E10]  }
0x56: {  	v3 =	vld @!p0 [tilespmem:$0x4E20]  }
0x57: {  	v4 =	vld @!p0 [tilespmem:$0x4E30]  }
0x58: {  	v5 =	vld @!p0 [tilespmem:$0x4E40]  }
0x59: {  	v6 =	vld @!p0 [tilespmem:$0x4E50];
	v1 =	vshll.u32 @!p0 v1, $0x1  }
0x5a: {  	[tilespmem:$0x4E00] =	vst @!p0 v1;
	v1 =	vshll.u32 @!p0 v2, $0x1;
	v2 =	vld @!p0 [tilespmem:$0x4E60]  }
0x5b: {  	[tilespmem:$0x4E10] =	vst @!p0 v1;
	v1 =	vshll.u32 @!p0 v3, $0x1;
	v3 =	vld @!p0 [tilespmem:$0x4E70]  }
0x5c: {  	[tilespmem:$0x4E20] =	vst @!p0 v1;
	v1 =	vshll.u32 @!p0 v4, $0x1  }
0x5d: {  	[tilespmem:$0x4E30] =	vst @!p0 v1;
	v1 =	vshll.u32 @!p0 v5, $0x1  }
0x5e: {  	[tilespmem:$0x4E40] =	vst @!p0 v1;
	v1 =	vshll.u32 @!p0 v6, $0x1  }
0x5f: {  	[tilespmem:$0x4E50] =	vst @!p0 v1;
	v1 =	vshll.u32 @!p0 v2, $0x1  }
0x60: {  	[tilespmem:$0x4E60] =	vst @!p0 v1;
	v1 =	vshll.u32 @!p0 v3, $0x1  }
0x61: {  	[tilespmem:$0x4E70] =	vst @!p0 v1  }
0x62: {  	s11 =	simm.s32 $0x0;
	[bflag:$0x0] =	sbarrier.arrive $0xFFFF  }
0x63: {  	[tilespmem:s19], [sflag:$0x1] =	stream.indirect.gather [hbm4b:s4+s18], $0x40, s11, s18, $0xb8;
	[tilespmem:$0x1D700] =	vst v63  }
0x64: {  	s12 =	simm.s32 $0x100  }
0x65: {  	[tilespmem:s21], [sflag:$0x2] =	stream.indirect.gather [hbm4b:s4+s18], $0x40, s12, s18, $0xb8;
	[tilespmem:$0x1D700] =	vst v63  }
0x66: {  	s22 =	simm.s32 $0x200  }
0x67: {  	[tilespmem:s23], [sflag:$0x3] =	stream.indirect.gather [hbm4b:s4+s18], $0x40, s22, s18, $0xb8;
	[tilespmem:$0x1D700] =	vst v63  }
0x68: {  	s10 =	simm.s32 $0x300  }
0x69: {  	[tilespmem:s24], [sflag:$0x4] =	stream.indirect.gather [hbm4b:s4+s18], $0x40, s10, s18, $0xb8;
	[tilespmem:$0x1D700] =	vst v63  }
0x6a: {  	s11 =	simm.s32 $0x400  }
0x6b: {  	[tilespmem:s25], [sflag:$0x5] =	stream.indirect.gather [hbm4b:s4+s18], $0x40, s11, s18, $0xb8;
	[tilespmem:$0x1D700] =	vst v63  }
0x6c: {  	s12 =	simm.s32 $0x500  }
0x6d: {  	[tilespmem:s26], [sflag:$0x6] =	stream.indirect.gather [hbm4b:s4+s18], $0x40, s12, s18, $0xb8;
	[tilespmem:$0x1D700] =	vst v63  }
0x6e: {  	_ =	swait.ge [sflag:s28], $0x2000  }
0x6f: {  	[sflag:s28] =	ssyncset.done $0x0  }
0x70: {  	s22 =	simm.s32 $0x80;
	[sflag:s28] =	ssyncadd.s32 $0xFFFFE000  }
0x71: {  	[spmem:s1] =	stream.indirect.scatter.add.f32 [tilespmem:s19], [sflag:$0x7], $0x40, s22, s18, $0xb8;
	[tilespmem:$0x1D700] =	vst v63  }
0x72: {  	_ =	swait.ge [sflag:s17], $0x2000  }
0x73: {  	[sflag:s17] =	ssyncset.done $0x0  }
0x74: {  	[sflag:s17] =	ssyncadd.s32 $0xFFFFE000  }
0x75: {  	_ =	swait.ge [sflag:s29], $0x2000  }
0x76: {  	[sflag:s29] =	ssyncset.done $0x0  }
0x77: {  	s10 =	simm.s32 $0x180;
	[sflag:s29] =	ssyncadd.s32 $0xFFFFE000  }
0x78: {  	[spmem:s1] =	stream.indirect.scatter.add.f32 [tilespmem:s21], [sflag:$0x7], $0x40, s10, s18, $0xb8;
	[tilespmem:$0x1D700] =	vst v63  }
0x79: {  	_ =	swait.ge [sflag:s17], $0x2000  }
0x7a: {  	[sflag:s17] =	ssyncset.done $0x0  }
0x7b: {  	[sflag:s17] =	ssyncadd.s32 $0xFFFFE000  }
0x7c: {  	_ =	swait.ge [sflag:s30], $0x2000  }
0x7d: {  	[sflag:s30] =	ssyncset.done $0x0  }
0x7e: {  	s11 =	simm.s32 $0x280;
	[sflag:s30] =	ssyncadd.s32 $0xFFFFE000  }
0x7f: {  	[spmem:s1] =	stream.indirect.scatter.add.f32 [tilespmem:s23], [sflag:$0x7], $0x40, s11, s18, $0xb8;
	[tilespmem:$0x1D700] =	vst v63  }
0x80: {  	_ =	swait.ge [sflag:s17], $0x2000  }
0x81: {  	[sflag:s17] =	ssyncset.done $0x0  }
0x82: {  	s12 =	simm.s32 $0x600;
	[sflag:s17] =	ssyncadd.s32 $0xFFFFE000  }
0x83: {  	[tilespmem:s19], [sflag:$0x1] =	stream.indirect.gather [hbm4b:s4+s18], $0x40, s12, s18, $0xb8;
	[tilespmem:$0x1D700] =	vst v63  }
0x84: {  	s22 =	simm.s32 $0x700  }
0x85: {  	[tilespmem:s21], [sflag:$0x2] =	stream.indirect.gather [hbm4b:s4+s18], $0x40, s22, s18, $0xb8;
	[tilespmem:$0x1D700] =	vst v63  }
0x86: {  	s10 =	simm.s32 $0x800  }
0x87: {  	[tilespmem:s23], [sflag:$0x3] =	stream.indirect.gather [hbm4b:s4+s18], $0x40, s10, s18, $0xb8;
	[tilespmem:$0x1D700] =	vst v63  }
0x88: {  	_ =	swait.ge [sflag:s31], $0x2000  }
0x89: {  	[sflag:s31] =	ssyncset.done $0x0  }
0x8a: {  	s11 =	simm.s32 $0x380;
	[sflag:s31] =	ssyncadd.s32 $0xFFFFE000  }
0x8b: {  	[spmem:s1] =	stream.indirect.scatter.add.f32 [tilespmem:s24], [sflag:$0x7], $0x40, s11, s18, $0xb8;
	[tilespmem:$0x1D700] =	vst v63  }
0x8c: {  	_ =	swait.ge [sflag:s17], $0x2000  }
0x8d: {  	[sflag:s17] =	ssyncset.done $0x0  }
0x8e: {  	[sflag:s17] =	ssyncadd.s32 $0xFFFFE000  }
0x8f: {  	_ =	swait.ge [sflag:s0], $0x2000  }
0x90: {  	[sflag:s0] =	ssyncset.done $0x0  }
0x91: {  	s12 =	simm.s32 $0x480;
	[sflag:s0] =	ssyncadd.s32 $0xFFFFE000  }
0x92: {  	[spmem:s1] =	stream.indirect.scatter.add.f32 [tilespmem:s25], [sflag:$0x7], $0x40, s12, s18, $0xb8;
	[tilespmem:$0x1D700] =	vst v63  }
0x93: {  	_ =	swait.ge [sflag:s17], $0x2000  }
0x94: {  	[sflag:s17] =	ssyncset.done $0x0  }
0x95: {  	[sflag:s17] =	ssyncadd.s32 $0xFFFFE000  }
0x96: {  	_ =	swait.ge [sflag:s2], $0x2000  }
0x97: {  	[sflag:s2] =	ssyncset.done $0x0  }
0x98: {  	s22 =	simm.s32 $0x580;
	[sflag:s2] =	ssyncadd.s32 $0xFFFFE000  }
0x99: {  	[spmem:s1] =	stream.indirect.scatter.add.f32 [tilespmem:s26], [sflag:$0x7], $0x40, s22, s18, $0xb8;
	[tilespmem:$0x1D700] =	vst v63  }
0x9a: {  	_ =	swait.ge [sflag:s17], $0x2000  }
0x9b: {  	s9 =	simm.s32 $0x3000;
	s22 =	simm.s32 $0x600;
	[sflag:s17] =	ssyncset.done $0x0  }
.LBB2_6:
0x9c: {  	s12 =	sadd.s32 $0x300, s22  }
0x9d: {  	[sflag:s17] =	ssyncadd.s32 $0xFFFFE000;
	s10 =	smov.u32 s9;
	s11 =	sadd.s32 $0x1800, s9  }
0x9e: {  	[tilespmem:s24], [sflag:$0x4] =	stream.indirect.gather [hbm4b:s4+s18], $0x40, s12, s18, $0xb8;
	[tilespmem:$0x1D700] =	vst v63  }
0x9f: {  	p1 =	sne.s32 s9, $0x10800;
	s9 =	sadd.s32 $0x400, s22  }
0xa0: {  	[tilespmem:s25], [sflag:$0x5] =	stream.indirect.gather [hbm4b:s4+s18], $0x40, s9, s18, $0xb8;
	[tilespmem:$0x1D700] =	vst v63  }
0xa1: {  	s9 =	sadd.s32 $0x500, s22  }
0xa2: {  	[tilespmem:s26], [sflag:$0x6] =	stream.indirect.gather [hbm4b:s4+s18], $0x40, s9, s18, $0xb8;
	[tilespmem:$0x1D700] =	vst v63  }
0xa3: {  	_ =	swait.ge [sflag:s28], $0x2000  }
0xa4: {  	[sflag:s28] =	ssyncset.done $0x0  }
0xa5: {  	s9 =	sadd.s32 $0x80, s22;
	[sflag:s28] =	ssyncadd.s32 $0xFFFFE000  }
0xa6: {  	[spmem:s1] =	stream.indirect.scatter.add.f32 [tilespmem:s19], [sflag:$0x7], $0x40, s9, s18, $0xb8;
	[tilespmem:$0x1D700] =	vst v63  }
0xa7: {  	_ =	swait.ge [sflag:s17], $0x2000  }
0xa8: {  	[sflag:s17] =	ssyncset.done $0x0  }
0xa9: {  	[sflag:s17] =	ssyncadd.s32 $0xFFFFE000  }
0xaa: {  	_ =	swait.ge [sflag:s29], $0x2000  }
0xab: {  	[sflag:s29] =	ssyncset.done $0x0  }
0xac: {  	s9 =	sadd.s32 $0x180, s22;
	[sflag:s29] =	ssyncadd.s32 $0xFFFFE000  }
0xad: {  	[spmem:s1] =	stream.indirect.scatter.add.f32 [tilespmem:s21], [sflag:$0x7], $0x40, s9, s18, $0xb8;
	[tilespmem:$0x1D700] =	vst v63  }
0xae: {  	_ =	swait.ge [sflag:s17], $0x2000  }
0xaf: {  	[sflag:s17] =	ssyncset.done $0x0  }
0xb0: {  	[sflag:s17] =	ssyncadd.s32 $0xFFFFE000  }
0xb1: {  	_ =	swait.ge [sflag:s30], $0x2000  }
0xb2: {  	[sflag:s30] =	ssyncset.done $0x0  }
0xb3: {  	s9 =	sadd.s32 $0x280, s22;
	[sflag:s30] =	ssyncadd.s32 $0xFFFFE000  }
0xb4: {  	[spmem:s1] =	stream.indirect.scatter.add.f32 [tilespmem:s23], [sflag:$0x7], $0x40, s9, s18, $0xb8;
	[tilespmem:$0x1D700] =	vst v63  }
0xb5: {  	_ =	swait.ge [sflag:s17], $0x2000  }
0xb6: {  	[sflag:s17] =	ssyncset.done $0x0  }
0xb7: {  	s9 =	sadd.s32 $0x600, s22;
	[sflag:s17] =	ssyncadd.s32 $0xFFFFE000  }
0xb8: {  	[tilespmem:s19], [sflag:$0x1] =	stream.indirect.gather [hbm4b:s4+s18], $0x40, s9, s18, $0xb8;
	[tilespmem:$0x1D700] =	vst v63  }
0xb9: {  	s9 =	sadd.s32 $0x700, s22  }
0xba: {  	[tilespmem:s21], [sflag:$0x2] =	stream.indirect.gather [hbm4b:s4+s18], $0x40, s9, s18, $0xb8;
	[tilespmem:$0x1D700] =	vst v63  }
0xbb: {  	s9 =	sadd.s32 $0x800, s22  }
0xbc: {  	[tilespmem:s23], [sflag:$0x3] =	stream.indirect.gather [hbm4b:s4+s18], $0x40, s9, s18, $0xb8;
	[tilespmem:$0x1D700] =	vst v63  }
0xbd: {  	_ =	swait.ge [sflag:s31], $0x2000  }
0xbe: {  	[sflag:s31] =	ssyncset.done $0x0  }
0xbf: {  	s9 =	sadd.s32 $0x380, s22;
	[sflag:s31] =	ssyncadd.s32 $0xFFFFE000  }
0xc0: {  	[spmem:s1] =	stream.indirect.scatter.add.f32 [tilespmem:s24], [sflag:$0x7], $0x40, s9, s18, $0xb8;
	[tilespmem:$0x1D700] =	vst v63  }
0xc1: {  	_ =	swait.ge [sflag:s17], $0x2000  }
0xc2: {  	[sflag:s17] =	ssyncset.done $0x0  }
0xc3: {  	[sflag:s17] =	ssyncadd.s32 $0xFFFFE000  }
0xc4: {  	_ =	swait.ge [sflag:s0], $0x2000  }
0xc5: {  	[sflag:s0] =	ssyncset.done $0x0  }
0xc6: {  	s9 =	sadd.s32 $0x480, s22;
	[sflag:s0] =	ssyncadd.s32 $0xFFFFE000  }
0xc7: {  	[spmem:s1] =	stream.indirect.scatter.add.f32 [tilespmem:s25], [sflag:$0x7], $0x40, s9, s18, $0xb8;
	[tilespmem:$0x1D700] =	vst v63  }
0xc8: {  	_ =	swait.ge [sflag:s17], $0x2000  }
0xc9: {  	[sflag:s17] =	ssyncset.done $0x0  }
0xca: {  	[sflag:s17] =	ssyncadd.s32 $0xFFFFE000  }
0xcb: {  	_ =	swait.ge [sflag:s2], $0x2000  }
.Ltmp2:
0xcc: {  	[sflag:s2] =	ssyncset.done $0x0;
	(pc) =	sbr.rel @p1 .LBB2_6-.Ltmp2, $4  }
0xcd: {  	s9 =	sadd.s32 $0x580, s22;
	[sflag:s2] =	ssyncadd.s32 $0xFFFFE000  }
0xce: {  	[spmem:s1] =	stream.indirect.scatter.add.f32 [tilespmem:s26], [sflag:$0x7], $0x40, s9, s18, $0xb8;
	[tilespmem:$0x1D700] =	vst v63  }
0xcf: {  	_ =	swait.ge [sflag:s17], $0x2000  }
0xd0: {  	s22 =	sshra.s32 s10, $0x2;
	s9 =	smov.u32 s11;
	[sflag:s17] =	ssyncset.done $0x0  }
0xd1: {  	s9 =	sadd.s32 $0x300, s22;
	[sflag:s17] =	ssyncadd.s32 $0xFFFFE000  }
0xd2: {  	[tilespmem:s24], [sflag:$0x4] =	stream.indirect.gather [hbm4b:s4+s18], $0x40, s9, s18, $0xb8;
	[tilespmem:$0x1D700] =	vst v63  }
0xd3: {  	s12 =	sadd.s32 $0x400, s22  }
0xd4: {  	[tilespmem:s25], [sflag:$0x5] =	stream.indirect.gather [hbm4b:s4+s18], $0x40, s12, s18, $0xb8;
	[tilespmem:$0x1D700] =	vst v63  }
0xd5: {  	s10 =	sadd.s32 $0x500, s22  }
0xd6: {  	[tilespmem:s26], [sflag:$0x6] =	stream.indirect.gather [hbm4b:s4+s18], $0x40, s10, s18, $0xb8;
	[tilespmem:$0x1D700] =	vst v63  }
0xd7: {  	_ =	swait.ge [sflag:s28], $0x2000  }
0xd8: {  	[sflag:s28] =	ssyncset.done $0x0  }
0xd9: {  	s11 =	sadd.s32 $0x80, s22;
	[sflag:s28] =	ssyncadd.s32 $0xFFFFE000  }
0xda: {  	[spmem:s1] =	stream.indirect.scatter.add.f32 [tilespmem:s19], [sflag:$0x7], $0x40, s11, s18, $0xb8;
	[tilespmem:$0x1D700] =	vst v63  }
0xdb: {  	_ =	swait.ge [sflag:s17], $0x2000  }
0xdc: {  	[sflag:s17] =	ssyncset.done $0x0  }
0xdd: {  	[sflag:s17] =	ssyncadd.s32 $0xFFFFE000  }
0xde: {  	_ =	swait.ge [sflag:s29], $0x2000  }
0xdf: {  	[sflag:s29] =	ssyncset.done $0x0  }
0xe0: {  	s12 =	sadd.s32 $0x180, s22;
	[sflag:s29] =	ssyncadd.s32 $0xFFFFE000  }
0xe1: {  	[spmem:s1] =	stream.indirect.scatter.add.f32 [tilespmem:s21], [sflag:$0x7], $0x40, s12, s18, $0xb8;
	[tilespmem:$0x1D700] =	vst v63  }
0xe2: {  	_ =	swait.ge [sflag:s17], $0x2000  }
0xe3: {  	[sflag:s17] =	ssyncset.done $0x0  }
0xe4: {  	[sflag:s17] =	ssyncadd.s32 $0xFFFFE000  }
0xe5: {  	_ =	swait.ge [sflag:s30], $0x2000  }
0xe6: {  	[sflag:s30] =	ssyncset.done $0x0  }
0xe7: {  	s10 =	sadd.s32 $0x280, s22;
	[sflag:s30] =	ssyncadd.s32 $0xFFFFE000  }
0xe8: {  	[spmem:s1] =	stream.indirect.scatter.add.f32 [tilespmem:s23], [sflag:$0x7], $0x40, s10, s18, $0xb8;
	[tilespmem:$0x1D700] =	vst v63  }
0xe9: {  	_ =	swait.ge [sflag:s17], $0x2000  }
0xea: {  	[sflag:s17] =	ssyncset.done $0x0  }
0xeb: {  	s11 =	sadd.s32 $0x600, s22;
	[sflag:s17] =	ssyncadd.s32 $0xFFFFE000  }
0xec: {  	[tilespmem:s19], [sflag:$0x1] =	stream.indirect.gather [hbm4b:s4+s18], $0x40, s11, s18, $0xb8;
	[tilespmem:$0x1D700] =	vst v63  }
0xed: {  	s12 =	sadd.s32 $0x700, s22  }
0xee: {  	[tilespmem:s21], [sflag:$0x2] =	stream.indirect.gather [hbm4b:s4+s18], $0x40, s12, s18, $0xb8;
	[tilespmem:$0x1D700] =	vst v63  }
0xef: {  	s10 =	sadd.s32 $0x800, s22  }
0xf0: {  	[tilespmem:s23], [sflag:$0x3] =	stream.indirect.gather [hbm4b:s4+s18], $0x40, s10, s18, $0xb8;
	[tilespmem:$0x1D700] =	vst v63  }
0xf1: {  	_ =	swait.ge [sflag:s31], $0x2000  }
0xf2: {  	[sflag:s31] =	ssyncset.done $0x0  }
0xf3: {  	s11 =	sadd.s32 $0x380, s22;
	[sflag:s31] =	ssyncadd.s32 $0xFFFFE000  }
0xf4: {  	[spmem:s1] =	stream.indirect.scatter.add.f32 [tilespmem:s24], [sflag:$0x7], $0x40, s11, s18, $0xb8;
	[tilespmem:$0x1D700] =	vst v63  }
0xf5: {  	_ =	swait.ge [sflag:s17], $0x2000  }
0xf6: {  	[sflag:s17] =	ssyncset.done $0x0  }
0xf7: {  	[sflag:s17] =	ssyncadd.s32 $0xFFFFE000  }
0xf8: {  	_ =	swait.ge [sflag:s0], $0x2000  }
0xf9: {  	[sflag:s0] =	ssyncset.done $0x0  }
0xfa: {  	s12 =	sadd.s32 $0x480, s22;
	[sflag:s0] =	ssyncadd.s32 $0xFFFFE000  }
0xfb: {  	[spmem:s1] =	stream.indirect.scatter.add.f32 [tilespmem:s25], [sflag:$0x7], $0x40, s12, s18, $0xb8;
	[tilespmem:$0x1D700] =	vst v63  }
0xfc: {  	_ =	swait.ge [sflag:s17], $0x2000  }
0xfd: {  	[sflag:s17] =	ssyncset.done $0x0  }
0xfe: {  	[sflag:s17] =	ssyncadd.s32 $0xFFFFE000  }
0xff: {  	_ =	swait.ge [sflag:s2], $0x2000  }
0x100: {  	[sflag:s2] =	ssyncset.done $0x0  }
0x101: {  	s10 =	sadd.s32 $0x580, s22;
	[sflag:s2] =	ssyncadd.s32 $0xFFFFE000  }
0x102: {  	[spmem:s1] =	stream.indirect.scatter.add.f32 [tilespmem:s26], [sflag:$0x7], $0x40, s10, s18, $0xb8;
	[tilespmem:$0x1D700] =	vst v63  }
0x103: {  	_ =	swait.ge [sflag:s17], $0x2000  }
0x104: {  	[sflag:s17] =	ssyncset.done $0x0  }
0x105: {  	s11 =	simm.s32 $0x4B00;
	[sflag:s17] =	ssyncadd.s32 $0xFFFFE000  }
0x106: {  	[tilespmem:s24], [sflag:$0x4] =	stream.indirect.gather [hbm4b:s4+s18], $0x40, s11, s18, $0xb8;
	[tilespmem:$0x1D700] =	vst v63  }
0x107: {  	s12 =	simm.s32 $0x4C00  }
0x108: {  	[tilespmem:s25], [sflag:$0x5] =	stream.indirect.gather [hbm4b:s4+s18], $0x40, s12, s18, $0xb8;
	[tilespmem:$0x1D700] =	vst v63  }
0x109: {  	s22 =	simm.s32 $0x4D00  }
0x10a: {  	[tilespmem:s26], [sflag:$0x6] =	stream.indirect.gather [hbm4b:s4+s18], $0x40, s22, s18, $0xb8;
	[tilespmem:$0x1D700] =	vst v63  }
0x10b: {  	_ =	swait.ge [sflag:s28], $0x2000  }
0x10c: {  	[sflag:s28] =	ssyncset.done $0x0  }
0x10d: {  	s10 =	simm.s32 $0x4880;
	[sflag:s28] =	ssyncadd.s32 $0xFFFFE000  }
0x10e: {  	[spmem:s1] =	stream.indirect.scatter.add.f32 [tilespmem:s19], [sflag:$0x7], $0x40, s10, s18, $0xb8;
	[tilespmem:$0x1D700] =	vst v63  }
0x10f: {  	_ =	swait.ge [sflag:s17], $0x2000  }
0x110: {  	[sflag:s17] =	ssyncset.done $0x0  }
0x111: {  	[sflag:s17] =	ssyncadd.s32 $0xFFFFE000  }
0x112: {  	_ =	swait.ge [sflag:s29], $0x2000  }
0x113: {  	[sflag:s29] =	ssyncset.done $0x0  }
0x114: {  	s11 =	simm.s32 $0x4980;
	[sflag:s29] =	ssyncadd.s32 $0xFFFFE000  }
0x115: {  	[spmem:s1] =	stream.indirect.scatter.add.f32 [tilespmem:s21], [sflag:$0x7], $0x40, s11, s18, $0xb8;
	[tilespmem:$0x1D700] =	vst v63  }
0x116: {  	_ =	swait.ge [sflag:s17], $0x2000  }
0x117: {  	[sflag:s17] =	ssyncset.done $0x0  }
0x118: {  	[sflag:s17] =	ssyncadd.s32 $0xFFFFE000  }
0x119: {  	_ =	swait.ge [sflag:s30], $0x2000  }
0x11a: {  	[sflag:s30] =	ssyncset.done $0x0  }
0x11b: {  	s12 =	simm.s32 $0x4A80;
	[sflag:s30] =	ssyncadd.s32 $0xFFFFE000  }
0x11c: {  	[spmem:s1] =	stream.indirect.scatter.add.f32 [tilespmem:s23], [sflag:$0x7], $0x40, s12, s18, $0xb8;
	[tilespmem:$0x1D700] =	vst v63  }
0x11d: {  	_ =	swait.ge [sflag:s17], $0x2000  }
0x11e: {  	[sflag:s17] =	ssyncset.done $0x0  }
0x11f: {  	[sflag:s17] =	ssyncadd.s32 $0xFFFFE000  }
0x120: {  	_ =	swait.ge [sflag:s31], $0x2000  }
0x121: {  	[sflag:s31] =	ssyncset.done $0x0  }
0x122: {  	s22 =	simm.s32 $0x4B80;
	[sflag:s31] =	ssyncadd.s32 $0xFFFFE000  }
0x123: {  	[spmem:s1] =	stream.indirect.scatter.add.f32 [tilespmem:s24], [sflag:$0x7], $0x40, s22, s18, $0xb8;
	[tilespmem:$0x1D700] =	vst v63  }
0x124: {  	_ =	swait.ge [sflag:s17], $0x2000  }
0x125: {  	[sflag:s17] =	ssyncset.done $0x0  }
0x126: {  	[sflag:s17] =	ssyncadd.s32 $0xFFFFE000  }
0x127: {  	_ =	swait.ge [sflag:s0], $0x2000  }
0x128: {  	[sflag:s0] =	ssyncset.done $0x0  }
0x129: {  	s10 =	simm.s32 $0x4C80;
	[sflag:s0] =	ssyncadd.s32 $0xFFFFE000  }
0x12a: {  	[spmem:s1] =	stream.indirect.scatter.add.f32 [tilespmem:s25], [sflag:$0x7], $0x40, s10, s18, $0xb8;
	[tilespmem:$0x1D700] =	vst v63  }
0x12b: {  	_ =	swait.ge [sflag:s17], $0x2000  }
0x12c: {  	[sflag:s17] =	ssyncset.done $0x0  }
0x12d: {  	[sflag:s17] =	ssyncadd.s32 $0xFFFFE000  }
0x12e: {  	_ =	swait.ge [sflag:s2], $0x2000  }
0x12f: {  	[sflag:s2] =	ssyncset.done $0x0  }
0x130: {  	s11 =	simm.s32 $0x4D80;
	[sflag:s2] =	ssyncadd.s32 $0xFFFFE000  }
0x131: {  	[spmem:s1] =	stream.indirect.scatter.add.f32 [tilespmem:s26], [sflag:$0x7], $0x40, s11, s18, $0xb8;
	[tilespmem:$0x1D700] =	vst v63  }
0x132: {  	_ =	swait.ge [sflag:s17], $0x2000  }
0x133: {  	s9 =	simm.s32 @!p0 $0x80;
	[sflag:s17] =	ssyncset.done $0x0  }
0x134: {  	s10 =	simm.s32 @!p0 $0x4E00;
	s11 =	simm.s32 @!p0 $0x4F00;
	[sflag:s17] =	ssyncadd.s32 $0xFFFFE000  }
0x135: {  	[tilespmem:s11], [sflag:$0x1] =	stream.indirect.gather @!p0 [hbm4b:s4+s9], $0x40, s10, s9, $0xb8;
	[tilespmem:$0x1D700] =	vst v63  }
0x136: {  	s10 =	simm.s32 @!p0 $0x1  }
0x137: {  	_ =	swait.ge @!p0 [sflag:s10], $0x2000  }
0x138: {  	[sflag:s10] =	ssyncset.done @!p0 $0x0  }
0x139: {  	[sflag:s10] =	ssyncadd.s32 @!p0 $0xFFFFE000;
	s10 =	simm.s32 @!p0 $0x4E80  }
0x13a: {  	[spmem:s1] =	stream.indirect.scatter.add.f32 @!p0 [tilespmem:s11], [sflag:$0x7], $0x40, s10, s9, $0xb8;
	[tilespmem:$0x1D700] =	vst v63  }
0x13b: {  	s9 =	simm.s32 @!p0 $0x7  }
0x13c: {  	_ =	swait.ge @!p0 [sflag:s9], $0x2000  }
0x13d: {  	[sflag:s9] =	ssyncset.done @!p0 $0x0  }
0x13e: {  	[sflag:s9] =	ssyncadd.s32 @!p0 $0xFFFFE000  }
0x13f: {  	[bflag:$0x0] =	sbarrier.arrive $0xFFFF  }
0x140: {  	[tilespmem:s16], [sflag:$0x7] =	stream.linear.gather [spmem:s5], $0x2800, $0x38;
	[tilespmem:$0x1D700] =	vst v63  }
0x141: {  	_ =	swait.ge [sflag:s17], $0x2800  }
0x142: {  	[sflag:s17] =	ssyncset.done $0x0  }
0x143: {  	s12 =	rddreg [dreg:$0x6];
	[sflag:s17] =	ssyncadd.s32 $0xFFFFD800  }
0x144: {  	[hbm4b:s12+s3] =	stream.strided.scatter [tilespmem:s16], [sflag:$0x7], $0x2800, s18, s3, $0x38;
	[tilespmem:$0x1D700] =	vst v63  }
0x145: {  	_ =	swait.ge [sflag:s17], $0x2800  }
0x146: {  	[sflag:s17] =	ssyncset.done $0x0  }
0x147: {  	[sflag:s17] =	ssyncadd.s32 $0xFFFFD800  }
0x148: {  	[tilespmem:s16], [sflag:$0x7] =	stream.linear.gather [spmem:s6], $0x2800, $0x38;
	[tilespmem:$0x1D700] =	vst v63  }
0x149: {  	_ =	swait.ge [sflag:s17], $0x2800  }
0x14a: {  	[sflag:s17] =	ssyncset.done $0x0  }
0x14b: {  	s22 =	rddreg [dreg:$0x7];
	[sflag:s17] =	ssyncadd.s32 $0xFFFFD800  }
0x14c: {  	[hbm4b:s22+s3] =	stream.strided.scatter [tilespmem:s16], [sflag:$0x7], $0x2800, s18, s3, $0x38;
	[tilespmem:$0x1D700] =	vst v63  }
0x14d: {  	_ =	swait.ge [sflag:s17], $0x2800  }
0x14e: {  	[sflag:s17] =	ssyncset.done $0x0  }
0x14f: {  	[sflag:s17] =	ssyncadd.s32 $0xFFFFD800  }
0x150: {  	[tilespmem:s16], [sflag:$0x7] =	stream.linear.gather [spmem:s7], $0x2800, $0x38;
	[tilespmem:$0x1D700] =	vst v63  }
0x151: {  	_ =	swait.ge [sflag:s17], $0x2800  }
0x152: {  	[sflag:s17] =	ssyncset.done $0x0  }
0x153: {  	[sflag:s17] =	ssyncadd.s32 $0xFFFFD800  }
0x154: {  	[hbm4b:s13+s3] =	stream.strided.scatter [tilespmem:s16], [sflag:$0x7], $0x2800, s18, s3, $0x38;
	[tilespmem:$0x1D700] =	vst v63  }
0x155: {  	_ =	swait.ge [sflag:s17], $0x2800  }
0x156: {  	[sflag:s17] =	ssyncset.done $0x0  }
0x157: {  	[sflag:s17] =	ssyncadd.s32 $0xFFFFD800  }
0x158: {  	[tilespmem:s16], [sflag:$0x7] =	stream.linear.gather [spmem:s8], $0x2800, $0x38;
	[tilespmem:$0x1D700] =	vst v63  }
0x159: {  	s20 =	sadd.s32 $0x1, s20;
	_ =	swait.ge [sflag:s17], $0x2800  }
0x15a: {  	p1 =	sne.s32 s20, s15;
	[sflag:s17] =	ssyncset.done $0x0  }
.Ltmp3:
0x15b: {  	[sflag:s17] =	ssyncadd.s32 $0xFFFFD800;
	(pc) =	sbr.rel @p1 .LBB2_1-.Ltmp3, $4  }
0x15c: {  	[hbm4b:s14+s3] =	stream.strided.scatter [tilespmem:s16], [sflag:$0x7], $0x2800, s18, s3, $0x38;
	[tilespmem:$0x1D700] =	vst v63  }
0x15d: {  	_ =	swait.ge [sflag:s17], $0x2800  }
0x15e: {  	[sflag:s17] =	ssyncset.done $0x0  }
0x15f: {  	[sflag:s17] =	ssyncadd.s32 $0xFFFFD800  }
0x160: {  	_ =	sfence.sel $0x180000  }
0x161: {  	[bflag:$0x0] =	sbarrier.arrive $0xFFFF  }
0x162: {  	_ =	strace $0x9000004D  }
0x163: {  	s0 =	stileid.u32;
	[bflag:$0x2] =	sbarrier.arrive $0xFFFF  }
0x164: {  	p0 =	sne.s32 s0, $0x0;
	s0 =	rddreg [dreg:$0x3]  }
0x165: {  	s0 =	sadd.s32 @!p0 $0x100000, s0  }
0x166: {  	[sflag:s0] =	ssyncadd.tile.s32 @!p0 $0x1;
	_ =	shalt  }
.Lfunc_end2:
_tile_overlayer_lowered:
.L_overlay_start_2:
0x167: {  	(tag) =	ssettag $0x2  }
0x168: {  	s0 =	rddreg [dreg:$0x0];
	s2 =	stileid.u32  }
0x169: {  	s1 =	rddreg [dreg:$0x1];
	p0 =	sne.s32 s2, $0x0  }
0x16a: {  	s3 =	rddreg [dreg:$0x2];
	[bflag:$0x3] =	sbarrier.arrive $0xFFFF;
	s2 =	simm.s32 @!p0 $0x1C07  }
0x16b: {  	[timem:s3], [sflag:s2] =	dma.local @!p0 [hbm:s0], s1  }
0x16c: {  	s0 =	simm.s32 @!p0 $0x7  }
0x16d: {  	_ =	swait.ge @!p0 [sflag:s0], s1  }
0x16e: {  	s1 =	ssub.s32 @!p0 $0x0, s1;
	[sflag:s0] =	ssyncset.done @!p0 $0x0  }
0x16f: {  	[sflag:s0] =	ssyncadd.s32 @!p0 s1  }
0x170: {  	[bflag:$0x3] =	sbarrier.arrive $0xFFFF  }
0x171: {  	_ =	shalt  }

</sc_bundles>
